<compile_context>
chip_gen: v7x
topology: tpu7x:2x2x1
jax: 0.10.2.dev20260603
libtpu: 0.0.44.dev20260713+nightly
codegen_flags: <defaults>
</compile_context>

<pallas_src>
import jax
import jax.numpy as jnp
import numpy as np
from jax.experimental import pallas as pl

_G = 32
_V = 320
_T = 256

_ROT_A = (13, 15, 26, 6)
_ROT_B = (17, 29, 16, 24)
_KS1 = np.uint32(42)
_KS2 = np.uint32(42 ^ 0x1BD11BDA)


def _threefry_bits(idx):
    x0 = jnp.zeros_like(idx)
    x1 = idx + _KS1

    def rounds(x0, x1, rots):
        for r in rots:
            x0 = x0 + x1
            x1 = (x1 << np.uint32(r)) | (x1 >> np.uint32(32 - r))
            x1 = x1 ^ x0
        return x0, x1

    x0, x1 = rounds(x0, x1, _ROT_A)
    x0 = x0 + _KS1
    x1 = x1 + (_KS2 + np.uint32(1))
    x0, x1 = rounds(x0, x1, _ROT_B)
    x0 = x0 + _KS2
    x1 = x1 + np.uint32(2)
    x0, x1 = rounds(x0, x1, _ROT_A)
    x1 = x1 + (_KS1 + np.uint32(3))
    x0, x1 = rounds(x0, x1, _ROT_B)
    x0 = x0 + _KS1
    x1 = x1 + (_KS2 + np.uint32(4))
    x0, x1 = rounds(x0, x1, _ROT_A)
    x0 = x0 + _KS2
    x1 = x1 + np.uint32(5)
    return x0 ^ x1


def _gumbel_from_bits(bits):
    fb = (bits >> np.uint32(9)) | np.uint32(0x3F800000)
    floats = jax.lax.bitcast_convert_type(fb, jnp.float32) - np.float32(1.0)
    u = floats + np.float32(np.finfo(np.float32).tiny)
    return -jnp.log(-jnp.log(u))


_P = _G // 2
_W2 = 2 * _V


def _body(hs_ref, w_ref, b_ref, out_ref):
    t0 = pl.program_id(0) * _T
    x = hs_ref[...]
    row = jax.lax.broadcasted_iota(jnp.uint32, (_T, _W2), 0)
    col = jax.lax.broadcasted_iota(jnp.uint32, (_T, _W2), 1)
    flat = (jnp.uint32(t0) + row) * np.uint32(_G * _V) + col
    first = col < np.uint32(_V)
    one = jnp.float32(1.0)
    zero = jnp.float32(0.0)
    ninf = jnp.float32(-np.inf)
    for k in range(_P):
        wk = w_ref[:, k * _W2:(k + 1) * _W2]
        xk = jnp.dot(x, wk, preferred_element_type=jnp.float32)
        xk = xk + b_ref[:, k * _W2:(k + 1) * _W2]
        y = xk + _gumbel_from_bits(_threefry_bits(flat + np.uint32(k * _W2)))
        m0 = jnp.max(jnp.where(first, y, ninf), axis=1)
        m1 = jnp.max(jnp.where(first, ninf, y), axis=1)
        m = jnp.where(first, m0[:, None], m1[:, None])
        oh = jnp.where(y == m, one, zero)
        out_ref[:, 2 * k, :] = oh[:, :_V]
        out_ref[:, 2 * k + 1, :] = oh[:, _V:]


def kernel(hidden_states, W, b):
    B, S, H = hidden_states.shape
    n_tok = B * S
    hs = hidden_states.reshape(n_tok, H)
    b2 = b.reshape(1, _G * _V)
    out = pl.pallas_call(
        _body,
        grid=(n_tok // _T,),
        in_specs=[
            pl.BlockSpec((_T, H), lambda i: (i, 0)),
            pl.BlockSpec((H, _G * _V), lambda i: (0, 0)),
            pl.BlockSpec((1, _G * _V), lambda i: (0, 0)),
        ],
        out_specs=pl.BlockSpec((_T, _G, _V), lambda i: (i, 0, 0)),
        out_shape=jax.ShapeDtypeStruct((n_tok, _G, _V), jnp.float32),
    )(hs, W, b2)
    return out.reshape(n_tok * _G, _V)

# --- scband reference (transcript-rebuilt; emitter-appended) ---
"""Pipeline reference for scband-gumbel-vector-quantizer-11879879541907 (READ-ONLY COPY).

The authoritative reference and input builder live on the scoring server;
editing this copy changes nothing except your own understanding.
"""

import jax, jax.numpy as jnp
import numpy as np

NUM_GROUPS = 32
NUM_VARS = 320
TAU = 2.0


def setup_inputs(seed: int = 0) -> dict:
    key = jax.random.key(seed)
    k1, k2 = jax.random.split(key)
    hidden_states = jax.random.normal(k1, (4, 2048, 256), dtype=jnp.float32)
    # weight_proj: Linear(256, num_groups*num_vars) = Linear(256, 10240)
    # stored as (in, out) for jax-style matmul; std=1 per module init
    W = jax.random.normal(k2, (256, NUM_GROUPS * NUM_VARS), dtype=jnp.float32)
    b = jnp.zeros((NUM_GROUPS * NUM_VARS,), dtype=jnp.float32)
    return {"hidden_states": hidden_states, "W": W, "b": b}


def reference(hidden_states, W, b):
    B, S, H = hidden_states.shape
    x = hidden_states @ W + b  # [B, S, G*V]
    logits = x.reshape(B * S * NUM_GROUPS, NUM_VARS).astype(jnp.float32)
    # gumbel_softmax(tau=2, hard=True)
    gkey = jax.random.key(42)
    g = jax.random.gumbel(gkey, logits.shape, dtype=jnp.float32)
    y_soft = jax.nn.softmax((logits + g) / TAU, axis=-1)
    idx = jnp.argmax(y_soft, axis=-1)
    y_hard = jax.nn.one_hot(idx, NUM_VARS, dtype=y_soft.dtype)
    # straight-through estimator: hard one-hot fwd, soft grads
    out = y_hard - jax.lax.stop_gradient(y_soft) + y_soft
    return out

if __name__ == "__main__":
    import jax
    _d = setup_inputs()
    print(jax.jit(kernel)(*tuple(_d.values())))

</pallas_src>

<mosaic_0001>
module attributes {stable_mosaic.version = 14 : i64} {
  func.func @_body(%arg0: i32, %arg1: memref<256x256xf32, #tpu.memory_space<vmem>>, %arg2: memref<256x10240xf32, #tpu.memory_space<vmem>>, %arg3: memref<1x10240xf32, #tpu.memory_space<vmem>>, %arg4: memref<256x32x320xf32, #tpu.memory_space<vmem>>) attributes {dimension_semantics = [#tpu.dimension_semantics<arbitrary>], iteration_bounds = array<i64: 32>, scalar_prefetch = 0 : i64, scratch_operands = 0 : i64, tpu.core_type = #tpu.core_type<tc>, window_params = [{transform_indices = @transform_0, window_bounds = array<i64: 256, 256>}, {pipeline_mode = #tpu.pipeline_mode<synchronous>, transform_indices = @transform_1, window_bounds = array<i64: 256, 10240>}, {pipeline_mode = #tpu.pipeline_mode<synchronous>, transform_indices = @transform_2, window_bounds = array<i64: 1, 10240>}, {transform_indices = @transform_3, window_bounds = array<i64: 256, 32, 320>}]} {
    %mul3A = arith.constant 256 : i32
    %mul3A_0 = arith.muli %arg0, %mul3A : i32
    %get3A = arith.constant 0 : index
    %get3A_1 = arith.constant 0 : index
    %get3A_2 = vector.load %arg1[%get3A, %get3A_1] : memref<256x256xf32, #tpu.memory_space<vmem>>, vector<256x256xf32>
    %iota3A = tpu.iota {dimensions = array<i32: 0>} : vector<256x640xi32>
    %iota3A_3 = tpu.iota {dimensions = array<i32: 1>} : vector<256x640xi32>
    %add3A = vector.broadcast %mul3A_0 : i32 to vector<256x640xi32>
    %add3A_4 = arith.addi %add3A, %iota3A : vector<256x640xi32>
    %mul3A_5 = arith.constant 10240 : i32
    %mul3A_6 = vector.broadcast %mul3A_5 : i32 to vector<256x640xi32>
    %mul3A_7 = arith.muli %add3A_4, %mul3A_6 : vector<256x640xi32>
    %add3A_8 = arith.addi %mul3A_7, %iota3A_3 : vector<256x640xi32>
    %lt3A = arith.constant 320 : i32
    %lt3A_9 = vector.broadcast %lt3A : i32 to vector<256x640xi32>
    %lt3A_10 = arith.cmpi ult, %iota3A_3, %lt3A_9 : vector<256x640xi32>
    %get3A_11 = arith.constant 0 : index
    %get3A_12 = arith.constant 0 : index
    %get3A_13 = vector.load %arg2[%get3A_11, %get3A_12] : memref<256x10240xf32, #tpu.memory_space<vmem>>, vector<256x640xf32>
    %dot_general3A = arith.constant dense<0.000000e+00> : vector<256x640xf32>
    %dot_general3A_14 = tpu.matmul %get3A_2, %get3A_13, %dot_general3A {dimension_numbers = #tpu.dot_dimension_numbers<[1], [0], [0], [1], [0, 0, 1, 1], [], []>, transpose_lhs_hint = false} : vector<256x256xf32>, vector<256x640xf32>, vector<256x640xf32> -> vector<256x640xf32>
    %get3A_15 = arith.constant 0 : index
    %get3A_16 = arith.constant 0 : index
    %get3A_17 = vector.load %arg3[%get3A_15, %get3A_16] : memref<1x10240xf32, #tpu.memory_space<vmem>>, vector<1x640xf32>
    %add3A_18 = vector.broadcast %get3A_17 : vector<1x640xf32> to vector<256x640xf32>
    %add3A_19 = arith.addf %dot_general3A_14, %add3A_18 : vector<256x640xf32>
    %add3A_20 = arith.constant 0 : i32
    %add3A_21 = vector.broadcast %add3A_20 : i32 to vector<256x640xi32>
    %add3A_22 = arith.addi %add3A_8, %add3A_21 : vector<256x640xi32>
    %broadcast_in_dim3A = arith.constant 0 : i32
    %broadcast_in_dim3A_23 = vector.broadcast %broadcast_in_dim3A : i32 to vector<256x640xi32>
    %add3A_24 = arith.constant 42 : i32
    %add3A_25 = vector.broadcast %add3A_24 : i32 to vector<256x640xi32>
    %add3A_26 = arith.addi %add3A_22, %add3A_25 : vector<256x640xi32>
    %add3A_27 = arith.addi %broadcast_in_dim3A_23, %add3A_26 : vector<256x640xi32>
    %shift_left3A = arith.constant 13 : i32
    %shift_left3A_28 = vector.broadcast %shift_left3A : i32 to vector<256x640xi32>
    %shift_left3A_29 = arith.shli %add3A_26, %shift_left3A_28 : vector<256x640xi32>
    %shift_right_logical3A = arith.constant 19 : i32
    %shift_right_logical3A_30 = vector.broadcast %shift_right_logical3A : i32 to vector<256x640xi32>
    %shift_right_logical3A_31 = arith.shrui %add3A_26, %shift_right_logical3A_30 : vector<256x640xi32>
    %or3A = arith.ori %shift_left3A_29, %shift_right_logical3A_31 : vector<256x640xi32>
    %xor3A = arith.xori %or3A, %add3A_27 : vector<256x640xi32>
    %add3A_32 = arith.addi %add3A_27, %xor3A : vector<256x640xi32>
    %shift_left3A_33 = arith.constant 15 : i32
    %shift_left3A_34 = vector.broadcast %shift_left3A_33 : i32 to vector<256x640xi32>
    %shift_left3A_35 = arith.shli %xor3A, %shift_left3A_34 : vector<256x640xi32>
    %shift_right_logical3A_36 = arith.constant 17 : i32
    %shift_right_logical3A_37 = vector.broadcast %shift_right_logical3A_36 : i32 to vector<256x640xi32>
    %shift_right_logical3A_38 = arith.shrui %xor3A, %shift_right_logical3A_37 : vector<256x640xi32>
    %or3A_39 = arith.ori %shift_left3A_35, %shift_right_logical3A_38 : vector<256x640xi32>
    %xor3A_40 = arith.xori %or3A_39, %add3A_32 : vector<256x640xi32>
    %add3A_41 = arith.addi %add3A_32, %xor3A_40 : vector<256x640xi32>
    %shift_left3A_42 = arith.constant 26 : i32
    %shift_left3A_43 = vector.broadcast %shift_left3A_42 : i32 to vector<256x640xi32>
    %shift_left3A_44 = arith.shli %xor3A_40, %shift_left3A_43 : vector<256x640xi32>
    %shift_right_logical3A_45 = arith.constant 6 : i32
    %shift_right_logical3A_46 = vector.broadcast %shift_right_logical3A_45 : i32 to vector<256x640xi32>
    %shift_right_logical3A_47 = arith.shrui %xor3A_40, %shift_right_logical3A_46 : vector<256x640xi32>
    %or3A_48 = arith.ori %shift_left3A_44, %shift_right_logical3A_47 : vector<256x640xi32>
    %xor3A_49 = arith.xori %or3A_48, %add3A_41 : vector<256x640xi32>
    %add3A_50 = arith.addi %add3A_41, %xor3A_49 : vector<256x640xi32>
    %shift_left3A_51 = arith.constant 6 : i32
    %shift_left3A_52 = vector.broadcast %shift_left3A_51 : i32 to vector<256x640xi32>
    %shift_left3A_53 = arith.shli %xor3A_49, %shift_left3A_52 : vector<256x640xi32>
    %shift_right_logical3A_54 = arith.constant 26 : i32
    %shift_right_logical3A_55 = vector.broadcast %shift_right_logical3A_54 : i32 to vector<256x640xi32>
    %shift_right_logical3A_56 = arith.shrui %xor3A_49, %shift_right_logical3A_55 : vector<256x640xi32>
    %or3A_57 = arith.ori %shift_left3A_53, %shift_right_logical3A_56 : vector<256x640xi32>
    %xor3A_58 = arith.xori %or3A_57, %add3A_50 : vector<256x640xi32>
    %add3A_59 = arith.constant 42 : i32
    %add3A_60 = vector.broadcast %add3A_59 : i32 to vector<256x640xi32>
    %add3A_61 = arith.addi %add3A_50, %add3A_60 : vector<256x640xi32>
    %add3A_62 = arith.constant 466689009 : i32
    %add3A_63 = vector.broadcast %add3A_62 : i32 to vector<256x640xi32>
    %add3A_64 = arith.addi %xor3A_58, %add3A_63 : vector<256x640xi32>
    %add3A_65 = arith.addi %add3A_61, %add3A_64 : vector<256x640xi32>
    %shift_left3A_66 = arith.constant 17 : i32
    %shift_left3A_67 = vector.broadcast %shift_left3A_66 : i32 to vector<256x640xi32>
    %shift_left3A_68 = arith.shli %add3A_64, %shift_left3A_67 : vector<256x640xi32>
    %shift_right_logical3A_69 = arith.constant 15 : i32
    %shift_right_logical3A_70 = vector.broadcast %shift_right_logical3A_69 : i32 to vector<256x640xi32>
    %shift_right_logical3A_71 = arith.shrui %add3A_64, %shift_right_logical3A_70 : vector<256x640xi32>
    %or3A_72 = arith.ori %shift_left3A_68, %shift_right_logical3A_71 : vector<256x640xi32>
    %xor3A_73 = arith.xori %or3A_72, %add3A_65 : vector<256x640xi32>
    %add3A_74 = arith.addi %add3A_65, %xor3A_73 : vector<256x640xi32>
    %shift_left3A_75 = arith.constant 29 : i32
    %shift_left3A_76 = vector.broadcast %shift_left3A_75 : i32 to vector<256x640xi32>
    %shift_left3A_77 = arith.shli %xor3A_73, %shift_left3A_76 : vector<256x640xi32>
    %shift_right_logical3A_78 = arith.constant 3 : i32
    %shift_right_logical3A_79 = vector.broadcast %shift_right_logical3A_78 : i32 to vector<256x640xi32>
    %shift_right_logical3A_80 = arith.shrui %xor3A_73, %shift_right_logical3A_79 : vector<256x640xi32>
    %or3A_81 = arith.ori %shift_left3A_77, %shift_right_logical3A_80 : vector<256x640xi32>
    %xor3A_82 = arith.xori %or3A_81, %add3A_74 : vector<256x640xi32>
    %add3A_83 = arith.addi %add3A_74, %xor3A_82 : vector<256x640xi32>
    %shift_left3A_84 = arith.constant 16 : i32
    %shift_left3A_85 = vector.broadcast %shift_left3A_84 : i32 to vector<256x640xi32>
    %shift_left3A_86 = arith.shli %xor3A_82, %shift_left3A_85 : vector<256x640xi32>
    %shift_right_logical3A_87 = arith.constant 16 : i32
    %shift_right_logical3A_88 = vector.broadcast %shift_right_logical3A_87 : i32 to vector<256x640xi32>
    %shift_right_logical3A_89 = arith.shrui %xor3A_82, %shift_right_logical3A_88 : vector<256x640xi32>
    %or3A_90 = arith.ori %shift_left3A_86, %shift_right_logical3A_89 : vector<256x640xi32>
    %xor3A_91 = arith.xori %or3A_90, %add3A_83 : vector<256x640xi32>
    %add3A_92 = arith.addi %add3A_83, %xor3A_91 : vector<256x640xi32>
    %shift_left3A_93 = arith.constant 24 : i32
    %shift_left3A_94 = vector.broadcast %shift_left3A_93 : i32 to vector<256x640xi32>
    %shift_left3A_95 = arith.shli %xor3A_91, %shift_left3A_94 : vector<256x640xi32>
    %shift_right_logical3A_96 = arith.constant 8 : i32
    %shift_right_logical3A_97 = vector.broadcast %shift_right_logical3A_96 : i32 to vector<256x640xi32>
    %shift_right_logical3A_98 = arith.shrui %xor3A_91, %shift_right_logical3A_97 : vector<256x640xi32>
    %or3A_99 = arith.ori %shift_left3A_95, %shift_right_logical3A_98 : vector<256x640xi32>
    %xor3A_100 = arith.xori %or3A_99, %add3A_92 : vector<256x640xi32>
    %add3A_101 = arith.constant 466689008 : i32
    %add3A_102 = vector.broadcast %add3A_101 : i32 to vector<256x640xi32>
    %add3A_103 = arith.addi %add3A_92, %add3A_102 : vector<256x640xi32>
    %add3A_104 = arith.constant 2 : i32
    %add3A_105 = vector.broadcast %add3A_104 : i32 to vector<256x640xi32>
    %add3A_106 = arith.addi %xor3A_100, %add3A_105 : vector<256x640xi32>
    %add3A_107 = arith.addi %add3A_103, %add3A_106 : vector<256x640xi32>
    %shift_left3A_108 = arith.constant 13 : i32
    %shift_left3A_109 = vector.broadcast %shift_left3A_108 : i32 to vector<256x640xi32>
    %shift_left3A_110 = arith.shli %add3A_106, %shift_left3A_109 : vector<256x640xi32>
    %shift_right_logical3A_111 = arith.constant 19 : i32
    %shift_right_logical3A_112 = vector.broadcast %shift_right_logical3A_111 : i32 to vector<256x640xi32>
    %shift_right_logical3A_113 = arith.shrui %add3A_106, %shift_right_logical3A_112 : vector<256x640xi32>
    %or3A_114 = arith.ori %shift_left3A_110, %shift_right_logical3A_113 : vector<256x640xi32>
    %xor3A_115 = arith.xori %or3A_114, %add3A_107 : vector<256x640xi32>
    %add3A_116 = arith.addi %add3A_107, %xor3A_115 : vector<256x640xi32>
    %shift_left3A_117 = arith.constant 15 : i32
    %shift_left3A_118 = vector.broadcast %shift_left3A_117 : i32 to vector<256x640xi32>
    %shift_left3A_119 = arith.shli %xor3A_115, %shift_left3A_118 : vector<256x640xi32>
    %shift_right_logical3A_120 = arith.constant 17 : i32
    %shift_right_logical3A_121 = vector.broadcast %shift_right_logical3A_120 : i32 to vector<256x640xi32>
    %shift_right_logical3A_122 = arith.shrui %xor3A_115, %shift_right_logical3A_121 : vector<256x640xi32>
    %or3A_123 = arith.ori %shift_left3A_119, %shift_right_logical3A_122 : vector<256x640xi32>
    %xor3A_124 = arith.xori %or3A_123, %add3A_116 : vector<256x640xi32>
    %add3A_125 = arith.addi %add3A_116, %xor3A_124 : vector<256x640xi32>
    %shift_left3A_126 = arith.constant 26 : i32
    %shift_left3A_127 = vector.broadcast %shift_left3A_126 : i32 to vector<256x640xi32>
    %shift_left3A_128 = arith.shli %xor3A_124, %shift_left3A_127 : vector<256x640xi32>
    %shift_right_logical3A_129 = arith.constant 6 : i32
    %shift_right_logical3A_130 = vector.broadcast %shift_right_logical3A_129 : i32 to vector<256x640xi32>
    %shift_right_logical3A_131 = arith.shrui %xor3A_124, %shift_right_logical3A_130 : vector<256x640xi32>
    %or3A_132 = arith.ori %shift_left3A_128, %shift_right_logical3A_131 : vector<256x640xi32>
    %xor3A_133 = arith.xori %or3A_132, %add3A_125 : vector<256x640xi32>
    %add3A_134 = arith.addi %add3A_125, %xor3A_133 : vector<256x640xi32>
    %shift_left3A_135 = arith.constant 6 : i32
    %shift_left3A_136 = vector.broadcast %shift_left3A_135 : i32 to vector<256x640xi32>
    %shift_left3A_137 = arith.shli %xor3A_133, %shift_left3A_136 : vector<256x640xi32>
    %shift_right_logical3A_138 = arith.constant 26 : i32
    %shift_right_logical3A_139 = vector.broadcast %shift_right_logical3A_138 : i32 to vector<256x640xi32>
    %shift_right_logical3A_140 = arith.shrui %xor3A_133, %shift_right_logical3A_139 : vector<256x640xi32>
    %or3A_141 = arith.ori %shift_left3A_137, %shift_right_logical3A_140 : vector<256x640xi32>
    %xor3A_142 = arith.xori %or3A_141, %add3A_134 : vector<256x640xi32>
    %add3A_143 = arith.constant 45 : i32
    %add3A_144 = vector.broadcast %add3A_143 : i32 to vector<256x640xi32>
    %add3A_145 = arith.addi %xor3A_142, %add3A_144 : vector<256x640xi32>
    %add3A_146 = arith.addi %add3A_134, %add3A_145 : vector<256x640xi32>
    %shift_left3A_147 = arith.constant 17 : i32
    %shift_left3A_148 = vector.broadcast %shift_left3A_147 : i32 to vector<256x640xi32>
    %shift_left3A_149 = arith.shli %add3A_145, %shift_left3A_148 : vector<256x640xi32>
    %shift_right_logical3A_150 = arith.constant 15 : i32
    %shift_right_logical3A_151 = vector.broadcast %shift_right_logical3A_150 : i32 to vector<256x640xi32>
    %shift_right_logical3A_152 = arith.shrui %add3A_145, %shift_right_logical3A_151 : vector<256x640xi32>
    %or3A_153 = arith.ori %shift_left3A_149, %shift_right_logical3A_152 : vector<256x640xi32>
    %xor3A_154 = arith.xori %or3A_153, %add3A_146 : vector<256x640xi32>
    %add3A_155 = arith.addi %add3A_146, %xor3A_154 : vector<256x640xi32>
    %shift_left3A_156 = arith.constant 29 : i32
    %shift_left3A_157 = vector.broadcast %shift_left3A_156 : i32 to vector<256x640xi32>
    %shift_left3A_158 = arith.shli %xor3A_154, %shift_left3A_157 : vector<256x640xi32>
    %shift_right_logical3A_159 = arith.constant 3 : i32
    %shift_right_logical3A_160 = vector.broadcast %shift_right_logical3A_159 : i32 to vector<256x640xi32>
    %shift_right_logical3A_161 = arith.shrui %xor3A_154, %shift_right_logical3A_160 : vector<256x640xi32>
    %or3A_162 = arith.ori %shift_left3A_158, %shift_right_logical3A_161 : vector<256x640xi32>
    %xor3A_163 = arith.xori %or3A_162, %add3A_155 : vector<256x640xi32>
    %add3A_164 = arith.addi %add3A_155, %xor3A_163 : vector<256x640xi32>
    %shift_left3A_165 = arith.constant 16 : i32
    %shift_left3A_166 = vector.broadcast %shift_left3A_165 : i32 to vector<256x640xi32>
    %shift_left3A_167 = arith.shli %xor3A_163, %shift_left3A_166 : vector<256x640xi32>
    %shift_right_logical3A_168 = arith.constant 16 : i32
    %shift_right_logical3A_169 = vector.broadcast %shift_right_logical3A_168 : i32 to vector<256x640xi32>
    %shift_right_logical3A_170 = arith.shrui %xor3A_163, %shift_right_logical3A_169 : vector<256x640xi32>
    %or3A_171 = arith.ori %shift_left3A_167, %shift_right_logical3A_170 : vector<256x640xi32>
    %xor3A_172 = arith.xori %or3A_171, %add3A_164 : vector<256x640xi32>
    %add3A_173 = arith.addi %add3A_164, %xor3A_172 : vector<256x640xi32>
    %shift_left3A_174 = arith.constant 24 : i32
    %shift_left3A_175 = vector.broadcast %shift_left3A_174 : i32 to vector<256x640xi32>
    %shift_left3A_176 = arith.shli %xor3A_172, %shift_left3A_175 : vector<256x640xi32>
    %shift_right_logical3A_177 = arith.constant 8 : i32
    %shift_right_logical3A_178 = vector.broadcast %shift_right_logical3A_177 : i32 to vector<256x640xi32>
    %shift_right_logical3A_179 = arith.shrui %xor3A_172, %shift_right_logical3A_178 : vector<256x640xi32>
    %or3A_180 = arith.ori %shift_left3A_176, %shift_right_logical3A_179 : vector<256x640xi32>
    %xor3A_181 = arith.xori %or3A_180, %add3A_173 : vector<256x640xi32>
    %add3A_182 = arith.constant 42 : i32
    %add3A_183 = vector.broadcast %add3A_182 : i32 to vector<256x640xi32>
    %add3A_184 = arith.addi %add3A_173, %add3A_183 : vector<256x640xi32>
    %add3A_185 = arith.constant 466689012 : i32
    %add3A_186 = vector.broadcast %add3A_185 : i32 to vector<256x640xi32>
    %add3A_187 = arith.addi %xor3A_181, %add3A_186 : vector<256x640xi32>
    %add3A_188 = arith.addi %add3A_184, %add3A_187 : vector<256x640xi32>
    %shift_left3A_189 = arith.constant 13 : i32
    %shift_left3A_190 = vector.broadcast %shift_left3A_189 : i32 to vector<256x640xi32>
    %shift_left3A_191 = arith.shli %add3A_187, %shift_left3A_190 : vector<256x640xi32>
    %shift_right_logical3A_192 = arith.constant 19 : i32
    %shift_right_logical3A_193 = vector.broadcast %shift_right_logical3A_192 : i32 to vector<256x640xi32>
    %shift_right_logical3A_194 = arith.shrui %add3A_187, %shift_right_logical3A_193 : vector<256x640xi32>
    %or3A_195 = arith.ori %shift_left3A_191, %shift_right_logical3A_194 : vector<256x640xi32>
    %xor3A_196 = arith.xori %or3A_195, %add3A_188 : vector<256x640xi32>
    %add3A_197 = arith.addi %add3A_188, %xor3A_196 : vector<256x640xi32>
    %shift_left3A_198 = arith.constant 15 : i32
    %shift_left3A_199 = vector.broadcast %shift_left3A_198 : i32 to vector<256x640xi32>
    %shift_left3A_200 = arith.shli %xor3A_196, %shift_left3A_199 : vector<256x640xi32>
    %shift_right_logical3A_201 = arith.constant 17 : i32
    %shift_right_logical3A_202 = vector.broadcast %shift_right_logical3A_201 : i32 to vector<256x640xi32>
    %shift_right_logical3A_203 = arith.shrui %xor3A_196, %shift_right_logical3A_202 : vector<256x640xi32>
    %or3A_204 = arith.ori %shift_left3A_200, %shift_right_logical3A_203 : vector<256x640xi32>
    %xor3A_205 = arith.xori %or3A_204, %add3A_197 : vector<256x640xi32>
    %add3A_206 = arith.addi %add3A_197, %xor3A_205 : vector<256x640xi32>
    %shift_left3A_207 = arith.constant 26 : i32
    %shift_left3A_208 = vector.broadcast %shift_left3A_207 : i32 to vector<256x640xi32>
    %shift_left3A_209 = arith.shli %xor3A_205, %shift_left3A_208 : vector<256x640xi32>
    %shift_right_logical3A_210 = arith.constant 6 : i32
    %shift_right_logical3A_211 = vector.broadcast %shift_right_logical3A_210 : i32 to vector<256x640xi32>
    %shift_right_logical3A_212 = arith.shrui %xor3A_205, %shift_right_logical3A_211 : vector<256x640xi32>
    %or3A_213 = arith.ori %shift_left3A_209, %shift_right_logical3A_212 : vector<256x640xi32>
    %xor3A_214 = arith.xori %or3A_213, %add3A_206 : vector<256x640xi32>
    %add3A_215 = arith.addi %add3A_206, %xor3A_214 : vector<256x640xi32>
    %shift_left3A_216 = arith.constant 6 : i32
    %shift_left3A_217 = vector.broadcast %shift_left3A_216 : i32 to vector<256x640xi32>
    %shift_left3A_218 = arith.shli %xor3A_214, %shift_left3A_217 : vector<256x640xi32>
    %shift_right_logical3A_219 = arith.constant 26 : i32
    %shift_right_logical3A_220 = vector.broadcast %shift_right_logical3A_219 : i32 to vector<256x640xi32>
    %shift_right_logical3A_221 = arith.shrui %xor3A_214, %shift_right_logical3A_220 : vector<256x640xi32>
    %or3A_222 = arith.ori %shift_left3A_218, %shift_right_logical3A_221 : vector<256x640xi32>
    %xor3A_223 = arith.xori %or3A_222, %add3A_215 : vector<256x640xi32>
    %add3A_224 = arith.constant 466689008 : i32
    %add3A_225 = vector.broadcast %add3A_224 : i32 to vector<256x640xi32>
    %add3A_226 = arith.addi %add3A_215, %add3A_225 : vector<256x640xi32>
    %add3A_227 = arith.constant 5 : i32
    %add3A_228 = vector.broadcast %add3A_227 : i32 to vector<256x640xi32>
    %add3A_229 = arith.addi %xor3A_223, %add3A_228 : vector<256x640xi32>
    %xor3A_230 = arith.xori %add3A_226, %add3A_229 : vector<256x640xi32>
    %shift_right_logical3A_231 = arith.constant 9 : i32
    %shift_right_logical3A_232 = vector.broadcast %shift_right_logical3A_231 : i32 to vector<256x640xi32>
    %shift_right_logical3A_233 = arith.shrui %xor3A_230, %shift_right_logical3A_232 : vector<256x640xi32>
    %or3A_234 = arith.constant 1065353216 : i32
    %or3A_235 = vector.broadcast %or3A_234 : i32 to vector<256x640xi32>
    %or3A_236 = arith.ori %shift_right_logical3A_233, %or3A_235 : vector<256x640xi32>
    %bitcast_convert_type3A = tpu.bitcast %or3A_236 : vector<256x640xi32> -> vector<256x640xf32>
    %sub3A = arith.constant 1.000000e+00 : f32
    %sub3A_237 = vector.broadcast %sub3A : f32 to vector<256x640xf32>
    %sub3A_238 = arith.subf %bitcast_convert_type3A, %sub3A_237 : vector<256x640xf32>
    %add3A_239 = arith.constant 1.17549435E-38 : f32
    %add3A_240 = vector.broadcast %add3A_239 : f32 to vector<256x640xf32>
    %add3A_241 = arith.addf %sub3A_238, %add3A_240 : vector<256x640xf32>
    %log3A = math.log %add3A_241 : vector<256x640xf32>
    %neg3A = arith.constant 0.000000e+00 : f32
    %neg3A_242 = vector.broadcast %neg3A : f32 to vector<256x640xf32>
    %neg3A_243 = arith.subf %neg3A_242, %log3A : vector<256x640xf32>
    %log3A_244 = math.log %neg3A_243 : vector<256x640xf32>
    %neg3A_245 = arith.constant 0.000000e+00 : f32
    %neg3A_246 = vector.broadcast %neg3A_245 : f32 to vector<256x640xf32>
    %neg3A_247 = arith.subf %neg3A_246, %log3A_244 : vector<256x640xf32>
    %add3A_248 = arith.addf %add3A_19, %neg3A_247 : vector<256x640xf32>
    %jit3A = arith.constant 0xFF800000 : f32
    %broadcast_in_dim3A_249 = vector.broadcast %jit3A : f32 to vector<256x640xf32>
    %select_n3A = arith.select %lt3A_10, %add3A_248, %broadcast_in_dim3A_249 : vector<256x640xi1>, vector<256x640xf32>
    %reduce_max3A = arith.constant dense<0xFF800000> : vector<256xf32>
    %reduce_max3A_250 = vector.multi_reduction <maximumf>, %select_n3A, %reduce_max3A [1] : vector<256x640xf32> to vector<256xf32>
    %jit3A_251 = arith.constant 0xFF800000 : f32
    %broadcast_in_dim3A_252 = vector.broadcast %jit3A_251 : f32 to vector<256x640xf32>
    %select_n3A_253 = arith.select %lt3A_10, %broadcast_in_dim3A_252, %add3A_248 : vector<256x640xi1>, vector<256x640xf32>
    %reduce_max3A_254 = arith.constant dense<0xFF800000> : vector<256xf32>
    %reduce_max3A_255 = vector.multi_reduction <maximumf>, %select_n3A_253, %reduce_max3A_254 [1] : vector<256x640xf32> to vector<256xf32>
    %broadcast_in_dim3A_256 = vector.shape_cast %reduce_max3A_250 : vector<256xf32> to vector<256x1xf32>
    %broadcast_in_dim3A_257 = vector.shape_cast %reduce_max3A_255 : vector<256xf32> to vector<256x1xf32>
    %broadcast_in_dim3A_258 = vector.shape_cast %broadcast_in_dim3A_256 : vector<256x1xf32> to vector<256x1xf32>
    %broadcast_in_dim3A_259 = vector.broadcast %broadcast_in_dim3A_258 : vector<256x1xf32> to vector<256x640xf32>
    %broadcast_in_dim3A_260 = vector.shape_cast %broadcast_in_dim3A_257 : vector<256x1xf32> to vector<256x1xf32>
    %broadcast_in_dim3A_261 = vector.broadcast %broadcast_in_dim3A_260 : vector<256x1xf32> to vector<256x640xf32>
    %select_n3A_262 = arith.select %lt3A_10, %broadcast_in_dim3A_259, %broadcast_in_dim3A_261 : vector<256x640xi1>, vector<256x640xf32>
    %eq3A = arith.cmpf oeq, %add3A_248, %select_n3A_262 : vector<256x640xf32>
    %jit3A_263 = arith.constant 1.000000e+00 : f32
    %jit3A_264 = arith.constant 0.000000e+00 : f32
    %broadcast_in_dim3A_265 = vector.broadcast %jit3A_263 : f32 to vector<256x640xf32>
    %broadcast_in_dim3A_266 = vector.broadcast %jit3A_264 : f32 to vector<256x640xf32>
    %select_n3A_267 = arith.select %eq3A, %broadcast_in_dim3A_265, %broadcast_in_dim3A_266 : vector<256x640xi1>, vector<256x640xf32>
    %slice3A = vector.extract_strided_slice %select_n3A_267 {offsets = [0, 0], sizes = [256, 320], strides = [1, 1]} : vector<256x640xf32> to vector<256x320xf32>
    %swap3A = arith.constant 0 : index
    %swap3A_268 = arith.constant 0 : index
    %swap3A_269 = arith.constant 0 : index
    %swap3A_270 = vector.load %arg4[%swap3A, %swap3A_268, %swap3A_269] : memref<256x32x320xf32, #tpu.memory_space<vmem>>, vector<256x1x320xf32>
    %swap3A_271 = vector.shape_cast %swap3A_270 : vector<256x1x320xf32> to vector<256x320xf32>
    %swap3A_272 = vector.shape_cast %slice3A : vector<256x320xf32> to vector<256x1x320xf32>
    tpu.vector_store %arg4[%swap3A, %swap3A_268, %swap3A_269], %swap3A_272 {strides = array<i32>} : memref<256x32x320xf32, #tpu.memory_space<vmem>>, vector<256x1x320xf32>,
    %slice3A_273 = vector.extract_strided_slice %select_n3A_267 {offsets = [0, 320], sizes = [256, 320], strides = [1, 1]} : vector<256x640xf32> to vector<256x320xf32>
    %swap3A_274 = arith.constant 0 : index
    %swap3A_275 = arith.constant 1 : index
    %swap3A_276 = arith.constant 0 : index
    %swap3A_277 = vector.load %arg4[%swap3A_274, %swap3A_275, %swap3A_276] : memref<256x32x320xf32, #tpu.memory_space<vmem>>, vector<256x1x320xf32>
    %swap3A_278 = vector.shape_cast %swap3A_277 : vector<256x1x320xf32> to vector<256x320xf32>
    %swap3A_279 = vector.shape_cast %slice3A_273 : vector<256x320xf32> to vector<256x1x320xf32>
    tpu.vector_store %arg4[%swap3A_274, %swap3A_275, %swap3A_276], %swap3A_279 {strides = array<i32>} : memref<256x32x320xf32, #tpu.memory_space<vmem>>, vector<256x1x320xf32>,
    %get3A_280 = arith.constant 0 : index
    %get3A_281 = arith.constant 640 : index
    %get3A_282 = vector.load %arg2[%get3A_280, %get3A_281] : memref<256x10240xf32, #tpu.memory_space<vmem>>, vector<256x640xf32>
    %dot_general3A_283 = arith.constant dense<0.000000e+00> : vector<256x640xf32>
    %dot_general3A_284 = tpu.matmul %get3A_2, %get3A_282, %dot_general3A_283 {dimension_numbers = #tpu.dot_dimension_numbers<[1], [0], [0], [1], [0, 0, 1, 1], [], []>, transpose_lhs_hint = false} : vector<256x256xf32>, vector<256x640xf32>, vector<256x640xf32> -> vector<256x640xf32>
    %get3A_285 = arith.constant 0 : index
    %get3A_286 = arith.constant 640 : index
    %get3A_287 = vector.load %arg3[%get3A_285, %get3A_286] : memref<1x10240xf32, #tpu.memory_space<vmem>>, vector<1x640xf32>
    %add3A_288 = vector.broadcast %get3A_287 : vector<1x640xf32> to vector<256x640xf32>
    %add3A_289 = arith.addf %dot_general3A_284, %add3A_288 : vector<256x640xf32>
    %add3A_290 = arith.constant 640 : i32
    %add3A_291 = vector.broadcast %add3A_290 : i32 to vector<256x640xi32>
    %add3A_292 = arith.addi %add3A_8, %add3A_291 : vector<256x640xi32>
    %broadcast_in_dim3A_293 = arith.constant 0 : i32
    %broadcast_in_dim3A_294 = vector.broadcast %broadcast_in_dim3A_293 : i32 to vector<256x640xi32>
    %add3A_295 = arith.constant 42 : i32
    %add3A_296 = vector.broadcast %add3A_295 : i32 to vector<256x640xi32>
    %add3A_297 = arith.addi %add3A_292, %add3A_296 : vector<256x640xi32>
    %add3A_298 = arith.addi %broadcast_in_dim3A_294, %add3A_297 : vector<256x640xi32>
    %shift_left3A_299 = arith.constant 13 : i32
    %shift_left3A_300 = vector.broadcast %shift_left3A_299 : i32 to vector<256x640xi32>
    %shift_left3A_301 = arith.shli %add3A_297, %shift_left3A_300 : vector<256x640xi32>
    %shift_right_logical3A_302 = arith.constant 19 : i32
    %shift_right_logical3A_303 = vector.broadcast %shift_right_logical3A_302 : i32 to vector<256x640xi32>
    %shift_right_logical3A_304 = arith.shrui %add3A_297, %shift_right_logical3A_303 : vector<256x640xi32>
    %or3A_305 = arith.ori %shift_left3A_301, %shift_right_logical3A_304 : vector<256x640xi32>
    %xor3A_306 = arith.xori %or3A_305, %add3A_298 : vector<256x640xi32>
    %add3A_307 = arith.addi %add3A_298, %xor3A_306 : vector<256x640xi32>
    %shift_left3A_308 = arith.constant 15 : i32
    %shift_left3A_309 = vector.broadcast %shift_left3A_308 : i32 to vector<256x640xi32>
    %shift_left3A_310 = arith.shli %xor3A_306, %shift_left3A_309 : vector<256x640xi32>
    %shift_right_logical3A_311 = arith.constant 17 : i32
    %shift_right_logical3A_312 = vector.broadcast %shift_right_logical3A_311 : i32 to vector<256x640xi32>
    %shift_right_logical3A_313 = arith.shrui %xor3A_306, %shift_right_logical3A_312 : vector<256x640xi32>
    %or3A_314 = arith.ori %shift_left3A_310, %shift_right_logical3A_313 : vector<256x640xi32>
    %xor3A_315 = arith.xori %or3A_314, %add3A_307 : vector<256x640xi32>
    %add3A_316 = arith.addi %add3A_307, %xor3A_315 : vector<256x640xi32>
    %shift_left3A_317 = arith.constant 26 : i32
    %shift_left3A_318 = vector.broadcast %shift_left3A_317 : i32 to vector<256x640xi32>
    %shift_left3A_319 = arith.shli %xor3A_315, %shift_left3A_318 : vector<256x640xi32>
    %shift_right_logical3A_320 = arith.constant 6 : i32
    %shift_right_logical3A_321 = vector.broadcast %shift_right_logical3A_320 : i32 to vector<256x640xi32>
    %shift_right_logical3A_322 = arith.shrui %xor3A_315, %shift_right_logical3A_321 : vector<256x640xi32>
    %or3A_323 = arith.ori %shift_left3A_319, %shift_right_logical3A_322 : vector<256x640xi32>
    %xor3A_324 = arith.xori %or3A_323, %add3A_316 : vector<256x640xi32>
    %add3A_325 = arith.addi %add3A_316, %xor3A_324 : vector<256x640xi32>
    %shift_left3A_326 = arith.constant 6 : i32
    %shift_left3A_327 = vector.broadcast %shift_left3A_326 : i32 to vector<256x640xi32>
    %shift_left3A_328 = arith.shli %xor3A_324, %shift_left3A_327 : vector<256x640xi32>
    %shift_right_logical3A_329 = arith.constant 26 : i32
    %shift_right_logical3A_330 = vector.broadcast %shift_right_logical3A_329 : i32 to vector<256x640xi32>
    %shift_right_logical3A_331 = arith.shrui %xor3A_324, %shift_right_logical3A_330 : vector<256x640xi32>
    %or3A_332 = arith.ori %shift_left3A_328, %shift_right_logical3A_331 : vector<256x640xi32>
    %xor3A_333 = arith.xori %or3A_332, %add3A_325 : vector<256x640xi32>
    %add3A_334 = arith.constant 42 : i32
    %add3A_335 = vector.broadcast %add3A_334 : i32 to vector<256x640xi32>
    %add3A_336 = arith.addi %add3A_325, %add3A_335 : vector<256x640xi32>
    %add3A_337 = arith.constant 466689009 : i32
    %add3A_338 = vector.broadcast %add3A_337 : i32 to vector<256x640xi32>
    %add3A_339 = arith.addi %xor3A_333, %add3A_338 : vector<256x640xi32>
    %add3A_340 = arith.addi %add3A_336, %add3A_339 : vector<256x640xi32>
    %shift_left3A_341 = arith.constant 17 : i32
    %shift_left3A_342 = vector.broadcast %shift_left3A_341 : i32 to vector<256x640xi32>
    %shift_left3A_343 = arith.shli %add3A_339, %shift_left3A_342 : vector<256x640xi32>
    %shift_right_logical3A_344 = arith.constant 15 : i32
    %shift_right_logical3A_345 = vector.broadcast %shift_right_logical3A_344 : i32 to vector<256x640xi32>
    %shift_right_logical3A_346 = arith.shrui %add3A_339, %shift_right_logical3A_345 : vector<256x640xi32>
    %or3A_347 = arith.ori %shift_left3A_343, %shift_right_logical3A_346 : vector<256x640xi32>
    %xor3A_348 = arith.xori %or3A_347, %add3A_340 : vector<256x640xi32>
    %add3A_349 = arith.addi %add3A_340, %xor3A_348 : vector<256x640xi32>
    %shift_left3A_350 = arith.constant 29 : i32
    %shift_left3A_351 = vector.broadcast %shift_left3A_350 : i32 to vector<256x640xi32>
    %shift_left3A_352 = arith.shli %xor3A_348, %shift_left3A_351 : vector<256x640xi32>
    %shift_right_logical3A_353 = arith.constant 3 : i32
    %shift_right_logical3A_354 = vector.broadcast %shift_right_logical3A_353 : i32 to vector<256x640xi32>
    %shift_right_logical3A_355 = arith.shrui %xor3A_348, %shift_right_logical3A_354 : vector<256x640xi32>
    %or3A_356 = arith.ori %shift_left3A_352, %shift_right_logical3A_355 : vector<256x640xi32>
    %xor3A_357 = arith.xori %or3A_356, %add3A_349 : vector<256x640xi32>
    %add3A_358 = arith.addi %add3A_349, %xor3A_357 : vector<256x640xi32>
    %shift_left3A_359 = arith.constant 16 : i32
    %shift_left3A_360 = vector.broadcast %shift_left3A_359 : i32 to vector<256x640xi32>
    %shift_left3A_361 = arith.shli %xor3A_357, %shift_left3A_360 : vector<256x640xi32>
    %shift_right_logical3A_362 = arith.constant 16 : i32
    %shift_right_logical3A_363 = vector.broadcast %shift_right_logical3A_362 : i32 to vector<256x640xi32>
    %shift_right_logical3A_364 = arith.shrui %xor3A_357, %shift_right_logical3A_363 : vector<256x640xi32>
    %or3A_365 = arith.ori %shift_left3A_361, %shift_right_logical3A_364 : vector<256x640xi32>
    %xor3A_366 = arith.xori %or3A_365, %add3A_358 : vector<256x640xi32>
    %add3A_367 = arith.addi %add3A_358, %xor3A_366 : vector<256x640xi32>
    %shift_left3A_368 = arith.constant 24 : i32
    %shift_left3A_369 = vector.broadcast %shift_left3A_368 : i32 to vector<256x640xi32>
    %shift_left3A_370 = arith.shli %xor3A_366, %shift_left3A_369 : vector<256x640xi32>
    %shift_right_logical3A_371 = arith.constant 8 : i32
    %shift_right_logical3A_372 = vector.broadcast %shift_right_logical3A_371 : i32 to vector<256x640xi32>
    %shift_right_logical3A_373 = arith.shrui %xor3A_366, %shift_right_logical3A_372 : vector<256x640xi32>
    %or3A_374 = arith.ori %shift_left3A_370, %shift_right_logical3A_373 : vector<256x640xi32>
    %xor3A_375 = arith.xori %or3A_374, %add3A_367 : vector<256x640xi32>
    %add3A_376 = arith.constant 466689008 : i32
    %add3A_377 = vector.broadcast %add3A_376 : i32 to vector<256x640xi32>
    %add3A_378 = arith.addi %add3A_367, %add3A_377 : vector<256x640xi32>
    %add3A_379 = arith.constant 2 : i32
    %add3A_380 = vector.broadcast %add3A_379 : i32 to vector<256x640xi32>
    %add3A_381 = arith.addi %xor3A_375, %add3A_380 : vector<256x640xi32>
    %add3A_382 = arith.addi %add3A_378, %add3A_381 : vector<256x640xi32>
    %shift_left3A_383 = arith.constant 13 : i32
    %shift_left3A_384 = vector.broadcast %shift_left3A_383 : i32 to vector<256x640xi32>
    %shift_left3A_385 = arith.shli %add3A_381, %shift_left3A_384 : vector<256x640xi32>
    %shift_right_logical3A_386 = arith.constant 19 : i32
    %shift_right_logical3A_387 = vector.broadcast %shift_right_logical3A_386 : i32 to vector<256x640xi32>
    %shift_right_logical3A_388 = arith.shrui %add3A_381, %shift_right_logical3A_387 : vector<256x640xi32>
    %or3A_389 = arith.ori %shift_left3A_385, %shift_right_logical3A_388 : vector<256x640xi32>
    %xor3A_390 = arith.xori %or3A_389, %add3A_382 : vector<256x640xi32>
    %add3A_391 = arith.addi %add3A_382, %xor3A_390 : vector<256x640xi32>
    %shift_left3A_392 = arith.constant 15 : i32
    %shift_left3A_393 = vector.broadcast %shift_left3A_392 : i32 to vector<256x640xi32>
    %shift_left3A_394 = arith.shli %xor3A_390, %shift_left3A_393 : vector<256x640xi32>
    %shift_right_logical3A_395 = arith.constant 17 : i32
    %shift_right_logical3A_396 = vector.broadcast %shift_right_logical3A_395 : i32 to vector<256x640xi32>
    %shift_right_logical3A_397 = arith.shrui %xor3A_390, %shift_right_logical3A_396 : vector<256x640xi32>
    %or3A_398 = arith.ori %shift_left3A_394, %shift_right_logical3A_397 : vector<256x640xi32>
    %xor3A_399 = arith.xori %or3A_398, %add3A_391 : vector<256x640xi32>
    %add3A_400 = arith.addi %add3A_391, %xor3A_399 : vector<256x640xi32>
    %shift_left3A_401 = arith.constant 26 : i32
    %shift_left3A_402 = vector.broadcast %shift_left3A_401 : i32 to vector<256x640xi32>
    %shift_left3A_403 = arith.shli %xor3A_399, %shift_left3A_402 : vector<256x640xi32>
    %shift_right_logical3A_404 = arith.constant 6 : i32
    %shift_right_logical3A_405 = vector.broadcast %shift_right_logical3A_404 : i32 to vector<256x640xi32>
    %shift_right_logical3A_406 = arith.shrui %xor3A_399, %shift_right_logical3A_405 : vector<256x640xi32>
    %or3A_407 = arith.ori %shift_left3A_403, %shift_right_logical3A_406 : vector<256x640xi32>
    %xor3A_408 = arith.xori %or3A_407, %add3A_400 : vector<256x640xi32>
    %add3A_409 = arith.addi %add3A_400, %xor3A_408 : vector<256x640xi32>
    %shift_left3A_410 = arith.constant 6 : i32
    %shift_left3A_411 = vector.broadcast %shift_left3A_410 : i32 to vector<256x640xi32>
    %shift_left3A_412 = arith.shli %xor3A_408, %shift_left3A_411 : vector<256x640xi32>
    %shift_right_logical3A_413 = arith.constant 26 : i32
    %shift_right_logical3A_414 = vector.broadcast %shift_right_logical3A_413 : i32 to vector<256x640xi32>
    %shift_right_logical3A_415 = arith.shrui %xor3A_408, %shift_right_logical3A_414 : vector<256x640xi32>
    %or3A_416 = arith.ori %shift_left3A_412, %shift_right_logical3A_415 : vector<256x640xi32>
    %xor3A_417 = arith.xori %or3A_416, %add3A_409 : vector<256x640xi32>
    %add3A_418 = arith.constant 45 : i32
    %add3A_419 = vector.broadcast %add3A_418 : i32 to vector<256x640xi32>
    %add3A_420 = arith.addi %xor3A_417, %add3A_419 : vector<256x640xi32>
    %add3A_421 = arith.addi %add3A_409, %add3A_420 : vector<256x640xi32>
    %shift_left3A_422 = arith.constant 17 : i32
    %shift_left3A_423 = vector.broadcast %shift_left3A_422 : i32 to vector<256x640xi32>
    %shift_left3A_424 = arith.shli %add3A_420, %shift_left3A_423 : vector<256x640xi32>
    %shift_right_logical3A_425 = arith.constant 15 : i32
    %shift_right_logical3A_426 = vector.broadcast %shift_right_logical3A_425 : i32 to vector<256x640xi32>
    %shift_right_logical3A_427 = arith.shrui %add3A_420, %shift_right_logical3A_426 : vector<256x640xi32>
    %or3A_428 = arith.ori %shift_left3A_424, %shift_right_logical3A_427 : vector<256x640xi32>
    %xor3A_429 = arith.xori %or3A_428, %add3A_421 : vector<256x640xi32>
    %add3A_430 = arith.addi %add3A_421, %xor3A_429 : vector<256x640xi32>
    %shift_left3A_431 = arith.constant 29 : i32
    %shift_left3A_432 = vector.broadcast %shift_left3A_431 : i32 to vector<256x640xi32>
    %shift_left3A_433 = arith.shli %xor3A_429, %shift_left3A_432 : vector<256x640xi32>
    %shift_right_logical3A_434 = arith.constant 3 : i32
    %shift_right_logical3A_435 = vector.broadcast %shift_right_logical3A_434 : i32 to vector<256x640xi32>
    %shift_right_logical3A_436 = arith.shrui %xor3A_429, %shift_right_logical3A_435 : vector<256x640xi32>
    %or3A_437 = arith.ori %shift_left3A_433, %shift_right_logical3A_436 : vector<256x640xi32>
    %xor3A_438 = arith.xori %or3A_437, %add3A_430 : vector<256x640xi32>
    %add3A_439 = arith.addi %add3A_430, %xor3A_438 : vector<256x640xi32>
    %shift_left3A_440 = arith.constant 16 : i32
    %shift_left3A_441 = vector.broadcast %shift_left3A_440 : i32 to vector<256x640xi32>
    %shift_left3A_442 = arith.shli %xor3A_438, %shift_left3A_441 : vector<256x640xi32>
    %shift_right_logical3A_443 = arith.constant 16 : i32
    %shift_right_logical3A_444 = vector.broadcast %shift_right_logical3A_443 : i32 to vector<256x640xi32>
    %shift_right_logical3A_445 = arith.shrui %xor3A_438, %shift_right_logical3A_444 : vector<256x640xi32>
    %or3A_446 = arith.ori %shift_left3A_442, %shift_right_logical3A_445 : vector<256x640xi32>
    %xor3A_447 = arith.xori %or3A_446, %add3A_439 : vector<256x640xi32>
    %add3A_448 = arith.addi %add3A_439, %xor3A_447 : vector<256x640xi32>
    %shift_left3A_449 = arith.constant 24 : i32
    %shift_left3A_450 = vector.broadcast %shift_left3A_449 : i32 to vector<256x640xi32>
    %shift_left3A_451 = arith.shli %xor3A_447, %shift_left3A_450 : vector<256x640xi32>
    %shift_right_logical3A_452 = arith.constant 8 : i32
    %shift_right_logical3A_453 = vector.broadcast %shift_right_logical3A_452 : i32 to vector<256x640xi32>
    %shift_right_logical3A_454 = arith.shrui %xor3A_447, %shift_right_logical3A_453 : vector<256x640xi32>
    %or3A_455 = arith.ori %shift_left3A_451, %shift_right_logical3A_454 : vector<256x640xi32>
    %xor3A_456 = arith.xori %or3A_455, %add3A_448 : vector<256x640xi32>
    %add3A_457 = arith.constant 42 : i32
    %add3A_458 = vector.broadcast %add3A_457 : i32 to vector<256x640xi32>
    %add3A_459 = arith.addi %add3A_448, %add3A_458 : vector<256x640xi32>
    %add3A_460 = arith.constant 466689012 : i32
    %add3A_461 = vector.broadcast %add3A_460 : i32 to vector<256x640xi32>
    %add3A_462 = arith.addi %xor3A_456, %add3A_461 : vector<256x640xi32>
    %add3A_463 = arith.addi %add3A_459, %add3A_462 : vector<256x640xi32>
    %shift_left3A_464 = arith.constant 13 : i32
    %shift_left3A_465 = vector.broadcast %shift_left3A_464 : i32 to vector<256x640xi32>
    %shift_left3A_466 = arith.shli %add3A_462, %shift_left3A_465 : vector<256x640xi32>
    %shift_right_logical3A_467 = arith.constant 19 : i32
    %shift_right_logical3A_468 = vector.broadcast %shift_right_logical3A_467 : i32 to vector<256x640xi32>
    %shift_right_logical3A_469 = arith.shrui %add3A_462, %shift_right_logical3A_468 : vector<256x640xi32>
    %or3A_470 = arith.ori %shift_left3A_466, %shift_right_logical3A_469 : vector<256x640xi32>
    %xor3A_471 = arith.xori %or3A_470, %add3A_463 : vector<256x640xi32>
    %add3A_472 = arith.addi %add3A_463, %xor3A_471 : vector<256x640xi32>
    %shift_left3A_473 = arith.constant 15 : i32
    %shift_left3A_474 = vector.broadcast %shift_left3A_473 : i32 to vector<256x640xi32>
    %shift_left3A_475 = arith.shli %xor3A_471, %shift_left3A_474 : vector<256x640xi32>
    %shift_right_logical3A_476 = arith.constant 17 : i32
    %shift_right_logical3A_477 = vector.broadcast %shift_right_logical3A_476 : i32 to vector<256x640xi32>
    %shift_right_logical3A_478 = arith.shrui %xor3A_471, %shift_right_logical3A_477 : vector<256x640xi32>
    %or3A_479 = arith.ori %shift_left3A_475, %shift_right_logical3A_478 : vector<256x640xi32>
    %xor3A_480 = arith.xori %or3A_479, %add3A_472 : vector<256x640xi32>
    %add3A_481 = arith.addi %add3A_472, %xor3A_480 : vector<256x640xi32>
    %shift_left3A_482 = arith.constant 26 : i32
    %shift_left3A_483 = vector.broadcast %shift_left3A_482 : i32 to vector<256x640xi32>
    %shift_left3A_484 = arith.shli %xor3A_480, %shift_left3A_483 : vector<256x640xi32>
    %shift_right_logical3A_485 = arith.constant 6 : i32
    %shift_right_logical3A_486 = vector.broadcast %shift_right_logical3A_485 : i32 to vector<256x640xi32>
    %shift_right_logical3A_487 = arith.shrui %xor3A_480, %shift_right_logical3A_486 : vector<256x640xi32>
    %or3A_488 = arith.ori %shift_left3A_484, %shift_right_logical3A_487 : vector<256x640xi32>
    %xor3A_489 = arith.xori %or3A_488, %add3A_481 : vector<256x640xi32>
    %add3A_490 = arith.addi %add3A_481, %xor3A_489 : vector<256x640xi32>
    %shift_left3A_491 = arith.constant 6 : i32
    %shift_left3A_492 = vector.broadcast %shift_left3A_491 : i32 to vector<256x640xi32>
    %shift_left3A_493 = arith.shli %xor3A_489, %shift_left3A_492 : vector<256x640xi32>
    %shift_right_logical3A_494 = arith.constant 26 : i32
    %shift_right_logical3A_495 = vector.broadcast %shift_right_logical3A_494 : i32 to vector<256x640xi32>
    %shift_right_logical3A_496 = arith.shrui %xor3A_489, %shift_right_logical3A_495 : vector<256x640xi32>
    %or3A_497 = arith.ori %shift_left3A_493, %shift_right_logical3A_496 : vector<256x640xi32>
    %xor3A_498 = arith.xori %or3A_497, %add3A_490 : vector<256x640xi32>
    %add3A_499 = arith.constant 466689008 : i32
    %add3A_500 = vector.broadcast %add3A_499 : i32 to vector<256x640xi32>
    %add3A_501 = arith.addi %add3A_490, %add3A_500 : vector<256x640xi32>
    %add3A_502 = arith.constant 5 : i32
    %add3A_503 = vector.broadcast %add3A_502 : i32 to vector<256x640xi32>
    %add3A_504 = arith.addi %xor3A_498, %add3A_503 : vector<256x640xi32>
    %xor3A_505 = arith.xori %add3A_501, %add3A_504 : vector<256x640xi32>
    %shift_right_logical3A_506 = arith.constant 9 : i32
    %shift_right_logical3A_507 = vector.broadcast %shift_right_logical3A_506 : i32 to vector<256x640xi32>
    %shift_right_logical3A_508 = arith.shrui %xor3A_505, %shift_right_logical3A_507 : vector<256x640xi32>
    %or3A_509 = arith.constant 1065353216 : i32
    %or3A_510 = vector.broadcast %or3A_509 : i32 to vector<256x640xi32>
    %or3A_511 = arith.ori %shift_right_logical3A_508, %or3A_510 : vector<256x640xi32>
    %bitcast_convert_type3A_512 = tpu.bitcast %or3A_511 : vector<256x640xi32> -> vector<256x640xf32>
    %sub3A_513 = arith.constant 1.000000e+00 : f32
    %sub3A_514 = vector.broadcast %sub3A_513 : f32 to vector<256x640xf32>
    %sub3A_515 = arith.subf %bitcast_convert_type3A_512, %sub3A_514 : vector<256x640xf32>
    %add3A_516 = arith.constant 1.17549435E-38 : f32
    %add3A_517 = vector.broadcast %add3A_516 : f32 to vector<256x640xf32>
    %add3A_518 = arith.addf %sub3A_515, %add3A_517 : vector<256x640xf32>
    %log3A_519 = math.log %add3A_518 : vector<256x640xf32>
    %neg3A_520 = arith.constant 0.000000e+00 : f32
    %neg3A_521 = vector.broadcast %neg3A_520 : f32 to vector<256x640xf32>
    %neg3A_522 = arith.subf %neg3A_521, %log3A_519 : vector<256x640xf32>
    %log3A_523 = math.log %neg3A_522 : vector<256x640xf32>
    %neg3A_524 = arith.constant 0.000000e+00 : f32
    %neg3A_525 = vector.broadcast %neg3A_524 : f32 to vector<256x640xf32>
    %neg3A_526 = arith.subf %neg3A_525, %log3A_523 : vector<256x640xf32>
    %add3A_527 = arith.addf %add3A_289, %neg3A_526 : vector<256x640xf32>
    %jit3A_528 = arith.constant 0xFF800000 : f32
    %broadcast_in_dim3A_529 = vector.broadcast %jit3A_528 : f32 to vector<256x640xf32>
    %select_n3A_530 = arith.select %lt3A_10, %add3A_527, %broadcast_in_dim3A_529 : vector<256x640xi1>, vector<256x640xf32>
    %reduce_max3A_531 = arith.constant dense<0xFF800000> : vector<256xf32>
    %reduce_max3A_532 = vector.multi_reduction <maximumf>, %select_n3A_530, %reduce_max3A_531 [1] : vector<256x640xf32> to vector<256xf32>
    %jit3A_533 = arith.constant 0xFF800000 : f32
    %broadcast_in_dim3A_534 = vector.broadcast %jit3A_533 : f32 to vector<256x640xf32>
    %select_n3A_535 = arith.select %lt3A_10, %broadcast_in_dim3A_534, %add3A_527 : vector<256x640xi1>, vector<256x640xf32>
    %reduce_max3A_536 = arith.constant dense<0xFF800000> : vector<256xf32>
    %reduce_max3A_537 = vector.multi_reduction <maximumf>, %select_n3A_535, %reduce_max3A_536 [1] : vector<256x640xf32> to vector<256xf32>
    %broadcast_in_dim3A_538 = vector.shape_cast %reduce_max3A_532 : vector<256xf32> to vector<256x1xf32>
    %broadcast_in_dim3A_539 = vector.shape_cast %reduce_max3A_537 : vector<256xf32> to vector<256x1xf32>
    %broadcast_in_dim3A_540 = vector.shape_cast %broadcast_in_dim3A_538 : vector<256x1xf32> to vector<256x1xf32>
    %broadcast_in_dim3A_541 = vector.broadcast %broadcast_in_dim3A_540 : vector<256x1xf32> to vector<256x640xf32>
    %broadcast_in_dim3A_542 = vector.shape_cast %broadcast_in_dim3A_539 : vector<256x1xf32> to vector<256x1xf32>
    %broadcast_in_dim3A_543 = vector.broadcast %broadcast_in_dim3A_542 : vector<256x1xf32> to vector<256x640xf32>
    %select_n3A_544 = arith.select %lt3A_10, %broadcast_in_dim3A_541, %broadcast_in_dim3A_543 : vector<256x640xi1>, vector<256x640xf32>
    %eq3A_545 = arith.cmpf oeq, %add3A_527, %select_n3A_544 : vector<256x640xf32>
    %jit3A_546 = arith.constant 1.000000e+00 : f32
    %jit3A_547 = arith.constant 0.000000e+00 : f32
    %broadcast_in_dim3A_548 = vector.broadcast %jit3A_546 : f32 to vector<256x640xf32>
    %broadcast_in_dim3A_549 = vector.broadcast %jit3A_547 : f32 to vector<256x640xf32>
    %select_n3A_550 = arith.select %eq3A_545, %broadcast_in_dim3A_548, %broadcast_in_dim3A_549 : vector<256x640xi1>, vector<256x640xf32>
    %slice3A_551 = vector.extract_strided_slice %select_n3A_550 {offsets = [0, 0], sizes = [256, 320], strides = [1, 1]} : vector<256x640xf32> to vector<256x320xf32>
    %swap3A_552 = arith.constant 0 : index
    %swap3A_553 = arith.constant 2 : index
    %swap3A_554 = arith.constant 0 : index
    %swap3A_555 = vector.load %arg4[%swap3A_552, %swap3A_553, %swap3A_554] : memref<256x32x320xf32, #tpu.memory_space<vmem>>, vector<256x1x320xf32>
    %swap3A_556 = vector.shape_cast %swap3A_555 : vector<256x1x320xf32> to vector<256x320xf32>
    %swap3A_557 = vector.shape_cast %slice3A_551 : vector<256x320xf32> to vector<256x1x320xf32>
    tpu.vector_store %arg4[%swap3A_552, %swap3A_553, %swap3A_554], %swap3A_557 {strides = array<i32>} : memref<256x32x320xf32, #tpu.memory_space<vmem>>, vector<256x1x320xf32>,
    %slice3A_558 = vector.extract_strided_slice %select_n3A_550 {offsets = [0, 320], sizes = [256, 320], strides = [1, 1]} : vector<256x640xf32> to vector<256x320xf32>
    %swap3A_559 = arith.constant 0 : index
    %swap3A_560 = arith.constant 3 : index
    %swap3A_561 = arith.constant 0 : index
    %swap3A_562 = vector.load %arg4[%swap3A_559, %swap3A_560, %swap3A_561] : memref<256x32x320xf32, #tpu.memory_space<vmem>>, vector<256x1x320xf32>
    %swap3A_563 = vector.shape_cast %swap3A_562 : vector<256x1x320xf32> to vector<256x320xf32>
    %swap3A_564 = vector.shape_cast %slice3A_558 : vector<256x320xf32> to vector<256x1x320xf32>
    tpu.vector_store %arg4[%swap3A_559, %swap3A_560, %swap3A_561], %swap3A_564 {strides = array<i32>} : memref<256x32x320xf32, #tpu.memory_space<vmem>>, vector<256x1x320xf32>,
    %get3A_565 = arith.constant 0 : index
    %get3A_566 = arith.constant 1280 : index
    %get3A_567 = vector.load %arg2[%get3A_565, %get3A_566] : memref<256x10240xf32, #tpu.memory_space<vmem>>, vector<256x640xf32>
    %dot_general3A_568 = arith.constant dense<0.000000e+00> : vector<256x640xf32>
    %dot_general3A_569 = tpu.matmul %get3A_2, %get3A_567, %dot_general3A_568 {dimension_numbers = #tpu.dot_dimension_numbers<[1], [0], [0], [1], [0, 0, 1, 1], [], []>, transpose_lhs_hint = false} : vector<256x256xf32>, vector<256x640xf32>, vector<256x640xf32> -> vector<256x640xf32>
    %get3A_570 = arith.constant 0 : index
    %get3A_571 = arith.constant 1280 : index
    %get3A_572 = vector.load %arg3[%get3A_570, %get3A_571] : memref<1x10240xf32, #tpu.memory_space<vmem>>, vector<1x640xf32>
    %add3A_573 = vector.broadcast %get3A_572 : vector<1x640xf32> to vector<256x640xf32>
    %add3A_574 = arith.addf %dot_general3A_569, %add3A_573 : vector<256x640xf32>
    %add3A_575 = arith.constant 1280 : i32
    %add3A_576 = vector.broadcast %add3A_575 : i32 to vector<256x640xi32>
    %add3A_577 = arith.addi %add3A_8, %add3A_576 : vector<256x640xi32>
    %broadcast_in_dim3A_578 = arith.constant 0 : i32
    %broadcast_in_dim3A_579 = vector.broadcast %broadcast_in_dim3A_578 : i32 to vector<256x640xi32>
    %add3A_580 = arith.constant 42 : i32
    %add3A_581 = vector.broadcast %add3A_580 : i32 to vector<256x640xi32>
    %add3A_582 = arith.addi %add3A_577, %add3A_581 : vector<256x640xi32>
    %add3A_583 = arith.addi %broadcast_in_dim3A_579, %add3A_582 : vector<256x640xi32>
    %shift_left3A_584 = arith.constant 13 : i32
    %shift_left3A_585 = vector.broadcast %shift_left3A_584 : i32 to vector<256x640xi32>
    %shift_left3A_586 = arith.shli %add3A_582, %shift_left3A_585 : vector<256x640xi32>
    %shift_right_logical3A_587 = arith.constant 19 : i32
    %shift_right_logical3A_588 = vector.broadcast %shift_right_logical3A_587 : i32 to vector<256x640xi32>
    %shift_right_logical3A_589 = arith.shrui %add3A_582, %shift_right_logical3A_588 : vector<256x640xi32>
    %or3A_590 = arith.ori %shift_left3A_586, %shift_right_logical3A_589 : vector<256x640xi32>
    %xor3A_591 = arith.xori %or3A_590, %add3A_583 : vector<256x640xi32>
    %add3A_592 = arith.addi %add3A_583, %xor3A_591 : vector<256x640xi32>
    %shift_left3A_593 = arith.constant 15 : i32
    %shift_left3A_594 = vector.broadcast %shift_left3A_593 : i32 to vector<256x640xi32>
    %shift_left3A_595 = arith.shli %xor3A_591, %shift_left3A_594 : vector<256x640xi32>
    %shift_right_logical3A_596 = arith.constant 17 : i32
    %shift_right_logical3A_597 = vector.broadcast %shift_right_logical3A_596 : i32 to vector<256x640xi32>
    %shift_right_logical3A_598 = arith.shrui %xor3A_591, %shift_right_logical3A_597 : vector<256x640xi32>
    %or3A_599 = arith.ori %shift_left3A_595, %shift_right_logical3A_598 : vector<256x640xi32>
    %xor3A_600 = arith.xori %or3A_599, %add3A_592 : vector<256x640xi32>
    %add3A_601 = arith.addi %add3A_592, %xor3A_600 : vector<256x640xi32>
    %shift_left3A_602 = arith.constant 26 : i32
    %shift_left3A_603 = vector.broadcast %shift_left3A_602 : i32 to vector<256x640xi32>
    %shift_left3A_604 = arith.shli %xor3A_600, %shift_left3A_603 : vector<256x640xi32>
    %shift_right_logical3A_605 = arith.constant 6 : i32
    %shift_right_logical3A_606 = vector.broadcast %shift_right_logical3A_605 : i32 to vector<256x640xi32>
    %shift_right_logical3A_607 = arith.shrui %xor3A_600, %shift_right_logical3A_606 : vector<256x640xi32>
    %or3A_608 = arith.ori %shift_left3A_604, %shift_right_logical3A_607 : vector<256x640xi32>
    %xor3A_609 = arith.xori %or3A_608, %add3A_601 : vector<256x640xi32>
    %add3A_610 = arith.addi %add3A_601, %xor3A_609 : vector<256x640xi32>
    %shift_left3A_611 = arith.constant 6 : i32
    %shift_left3A_612 = vector.broadcast %shift_left3A_611 : i32 to vector<256x640xi32>
    %shift_left3A_613 = arith.shli %xor3A_609, %shift_left3A_612 : vector<256x640xi32>
    %shift_right_logical3A_614 = arith.constant 26 : i32
    %shift_right_logical3A_615 = vector.broadcast %shift_right_logical3A_614 : i32 to vector<256x640xi32>
    %shift_right_logical3A_616 = arith.shrui %xor3A_609, %shift_right_logical3A_615 : vector<256x640xi32>
    %or3A_617 = arith.ori %shift_left3A_613, %shift_right_logical3A_616 : vector<256x640xi32>
    %xor3A_618 = arith.xori %or3A_617, %add3A_610 : vector<256x640xi32>
    %add3A_619 = arith.constant 42 : i32
    %add3A_620 = vector.broadcast %add3A_619 : i32 to vector<256x640xi32>
    %add3A_621 = arith.addi %add3A_610, %add3A_620 : vector<256x640xi32>
    %add3A_622 = arith.constant 466689009 : i32
    %add3A_623 = vector.broadcast %add3A_622 : i32 to vector<256x640xi32>
    %add3A_624 = arith.addi %xor3A_618, %add3A_623 : vector<256x640xi32>
    %add3A_625 = arith.addi %add3A_621, %add3A_624 : vector<256x640xi32>
    %shift_left3A_626 = arith.constant 17 : i32
    %shift_left3A_627 = vector.broadcast %shift_left3A_626 : i32 to vector<256x640xi32>
    %shift_left3A_628 = arith.shli %add3A_624, %shift_left3A_627 : vector<256x640xi32>
    %shift_right_logical3A_629 = arith.constant 15 : i32
    %shift_right_logical3A_630 = vector.broadcast %shift_right_logical3A_629 : i32 to vector<256x640xi32>
    %shift_right_logical3A_631 = arith.shrui %add3A_624, %shift_right_logical3A_630 : vector<256x640xi32>
    %or3A_632 = arith.ori %shift_left3A_628, %shift_right_logical3A_631 : vector<256x640xi32>
    %xor3A_633 = arith.xori %or3A_632, %add3A_625 : vector<256x640xi32>
    %add3A_634 = arith.addi %add3A_625, %xor3A_633 : vector<256x640xi32>
    %shift_left3A_635 = arith.constant 29 : i32
    %shift_left3A_636 = vector.broadcast %shift_left3A_635 : i32 to vector<256x640xi32>
    %shift_left3A_637 = arith.shli %xor3A_633, %shift_left3A_636 : vector<256x640xi32>
    %shift_right_logical3A_638 = arith.constant 3 : i32
    %shift_right_logical3A_639 = vector.broadcast %shift_right_logical3A_638 : i32 to vector<256x640xi32>
    %shift_right_logical3A_640 = arith.shrui %xor3A_633, %shift_right_logical3A_639 : vector<256x640xi32>
    %or3A_641 = arith.ori %shift_left3A_637, %shift_right_logical3A_640 : vector<256x640xi32>
    %xor3A_642 = arith.xori %or3A_641, %add3A_634 : vector<256x640xi32>
    %add3A_643 = arith.addi %add3A_634, %xor3A_642 : vector<256x640xi32>
    %shift_left3A_644 = arith.constant 16 : i32
    %shift_left3A_645 = vector.broadcast %shift_left3A_644 : i32 to vector<256x640xi32>
    %shift_left3A_646 = arith.shli %xor3A_642, %shift_left3A_645 : vector<256x640xi32>
    %shift_right_logical3A_647 = arith.constant 16 : i32
    %shift_right_logical3A_648 = vector.broadcast %shift_right_logical3A_647 : i32 to vector<256x640xi32>
    %shift_right_logical3A_649 = arith.shrui %xor3A_642, %shift_right_logical3A_648 : vector<256x640xi32>
    %or3A_650 = arith.ori %shift_left3A_646, %shift_right_logical3A_649 : vector<256x640xi32>
    %xor3A_651 = arith.xori %or3A_650, %add3A_643 : vector<256x640xi32>
    %add3A_652 = arith.addi %add3A_643, %xor3A_651 : vector<256x640xi32>
    %shift_left3A_653 = arith.constant 24 : i32
    %shift_left3A_654 = vector.broadcast %shift_left3A_653 : i32 to vector<256x640xi32>
    %shift_left3A_655 = arith.shli %xor3A_651, %shift_left3A_654 : vector<256x640xi32>
    %shift_right_logical3A_656 = arith.constant 8 : i32
    %shift_right_logical3A_657 = vector.broadcast %shift_right_logical3A_656 : i32 to vector<256x640xi32>
    %shift_right_logical3A_658 = arith.shrui %xor3A_651, %shift_right_logical3A_657 : vector<256x640xi32>
    %or3A_659 = arith.ori %shift_left3A_655, %shift_right_logical3A_658 : vector<256x640xi32>
    %xor3A_660 = arith.xori %or3A_659, %add3A_652 : vector<256x640xi32>
    %add3A_661 = arith.constant 466689008 : i32
    %add3A_662 = vector.broadcast %add3A_661 : i32 to vector<256x640xi32>
    %add3A_663 = arith.addi %add3A_652, %add3A_662 : vector<256x640xi32>
    %add3A_664 = arith.constant 2 : i32
    %add3A_665 = vector.broadcast %add3A_664 : i32 to vector<256x640xi32>
    %add3A_666 = arith.addi %xor3A_660, %add3A_665 : vector<256x640xi32>
    %add3A_667 = arith.addi %add3A_663, %add3A_666 : vector<256x640xi32>
    %shift_left3A_668 = arith.constant 13 : i32
    %shift_left3A_669 = vector.broadcast %shift_left3A_668 : i32 to vector<256x640xi32>
    %shift_left3A_670 = arith.shli %add3A_666, %shift_left3A_669 : vector<256x640xi32>
    %shift_right_logical3A_671 = arith.constant 19 : i32
    %shift_right_logical3A_672 = vector.broadcast %shift_right_logical3A_671 : i32 to vector<256x640xi32>
    %shift_right_logical3A_673 = arith.shrui %add3A_666, %shift_right_logical3A_672 : vector<256x640xi32>
    %or3A_674 = arith.ori %shift_left3A_670, %shift_right_logical3A_673 : vector<256x640xi32>
    %xor3A_675 = arith.xori %or3A_674, %add3A_667 : vector<256x640xi32>
    %add3A_676 = arith.addi %add3A_667, %xor3A_675 : vector<256x640xi32>
    %shift_left3A_677 = arith.constant 15 : i32
    %shift_left3A_678 = vector.broadcast %shift_left3A_677 : i32 to vector<256x640xi32>
    %shift_left3A_679 = arith.shli %xor3A_675, %shift_left3A_678 : vector<256x640xi32>
    %shift_right_logical3A_680 = arith.constant 17 : i32
    %shift_right_logical3A_681 = vector.broadcast %shift_right_logical3A_680 : i32 to vector<256x640xi32>
    %shift_right_logical3A_682 = arith.shrui %xor3A_675, %shift_right_logical3A_681 : vector<256x640xi32>
    %or3A_683 = arith.ori %shift_left3A_679, %shift_right_logical3A_682 : vector<256x640xi32>
    %xor3A_684 = arith.xori %or3A_683, %add3A_676 : vector<256x640xi32>
    %add3A_685 = arith.addi %add3A_676, %xor3A_684 : vector<256x640xi32>
    %shift_left3A_686 = arith.constant 26 : i32
    %shift_left3A_687 = vector.broadcast %shift_left3A_686 : i32 to vector<256x640xi32>
    %shift_left3A_688 = arith.shli %xor3A_684, %shift_left3A_687 : vector<256x640xi32>
    %shift_right_logical3A_689 = arith.constant 6 : i32
    %shift_right_logical3A_690 = vector.broadcast %shift_right_logical3A_689 : i32 to vector<256x640xi32>
    %shift_right_logical3A_691 = arith.shrui %xor3A_684, %shift_right_logical3A_690 : vector<256x640xi32>
    %or3A_692 = arith.ori %shift_left3A_688, %shift_right_logical3A_691 : vector<256x640xi32>
    %xor3A_693 = arith.xori %or3A_692, %add3A_685 : vector<256x640xi32>
    %add3A_694 = arith.addi %add3A_685, %xor3A_693 : vector<256x640xi32>
    %shift_left3A_695 = arith.constant 6 : i32
    %shift_left3A_696 = vector.broadcast %shift_left3A_695 : i32 to vector<256x640xi32>
    %shift_left3A_697 = arith.shli %xor3A_693, %shift_left3A_696 : vector<256x640xi32>
    %shift_right_logical3A_698 = arith.constant 26 : i32
    %shift_right_logical3A_699 = vector.broadcast %shift_right_logical3A_698 : i32 to vector<256x640xi32>
    %shift_right_logical3A_700 = arith.shrui %xor3A_693, %shift_right_logical3A_699 : vector<256x640xi32>
    %or3A_701 = arith.ori %shift_left3A_697, %shift_right_logical3A_700 : vector<256x640xi32>
    %xor3A_702 = arith.xori %or3A_701, %add3A_694 : vector<256x640xi32>
    %add3A_703 = arith.constant 45 : i32
    %add3A_704 = vector.broadcast %add3A_703 : i32 to vector<256x640xi32>
    %add3A_705 = arith.addi %xor3A_702, %add3A_704 : vector<256x640xi32>
    %add3A_706 = arith.addi %add3A_694, %add3A_705 : vector<256x640xi32>
    %shift_left3A_707 = arith.constant 17 : i32
    %shift_left3A_708 = vector.broadcast %shift_left3A_707 : i32 to vector<256x640xi32>
    %shift_left3A_709 = arith.shli %add3A_705, %shift_left3A_708 : vector<256x640xi32>
    %shift_right_logical3A_710 = arith.constant 15 : i32
    %shift_right_logical3A_711 = vector.broadcast %shift_right_logical3A_710 : i32 to vector<256x640xi32>
    %shift_right_logical3A_712 = arith.shrui %add3A_705, %shift_right_logical3A_711 : vector<256x640xi32>
    %or3A_713 = arith.ori %shift_left3A_709, %shift_right_logical3A_712 : vector<256x640xi32>
    %xor3A_714 = arith.xori %or3A_713, %add3A_706 : vector<256x640xi32>
    %add3A_715 = arith.addi %add3A_706, %xor3A_714 : vector<256x640xi32>
    %shift_left3A_716 = arith.constant 29 : i32
    %shift_left3A_717 = vector.broadcast %shift_left3A_716 : i32 to vector<256x640xi32>
    %shift_left3A_718 = arith.shli %xor3A_714, %shift_left3A_717 : vector<256x640xi32>
    %shift_right_logical3A_719 = arith.constant 3 : i32
    %shift_right_logical3A_720 = vector.broadcast %shift_right_logical3A_719 : i32 to vector<256x640xi32>
    %shift_right_logical3A_721 = arith.shrui %xor3A_714, %shift_right_logical3A_720 : vector<256x640xi32>
    %or3A_722 = arith.ori %shift_left3A_718, %shift_right_logical3A_721 : vector<256x640xi32>
    %xor3A_723 = arith.xori %or3A_722, %add3A_715 : vector<256x640xi32>
    %add3A_724 = arith.addi %add3A_715, %xor3A_723 : vector<256x640xi32>
    %shift_left3A_725 = arith.constant 16 : i32
    %shift_left3A_726 = vector.broadcast %shift_left3A_725 : i32 to vector<256x640xi32>
    %shift_left3A_727 = arith.shli %xor3A_723, %shift_left3A_726 : vector<256x640xi32>
    %shift_right_logical3A_728 = arith.constant 16 : i32
    %shift_right_logical3A_729 = vector.broadcast %shift_right_logical3A_728 : i32 to vector<256x640xi32>
    %shift_right_logical3A_730 = arith.shrui %xor3A_723, %shift_right_logical3A_729 : vector<256x640xi32>
    %or3A_731 = arith.ori %shift_left3A_727, %shift_right_logical3A_730 : vector<256x640xi32>
    %xor3A_732 = arith.xori %or3A_731, %add3A_724 : vector<256x640xi32>
    %add3A_733 = arith.addi %add3A_724, %xor3A_732 : vector<256x640xi32>
    %shift_left3A_734 = arith.constant 24 : i32
    %shift_left3A_735 = vector.broadcast %shift_left3A_734 : i32 to vector<256x640xi32>
    %shift_left3A_736 = arith.shli %xor3A_732, %shift_left3A_735 : vector<256x640xi32>
    %shift_right_logical3A_737 = arith.constant 8 : i32
    %shift_right_logical3A_738 = vector.broadcast %shift_right_logical3A_737 : i32 to vector<256x640xi32>
    %shift_right_logical3A_739 = arith.shrui %xor3A_732, %shift_right_logical3A_738 : vector<256x640xi32>
    %or3A_740 = arith.ori %shift_left3A_736, %shift_right_logical3A_739 : vector<256x640xi32>
    %xor3A_741 = arith.xori %or3A_740, %add3A_733 : vector<256x640xi32>
    %add3A_742 = arith.constant 42 : i32
    %add3A_743 = vector.broadcast %add3A_742 : i32 to vector<256x640xi32>
    %add3A_744 = arith.addi %add3A_733, %add3A_743 : vector<256x640xi32>
    %add3A_745 = arith.constant 466689012 : i32
    %add3A_746 = vector.broadcast %add3A_745 : i32 to vector<256x640xi32>
    %add3A_747 = arith.addi %xor3A_741, %add3A_746 : vector<256x640xi32>
    %add3A_748 = arith.addi %add3A_744, %add3A_747 : vector<256x640xi32>
    %shift_left3A_749 = arith.constant 13 : i32
    %shift_left3A_750 = vector.broadcast %shift_left3A_749 : i32 to vector<256x640xi32>
    %shift_left3A_751 = arith.shli %add3A_747, %shift_left3A_750 : vector<256x640xi32>
    %shift_right_logical3A_752 = arith.constant 19 : i32
    %shift_right_logical3A_753 = vector.broadcast %shift_right_logical3A_752 : i32 to vector<256x640xi32>
    %shift_right_logical3A_754 = arith.shrui %add3A_747, %shift_right_logical3A_753 : vector<256x640xi32>
    %or3A_755 = arith.ori %shift_left3A_751, %shift_right_logical3A_754 : vector<256x640xi32>
    %xor3A_756 = arith.xori %or3A_755, %add3A_748 : vector<256x640xi32>
    %add3A_757 = arith.addi %add3A_748, %xor3A_756 : vector<256x640xi32>
    %shift_left3A_758 = arith.constant 15 : i32
    %shift_left3A_759 = vector.broadcast %shift_left3A_758 : i32 to vector<256x640xi32>
    %shift_left3A_760 = arith.shli %xor3A_756, %shift_left3A_759 : vector<256x640xi32>
    %shift_right_logical3A_761 = arith.constant 17 : i32
    %shift_right_logical3A_762 = vector.broadcast %shift_right_logical3A_761 : i32 to vector<256x640xi32>
    %shift_right_logical3A_763 = arith.shrui %xor3A_756, %shift_right_logical3A_762 : vector<256x640xi32>
    %or3A_764 = arith.ori %shift_left3A_760, %shift_right_logical3A_763 : vector<256x640xi32>
    %xor3A_765 = arith.xori %or3A_764, %add3A_757 : vector<256x640xi32>
    %add3A_766 = arith.addi %add3A_757, %xor3A_765 : vector<256x640xi32>
    %shift_left3A_767 = arith.constant 26 : i32
    %shift_left3A_768 = vector.broadcast %shift_left3A_767 : i32 to vector<256x640xi32>
    %shift_left3A_769 = arith.shli %xor3A_765, %shift_left3A_768 : vector<256x640xi32>
    %shift_right_logical3A_770 = arith.constant 6 : i32
    %shift_right_logical3A_771 = vector.broadcast %shift_right_logical3A_770 : i32 to vector<256x640xi32>
    %shift_right_logical3A_772 = arith.shrui %xor3A_765, %shift_right_logical3A_771 : vector<256x640xi32>
    %or3A_773 = arith.ori %shift_left3A_769, %shift_right_logical3A_772 : vector<256x640xi32>
    %xor3A_774 = arith.xori %or3A_773, %add3A_766 : vector<256x640xi32>
    %add3A_775 = arith.addi %add3A_766, %xor3A_774 : vector<256x640xi32>
    %shift_left3A_776 = arith.constant 6 : i32
    %shift_left3A_777 = vector.broadcast %shift_left3A_776 : i32 to vector<256x640xi32>
    %shift_left3A_778 = arith.shli %xor3A_774, %shift_left3A_777 : vector<256x640xi32>
    %shift_right_logical3A_779 = arith.constant 26 : i32
    %shift_right_logical3A_780 = vector.broadcast %shift_right_logical3A_779 : i32 to vector<256x640xi32>
    %shift_right_logical3A_781 = arith.shrui %xor3A_774, %shift_right_logical3A_780 : vector<256x640xi32>
    %or3A_782 = arith.ori %shift_left3A_778, %shift_right_logical3A_781 : vector<256x640xi32>
    %xor3A_783 = arith.xori %or3A_782, %add3A_775 : vector<256x640xi32>
    %add3A_784 = arith.constant 466689008 : i32
    %add3A_785 = vector.broadcast %add3A_784 : i32 to vector<256x640xi32>
    %add3A_786 = arith.addi %add3A_775, %add3A_785 : vector<256x640xi32>
    %add3A_787 = arith.constant 5 : i32
    %add3A_788 = vector.broadcast %add3A_787 : i32 to vector<256x640xi32>
    %add3A_789 = arith.addi %xor3A_783, %add3A_788 : vector<256x640xi32>
    %xor3A_790 = arith.xori %add3A_786, %add3A_789 : vector<256x640xi32>
    %shift_right_logical3A_791 = arith.constant 9 : i32
    %shift_right_logical3A_792 = vector.broadcast %shift_right_logical3A_791 : i32 to vector<256x640xi32>
    %shift_right_logical3A_793 = arith.shrui %xor3A_790, %shift_right_logical3A_792 : vector<256x640xi32>
    %or3A_794 = arith.constant 1065353216 : i32
    %or3A_795 = vector.broadcast %or3A_794 : i32 to vector<256x640xi32>
    %or3A_796 = arith.ori %shift_right_logical3A_793, %or3A_795 : vector<256x640xi32>
    %bitcast_convert_type3A_797 = tpu.bitcast %or3A_796 : vector<256x640xi32> -> vector<256x640xf32>
    %sub3A_798 = arith.constant 1.000000e+00 : f32
    %sub3A_799 = vector.broadcast %sub3A_798 : f32 to vector<256x640xf32>
    %sub3A_800 = arith.subf %bitcast_convert_type3A_797, %sub3A_799 : vector<256x640xf32>
    %add3A_801 = arith.constant 1.17549435E-38 : f32
    %add3A_802 = vector.broadcast %add3A_801 : f32 to vector<256x640xf32>
    %add3A_803 = arith.addf %sub3A_800, %add3A_802 : vector<256x640xf32>
    %log3A_804 = math.log %add3A_803 : vector<256x640xf32>
    %neg3A_805 = arith.constant 0.000000e+00 : f32
    %neg3A_806 = vector.broadcast %neg3A_805 : f32 to vector<256x640xf32>
    %neg3A_807 = arith.subf %neg3A_806, %log3A_804 : vector<256x640xf32>
    %log3A_808 = math.log %neg3A_807 : vector<256x640xf32>
    %neg3A_809 = arith.constant 0.000000e+00 : f32
    %neg3A_810 = vector.broadcast %neg3A_809 : f32 to vector<256x640xf32>
    %neg3A_811 = arith.subf %neg3A_810, %log3A_808 : vector<256x640xf32>
    %add3A_812 = arith.addf %add3A_574, %neg3A_811 : vector<256x640xf32>
    %jit3A_813 = arith.constant 0xFF800000 : f32
    %broadcast_in_dim3A_814 = vector.broadcast %jit3A_813 : f32 to vector<256x640xf32>
    %select_n3A_815 = arith.select %lt3A_10, %add3A_812, %broadcast_in_dim3A_814 : vector<256x640xi1>, vector<256x640xf32>
    %reduce_max3A_816 = arith.constant dense<0xFF800000> : vector<256xf32>
    %reduce_max3A_817 = vector.multi_reduction <maximumf>, %select_n3A_815, %reduce_max3A_816 [1] : vector<256x640xf32> to vector<256xf32>
    %jit3A_818 = arith.constant 0xFF800000 : f32
    %broadcast_in_dim3A_819 = vector.broadcast %jit3A_818 : f32 to vector<256x640xf32>
    %select_n3A_820 = arith.select %lt3A_10, %broadcast_in_dim3A_819, %add3A_812 : vector<256x640xi1>, vector<256x640xf32>
    %reduce_max3A_821 = arith.constant dense<0xFF800000> : vector<256xf32>
    %reduce_max3A_822 = vector.multi_reduction <maximumf>, %select_n3A_820, %reduce_max3A_821 [1] : vector<256x640xf32> to vector<256xf32>
    %broadcast_in_dim3A_823 = vector.shape_cast %reduce_max3A_817 : vector<256xf32> to vector<256x1xf32>
    %broadcast_in_dim3A_824 = vector.shape_cast %reduce_max3A_822 : vector<256xf32> to vector<256x1xf32>
    %broadcast_in_dim3A_825 = vector.shape_cast %broadcast_in_dim3A_823 : vector<256x1xf32> to vector<256x1xf32>
    %broadcast_in_dim3A_826 = vector.broadcast %broadcast_in_dim3A_825 : vector<256x1xf32> to vector<256x640xf32>
    %broadcast_in_dim3A_827 = vector.shape_cast %broadcast_in_dim3A_824 : vector<256x1xf32> to vector<256x1xf32>
    %broadcast_in_dim3A_828 = vector.broadcast %broadcast_in_dim3A_827 : vector<256x1xf32> to vector<256x640xf32>
    %select_n3A_829 = arith.select %lt3A_10, %broadcast_in_dim3A_826, %broadcast_in_dim3A_828 : vector<256x640xi1>, vector<256x640xf32>
    %eq3A_830 = arith.cmpf oeq, %add3A_812, %select_n3A_829 : vector<256x640xf32>
    %jit3A_831 = arith.constant 1.000000e+00 : f32
    %jit3A_832 = arith.constant 0.000000e+00 : f32
    %broadcast_in_dim3A_833 = vector.broadcast %jit3A_831 : f32 to vector<256x640xf32>
    %broadcast_in_dim3A_834 = vector.broadcast %jit3A_832 : f32 to vector<256x640xf32>
    %select_n3A_835 = arith.select %eq3A_830, %broadcast_in_dim3A_833, %broadcast_in_dim3A_834 : vector<256x640xi1>, vector<256x640xf32>
    %slice3A_836 = vector.extract_strided_slice %select_n3A_835 {offsets = [0, 0], sizes = [256, 320], strides = [1, 1]} : vector<256x640xf32> to vector<256x320xf32>
    %swap3A_837 = arith.constant 0 : index
    %swap3A_838 = arith.constant 4 : index
    %swap3A_839 = arith.constant 0 : index
    %swap3A_840 = vector.load %arg4[%swap3A_837, %swap3A_838, %swap3A_839] : memref<256x32x320xf32, #tpu.memory_space<vmem>>, vector<256x1x320xf32>
    %swap3A_841 = vector.shape_cast %swap3A_840 : vector<256x1x320xf32> to vector<256x320xf32>
    %swap3A_842 = vector.shape_cast %slice3A_836 : vector<256x320xf32> to vector<256x1x320xf32>
    tpu.vector_store %arg4[%swap3A_837, %swap3A_838, %swap3A_839], %swap3A_842 {strides = array<i32>} : memref<256x32x320xf32, #tpu.memory_space<vmem>>, vector<256x1x320xf32>,
    %slice3A_843 = vector.extract_strided_slice %select_n3A_835 {offsets = [0, 320], sizes = [256, 320], strides = [1, 1]} : vector<256x640xf32> to vector<256x320xf32>
    %swap3A_844 = arith.constant 0 : index
    %swap3A_845 = arith.constant 5 : index
    %swap3A_846 = arith.constant 0 : index
    %swap3A_847 = vector.load %arg4[%swap3A_844, %swap3A_845, %swap3A_846] : memref<256x32x320xf32, #tpu.memory_space<vmem>>, vector<256x1x320xf32>
    %swap3A_848 = vector.shape_cast %swap3A_847 : vector<256x1x320xf32> to vector<256x320xf32>
    %swap3A_849 = vector.shape_cast %slice3A_843 : vector<256x320xf32> to vector<256x1x320xf32>
    tpu.vector_store %arg4[%swap3A_844, %swap3A_845, %swap3A_846], %swap3A_849 {strides = array<i32>} : memref<256x32x320xf32, #tpu.memory_space<vmem>>, vector<256x1x320xf32>,
    %get3A_850 = arith.constant 0 : index
    %get3A_851 = arith.constant 1920 : index
    %get3A_852 = vector.load %arg2[%get3A_850, %get3A_851] : memref<256x10240xf32, #tpu.memory_space<vmem>>, vector<256x640xf32>
    %dot_general3A_853 = arith.constant dense<0.000000e+00> : vector<256x640xf32>
    %dot_general3A_854 = tpu.matmul %get3A_2, %get3A_852, %dot_general3A_853 {dimension_numbers = #tpu.dot_dimension_numbers<[1], [0], [0], [1], [0, 0, 1, 1], [], []>, transpose_lhs_hint = false} : vector<256x256xf32>, vector<256x640xf32>, vector<256x640xf32> -> vector<256x640xf32>
    %get3A_855 = arith.constant 0 : index
    %get3A_856 = arith.constant 1920 : index
    %get3A_857 = vector.load %arg3[%get3A_855, %get3A_856] : memref<1x10240xf32, #tpu.memory_space<vmem>>, vector<1x640xf32>
    %add3A_858 = vector.broadcast %get3A_857 : vector<1x640xf32> to vector<256x640xf32>
    %add3A_859 = arith.addf %dot_general3A_854, %add3A_858 : vector<256x640xf32>
    %add3A_860 = arith.constant 1920 : i32
    %add3A_861 = vector.broadcast %add3A_860 : i32 to vector<256x640xi32>
    %add3A_862 = arith.addi %add3A_8, %add3A_861 : vector<256x640xi32>
    %broadcast_in_dim3A_863 = arith.constant 0 : i32
    %broadcast_in_dim3A_864 = vector.broadcast %broadcast_in_dim3A_863 : i32 to vector<256x640xi32>
    %add3A_865 = arith.constant 42 : i32
    %add3A_866 = vector.broadcast %add3A_865 : i32 to vector<256x640xi32>
    %add3A_867 = arith.addi %add3A_862, %add3A_866 : vector<256x640xi32>
    %add3A_868 = arith.addi %broadcast_in_dim3A_864, %add3A_867 : vector<256x640xi32>
    %shift_left3A_869 = arith.constant 13 : i32
    %shift_left3A_870 = vector.broadcast %shift_left3A_869 : i32 to vector<256x640xi32>
    %shift_left3A_871 = arith.shli %add3A_867, %shift_left3A_870 : vector<256x640xi32>
    %shift_right_logical3A_872 = arith.constant 19 : i32
    %shift_right_logical3A_873 = vector.broadcast %shift_right_logical3A_872 : i32 to vector<256x640xi32>
    %shift_right_logical3A_874 = arith.shrui %add3A_867, %shift_right_logical3A_873 : vector<256x640xi32>
    %or3A_875 = arith.ori %shift_left3A_871, %shift_right_logical3A_874 : vector<256x640xi32>
    %xor3A_876 = arith.xori %or3A_875, %add3A_868 : vector<256x640xi32>
    %add3A_877 = arith.addi %add3A_868, %xor3A_876 : vector<256x640xi32>
    %shift_left3A_878 = arith.constant 15 : i32
    %shift_left3A_879 = vector.broadcast %shift_left3A_878 : i32 to vector<256x640xi32>
    %shift_left3A_880 = arith.shli %xor3A_876, %shift_left3A_879 : vector<256x640xi32>
    %shift_right_logical3A_881 = arith.constant 17 : i32
    %shift_right_logical3A_882 = vector.broadcast %shift_right_logical3A_881 : i32 to vector<256x640xi32>
    %shift_right_logical3A_883 = arith.shrui %xor3A_876, %shift_right_logical3A_882 : vector<256x640xi32>
    %or3A_884 = arith.ori %shift_left3A_880, %shift_right_logical3A_883 : vector<256x640xi32>
    %xor3A_885 = arith.xori %or3A_884, %add3A_877 : vector<256x640xi32>
    %add3A_886 = arith.addi %add3A_877, %xor3A_885 : vector<256x640xi32>
    %shift_left3A_887 = arith.constant 26 : i32
    %shift_left3A_888 = vector.broadcast %shift_left3A_887 : i32 to vector<256x640xi32>
    %shift_left3A_889 = arith.shli %xor3A_885, %shift_left3A_888 : vector<256x640xi32>
    %shift_right_logical3A_890 = arith.constant 6 : i32
    %shift_right_logical3A_891 = vector.broadcast %shift_right_logical3A_890 : i32 to vector<256x640xi32>
    %shift_right_logical3A_892 = arith.shrui %xor3A_885, %shift_right_logical3A_891 : vector<256x640xi32>
    %or3A_893 = arith.ori %shift_left3A_889, %shift_right_logical3A_892 : vector<256x640xi32>
    %xor3A_894 = arith.xori %or3A_893, %add3A_886 : vector<256x640xi32>
    %add3A_895 = arith.addi %add3A_886, %xor3A_894 : vector<256x640xi32>
    %shift_left3A_896 = arith.constant 6 : i32
    %shift_left3A_897 = vector.broadcast %shift_left3A_896 : i32 to vector<256x640xi32>
    %shift_left3A_898 = arith.shli %xor3A_894, %shift_left3A_897 : vector<256x640xi32>
    %shift_right_logical3A_899 = arith.constant 26 : i32
    %shift_right_logical3A_900 = vector.broadcast %shift_right_logical3A_899 : i32 to vector<256x640xi32>
    %shift_right_logical3A_901 = arith.shrui %xor3A_894, %shift_right_logical3A_900 : vector<256x640xi32>
    %or3A_902 = arith.ori %shift_left3A_898, %shift_right_logical3A_901 : vector<256x640xi32>
    %xor3A_903 = arith.xori %or3A_902, %add3A_895 : vector<256x640xi32>
    %add3A_904 = arith.constant 42 : i32
    %add3A_905 = vector.broadcast %add3A_904 : i32 to vector<256x640xi32>
    %add3A_906 = arith.addi %add3A_895, %add3A_905 : vector<256x640xi32>
    %add3A_907 = arith.constant 466689009 : i32
    %add3A_908 = vector.broadcast %add3A_907 : i32 to vector<256x640xi32>
    %add3A_909 = arith.addi %xor3A_903, %add3A_908 : vector<256x640xi32>
    %add3A_910 = arith.addi %add3A_906, %add3A_909 : vector<256x640xi32>
    %shift_left3A_911 = arith.constant 17 : i32
    %shift_left3A_912 = vector.broadcast %shift_left3A_911 : i32 to vector<256x640xi32>
    %shift_left3A_913 = arith.shli %add3A_909, %shift_left3A_912 : vector<256x640xi32>
    %shift_right_logical3A_914 = arith.constant 15 : i32
    %shift_right_logical3A_915 = vector.broadcast %shift_right_logical3A_914 : i32 to vector<256x640xi32>
    %shift_right_logical3A_916 = arith.shrui %add3A_909, %shift_right_logical3A_915 : vector<256x640xi32>
    %or3A_917 = arith.ori %shift_left3A_913, %shift_right_logical3A_916 : vector<256x640xi32>
    %xor3A_918 = arith.xori %or3A_917, %add3A_910 : vector<256x640xi32>
    %add3A_919 = arith.addi %add3A_910, %xor3A_918 : vector<256x640xi32>
    %shift_left3A_920 = arith.constant 29 : i32
    %shift_left3A_921 = vector.broadcast %shift_left3A_920 : i32 to vector<256x640xi32>
    %shift_left3A_922 = arith.shli %xor3A_918, %shift_left3A_921 : vector<256x640xi32>
    %shift_right_logical3A_923 = arith.constant 3 : i32
    %shift_right_logical3A_924 = vector.broadcast %shift_right_logical3A_923 : i32 to vector<256x640xi32>
    %shift_right_logical3A_925 = arith.shrui %xor3A_918, %shift_right_logical3A_924 : vector<256x640xi32>
    %or3A_926 = arith.ori %shift_left3A_922, %shift_right_logical3A_925 : vector<256x640xi32>
    %xor3A_927 = arith.xori %or3A_926, %add3A_919 : vector<256x640xi32>
    %add3A_928 = arith.addi %add3A_919, %xor3A_927 : vector<256x640xi32>
    %shift_left3A_929 = arith.constant 16 : i32
    %shift_left3A_930 = vector.broadcast %shift_left3A_929 : i32 to vector<256x640xi32>
    %shift_left3A_931 = arith.shli %xor3A_927, %shift_left3A_930 : vector<256x640xi32>
    %shift_right_logical3A_932 = arith.constant 16 : i32
    %shift_right_logical3A_933 = vector.broadcast %shift_right_logical3A_932 : i32 to vector<256x640xi32>
    %shift_right_logical3A_934 = arith.shrui %xor3A_927, %shift_right_logical3A_933 : vector<256x640xi32>
    %or3A_935 = arith.ori %shift_left3A_931, %shift_right_logical3A_934 : vector<256x640xi32>
    %xor3A_936 = arith.xori %or3A_935, %add3A_928 : vector<256x640xi32>
    %add3A_937 = arith.addi %add3A_928, %xor3A_936 : vector<256x640xi32>
    %shift_left3A_938 = arith.constant 24 : i32
    %shift_left3A_939 = vector.broadcast %shift_left3A_938 : i32 to vector<256x640xi32>
    %shift_left3A_940 = arith.shli %xor3A_936, %shift_left3A_939 : vector<256x640xi32>
    %shift_right_logical3A_941 = arith.constant 8 : i32
    %shift_right_logical3A_942 = vector.broadcast %shift_right_logical3A_941 : i32 to vector<256x640xi32>
    %shift_right_logical3A_943 = arith.shrui %xor3A_936, %shift_right_logical3A_942 : vector<256x640xi32>
    %or3A_944 = arith.ori %shift_left3A_940, %shift_right_logical3A_943 : vector<256x640xi32>
    %xor3A_945 = arith.xori %or3A_944, %add3A_937 : vector<256x640xi32>
    %add3A_946 = arith.constant 466689008 : i32
    %add3A_947 = vector.broadcast %add3A_946 : i32 to vector<256x640xi32>
    %add3A_948 = arith.addi %add3A_937, %add3A_947 : vector<256x640xi32>
    %add3A_949 = arith.constant 2 : i32
    %add3A_950 = vector.broadcast %add3A_949 : i32 to vector<256x640xi32>
    %add3A_951 = arith.addi %xor3A_945, %add3A_950 : vector<256x640xi32>
    %add3A_952 = arith.addi %add3A_948, %add3A_951 : vector<256x640xi32>
    %shift_left3A_953 = arith.constant 13 : i32
    %shift_left3A_954 = vector.broadcast %shift_left3A_953 : i32 to vector<256x640xi32>
    %shift_left3A_955 = arith.shli %add3A_951, %shift_left3A_954 : vector<256x640xi32>
    %shift_right_logical3A_956 = arith.constant 19 : i32
    %shift_right_logical3A_957 = vector.broadcast %shift_right_logical3A_956 : i32 to vector<256x640xi32>
    %shift_right_logical3A_958 = arith.shrui %add3A_951, %shift_right_logical3A_957 : vector<256x640xi32>
    %or3A_959 = arith.ori %shift_left3A_955, %shift_right_logical3A_958 : vector<256x640xi32>
    %xor3A_960 = arith.xori %or3A_959, %add3A_952 : vector<256x640xi32>
    %add3A_961 = arith.addi %add3A_952, %xor3A_960 : vector<256x640xi32>
    %shift_left3A_962 = arith.constant 15 : i32
    %shift_left3A_963 = vector.broadcast %shift_left3A_962 : i32 to vector<256x640xi32>
    %shift_left3A_964 = arith.shli %xor3A_960, %shift_left3A_963 : vector<256x640xi32>
    %shift_right_logical3A_965 = arith.constant 17 : i32
    %shift_right_logical3A_966 = vector.broadcast %shift_right_logical3A_965 : i32 to vector<256x640xi32>
    %shift_right_logical3A_967 = arith.shrui %xor3A_960, %shift_right_logical3A_966 : vector<256x640xi32>
    %or3A_968 = arith.ori %shift_left3A_964, %shift_right_logical3A_967 : vector<256x640xi32>
    %xor3A_969 = arith.xori %or3A_968, %add3A_961 : vector<256x640xi32>
    %add3A_970 = arith.addi %add3A_961, %xor3A_969 : vector<256x640xi32>
    %shift_left3A_971 = arith.constant 26 : i32
    %shift_left3A_972 = vector.broadcast %shift_left3A_971 : i32 to vector<256x640xi32>
    %shift_left3A_973 = arith.shli %xor3A_969, %shift_left3A_972 : vector<256x640xi32>
    %shift_right_logical3A_974 = arith.constant 6 : i32
    %shift_right_logical3A_975 = vector.broadcast %shift_right_logical3A_974 : i32 to vector<256x640xi32>
    %shift_right_logical3A_976 = arith.shrui %xor3A_969, %shift_right_logical3A_975 : vector<256x640xi32>
    %or3A_977 = arith.ori %shift_left3A_973, %shift_right_logical3A_976 : vector<256x640xi32>
    %xor3A_978 = arith.xori %or3A_977, %add3A_970 : vector<256x640xi32>
    %add3A_979 = arith.addi %add3A_970, %xor3A_978 : vector<256x640xi32>
    %shift_left3A_980 = arith.constant 6 : i32
    %shift_left3A_981 = vector.broadcast %shift_left3A_980 : i32 to vector<256x640xi32>
    %shift_left3A_982 = arith.shli %xor3A_978, %shift_left3A_981 : vector<256x640xi32>
    %shift_right_logical3A_983 = arith.constant 26 : i32
    %shift_right_logical3A_984 = vector.broadcast %shift_right_logical3A_983 : i32 to vector<256x640xi32>
    %shift_right_logical3A_985 = arith.shrui %xor3A_978, %shift_right_logical3A_984 : vector<256x640xi32>
    %or3A_986 = arith.ori %shift_left3A_982, %shift_right_logical3A_985 : vector<256x640xi32>
    %xor3A_987 = arith.xori %or3A_986, %add3A_979 : vector<256x640xi32>
    %add3A_988 = arith.constant 45 : i32
    %add3A_989 = vector.broadcast %add3A_988 : i32 to vector<256x640xi32>
    %add3A_990 = arith.addi %xor3A_987, %add3A_989 : vector<256x640xi32>
    %add3A_991 = arith.addi %add3A_979, %add3A_990 : vector<256x640xi32>
    %shift_left3A_992 = arith.constant 17 : i32
    %shift_left3A_993 = vector.broadcast %shift_left3A_992 : i32 to vector<256x640xi32>
    %shift_left3A_994 = arith.shli %add3A_990, %shift_left3A_993 : vector<256x640xi32>
    %shift_right_logical3A_995 = arith.constant 15 : i32
    %shift_right_logical3A_996 = vector.broadcast %shift_right_logical3A_995 : i32 to vector<256x640xi32>
    %shift_right_logical3A_997 = arith.shrui %add3A_990, %shift_right_logical3A_996 : vector<256x640xi32>
    %or3A_998 = arith.ori %shift_left3A_994, %shift_right_logical3A_997 : vector<256x640xi32>
    %xor3A_999 = arith.xori %or3A_998, %add3A_991 : vector<256x640xi32>
    %add3A_1000 = arith.addi %add3A_991, %xor3A_999 : vector<256x640xi32>
    %shift_left3A_1001 = arith.constant 29 : i32
    %shift_left3A_1002 = vector.broadcast %shift_left3A_1001 : i32 to vector<256x640xi32>
    %shift_left3A_1003 = arith.shli %xor3A_999, %shift_left3A_1002 : vector<256x640xi32>
    %shift_right_logical3A_1004 = arith.constant 3 : i32
    %shift_right_logical3A_1005 = vector.broadcast %shift_right_logical3A_1004 : i32 to vector<256x640xi32>
    %shift_right_logical3A_1006 = arith.shrui %xor3A_999, %shift_right_logical3A_1005 : vector<256x640xi32>
    %or3A_1007 = arith.ori %shift_left3A_1003, %shift_right_logical3A_1006 : vector<256x640xi32>
    %xor3A_1008 = arith.xori %or3A_1007, %add3A_1000 : vector<256x640xi32>
    %add3A_1009 = arith.addi %add3A_1000, %xor3A_1008 : vector<256x640xi32>
    %shift_left3A_1010 = arith.constant 16 : i32
    %shift_left3A_1011 = vector.broadcast %shift_left3A_1010 : i32 to vector<256x640xi32>
    %shift_left3A_1012 = arith.shli %xor3A_1008, %shift_left3A_1011 : vector<256x640xi32>
    %shift_right_logical3A_1013 = arith.constant 16 : i32
    %shift_right_logical3A_1014 = vector.broadcast %shift_right_logical3A_1013 : i32 to vector<256x640xi32>
    %shift_right_logical3A_1015 = arith.shrui %xor3A_1008, %shift_right_logical3A_1014 : vector<256x640xi32>
    %or3A_1016 = arith.ori %shift_left3A_1012, %shift_right_logical3A_1015 : vector<256x640xi32>
    %xor3A_1017 = arith.xori %or3A_1016, %add3A_1009 : vector<256x640xi32>
    %add3A_1018 = arith.addi %add3A_1009, %xor3A_1017 : vector<256x640xi32>
    %shift_left3A_1019 = arith.constant 24 : i32
    %shift_left3A_1020 = vector.broadcast %shift_left3A_1019 : i32 to vector<256x640xi32>
    %shift_left3A_1021 = arith.shli %xor3A_1017, %shift_left3A_1020 : vector<256x640xi32>
    %shift_right_logical3A_1022 = arith.constant 8 : i32
    %shift_right_logical3A_1023 = vector.broadcast %shift_right_logical3A_1022 : i32 to vector<256x640xi32>
    %shift_right_logical3A_1024 = arith.shrui %xor3A_1017, %shift_right_logical3A_1023 : vector<256x640xi32>
    %or3A_1025 = arith.ori %shift_left3A_1021, %shift_right_logical3A_1024 : vector<256x640xi32>
    %xor3A_1026 = arith.xori %or3A_1025, %add3A_1018 : vector<256x640xi32>
    %add3A_1027 = arith.constant 42 : i32
    %add3A_1028 = vector.broadcast %add3A_1027 : i32 to vector<256x640xi32>
    %add3A_1029 = arith.addi %add3A_1018, %add3A_1028 : vector<256x640xi32>
    %add3A_1030 = arith.constant 466689012 : i32
    %add3A_1031 = vector.broadcast %add3A_1030 : i32 to vector<256x640xi32>
    %add3A_1032 = arith.addi %xor3A_1026, %add3A_1031 : vector<256x640xi32>
    %add3A_1033 = arith.addi %add3A_1029, %add3A_1032 : vector<256x640xi32>
    %shift_left3A_1034 = arith.constant 13 : i32
    %shift_left3A_1035 = vector.broadcast %shift_left3A_1034 : i32 to vector<256x640xi32>
    %shift_left3A_1036 = arith.shli %add3A_1032, %shift_left3A_1035 : vector<256x640xi32>
    %shift_right_logical3A_1037 = arith.constant 19 : i32
    %shift_right_logical3A_1038 = vector.broadcast %shift_right_logical3A_1037 : i32 to vector<256x640xi32>
    %shift_right_logical3A_1039 = arith.shrui %add3A_1032, %shift_right_logical3A_1038 : vector<256x640xi32>
    %or3A_1040 = arith.ori %shift_left3A_1036, %shift_right_logical3A_1039 : vector<256x640xi32>
    %xor3A_1041 = arith.xori %or3A_1040, %add3A_1033 : vector<256x640xi32>
    %add3A_1042 = arith.addi %add3A_1033, %xor3A_1041 : vector<256x640xi32>
    %shift_left3A_1043 = arith.constant 15 : i32
    %shift_left3A_1044 = vector.broadcast %shift_left3A_1043 : i32 to vector<256x640xi32>
    %shift_left3A_1045 = arith.shli %xor3A_1041, %shift_left3A_1044 : vector<256x640xi32>
    %shift_right_logical3A_1046 = arith.constant 17 : i32
    %shift_right_logical3A_1047 = vector.broadcast %shift_right_logical3A_1046 : i32 to vector<256x640xi32>
    %shift_right_logical3A_1048 = arith.shrui %xor3A_1041, %shift_right_logical3A_1047 : vector<256x640xi32>
    %or3A_1049 = arith.ori %shift_left3A_1045, %shift_right_logical3A_1048 : vector<256x640xi32>
    %xor3A_1050 = arith.xori %or3A_1049, %add3A_1042 : vector<256x640xi32>
    %add3A_1051 = arith.addi %add3A_1042, %xor3A_1050 : vector<256x640xi32>
    %shift_left3A_1052 = arith.constant 26 : i32
    %shift_left3A_1053 = vector.broadcast %shift_left3A_1052 : i32 to vector<256x640xi32>
    %shift_left3A_1054 = arith.shli %xor3A_1050, %shift_left3A_1053 : vector<256x640xi32>
    %shift_right_logical3A_1055 = arith.constant 6 : i32
    %shift_right_logical3A_1056 = vector.broadcast %shift_right_logical3A_1055 : i32 to vector<256x640xi32>
    %shift_right_logical3A_1057 = arith.shrui %xor3A_1050, %shift_right_logical3A_1056 : vector<256x640xi32>
    %or3A_1058 = arith.ori %shift_left3A_1054, %shift_right_logical3A_1057 : vector<256x640xi32>
    %xor3A_1059 = arith.xori %or3A_1058, %add3A_1051 : vector<256x640xi32>
    %add3A_1060 = arith.addi %add3A_1051, %xor3A_1059 : vector<256x640xi32>
    %shift_left3A_1061 = arith.constant 6 : i32
    %shift_left3A_1062 = vector.broadcast %shift_left3A_1061 : i32 to vector<256x640xi32>
    %shift_left3A_1063 = arith.shli %xor3A_1059, %shift_left3A_1062 : vector<256x640xi32>
    %shift_right_logical3A_1064 = arith.constant 26 : i32
    %shift_right_logical3A_1065 = vector.broadcast %shift_right_logical3A_1064 : i32 to vector<256x640xi32>
    %shift_right_logical3A_1066 = arith.shrui %xor3A_1059, %shift_right_logical3A_1065 : vector<256x640xi32>
    %or3A_1067 = arith.ori %shift_left3A_1063, %shift_right_logical3A_1066 : vector<256x640xi32>
    %xor3A_1068 = arith.xori %or3A_1067, %add3A_1060 : vector<256x640xi32>
    %add3A_1069 = arith.constant 466689008 : i32
    %add3A_1070 = vector.broadcast %add3A_1069 : i32 to vector<256x640xi32>
    %add3A_1071 = arith.addi %add3A_1060, %add3A_1070 : vector<256x640xi32>
    %add3A_1072 = arith.constant 5 : i32
    %add3A_1073 = vector.broadcast %add3A_1072 : i32 to vector<256x640xi32>
    %add3A_1074 = arith.addi %xor3A_1068, %add3A_1073 : vector<256x640xi32>
    %xor3A_1075 = arith.xori %add3A_1071, %add3A_1074 : vector<256x640xi32>
    %shift_right_logical3A_1076 = arith.constant 9 : i32
    %shift_right_logical3A_1077 = vector.broadcast %shift_right_logical3A_1076 : i32 to vector<256x640xi32>
    %shift_right_logical3A_1078 = arith.shrui %xor3A_1075, %shift_right_logical3A_1077 : vector<256x640xi32>
    %or3A_1079 = arith.constant 1065353216 : i32
    %or3A_1080 = vector.broadcast %or3A_1079 : i32 to vector<256x640xi32>
    %or3A_1081 = arith.ori %shift_right_logical3A_1078, %or3A_1080 : vector<256x640xi32>
    %bitcast_convert_type3A_1082 = tpu.bitcast %or3A_1081 : vector<256x640xi32> -> vector<256x640xf32>
    %sub3A_1083 = arith.constant 1.000000e+00 : f32
    %sub3A_1084 = vector.broadcast %sub3A_1083 : f32 to vector<256x640xf32>
    %sub3A_1085 = arith.subf %bitcast_convert_type3A_1082, %sub3A_1084 : vector<256x640xf32>
    %add3A_1086 = arith.constant 1.17549435E-38 : f32
    %add3A_1087 = vector.broadcast %add3A_1086 : f32 to vector<256x640xf32>
    %add3A_1088 = arith.addf %sub3A_1085, %add3A_1087 : vector<256x640xf32>
    %log3A_1089 = math.log %add3A_1088 : vector<256x640xf32>
    %neg3A_1090 = arith.constant 0.000000e+00 : f32
    %neg3A_1091 = vector.broadcast %neg3A_1090 : f32 to vector<256x640xf32>
    %neg3A_1092 = arith.subf %neg3A_1091, %log3A_1089 : vector<256x640xf32>
    %log3A_1093 = math.log %neg3A_1092 : vector<256x640xf32>
    %neg3A_1094 = arith.constant 0.000000e+00 : f32
    %neg3A_1095 = vector.broadcast %neg3A_1094 : f32 to vector<256x640xf32>
    %neg3A_1096 = arith.subf %neg3A_1095, %log3A_1093 : vector<256x640xf32>
    %add3A_1097 = arith.addf %add3A_859, %neg3A_1096 : vector<256x640xf32>
    %jit3A_1098 = arith.constant 0xFF800000 : f32
    %broadcast_in_dim3A_1099 = vector.broadcast %jit3A_1098 : f32 to vector<256x640xf32>
    %select_n3A_1100 = arith.select %lt3A_10, %add3A_1097, %broadcast_in_dim3A_1099 : vector<256x640xi1>, vector<256x640xf32>
    %reduce_max3A_1101 = arith.constant dense<0xFF800000> : vector<256xf32>
    %reduce_max3A_1102 = vector.multi_reduction <maximumf>, %select_n3A_1100, %reduce_max3A_1101 [1] : vector<256x640xf32> to vector<256xf32>
    %jit3A_1103 = arith.constant 0xFF800000 : f32
    %broadcast_in_dim3A_1104 = vector.broadcast %jit3A_1103 : f32 to vector<256x640xf32>
    %select_n3A_1105 = arith.select %lt3A_10, %broadcast_in_dim3A_1104, %add3A_1097 : vector<256x640xi1>, vector<256x640xf32>
    %reduce_max3A_1106 = arith.constant dense<0xFF800000> : vector<256xf32>
    %reduce_max3A_1107 = vector.multi_reduction <maximumf>, %select_n3A_1105, %reduce_max3A_1106 [1] : vector<256x640xf32> to vector<256xf32>
    %broadcast_in_dim3A_1108 = vector.shape_cast %reduce_max3A_1102 : vector<256xf32> to vector<256x1xf32>
    %broadcast_in_dim3A_1109 = vector.shape_cast %reduce_max3A_1107 : vector<256xf32> to vector<256x1xf32>
    %broadcast_in_dim3A_1110 = vector.shape_cast %broadcast_in_dim3A_1108 : vector<256x1xf32> to vector<256x1xf32>
    %broadcast_in_dim3A_1111 = vector.broadcast %broadcast_in_dim3A_1110 : vector<256x1xf32> to vector<256x640xf32>
    %broadcast_in_dim3A_1112 = vector.shape_cast %broadcast_in_dim3A_1109 : vector<256x1xf32> to vector<256x1xf32>
    %broadcast_in_dim3A_1113 = vector.broadcast %broadcast_in_dim3A_1112 : vector<256x1xf32> to vector<256x640xf32>
    %select_n3A_1114 = arith.select %lt3A_10, %broadcast_in_dim3A_1111, %broadcast_in_dim3A_1113 : vector<256x640xi1>, vector<256x640xf32>
    %eq3A_1115 = arith.cmpf oeq, %add3A_1097, %select_n3A_1114 : vector<256x640xf32>
    %jit3A_1116 = arith.constant 1.000000e+00 : f32
    %jit3A_1117 = arith.constant 0.000000e+00 : f32
    %broadcast_in_dim3A_1118 = vector.broadcast %jit3A_1116 : f32 to vector<256x640xf32>
    %broadcast_in_dim3A_1119 = vector.broadcast %jit3A_1117 : f32 to vector<256x640xf32>
    %select_n3A_1120 = arith.select %eq3A_1115, %broadcast_in_dim3A_1118, %broadcast_in_dim3A_1119 : vector<256x640xi1>, vector<256x640xf32>
    %slice3A_1121 = vector.extract_strided_slice %select_n3A_1120 {offsets = [0, 0], sizes = [256, 320], strides = [1, 1]} : vector<256x640xf32> to vector<256x320xf32>
    %swap3A_1122 = arith.constant 0 : index
    %swap3A_1123 = arith.constant 6 : index
    %swap3A_1124 = arith.constant 0 : index
    %swap3A_1125 = vector.load %arg4[%swap3A_1122, %swap3A_1123, %swap3A_1124] : memref<256x32x320xf32, #tpu.memory_space<vmem>>, vector<256x1x320xf32>
    %swap3A_1126 = vector.shape_cast %swap3A_1125 : vector<256x1x320xf32> to vector<256x320xf32>
    %swap3A_1127 = vector.shape_cast %slice3A_1121 : vector<256x320xf32> to vector<256x1x320xf32>
    tpu.vector_store %arg4[%swap3A_1122, %swap3A_1123, %swap3A_1124], %swap3A_1127 {strides = array<i32>} : memref<256x32x320xf32, #tpu.memory_space<vmem>>, vector<256x1x320xf32>,
    %slice3A_1128 = vector.extract_strided_slice %select_n3A_1120 {offsets = [0, 320], sizes = [256, 320], strides = [1, 1]} : vector<256x640xf32> to vector<256x320xf32>
    %swap3A_1129 = arith.constant 0 : index
    %swap3A_1130 = arith.constant 7 : index
    %swap3A_1131 = arith.constant 0 : index
    %swap3A_1132 = vector.load %arg4[%swap3A_1129, %swap3A_1130, %swap3A_1131] : memref<256x32x320xf32, #tpu.memory_space<vmem>>, vector<256x1x320xf32>
    %swap3A_1133 = vector.shape_cast %swap3A_1132 : vector<256x1x320xf32> to vector<256x320xf32>
    %swap3A_1134 = vector.shape_cast %slice3A_1128 : vector<256x320xf32> to vector<256x1x320xf32>
    tpu.vector_store %arg4[%swap3A_1129, %swap3A_1130, %swap3A_1131], %swap3A_1134 {strides = array<i32>} : memref<256x32x320xf32, #tpu.memory_space<vmem>>, vector<256x1x320xf32>,
    %get3A_1135 = arith.constant 0 : index
    %get3A_1136 = arith.constant 2560 : index
    %get3A_1137 = vector.load %arg2[%get3A_1135, %get3A_1136] : memref<256x10240xf32, #tpu.memory_space<vmem>>, vector<256x640xf32>
    %dot_general3A_1138 = arith.constant dense<0.000000e+00> : vector<256x640xf32>
    %dot_general3A_1139 = tpu.matmul %get3A_2, %get3A_1137, %dot_general3A_1138 {dimension_numbers = #tpu.dot_dimension_numbers<[1], [0], [0], [1], [0, 0, 1, 1], [], []>, transpose_lhs_hint = false} : vector<256x256xf32>, vector<256x640xf32>, vector<256x640xf32> -> vector<256x640xf32>
    %get3A_1140 = arith.constant 0 : index
    %get3A_1141 = arith.constant 2560 : index
    %get3A_1142 = vector.load %arg3[%get3A_1140, %get3A_1141] : memref<1x10240xf32, #tpu.memory_space<vmem>>, vector<1x640xf32>
    %add3A_1143 = vector.broadcast %get3A_1142 : vector<1x640xf32> to vector<256x640xf32>
    %add3A_1144 = arith.addf %dot_general3A_1139, %add3A_1143 : vector<256x640xf32>
    %add3A_1145 = arith.constant 2560 : i32
    %add3A_1146 = vector.broadcast %add3A_1145 : i32 to vector<256x640xi32>
    %add3A_1147 = arith.addi %add3A_8, %add3A_1146 : vector<256x640xi32>
    %broadcast_in_dim3A_1148 = arith.constant 0 : i32
    %broadcast_in_dim3A_1149 = vector.broadcast %broadcast_in_dim3A_1148 : i32 to vector<256x640xi32>
    %add3A_1150 = arith.constant 42 : i32
    %add3A_1151 = vector.broadcast %add3A_1150 : i32 to vector<256x640xi32>
    %add3A_1152 = arith.addi %add3A_1147, %add3A_1151 : vector<256x640xi32>
    %add3A_1153 = arith.addi %broadcast_in_dim3A_1149, %add3A_1152 : vector<256x640xi32>
    %shift_left3A_1154 = arith.constant 13 : i32
    %shift_left3A_1155 = vector.broadcast %shift_left3A_1154 : i32 to vector<256x640xi32>
    %shift_left3A_1156 = arith.shli %add3A_1152, %shift_left3A_1155 : vector<256x640xi32>
    %shift_right_logical3A_1157 = arith.constant 19 : i32
    %shift_right_logical3A_1158 = vector.broadcast %shift_right_logical3A_1157 : i32 to vector<256x640xi32>
    %shift_right_logical3A_1159 = arith.shrui %add3A_1152, %shift_right_logical3A_1158 : vector<256x640xi32>
    %or3A_1160 = arith.ori %shift_left3A_1156, %shift_right_logical3A_1159 : vector<256x640xi32>
    %xor3A_1161 = arith.xori %or3A_1160, %add3A_1153 : vector<256x640xi32>
    %add3A_1162 = arith.addi %add3A_1153, %xor3A_1161 : vector<256x640xi32>
    %shift_left3A_1163 = arith.constant 15 : i32
    %shift_left3A_1164 = vector.broadcast %shift_left3A_1163 : i32 to vector<256x640xi32>
    %shift_left3A_1165 = arith.shli %xor3A_1161, %shift_left3A_1164 : vector<256x640xi32>
    %shift_right_logical3A_1166 = arith.constant 17 : i32
    %shift_right_logical3A_1167 = vector.broadcast %shift_right_logical3A_1166 : i32 to vector<256x640xi32>
    %shift_right_logical3A_1168 = arith.shrui %xor3A_1161, %shift_right_logical3A_1167 : vector<256x640xi32>
    %or3A_1169 = arith.ori %shift_left3A_1165, %shift_right_logical3A_1168 : vector<256x640xi32>
    %xor3A_1170 = arith.xori %or3A_1169, %add3A_1162 : vector<256x640xi32>
    %add3A_1171 = arith.addi %add3A_1162, %xor3A_1170 : vector<256x640xi32>
    %shift_left3A_1172 = arith.constant 26 : i32
    %shift_left3A_1173 = vector.broadcast %shift_left3A_1172 : i32 to vector<256x640xi32>
    %shift_left3A_1174 = arith.shli %xor3A_1170, %shift_left3A_1173 : vector<256x640xi32>
    %shift_right_logical3A_1175 = arith.constant 6 : i32
    %shift_right_logical3A_1176 = vector.broadcast %shift_right_logical3A_1175 : i32 to vector<256x640xi32>
    %shift_right_logical3A_1177 = arith.shrui %xor3A_1170, %shift_right_logical3A_1176 : vector<256x640xi32>
    %or3A_1178 = arith.ori %shift_left3A_1174, %shift_right_logical3A_1177 : vector<256x640xi32>
    %xor3A_1179 = arith.xori %or3A_1178, %add3A_1171 : vector<256x640xi32>
    %add3A_1180 = arith.addi %add3A_1171, %xor3A_1179 : vector<256x640xi32>
    %shift_left3A_1181 = arith.constant 6 : i32
    %shift_left3A_1182 = vector.broadcast %shift_left3A_1181 : i32 to vector<256x640xi32>
    %shift_left3A_1183 = arith.shli %xor3A_1179, %shift_left3A_1182 : vector<256x640xi32>
    %shift_right_logical3A_1184 = arith.constant 26 : i32
    %shift_right_logical3A_1185 = vector.broadcast %shift_right_logical3A_1184 : i32 to vector<256x640xi32>
    %shift_right_logical3A_1186 = arith.shrui %xor3A_1179, %shift_right_logical3A_1185 : vector<256x640xi32>
    %or3A_1187 = arith.ori %shift_left3A_1183, %shift_right_logical3A_1186 : vector<256x640xi32>
    %xor3A_1188 = arith.xori %or3A_1187, %add3A_1180 : vector<256x640xi32>
    %add3A_1189 = arith.constant 42 : i32
    %add3A_1190 = vector.broadcast %add3A_1189 : i32 to vector<256x640xi32>
    %add3A_1191 = arith.addi %add3A_1180, %add3A_1190 : vector<256x640xi32>
    %add3A_1192 = arith.constant 466689009 : i32
    %add3A_1193 = vector.broadcast %add3A_1192 : i32 to vector<256x640xi32>
    %add3A_1194 = arith.addi %xor3A_1188, %add3A_1193 : vector<256x640xi32>
    %add3A_1195 = arith.addi %add3A_1191, %add3A_1194 : vector<256x640xi32>
    %shift_left3A_1196 = arith.constant 17 : i32
    %shift_left3A_1197 = vector.broadcast %shift_left3A_1196 : i32 to vector<256x640xi32>
    %shift_left3A_1198 = arith.shli %add3A_1194, %shift_left3A_1197 : vector<256x640xi32>
    %shift_right_logical3A_1199 = arith.constant 15 : i32
    %shift_right_logical3A_1200 = vector.broadcast %shift_right_logical3A_1199 : i32 to vector<256x640xi32>
    %shift_right_logical3A_1201 = arith.shrui %add3A_1194, %shift_right_logical3A_1200 : vector<256x640xi32>
    %or3A_1202 = arith.ori %shift_left3A_1198, %shift_right_logical3A_1201 : vector<256x640xi32>
    %xor3A_1203 = arith.xori %or3A_1202, %add3A_1195 : vector<256x640xi32>
    %add3A_1204 = arith.addi %add3A_1195, %xor3A_1203 : vector<256x640xi32>
    %shift_left3A_1205 = arith.constant 29 : i32
    %shift_left3A_1206 = vector.broadcast %shift_left3A_1205 : i32 to vector<256x640xi32>
    %shift_left3A_1207 = arith.shli %xor3A_1203, %shift_left3A_1206 : vector<256x640xi32>
    %shift_right_logical3A_1208 = arith.constant 3 : i32
    %shift_right_logical3A_1209 = vector.broadcast %shift_right_logical3A_1208 : i32 to vector<256x640xi32>
    %shift_right_logical3A_1210 = arith.shrui %xor3A_1203, %shift_right_logical3A_1209 : vector<256x640xi32>
    %or3A_1211 = arith.ori %shift_left3A_1207, %shift_right_logical3A_1210 : vector<256x640xi32>
    %xor3A_1212 = arith.xori %or3A_1211, %add3A_1204 : vector<256x640xi32>
    %add3A_1213 = arith.addi %add3A_1204, %xor3A_1212 : vector<256x640xi32>
    %shift_left3A_1214 = arith.constant 16 : i32
    %shift_left3A_1215 = vector.broadcast %shift_left3A_1214 : i32 to vector<256x640xi32>
    %shift_left3A_1216 = arith.shli %xor3A_1212, %shift_left3A_1215 : vector<256x640xi32>
    %shift_right_logical3A_1217 = arith.constant 16 : i32
    %shift_right_logical3A_1218 = vector.broadcast %shift_right_logical3A_1217 : i32 to vector<256x640xi32>
    %shift_right_logical3A_1219 = arith.shrui %xor3A_1212, %shift_right_logical3A_1218 : vector<256x640xi32>
    %or3A_1220 = arith.ori %shift_left3A_1216, %shift_right_logical3A_1219 : vector<256x640xi32>
    %xor3A_1221 = arith.xori %or3A_1220, %add3A_1213 : vector<256x640xi32>
    %add3A_1222 = arith.addi %add3A_1213, %xor3A_1221 : vector<256x640xi32>
    %shift_left3A_1223 = arith.constant 24 : i32
    %shift_left3A_1224 = vector.broadcast %shift_left3A_1223 : i32 to vector<256x640xi32>
    %shift_left3A_1225 = arith.shli %xor3A_1221, %shift_left3A_1224 : vector<256x640xi32>
    %shift_right_logical3A_1226 = arith.constant 8 : i32
    %shift_right_logical3A_1227 = vector.broadcast %shift_right_logical3A_1226 : i32 to vector<256x640xi32>
    %shift_right_logical3A_1228 = arith.shrui %xor3A_1221, %shift_right_logical3A_1227 : vector<256x640xi32>
    %or3A_1229 = arith.ori %shift_left3A_1225, %shift_right_logical3A_1228 : vector<256x640xi32>
    %xor3A_1230 = arith.xori %or3A_1229, %add3A_1222 : vector<256x640xi32>
    %add3A_1231 = arith.constant 466689008 : i32
    %add3A_1232 = vector.broadcast %add3A_1231 : i32 to vector<256x640xi32>
    %add3A_1233 = arith.addi %add3A_1222, %add3A_1232 : vector<256x640xi32>
    %add3A_1234 = arith.constant 2 : i32
    %add3A_1235 = vector.broadcast %add3A_1234 : i32 to vector<256x640xi32>
    %add3A_1236 = arith.addi %xor3A_1230, %add3A_1235 : vector<256x640xi32>
    %add3A_1237 = arith.addi %add3A_1233, %add3A_1236 : vector<256x640xi32>
    %shift_left3A_1238 = arith.constant 13 : i32
    %shift_left3A_1239 = vector.broadcast %shift_left3A_1238 : i32 to vector<256x640xi32>
    %shift_left3A_1240 = arith.shli %add3A_1236, %shift_left3A_1239 : vector<256x640xi32>
    %shift_right_logical3A_1241 = arith.constant 19 : i32
    %shift_right_logical3A_1242 = vector.broadcast %shift_right_logical3A_1241 : i32 to vector<256x640xi32>
    %shift_right_logical3A_1243 = arith.shrui %add3A_1236, %shift_right_logical3A_1242 : vector<256x640xi32>
    %or3A_1244 = arith.ori %shift_left3A_1240, %shift_right_logical3A_1243 : vector<256x640xi32>
    %xor3A_1245 = arith.xori %or3A_1244, %add3A_1237 : vector<256x640xi32>
    %add3A_1246 = arith.addi %add3A_1237, %xor3A_1245 : vector<256x640xi32>
    %shift_left3A_1247 = arith.constant 15 : i32
    %shift_left3A_1248 = vector.broadcast %shift_left3A_1247 : i32 to vector<256x640xi32>
    %shift_left3A_1249 = arith.shli %xor3A_1245, %shift_left3A_1248 : vector<256x640xi32>
    %shift_right_logical3A_1250 = arith.constant 17 : i32
    %shift_right_logical3A_1251 = vector.broadcast %shift_right_logical3A_1250 : i32 to vector<256x640xi32>
    %shift_right_logical3A_1252 = arith.shrui %xor3A_1245, %shift_right_logical3A_1251 : vector<256x640xi32>
    %or3A_1253 = arith.ori %shift_left3A_1249, %shift_right_logical3A_1252 : vector<256x640xi32>
    %xor3A_1254 = arith.xori %or3A_1253, %add3A_1246 : vector<256x640xi32>
    %add3A_1255 = arith.addi %add3A_1246, %xor3A_1254 : vector<256x640xi32>
    %shift_left3A_1256 = arith.constant 26 : i32
    %shift_left3A_1257 = vector.broadcast %shift_left3A_1256 : i32 to vector<256x640xi32>
    %shift_left3A_1258 = arith.shli %xor3A_1254, %shift_left3A_1257 : vector<256x640xi32>
    %shift_right_logical3A_1259 = arith.constant 6 : i32
    %shift_right_logical3A_1260 = vector.broadcast %shift_right_logical3A_1259 : i32 to vector<256x640xi32>
    %shift_right_logical3A_1261 = arith.shrui %xor3A_1254, %shift_right_logical3A_1260 : vector<256x640xi32>
    %or3A_1262 = arith.ori %shift_left3A_1258, %shift_right_logical3A_1261 : vector<256x640xi32>
    %xor3A_1263 = arith.xori %or3A_1262, %add3A_1255 : vector<256x640xi32>
    %add3A_1264 = arith.addi %add3A_1255, %xor3A_1263 : vector<256x640xi32>
    %shift_left3A_1265 = arith.constant 6 : i32
    %shift_left3A_1266 = vector.broadcast %shift_left3A_1265 : i32 to vector<256x640xi32>
    %shift_left3A_1267 = arith.shli %xor3A_1263, %shift_left3A_1266 : vector<256x640xi32>
    %shift_right_logical3A_1268 = arith.constant 26 : i32
    %shift_right_logical3A_1269 = vector.broadcast %shift_right_logical3A_1268 : i32 to vector<256x640xi32>
    %shift_right_logical3A_1270 = arith.shrui %xor3A_1263, %shift_right_logical3A_1269 : vector<256x640xi32>
    %or3A_1271 = arith.ori %shift_left3A_1267, %shift_right_logical3A_1270 : vector<256x640xi32>
    %xor3A_1272 = arith.xori %or3A_1271, %add3A_1264 : vector<256x640xi32>
    %add3A_1273 = arith.constant 45 : i32
    %add3A_1274 = vector.broadcast %add3A_1273 : i32 to vector<256x640xi32>
    %add3A_1275 = arith.addi %xor3A_1272, %add3A_1274 : vector<256x640xi32>
    %add3A_1276 = arith.addi %add3A_1264, %add3A_1275 : vector<256x640xi32>
    %shift_left3A_1277 = arith.constant 17 : i32
    %shift_left3A_1278 = vector.broadcast %shift_left3A_1277 : i32 to vector<256x640xi32>
    %shift_left3A_1279 = arith.shli %add3A_1275, %shift_left3A_1278 : vector<256x640xi32>
    %shift_right_logical3A_1280 = arith.constant 15 : i32
    %shift_right_logical3A_1281 = vector.broadcast %shift_right_logical3A_1280 : i32 to vector<256x640xi32>
    %shift_right_logical3A_1282 = arith.shrui %add3A_1275, %shift_right_logical3A_1281 : vector<256x640xi32>
    %or3A_1283 = arith.ori %shift_left3A_1279, %shift_right_logical3A_1282 : vector<256x640xi32>
    %xor3A_1284 = arith.xori %or3A_1283, %add3A_1276 : vector<256x640xi32>
    %add3A_1285 = arith.addi %add3A_1276, %xor3A_1284 : vector<256x640xi32>
    %shift_left3A_1286 = arith.constant 29 : i32
    %shift_left3A_1287 = vector.broadcast %shift_left3A_1286 : i32 to vector<256x640xi32>
    %shift_left3A_1288 = arith.shli %xor3A_1284, %shift_left3A_1287 : vector<256x640xi32>
    %shift_right_logical3A_1289 = arith.constant 3 : i32
    %shift_right_logical3A_1290 = vector.broadcast %shift_right_logical3A_1289 : i32 to vector<256x640xi32>
    %shift_right_logical3A_1291 = arith.shrui %xor3A_1284, %shift_right_logical3A_1290 : vector<256x640xi32>
    %or3A_1292 = arith.ori %shift_left3A_1288, %shift_right_logical3A_1291 : vector<256x640xi32>
    %xor3A_1293 = arith.xori %or3A_1292, %add3A_1285 : vector<256x640xi32>
    %add3A_1294 = arith.addi %add3A_1285, %xor3A_1293 : vector<256x640xi32>
    %shift_left3A_1295 = arith.constant 16 : i32
    %shift_left3A_1296 = vector.broadcast %shift_left3A_1295 : i32 to vector<256x640xi32>
    %shift_left3A_1297 = arith.shli %xor3A_1293, %shift_left3A_1296 : vector<256x640xi32>
    %shift_right_logical3A_1298 = arith.constant 16 : i32
    %shift_right_logical3A_1299 = vector.broadcast %shift_right_logical3A_1298 : i32 to vector<256x640xi32>
    %shift_right_logical3A_1300 = arith.shrui %xor3A_1293, %shift_right_logical3A_1299 : vector<256x640xi32>
    %or3A_1301 = arith.ori %shift_left3A_1297, %shift_right_logical3A_1300 : vector<256x640xi32>
    %xor3A_1302 = arith.xori %or3A_1301, %add3A_1294 : vector<256x640xi32>
    %add3A_1303 = arith.addi %add3A_1294, %xor3A_1302 : vector<256x640xi32>
    %shift_left3A_1304 = arith.constant 24 : i32
    %shift_left3A_1305 = vector.broadcast %shift_left3A_1304 : i32 to vector<256x640xi32>
    %shift_left3A_1306 = arith.shli %xor3A_1302, %shift_left3A_1305 : vector<256x640xi32>
    %shift_right_logical3A_1307 = arith.constant 8 : i32
    %shift_right_logical3A_1308 = vector.broadcast %shift_right_logical3A_1307 : i32 to vector<256x640xi32>
    %shift_right_logical3A_1309 = arith.shrui %xor3A_1302, %shift_right_logical3A_1308 : vector<256x640xi32>
    %or3A_1310 = arith.ori %shift_left3A_1306, %shift_right_logical3A_1309 : vector<256x640xi32>
    %xor3A_1311 = arith.xori %or3A_1310, %add3A_1303 : vector<256x640xi32>
    %add3A_1312 = arith.constant 42 : i32
    %add3A_1313 = vector.broadcast %add3A_1312 : i32 to vector<256x640xi32>
    %add3A_1314 = arith.addi %add3A_1303, %add3A_1313 : vector<256x640xi32>
    %add3A_1315 = arith.constant 466689012 : i32
    %add3A_1316 = vector.broadcast %add3A_1315 : i32 to vector<256x640xi32>
    %add3A_1317 = arith.addi %xor3A_1311, %add3A_1316 : vector<256x640xi32>
    %add3A_1318 = arith.addi %add3A_1314, %add3A_1317 : vector<256x640xi32>
    %shift_left3A_1319 = arith.constant 13 : i32
    %shift_left3A_1320 = vector.broadcast %shift_left3A_1319 : i32 to vector<256x640xi32>
    %shift_left3A_1321 = arith.shli %add3A_1317, %shift_left3A_1320 : vector<256x640xi32>
    %shift_right_logical3A_1322 = arith.constant 19 : i32
    %shift_right_logical3A_1323 = vector.broadcast %shift_right_logical3A_1322 : i32 to vector<256x640xi32>
    %shift_right_logical3A_1324 = arith.shrui %add3A_1317, %shift_right_logical3A_1323 : vector<256x640xi32>
    %or3A_1325 = arith.ori %shift_left3A_1321, %shift_right_logical3A_1324 : vector<256x640xi32>
    %xor3A_1326 = arith.xori %or3A_1325, %add3A_1318 : vector<256x640xi32>
    %add3A_1327 = arith.addi %add3A_1318, %xor3A_1326 : vector<256x640xi32>
    %shift_left3A_1328 = arith.constant 15 : i32
    %shift_left3A_1329 = vector.broadcast %shift_left3A_1328 : i32 to vector<256x640xi32>
    %shift_left3A_1330 = arith.shli %xor3A_1326, %shift_left3A_1329 : vector<256x640xi32>
    %shift_right_logical3A_1331 = arith.constant 17 : i32
    %shift_right_logical3A_1332 = vector.broadcast %shift_right_logical3A_1331 : i32 to vector<256x640xi32>
    %shift_right_logical3A_1333 = arith.shrui %xor3A_1326, %shift_right_logical3A_1332 : vector<256x640xi32>
    %or3A_1334 = arith.ori %shift_left3A_1330, %shift_right_logical3A_1333 : vector<256x640xi32>
    %xor3A_1335 = arith.xori %or3A_1334, %add3A_1327 : vector<256x640xi32>
    %add3A_1336 = arith.addi %add3A_1327, %xor3A_1335 : vector<256x640xi32>
    %shift_left3A_1337 = arith.constant 26 : i32
    %shift_left3A_1338 = vector.broadcast %shift_left3A_1337 : i32 to vector<256x640xi32>
    %shift_left3A_1339 = arith.shli %xor3A_1335, %shift_left3A_1338 : vector<256x640xi32>
    %shift_right_logical3A_1340 = arith.constant 6 : i32
    %shift_right_logical3A_1341 = vector.broadcast %shift_right_logical3A_1340 : i32 to vector<256x640xi32>
    %shift_right_logical3A_1342 = arith.shrui %xor3A_1335, %shift_right_logical3A_1341 : vector<256x640xi32>
    %or3A_1343 = arith.ori %shift_left3A_1339, %shift_right_logical3A_1342 : vector<256x640xi32>
    %xor3A_1344 = arith.xori %or3A_1343, %add3A_1336 : vector<256x640xi32>
    %add3A_1345 = arith.addi %add3A_1336, %xor3A_1344 : vector<256x640xi32>
    %shift_left3A_1346 = arith.constant 6 : i32
    %shift_left3A_1347 = vector.broadcast %shift_left3A_1346 : i32 to vector<256x640xi32>
    %shift_left3A_1348 = arith.shli %xor3A_1344, %shift_left3A_1347 : vector<256x640xi32>
    %shift_right_logical3A_1349 = arith.constant 26 : i32
    %shift_right_logical3A_1350 = vector.broadcast %shift_right_logical3A_1349 : i32 to vector<256x640xi32>
    %shift_right_logical3A_1351 = arith.shrui %xor3A_1344, %shift_right_logical3A_1350 : vector<256x640xi32>
    %or3A_1352 = arith.ori %shift_left3A_1348, %shift_right_logical3A_1351 : vector<256x640xi32>
    %xor3A_1353 = arith.xori %or3A_1352, %add3A_1345 : vector<256x640xi32>
    %add3A_1354 = arith.constant 466689008 : i32
    %add3A_1355 = vector.broadcast %add3A_1354 : i32 to vector<256x640xi32>
    %add3A_1356 = arith.addi %add3A_1345, %add3A_1355 : vector<256x640xi32>
    %add3A_1357 = arith.constant 5 : i32
    %add3A_1358 = vector.broadcast %add3A_1357 : i32 to vector<256x640xi32>
    %add3A_1359 = arith.addi %xor3A_1353, %add3A_1358 : vector<256x640xi32>
    %xor3A_1360 = arith.xori %add3A_1356, %add3A_1359 : vector<256x640xi32>
    %shift_right_logical3A_1361 = arith.constant 9 : i32
    %shift_right_logical3A_1362 = vector.broadcast %shift_right_logical3A_1361 : i32 to vector<256x640xi32>
    %shift_right_logical3A_1363 = arith.shrui %xor3A_1360, %shift_right_logical3A_1362 : vector<256x640xi32>
    %or3A_1364 = arith.constant 1065353216 : i32
    %or3A_1365 = vector.broadcast %or3A_1364 : i32 to vector<256x640xi32>
    %or3A_1366 = arith.ori %shift_right_logical3A_1363, %or3A_1365 : vector<256x640xi32>
    %bitcast_convert_type3A_1367 = tpu.bitcast %or3A_1366 : vector<256x640xi32> -> vector<256x640xf32>
    %sub3A_1368 = arith.constant 1.000000e+00 : f32
    %sub3A_1369 = vector.broadcast %sub3A_1368 : f32 to vector<256x640xf32>
    %sub3A_1370 = arith.subf %bitcast_convert_type3A_1367, %sub3A_1369 : vector<256x640xf32>
    %add3A_1371 = arith.constant 1.17549435E-38 : f32
    %add3A_1372 = vector.broadcast %add3A_1371 : f32 to vector<256x640xf32>
    %add3A_1373 = arith.addf %sub3A_1370, %add3A_1372 : vector<256x640xf32>
    %log3A_1374 = math.log %add3A_1373 : vector<256x640xf32>
    %neg3A_1375 = arith.constant 0.000000e+00 : f32
    %neg3A_1376 = vector.broadcast %neg3A_1375 : f32 to vector<256x640xf32>
    %neg3A_1377 = arith.subf %neg3A_1376, %log3A_1374 : vector<256x640xf32>
    %log3A_1378 = math.log %neg3A_1377 : vector<256x640xf32>
    %neg3A_1379 = arith.constant 0.000000e+00 : f32
    %neg3A_1380 = vector.broadcast %neg3A_1379 : f32 to vector<256x640xf32>
    %neg3A_1381 = arith.subf %neg3A_1380, %log3A_1378 : vector<256x640xf32>
    %add3A_1382 = arith.addf %add3A_1144, %neg3A_1381 : vector<256x640xf32>
    %jit3A_1383 = arith.constant 0xFF800000 : f32
    %broadcast_in_dim3A_1384 = vector.broadcast %jit3A_1383 : f32 to vector<256x640xf32>
    %select_n3A_1385 = arith.select %lt3A_10, %add3A_1382, %broadcast_in_dim3A_1384 : vector<256x640xi1>, vector<256x640xf32>
    %reduce_max3A_1386 = arith.constant dense<0xFF800000> : vector<256xf32>
    %reduce_max3A_1387 = vector.multi_reduction <maximumf>, %select_n3A_1385, %reduce_max3A_1386 [1] : vector<256x640xf32> to vector<256xf32>
    %jit3A_1388 = arith.constant 0xFF800000 : f32
    %broadcast_in_dim3A_1389 = vector.broadcast %jit3A_1388 : f32 to vector<256x640xf32>
    %select_n3A_1390 = arith.select %lt3A_10, %broadcast_in_dim3A_1389, %add3A_1382 : vector<256x640xi1>, vector<256x640xf32>
    %reduce_max3A_1391 = arith.constant dense<0xFF800000> : vector<256xf32>
    %reduce_max3A_1392 = vector.multi_reduction <maximumf>, %select_n3A_1390, %reduce_max3A_1391 [1] : vector<256x640xf32> to vector<256xf32>
    %broadcast_in_dim3A_1393 = vector.shape_cast %reduce_max3A_1387 : vector<256xf32> to vector<256x1xf32>
    %broadcast_in_dim3A_1394 = vector.shape_cast %reduce_max3A_1392 : vector<256xf32> to vector<256x1xf32>
    %broadcast_in_dim3A_1395 = vector.shape_cast %broadcast_in_dim3A_1393 : vector<256x1xf32> to vector<256x1xf32>
    %broadcast_in_dim3A_1396 = vector.broadcast %broadcast_in_dim3A_1395 : vector<256x1xf32> to vector<256x640xf32>
    %broadcast_in_dim3A_1397 = vector.shape_cast %broadcast_in_dim3A_1394 : vector<256x1xf32> to vector<256x1xf32>
    %broadcast_in_dim3A_1398 = vector.broadcast %broadcast_in_dim3A_1397 : vector<256x1xf32> to vector<256x640xf32>
    %select_n3A_1399 = arith.select %lt3A_10, %broadcast_in_dim3A_1396, %broadcast_in_dim3A_1398 : vector<256x640xi1>, vector<256x640xf32>
    %eq3A_1400 = arith.cmpf oeq, %add3A_1382, %select_n3A_1399 : vector<256x640xf32>
    %jit3A_1401 = arith.constant 1.000000e+00 : f32
    %jit3A_1402 = arith.constant 0.000000e+00 : f32
    %broadcast_in_dim3A_1403 = vector.broadcast %jit3A_1401 : f32 to vector<256x640xf32>
    %broadcast_in_dim3A_1404 = vector.broadcast %jit3A_1402 : f32 to vector<256x640xf32>
    %select_n3A_1405 = arith.select %eq3A_1400, %broadcast_in_dim3A_1403, %broadcast_in_dim3A_1404 : vector<256x640xi1>, vector<256x640xf32>
    %slice3A_1406 = vector.extract_strided_slice %select_n3A_1405 {offsets = [0, 0], sizes = [256, 320], strides = [1, 1]} : vector<256x640xf32> to vector<256x320xf32>
    %swap3A_1407 = arith.constant 0 : index
    %swap3A_1408 = arith.constant 8 : index
    %swap3A_1409 = arith.constant 0 : index
    %swap3A_1410 = vector.load %arg4[%swap3A_1407, %swap3A_1408, %swap3A_1409] : memref<256x32x320xf32, #tpu.memory_space<vmem>>, vector<256x1x320xf32>
    %swap3A_1411 = vector.shape_cast %swap3A_1410 : vector<256x1x320xf32> to vector<256x320xf32>
    %swap3A_1412 = vector.shape_cast %slice3A_1406 : vector<256x320xf32> to vector<256x1x320xf32>
    tpu.vector_store %arg4[%swap3A_1407, %swap3A_1408, %swap3A_1409], %swap3A_1412 {strides = array<i32>} : memref<256x32x320xf32, #tpu.memory_space<vmem>>, vector<256x1x320xf32>,
    %slice3A_1413 = vector.extract_strided_slice %select_n3A_1405 {offsets = [0, 320], sizes = [256, 320], strides = [1, 1]} : vector<256x640xf32> to vector<256x320xf32>
    %swap3A_1414 = arith.constant 0 : index
    %swap3A_1415 = arith.constant 9 : index
    %swap3A_1416 = arith.constant 0 : index
    %swap3A_1417 = vector.load %arg4[%swap3A_1414, %swap3A_1415, %swap3A_1416] : memref<256x32x320xf32, #tpu.memory_space<vmem>>, vector<256x1x320xf32>
    %swap3A_1418 = vector.shape_cast %swap3A_1417 : vector<256x1x320xf32> to vector<256x320xf32>
    %swap3A_1419 = vector.shape_cast %slice3A_1413 : vector<256x320xf32> to vector<256x1x320xf32>
    tpu.vector_store %arg4[%swap3A_1414, %swap3A_1415, %swap3A_1416], %swap3A_1419 {strides = array<i32>} : memref<256x32x320xf32, #tpu.memory_space<vmem>>, vector<256x1x320xf32>,
    %get3A_1420 = arith.constant 0 : index
    %get3A_1421 = arith.constant 3200 : index
    %get3A_1422 = vector.load %arg2[%get3A_1420, %get3A_1421] : memref<256x10240xf32, #tpu.memory_space<vmem>>, vector<256x640xf32>
    %dot_general3A_1423 = arith.constant dense<0.000000e+00> : vector<256x640xf32>
    %dot_general3A_1424 = tpu.matmul %get3A_2, %get3A_1422, %dot_general3A_1423 {dimension_numbers = #tpu.dot_dimension_numbers<[1], [0], [0], [1], [0, 0, 1, 1], [], []>, transpose_lhs_hint = false} : vector<256x256xf32>, vector<256x640xf32>, vector<256x640xf32> -> vector<256x640xf32>
    %get3A_1425 = arith.constant 0 : index
    %get3A_1426 = arith.constant 3200 : index
    %get3A_1427 = vector.load %arg3[%get3A_1425, %get3A_1426] : memref<1x10240xf32, #tpu.memory_space<vmem>>, vector<1x640xf32>
    %add3A_1428 = vector.broadcast %get3A_1427 : vector<1x640xf32> to vector<256x640xf32>
    %add3A_1429 = arith.addf %dot_general3A_1424, %add3A_1428 : vector<256x640xf32>
    %add3A_1430 = arith.constant 3200 : i32
    %add3A_1431 = vector.broadcast %add3A_1430 : i32 to vector<256x640xi32>
    %add3A_1432 = arith.addi %add3A_8, %add3A_1431 : vector<256x640xi32>
    %broadcast_in_dim3A_1433 = arith.constant 0 : i32
    %broadcast_in_dim3A_1434 = vector.broadcast %broadcast_in_dim3A_1433 : i32 to vector<256x640xi32>
    %add3A_1435 = arith.constant 42 : i32
    %add3A_1436 = vector.broadcast %add3A_1435 : i32 to vector<256x640xi32>
    %add3A_1437 = arith.addi %add3A_1432, %add3A_1436 : vector<256x640xi32>
    %add3A_1438 = arith.addi %broadcast_in_dim3A_1434, %add3A_1437 : vector<256x640xi32>
    %shift_left3A_1439 = arith.constant 13 : i32
    %shift_left3A_1440 = vector.broadcast %shift_left3A_1439 : i32 to vector<256x640xi32>
    %shift_left3A_1441 = arith.shli %add3A_1437, %shift_left3A_1440 : vector<256x640xi32>
    %shift_right_logical3A_1442 = arith.constant 19 : i32
    %shift_right_logical3A_1443 = vector.broadcast %shift_right_logical3A_1442 : i32 to vector<256x640xi32>
    %shift_right_logical3A_1444 = arith.shrui %add3A_1437, %shift_right_logical3A_1443 : vector<256x640xi32>
    %or3A_1445 = arith.ori %shift_left3A_1441, %shift_right_logical3A_1444 : vector<256x640xi32>
    %xor3A_1446 = arith.xori %or3A_1445, %add3A_1438 : vector<256x640xi32>
    %add3A_1447 = arith.addi %add3A_1438, %xor3A_1446 : vector<256x640xi32>
    %shift_left3A_1448 = arith.constant 15 : i32
    %shift_left3A_1449 = vector.broadcast %shift_left3A_1448 : i32 to vector<256x640xi32>
    %shift_left3A_1450 = arith.shli %xor3A_1446, %shift_left3A_1449 : vector<256x640xi32>
    %shift_right_logical3A_1451 = arith.constant 17 : i32
    %shift_right_logical3A_1452 = vector.broadcast %shift_right_logical3A_1451 : i32 to vector<256x640xi32>
    %shift_right_logical3A_1453 = arith.shrui %xor3A_1446, %shift_right_logical3A_1452 : vector<256x640xi32>
    %or3A_1454 = arith.ori %shift_left3A_1450, %shift_right_logical3A_1453 : vector<256x640xi32>
    %xor3A_1455 = arith.xori %or3A_1454, %add3A_1447 : vector<256x640xi32>
    %add3A_1456 = arith.addi %add3A_1447, %xor3A_1455 : vector<256x640xi32>
    %shift_left3A_1457 = arith.constant 26 : i32
    %shift_left3A_1458 = vector.broadcast %shift_left3A_1457 : i32 to vector<256x640xi32>
    %shift_left3A_1459 = arith.shli %xor3A_1455, %shift_left3A_1458 : vector<256x640xi32>
    %shift_right_logical3A_1460 = arith.constant 6 : i32
    %shift_right_logical3A_1461 = vector.broadcast %shift_right_logical3A_1460 : i32 to vector<256x640xi32>
    %shift_right_logical3A_1462 = arith.shrui %xor3A_1455, %shift_right_logical3A_1461 : vector<256x640xi32>
    %or3A_1463 = arith.ori %shift_left3A_1459, %shift_right_logical3A_1462 : vector<256x640xi32>
    %xor3A_1464 = arith.xori %or3A_1463, %add3A_1456 : vector<256x640xi32>
    %add3A_1465 = arith.addi %add3A_1456, %xor3A_1464 : vector<256x640xi32>
    %shift_left3A_1466 = arith.constant 6 : i32
    %shift_left3A_1467 = vector.broadcast %shift_left3A_1466 : i32 to vector<256x640xi32>
    %shift_left3A_1468 = arith.shli %xor3A_1464, %shift_left3A_1467 : vector<256x640xi32>
    %shift_right_logical3A_1469 = arith.constant 26 : i32
    %shift_right_logical3A_1470 = vector.broadcast %shift_right_logical3A_1469 : i32 to vector<256x640xi32>
    %shift_right_logical3A_1471 = arith.shrui %xor3A_1464, %shift_right_logical3A_1470 : vector<256x640xi32>
    %or3A_1472 = arith.ori %shift_left3A_1468, %shift_right_logical3A_1471 : vector<256x640xi32>
    %xor3A_1473 = arith.xori %or3A_1472, %add3A_1465 : vector<256x640xi32>
    %add3A_1474 = arith.constant 42 : i32
    %add3A_1475 = vector.broadcast %add3A_1474 : i32 to vector<256x640xi32>
    %add3A_1476 = arith.addi %add3A_1465, %add3A_1475 : vector<256x640xi32>
    %add3A_1477 = arith.constant 466689009 : i32
    %add3A_1478 = vector.broadcast %add3A_1477 : i32 to vector<256x640xi32>
    %add3A_1479 = arith.addi %xor3A_1473, %add3A_1478 : vector<256x640xi32>
    %add3A_1480 = arith.addi %add3A_1476, %add3A_1479 : vector<256x640xi32>
    %shift_left3A_1481 = arith.constant 17 : i32
    %shift_left3A_1482 = vector.broadcast %shift_left3A_1481 : i32 to vector<256x640xi32>
    %shift_left3A_1483 = arith.shli %add3A_1479, %shift_left3A_1482 : vector<256x640xi32>
    %shift_right_logical3A_1484 = arith.constant 15 : i32
    %shift_right_logical3A_1485 = vector.broadcast %shift_right_logical3A_1484 : i32 to vector<256x640xi32>
    %shift_right_logical3A_1486 = arith.shrui %add3A_1479, %shift_right_logical3A_1485 : vector<256x640xi32>
    %or3A_1487 = arith.ori %shift_left3A_1483, %shift_right_logical3A_1486 : vector<256x640xi32>
    %xor3A_1488 = arith.xori %or3A_1487, %add3A_1480 : vector<256x640xi32>
    %add3A_1489 = arith.addi %add3A_1480, %xor3A_1488 : vector<256x640xi32>
    %shift_left3A_1490 = arith.constant 29 : i32
    %shift_left3A_1491 = vector.broadcast %shift_left3A_1490 : i32 to vector<256x640xi32>
    %shift_left3A_1492 = arith.shli %xor3A_1488, %shift_left3A_1491 : vector<256x640xi32>
    %shift_right_logical3A_1493 = arith.constant 3 : i32
    %shift_right_logical3A_1494 = vector.broadcast %shift_right_logical3A_1493 : i32 to vector<256x640xi32>
    %shift_right_logical3A_1495 = arith.shrui %xor3A_1488, %shift_right_logical3A_1494 : vector<256x640xi32>
    %or3A_1496 = arith.ori %shift_left3A_1492, %shift_right_logical3A_1495 : vector<256x640xi32>
    %xor3A_1497 = arith.xori %or3A_1496, %add3A_1489 : vector<256x640xi32>
    %add3A_1498 = arith.addi %add3A_1489, %xor3A_1497 : vector<256x640xi32>
    %shift_left3A_1499 = arith.constant 16 : i32
    %shift_left3A_1500 = vector.broadcast %shift_left3A_1499 : i32 to vector<256x640xi32>
    %shift_left3A_1501 = arith.shli %xor3A_1497, %shift_left3A_1500 : vector<256x640xi32>
    %shift_right_logical3A_1502 = arith.constant 16 : i32
    %shift_right_logical3A_1503 = vector.broadcast %shift_right_logical3A_1502 : i32 to vector<256x640xi32>
    %shift_right_logical3A_1504 = arith.shrui %xor3A_1497, %shift_right_logical3A_1503 : vector<256x640xi32>
    %or3A_1505 = arith.ori %shift_left3A_1501, %shift_right_logical3A_1504 : vector<256x640xi32>
    %xor3A_1506 = arith.xori %or3A_1505, %add3A_1498 : vector<256x640xi32>
    %add3A_1507 = arith.addi %add3A_1498, %xor3A_1506 : vector<256x640xi32>
    %shift_left3A_1508 = arith.constant 24 : i32
    %shift_left3A_1509 = vector.broadcast %shift_left3A_1508 : i32 to vector<256x640xi32>
    %shift_left3A_1510 = arith.shli %xor3A_1506, %shift_left3A_1509 : vector<256x640xi32>
    %shift_right_logical3A_1511 = arith.constant 8 : i32
    %shift_right_logical3A_1512 = vector.broadcast %shift_right_logical3A_1511 : i32 to vector<256x640xi32>
    %shift_right_logical3A_1513 = arith.shrui %xor3A_1506, %shift_right_logical3A_1512 : vector<256x640xi32>
    %or3A_1514 = arith.ori %shift_left3A_1510, %shift_right_logical3A_1513 : vector<256x640xi32>
    %xor3A_1515 = arith.xori %or3A_1514, %add3A_1507 : vector<256x640xi32>
    %add3A_1516 = arith.constant 466689008 : i32
    %add3A_1517 = vector.broadcast %add3A_1516 : i32 to vector<256x640xi32>
    %add3A_1518 = arith.addi %add3A_1507, %add3A_1517 : vector<256x640xi32>
    %add3A_1519 = arith.constant 2 : i32
    %add3A_1520 = vector.broadcast %add3A_1519 : i32 to vector<256x640xi32>
    %add3A_1521 = arith.addi %xor3A_1515, %add3A_1520 : vector<256x640xi32>
    %add3A_1522 = arith.addi %add3A_1518, %add3A_1521 : vector<256x640xi32>
    %shift_left3A_1523 = arith.constant 13 : i32
    %shift_left3A_1524 = vector.broadcast %shift_left3A_1523 : i32 to vector<256x640xi32>
    %shift_left3A_1525 = arith.shli %add3A_1521, %shift_left3A_1524 : vector<256x640xi32>
    %shift_right_logical3A_1526 = arith.constant 19 : i32
    %shift_right_logical3A_1527 = vector.broadcast %shift_right_logical3A_1526 : i32 to vector<256x640xi32>
    %shift_right_logical3A_1528 = arith.shrui %add3A_1521, %shift_right_logical3A_1527 : vector<256x640xi32>
    %or3A_1529 = arith.ori %shift_left3A_1525, %shift_right_logical3A_1528 : vector<256x640xi32>
    %xor3A_1530 = arith.xori %or3A_1529, %add3A_1522 : vector<256x640xi32>
    %add3A_1531 = arith.addi %add3A_1522, %xor3A_1530 : vector<256x640xi32>
    %shift_left3A_1532 = arith.constant 15 : i32
    %shift_left3A_1533 = vector.broadcast %shift_left3A_1532 : i32 to vector<256x640xi32>
    %shift_left3A_1534 = arith.shli %xor3A_1530, %shift_left3A_1533 : vector<256x640xi32>
    %shift_right_logical3A_1535 = arith.constant 17 : i32
    %shift_right_logical3A_1536 = vector.broadcast %shift_right_logical3A_1535 : i32 to vector<256x640xi32>
    %shift_right_logical3A_1537 = arith.shrui %xor3A_1530, %shift_right_logical3A_1536 : vector<256x640xi32>
    %or3A_1538 = arith.ori %shift_left3A_1534, %shift_right_logical3A_1537 : vector<256x640xi32>
    %xor3A_1539 = arith.xori %or3A_1538, %add3A_1531 : vector<256x640xi32>
    %add3A_1540 = arith.addi %add3A_1531, %xor3A_1539 : vector<256x640xi32>
    %shift_left3A_1541 = arith.constant 26 : i32
    %shift_left3A_1542 = vector.broadcast %shift_left3A_1541 : i32 to vector<256x640xi32>
    %shift_left3A_1543 = arith.shli %xor3A_1539, %shift_left3A_1542 : vector<256x640xi32>
    %shift_right_logical3A_1544 = arith.constant 6 : i32
    %shift_right_logical3A_1545 = vector.broadcast %shift_right_logical3A_1544 : i32 to vector<256x640xi32>
    %shift_right_logical3A_1546 = arith.shrui %xor3A_1539, %shift_right_logical3A_1545 : vector<256x640xi32>
    %or3A_1547 = arith.ori %shift_left3A_1543, %shift_right_logical3A_1546 : vector<256x640xi32>
    %xor3A_1548 = arith.xori %or3A_1547, %add3A_1540 : vector<256x640xi32>
    %add3A_1549 = arith.addi %add3A_1540, %xor3A_1548 : vector<256x640xi32>
    %shift_left3A_1550 = arith.constant 6 : i32
    %shift_left3A_1551 = vector.broadcast %shift_left3A_1550 : i32 to vector<256x640xi32>
    %shift_left3A_1552 = arith.shli %xor3A_1548, %shift_left3A_1551 : vector<256x640xi32>
    %shift_right_logical3A_1553 = arith.constant 26 : i32
    %shift_right_logical3A_1554 = vector.broadcast %shift_right_logical3A_1553 : i32 to vector<256x640xi32>
    %shift_right_logical3A_1555 = arith.shrui %xor3A_1548, %shift_right_logical3A_1554 : vector<256x640xi32>
    %or3A_1556 = arith.ori %shift_left3A_1552, %shift_right_logical3A_1555 : vector<256x640xi32>
    %xor3A_1557 = arith.xori %or3A_1556, %add3A_1549 : vector<256x640xi32>
    %add3A_1558 = arith.constant 45 : i32
    %add3A_1559 = vector.broadcast %add3A_1558 : i32 to vector<256x640xi32>
    %add3A_1560 = arith.addi %xor3A_1557, %add3A_1559 : vector<256x640xi32>
    %add3A_1561 = arith.addi %add3A_1549, %add3A_1560 : vector<256x640xi32>
    %shift_left3A_1562 = arith.constant 17 : i32
    %shift_left3A_1563 = vector.broadcast %shift_left3A_1562 : i32 to vector<256x640xi32>
    %shift_left3A_1564 = arith.shli %add3A_1560, %shift_left3A_1563 : vector<256x640xi32>
    %shift_right_logical3A_1565 = arith.constant 15 : i32
    %shift_right_logical3A_1566 = vector.broadcast %shift_right_logical3A_1565 : i32 to vector<256x640xi32>
    %shift_right_logical3A_1567 = arith.shrui %add3A_1560, %shift_right_logical3A_1566 : vector<256x640xi32>
    %or3A_1568 = arith.ori %shift_left3A_1564, %shift_right_logical3A_1567 : vector<256x640xi32>
    %xor3A_1569 = arith.xori %or3A_1568, %add3A_1561 : vector<256x640xi32>
    %add3A_1570 = arith.addi %add3A_1561, %xor3A_1569 : vector<256x640xi32>
    %shift_left3A_1571 = arith.constant 29 : i32
    %shift_left3A_1572 = vector.broadcast %shift_left3A_1571 : i32 to vector<256x640xi32>
    %shift_left3A_1573 = arith.shli %xor3A_1569, %shift_left3A_1572 : vector<256x640xi32>
    %shift_right_logical3A_1574 = arith.constant 3 : i32
    %shift_right_logical3A_1575 = vector.broadcast %shift_right_logical3A_1574 : i32 to vector<256x640xi32>
    %shift_right_logical3A_1576 = arith.shrui %xor3A_1569, %shift_right_logical3A_1575 : vector<256x640xi32>
    %or3A_1577 = arith.ori %shift_left3A_1573, %shift_right_logical3A_1576 : vector<256x640xi32>
    %xor3A_1578 = arith.xori %or3A_1577, %add3A_1570 : vector<256x640xi32>
    %add3A_1579 = arith.addi %add3A_1570, %xor3A_1578 : vector<256x640xi32>
    %shift_left3A_1580 = arith.constant 16 : i32
    %shift_left3A_1581 = vector.broadcast %shift_left3A_1580 : i32 to vector<256x640xi32>
    %shift_left3A_1582 = arith.shli %xor3A_1578, %shift_left3A_1581 : vector<256x640xi32>
    %shift_right_logical3A_1583 = arith.constant 16 : i32
    %shift_right_logical3A_1584 = vector.broadcast %shift_right_logical3A_1583 : i32 to vector<256x640xi32>
    %shift_right_logical3A_1585 = arith.shrui %xor3A_1578, %shift_right_logical3A_1584 : vector<256x640xi32>
    %or3A_1586 = arith.ori %shift_left3A_1582, %shift_right_logical3A_1585 : vector<256x640xi32>
    %xor3A_1587 = arith.xori %or3A_1586, %add3A_1579 : vector<256x640xi32>
    %add3A_1588 = arith.addi %add3A_1579, %xor3A_1587 : vector<256x640xi32>
    %shift_left3A_1589 = arith.constant 24 : i32
    %shift_left3A_1590 = vector.broadcast %shift_left3A_1589 : i32 to vector<256x640xi32>
    %shift_left3A_1591 = arith.shli %xor3A_1587, %shift_left3A_1590 : vector<256x640xi32>
    %shift_right_logical3A_1592 = arith.constant 8 : i32
    %shift_right_logical3A_1593 = vector.broadcast %shift_right_logical3A_1592 : i32 to vector<256x640xi32>
    %shift_right_logical3A_1594 = arith.shrui %xor3A_1587, %shift_right_logical3A_1593 : vector<256x640xi32>
    %or3A_1595 = arith.ori %shift_left3A_1591, %shift_right_logical3A_1594 : vector<256x640xi32>
    %xor3A_1596 = arith.xori %or3A_1595, %add3A_1588 : vector<256x640xi32>
    %add3A_1597 = arith.constant 42 : i32
    %add3A_1598 = vector.broadcast %add3A_1597 : i32 to vector<256x640xi32>
    %add3A_1599 = arith.addi %add3A_1588, %add3A_1598 : vector<256x640xi32>
    %add3A_1600 = arith.constant 466689012 : i32
    %add3A_1601 = vector.broadcast %add3A_1600 : i32 to vector<256x640xi32>
    %add3A_1602 = arith.addi %xor3A_1596, %add3A_1601 : vector<256x640xi32>
    %add3A_1603 = arith.addi %add3A_1599, %add3A_1602 : vector<256x640xi32>
    %shift_left3A_1604 = arith.constant 13 : i32
    %shift_left3A_1605 = vector.broadcast %shift_left3A_1604 : i32 to vector<256x640xi32>
    %shift_left3A_1606 = arith.shli %add3A_1602, %shift_left3A_1605 : vector<256x640xi32>
    %shift_right_logical3A_1607 = arith.constant 19 : i32
    %shift_right_logical3A_1608 = vector.broadcast %shift_right_logical3A_1607 : i32 to vector<256x640xi32>
    %shift_right_logical3A_1609 = arith.shrui %add3A_1602, %shift_right_logical3A_1608 : vector<256x640xi32>
    %or3A_1610 = arith.ori %shift_left3A_1606, %shift_right_logical3A_1609 : vector<256x640xi32>
    %xor3A_1611 = arith.xori %or3A_1610, %add3A_1603 : vector<256x640xi32>
    %add3A_1612 = arith.addi %add3A_1603, %xor3A_1611 : vector<256x640xi32>
    %shift_left3A_1613 = arith.constant 15 : i32
    %shift_left3A_1614 = vector.broadcast %shift_left3A_1613 : i32 to vector<256x640xi32>
    %shift_left3A_1615 = arith.shli %xor3A_1611, %shift_left3A_1614 : vector<256x640xi32>
    %shift_right_logical3A_1616 = arith.constant 17 : i32
    %shift_right_logical3A_1617 = vector.broadcast %shift_right_logical3A_1616 : i32 to vector<256x640xi32>
    %shift_right_logical3A_1618 = arith.shrui %xor3A_1611, %shift_right_logical3A_1617 : vector<256x640xi32>
    %or3A_1619 = arith.ori %shift_left3A_1615, %shift_right_logical3A_1618 : vector<256x640xi32>
    %xor3A_1620 = arith.xori %or3A_1619, %add3A_1612 : vector<256x640xi32>
    %add3A_1621 = arith.addi %add3A_1612, %xor3A_1620 : vector<256x640xi32>
    %shift_left3A_1622 = arith.constant 26 : i32
    %shift_left3A_1623 = vector.broadcast %shift_left3A_1622 : i32 to vector<256x640xi32>
    %shift_left3A_1624 = arith.shli %xor3A_1620, %shift_left3A_1623 : vector<256x640xi32>
    %shift_right_logical3A_1625 = arith.constant 6 : i32
    %shift_right_logical3A_1626 = vector.broadcast %shift_right_logical3A_1625 : i32 to vector<256x640xi32>
    %shift_right_logical3A_1627 = arith.shrui %xor3A_1620, %shift_right_logical3A_1626 : vector<256x640xi32>
    %or3A_1628 = arith.ori %shift_left3A_1624, %shift_right_logical3A_1627 : vector<256x640xi32>
    %xor3A_1629 = arith.xori %or3A_1628, %add3A_1621 : vector<256x640xi32>
    %add3A_1630 = arith.addi %add3A_1621, %xor3A_1629 : vector<256x640xi32>
    %shift_left3A_1631 = arith.constant 6 : i32
    %shift_left3A_1632 = vector.broadcast %shift_left3A_1631 : i32 to vector<256x640xi32>
    %shift_left3A_1633 = arith.shli %xor3A_1629, %shift_left3A_1632 : vector<256x640xi32>
    %shift_right_logical3A_1634 = arith.constant 26 : i32
    %shift_right_logical3A_1635 = vector.broadcast %shift_right_logical3A_1634 : i32 to vector<256x640xi32>
    %shift_right_logical3A_1636 = arith.shrui %xor3A_1629, %shift_right_logical3A_1635 : vector<256x640xi32>
    %or3A_1637 = arith.ori %shift_left3A_1633, %shift_right_logical3A_1636 : vector<256x640xi32>
    %xor3A_1638 = arith.xori %or3A_1637, %add3A_1630 : vector<256x640xi32>
    %add3A_1639 = arith.constant 466689008 : i32
    %add3A_1640 = vector.broadcast %add3A_1639 : i32 to vector<256x640xi32>
    %add3A_1641 = arith.addi %add3A_1630, %add3A_1640 : vector<256x640xi32>
    %add3A_1642 = arith.constant 5 : i32
    %add3A_1643 = vector.broadcast %add3A_1642 : i32 to vector<256x640xi32>
    %add3A_1644 = arith.addi %xor3A_1638, %add3A_1643 : vector<256x640xi32>
    %xor3A_1645 = arith.xori %add3A_1641, %add3A_1644 : vector<256x640xi32>
    %shift_right_logical3A_1646 = arith.constant 9 : i32
    %shift_right_logical3A_1647 = vector.broadcast %shift_right_logical3A_1646 : i32 to vector<256x640xi32>
    %shift_right_logical3A_1648 = arith.shrui %xor3A_1645, %shift_right_logical3A_1647 : vector<256x640xi32>
    %or3A_1649 = arith.constant 1065353216 : i32
    %or3A_1650 = vector.broadcast %or3A_1649 : i32 to vector<256x640xi32>
    %or3A_1651 = arith.ori %shift_right_logical3A_1648, %or3A_1650 : vector<256x640xi32>
    %bitcast_convert_type3A_1652 = tpu.bitcast %or3A_1651 : vector<256x640xi32> -> vector<256x640xf32>
    %sub3A_1653 = arith.constant 1.000000e+00 : f32
    %sub3A_1654 = vector.broadcast %sub3A_1653 : f32 to vector<256x640xf32>
    %sub3A_1655 = arith.subf %bitcast_convert_type3A_1652, %sub3A_1654 : vector<256x640xf32>
    %add3A_1656 = arith.constant 1.17549435E-38 : f32
    %add3A_1657 = vector.broadcast %add3A_1656 : f32 to vector<256x640xf32>
    %add3A_1658 = arith.addf %sub3A_1655, %add3A_1657 : vector<256x640xf32>
    %log3A_1659 = math.log %add3A_1658 : vector<256x640xf32>
    %neg3A_1660 = arith.constant 0.000000e+00 : f32
    %neg3A_1661 = vector.broadcast %neg3A_1660 : f32 to vector<256x640xf32>
    %neg3A_1662 = arith.subf %neg3A_1661, %log3A_1659 : vector<256x640xf32>
    %log3A_1663 = math.log %neg3A_1662 : vector<256x640xf32>
    %neg3A_1664 = arith.constant 0.000000e+00 : f32
    %neg3A_1665 = vector.broadcast %neg3A_1664 : f32 to vector<256x640xf32>
    %neg3A_1666 = arith.subf %neg3A_1665, %log3A_1663 : vector<256x640xf32>
    %add3A_1667 = arith.addf %add3A_1429, %neg3A_1666 : vector<256x640xf32>
    %jit3A_1668 = arith.constant 0xFF800000 : f32
    %broadcast_in_dim3A_1669 = vector.broadcast %jit3A_1668 : f32 to vector<256x640xf32>
    %select_n3A_1670 = arith.select %lt3A_10, %add3A_1667, %broadcast_in_dim3A_1669 : vector<256x640xi1>, vector<256x640xf32>
    %reduce_max3A_1671 = arith.constant dense<0xFF800000> : vector<256xf32>
    %reduce_max3A_1672 = vector.multi_reduction <maximumf>, %select_n3A_1670, %reduce_max3A_1671 [1] : vector<256x640xf32> to vector<256xf32>
    %jit3A_1673 = arith.constant 0xFF800000 : f32
    %broadcast_in_dim3A_1674 = vector.broadcast %jit3A_1673 : f32 to vector<256x640xf32>
    %select_n3A_1675 = arith.select %lt3A_10, %broadcast_in_dim3A_1674, %add3A_1667 : vector<256x640xi1>, vector<256x640xf32>
    %reduce_max3A_1676 = arith.constant dense<0xFF800000> : vector<256xf32>
    %reduce_max3A_1677 = vector.multi_reduction <maximumf>, %select_n3A_1675, %reduce_max3A_1676 [1] : vector<256x640xf32> to vector<256xf32>
    %broadcast_in_dim3A_1678 = vector.shape_cast %reduce_max3A_1672 : vector<256xf32> to vector<256x1xf32>
    %broadcast_in_dim3A_1679 = vector.shape_cast %reduce_max3A_1677 : vector<256xf32> to vector<256x1xf32>
    %broadcast_in_dim3A_1680 = vector.shape_cast %broadcast_in_dim3A_1678 : vector<256x1xf32> to vector<256x1xf32>
    %broadcast_in_dim3A_1681 = vector.broadcast %broadcast_in_dim3A_1680 : vector<256x1xf32> to vector<256x640xf32>
    %broadcast_in_dim3A_1682 = vector.shape_cast %broadcast_in_dim3A_1679 : vector<256x1xf32> to vector<256x1xf32>
    %broadcast_in_dim3A_1683 = vector.broadcast %broadcast_in_dim3A_1682 : vector<256x1xf32> to vector<256x640xf32>
    %select_n3A_1684 = arith.select %lt3A_10, %broadcast_in_dim3A_1681, %broadcast_in_dim3A_1683 : vector<256x640xi1>, vector<256x640xf32>
    %eq3A_1685 = arith.cmpf oeq, %add3A_1667, %select_n3A_1684 : vector<256x640xf32>
    %jit3A_1686 = arith.constant 1.000000e+00 : f32
    %jit3A_1687 = arith.constant 0.000000e+00 : f32
    %broadcast_in_dim3A_1688 = vector.broadcast %jit3A_1686 : f32 to vector<256x640xf32>
    %broadcast_in_dim3A_1689 = vector.broadcast %jit3A_1687 : f32 to vector<256x640xf32>
    %select_n3A_1690 = arith.select %eq3A_1685, %broadcast_in_dim3A_1688, %broadcast_in_dim3A_1689 : vector<256x640xi1>, vector<256x640xf32>
    %slice3A_1691 = vector.extract_strided_slice %select_n3A_1690 {offsets = [0, 0], sizes = [256, 320], strides = [1, 1]} : vector<256x640xf32> to vector<256x320xf32>
    %swap3A_1692 = arith.constant 0 : index
    %swap3A_1693 = arith.constant 10 : index
    %swap3A_1694 = arith.constant 0 : index
    %swap3A_1695 = vector.load %arg4[%swap3A_1692, %swap3A_1693, %swap3A_1694] : memref<256x32x320xf32, #tpu.memory_space<vmem>>, vector<256x1x320xf32>
    %swap3A_1696 = vector.shape_cast %swap3A_1695 : vector<256x1x320xf32> to vector<256x320xf32>
    %swap3A_1697 = vector.shape_cast %slice3A_1691 : vector<256x320xf32> to vector<256x1x320xf32>
    tpu.vector_store %arg4[%swap3A_1692, %swap3A_1693, %swap3A_1694], %swap3A_1697 {strides = array<i32>} : memref<256x32x320xf32, #tpu.memory_space<vmem>>, vector<256x1x320xf32>,
    %slice3A_1698 = vector.extract_strided_slice %select_n3A_1690 {offsets = [0, 320], sizes = [256, 320], strides = [1, 1]} : vector<256x640xf32> to vector<256x320xf32>
    %swap3A_1699 = arith.constant 0 : index
    %swap3A_1700 = arith.constant 11 : index
    %swap3A_1701 = arith.constant 0 : index
    %swap3A_1702 = vector.load %arg4[%swap3A_1699, %swap3A_1700, %swap3A_1701] : memref<256x32x320xf32, #tpu.memory_space<vmem>>, vector<256x1x320xf32>
    %swap3A_1703 = vector.shape_cast %swap3A_1702 : vector<256x1x320xf32> to vector<256x320xf32>
    %swap3A_1704 = vector.shape_cast %slice3A_1698 : vector<256x320xf32> to vector<256x1x320xf32>
    tpu.vector_store %arg4[%swap3A_1699, %swap3A_1700, %swap3A_1701], %swap3A_1704 {strides = array<i32>} : memref<256x32x320xf32, #tpu.memory_space<vmem>>, vector<256x1x320xf32>,
    %get3A_1705 = arith.constant 0 : index
    %get3A_1706 = arith.constant 3840 : index
    %get3A_1707 = vector.load %arg2[%get3A_1705, %get3A_1706] : memref<256x10240xf32, #tpu.memory_space<vmem>>, vector<256x640xf32>
    %dot_general3A_1708 = arith.constant dense<0.000000e+00> : vector<256x640xf32>
    %dot_general3A_1709 = tpu.matmul %get3A_2, %get3A_1707, %dot_general3A_1708 {dimension_numbers = #tpu.dot_dimension_numbers<[1], [0], [0], [1], [0, 0, 1, 1], [], []>, transpose_lhs_hint = false} : vector<256x256xf32>, vector<256x640xf32>, vector<256x640xf32> -> vector<256x640xf32>
    %get3A_1710 = arith.constant 0 : index
    %get3A_1711 = arith.constant 3840 : index
    %get3A_1712 = vector.load %arg3[%get3A_1710, %get3A_1711] : memref<1x10240xf32, #tpu.memory_space<vmem>>, vector<1x640xf32>
    %add3A_1713 = vector.broadcast %get3A_1712 : vector<1x640xf32> to vector<256x640xf32>
    %add3A_1714 = arith.addf %dot_general3A_1709, %add3A_1713 : vector<256x640xf32>
    %add3A_1715 = arith.constant 3840 : i32
    %add3A_1716 = vector.broadcast %add3A_1715 : i32 to vector<256x640xi32>
    %add3A_1717 = arith.addi %add3A_8, %add3A_1716 : vector<256x640xi32>
    %broadcast_in_dim3A_1718 = arith.constant 0 : i32
    %broadcast_in_dim3A_1719 = vector.broadcast %broadcast_in_dim3A_1718 : i32 to vector<256x640xi32>
    %add3A_1720 = arith.constant 42 : i32
    %add3A_1721 = vector.broadcast %add3A_1720 : i32 to vector<256x640xi32>
    %add3A_1722 = arith.addi %add3A_1717, %add3A_1721 : vector<256x640xi32>
    %add3A_1723 = arith.addi %broadcast_in_dim3A_1719, %add3A_1722 : vector<256x640xi32>
    %shift_left3A_1724 = arith.constant 13 : i32
    %shift_left3A_1725 = vector.broadcast %shift_left3A_1724 : i32 to vector<256x640xi32>
    %shift_left3A_1726 = arith.shli %add3A_1722, %shift_left3A_1725 : vector<256x640xi32>
    %shift_right_logical3A_1727 = arith.constant 19 : i32
    %shift_right_logical3A_1728 = vector.broadcast %shift_right_logical3A_1727 : i32 to vector<256x640xi32>
    %shift_right_logical3A_1729 = arith.shrui %add3A_1722, %shift_right_logical3A_1728 : vector<256x640xi32>
    %or3A_1730 = arith.ori %shift_left3A_1726, %shift_right_logical3A_1729 : vector<256x640xi32>
    %xor3A_1731 = arith.xori %or3A_1730, %add3A_1723 : vector<256x640xi32>
    %add3A_1732 = arith.addi %add3A_1723, %xor3A_1731 : vector<256x640xi32>
    %shift_left3A_1733 = arith.constant 15 : i32
    %shift_left3A_1734 = vector.broadcast %shift_left3A_1733 : i32 to vector<256x640xi32>
    %shift_left3A_1735 = arith.shli %xor3A_1731, %shift_left3A_1734 : vector<256x640xi32>
    %shift_right_logical3A_1736 = arith.constant 17 : i32
    %shift_right_logical3A_1737 = vector.broadcast %shift_right_logical3A_1736 : i32 to vector<256x640xi32>
    %shift_right_logical3A_1738 = arith.shrui %xor3A_1731, %shift_right_logical3A_1737 : vector<256x640xi32>
    %or3A_1739 = arith.ori %shift_left3A_1735, %shift_right_logical3A_1738 : vector<256x640xi32>
    %xor3A_1740 = arith.xori %or3A_1739, %add3A_1732 : vector<256x640xi32>
    %add3A_1741 = arith.addi %add3A_1732, %xor3A_1740 : vector<256x640xi32>
    %shift_left3A_1742 = arith.constant 26 : i32
    %shift_left3A_1743 = vector.broadcast %shift_left3A_1742 : i32 to vector<256x640xi32>
    %shift_left3A_1744 = arith.shli %xor3A_1740, %shift_left3A_1743 : vector<256x640xi32>
    %shift_right_logical3A_1745 = arith.constant 6 : i32
    %shift_right_logical3A_1746 = vector.broadcast %shift_right_logical3A_1745 : i32 to vector<256x640xi32>
    %shift_right_logical3A_1747 = arith.shrui %xor3A_1740, %shift_right_logical3A_1746 : vector<256x640xi32>
    %or3A_1748 = arith.ori %shift_left3A_1744, %shift_right_logical3A_1747 : vector<256x640xi32>
    %xor3A_1749 = arith.xori %or3A_1748, %add3A_1741 : vector<256x640xi32>
    %add3A_1750 = arith.addi %add3A_1741, %xor3A_1749 : vector<256x640xi32>
    %shift_left3A_1751 = arith.constant 6 : i32
    %shift_left3A_1752 = vector.broadcast %shift_left3A_1751 : i32 to vector<256x640xi32>
    %shift_left3A_1753 = arith.shli %xor3A_1749, %shift_left3A_1752 : vector<256x640xi32>
    %shift_right_logical3A_1754 = arith.constant 26 : i32
    %shift_right_logical3A_1755 = vector.broadcast %shift_right_logical3A_1754 : i32 to vector<256x640xi32>
    %shift_right_logical3A_1756 = arith.shrui %xor3A_1749, %shift_right_logical3A_1755 : vector<256x640xi32>
    %or3A_1757 = arith.ori %shift_left3A_1753, %shift_right_logical3A_1756 : vector<256x640xi32>
    %xor3A_1758 = arith.xori %or3A_1757, %add3A_1750 : vector<256x640xi32>
    %add3A_1759 = arith.constant 42 : i32
    %add3A_1760 = vector.broadcast %add3A_1759 : i32 to vector<256x640xi32>
    %add3A_1761 = arith.addi %add3A_1750, %add3A_1760 : vector<256x640xi32>
    %add3A_1762 = arith.constant 466689009 : i32
    %add3A_1763 = vector.broadcast %add3A_1762 : i32 to vector<256x640xi32>
    %add3A_1764 = arith.addi %xor3A_1758, %add3A_1763 : vector<256x640xi32>
    %add3A_1765 = arith.addi %add3A_1761, %add3A_1764 : vector<256x640xi32>
    %shift_left3A_1766 = arith.constant 17 : i32
    %shift_left3A_1767 = vector.broadcast %shift_left3A_1766 : i32 to vector<256x640xi32>
    %shift_left3A_1768 = arith.shli %add3A_1764, %shift_left3A_1767 : vector<256x640xi32>
    %shift_right_logical3A_1769 = arith.constant 15 : i32
    %shift_right_logical3A_1770 = vector.broadcast %shift_right_logical3A_1769 : i32 to vector<256x640xi32>
    %shift_right_logical3A_1771 = arith.shrui %add3A_1764, %shift_right_logical3A_1770 : vector<256x640xi32>
    %or3A_1772 = arith.ori %shift_left3A_1768, %shift_right_logical3A_1771 : vector<256x640xi32>
    %xor3A_1773 = arith.xori %or3A_1772, %add3A_1765 : vector<256x640xi32>
    %add3A_1774 = arith.addi %add3A_1765, %xor3A_1773 : vector<256x640xi32>
    %shift_left3A_1775 = arith.constant 29 : i32
    %shift_left3A_1776 = vector.broadcast %shift_left3A_1775 : i32 to vector<256x640xi32>
    %shift_left3A_1777 = arith.shli %xor3A_1773, %shift_left3A_1776 : vector<256x640xi32>
    %shift_right_logical3A_1778 = arith.constant 3 : i32
    %shift_right_logical3A_1779 = vector.broadcast %shift_right_logical3A_1778 : i32 to vector<256x640xi32>
    %shift_right_logical3A_1780 = arith.shrui %xor3A_1773, %shift_right_logical3A_1779 : vector<256x640xi32>
    %or3A_1781 = arith.ori %shift_left3A_1777, %shift_right_logical3A_1780 : vector<256x640xi32>
    %xor3A_1782 = arith.xori %or3A_1781, %add3A_1774 : vector<256x640xi32>
    %add3A_1783 = arith.addi %add3A_1774, %xor3A_1782 : vector<256x640xi32>
    %shift_left3A_1784 = arith.constant 16 : i32
    %shift_left3A_1785 = vector.broadcast %shift_left3A_1784 : i32 to vector<256x640xi32>
    %shift_left3A_1786 = arith.shli %xor3A_1782, %shift_left3A_1785 : vector<256x640xi32>
    %shift_right_logical3A_1787 = arith.constant 16 : i32
    %shift_right_logical3A_1788 = vector.broadcast %shift_right_logical3A_1787 : i32 to vector<256x640xi32>
    %shift_right_logical3A_1789 = arith.shrui %xor3A_1782, %shift_right_logical3A_1788 : vector<256x640xi32>
    %or3A_1790 = arith.ori %shift_left3A_1786, %shift_right_logical3A_1789 : vector<256x640xi32>
    %xor3A_1791 = arith.xori %or3A_1790, %add3A_1783 : vector<256x640xi32>
    %add3A_1792 = arith.addi %add3A_1783, %xor3A_1791 : vector<256x640xi32>
    %shift_left3A_1793 = arith.constant 24 : i32
    %shift_left3A_1794 = vector.broadcast %shift_left3A_1793 : i32 to vector<256x640xi32>
    %shift_left3A_1795 = arith.shli %xor3A_1791, %shift_left3A_1794 : vector<256x640xi32>
    %shift_right_logical3A_1796 = arith.constant 8 : i32
    %shift_right_logical3A_1797 = vector.broadcast %shift_right_logical3A_1796 : i32 to vector<256x640xi32>
    %shift_right_logical3A_1798 = arith.shrui %xor3A_1791, %shift_right_logical3A_1797 : vector<256x640xi32>
    %or3A_1799 = arith.ori %shift_left3A_1795, %shift_right_logical3A_1798 : vector<256x640xi32>
    %xor3A_1800 = arith.xori %or3A_1799, %add3A_1792 : vector<256x640xi32>
    %add3A_1801 = arith.constant 466689008 : i32
    %add3A_1802 = vector.broadcast %add3A_1801 : i32 to vector<256x640xi32>
    %add3A_1803 = arith.addi %add3A_1792, %add3A_1802 : vector<256x640xi32>
    %add3A_1804 = arith.constant 2 : i32
    %add3A_1805 = vector.broadcast %add3A_1804 : i32 to vector<256x640xi32>
    %add3A_1806 = arith.addi %xor3A_1800, %add3A_1805 : vector<256x640xi32>
    %add3A_1807 = arith.addi %add3A_1803, %add3A_1806 : vector<256x640xi32>
    %shift_left3A_1808 = arith.constant 13 : i32
    %shift_left3A_1809 = vector.broadcast %shift_left3A_1808 : i32 to vector<256x640xi32>
    %shift_left3A_1810 = arith.shli %add3A_1806, %shift_left3A_1809 : vector<256x640xi32>
    %shift_right_logical3A_1811 = arith.constant 19 : i32
    %shift_right_logical3A_1812 = vector.broadcast %shift_right_logical3A_1811 : i32 to vector<256x640xi32>
    %shift_right_logical3A_1813 = arith.shrui %add3A_1806, %shift_right_logical3A_1812 : vector<256x640xi32>
    %or3A_1814 = arith.ori %shift_left3A_1810, %shift_right_logical3A_1813 : vector<256x640xi32>
    %xor3A_1815 = arith.xori %or3A_1814, %add3A_1807 : vector<256x640xi32>
    %add3A_1816 = arith.addi %add3A_1807, %xor3A_1815 : vector<256x640xi32>
    %shift_left3A_1817 = arith.constant 15 : i32
    %shift_left3A_1818 = vector.broadcast %shift_left3A_1817 : i32 to vector<256x640xi32>
    %shift_left3A_1819 = arith.shli %xor3A_1815, %shift_left3A_1818 : vector<256x640xi32>
    %shift_right_logical3A_1820 = arith.constant 17 : i32
    %shift_right_logical3A_1821 = vector.broadcast %shift_right_logical3A_1820 : i32 to vector<256x640xi32>
    %shift_right_logical3A_1822 = arith.shrui %xor3A_1815, %shift_right_logical3A_1821 : vector<256x640xi32>
    %or3A_1823 = arith.ori %shift_left3A_1819, %shift_right_logical3A_1822 : vector<256x640xi32>
    %xor3A_1824 = arith.xori %or3A_1823, %add3A_1816 : vector<256x640xi32>
    %add3A_1825 = arith.addi %add3A_1816, %xor3A_1824 : vector<256x640xi32>
    %shift_left3A_1826 = arith.constant 26 : i32
    %shift_left3A_1827 = vector.broadcast %shift_left3A_1826 : i32 to vector<256x640xi32>
    %shift_left3A_1828 = arith.shli %xor3A_1824, %shift_left3A_1827 : vector<256x640xi32>
    %shift_right_logical3A_1829 = arith.constant 6 : i32
    %shift_right_logical3A_1830 = vector.broadcast %shift_right_logical3A_1829 : i32 to vector<256x640xi32>
    %shift_right_logical3A_1831 = arith.shrui %xor3A_1824, %shift_right_logical3A_1830 : vector<256x640xi32>
    %or3A_1832 = arith.ori %shift_left3A_1828, %shift_right_logical3A_1831 : vector<256x640xi32>
    %xor3A_1833 = arith.xori %or3A_1832, %add3A_1825 : vector<256x640xi32>
    %add3A_1834 = arith.addi %add3A_1825, %xor3A_1833 : vector<256x640xi32>
    %shift_left3A_1835 = arith.constant 6 : i32
    %shift_left3A_1836 = vector.broadcast %shift_left3A_1835 : i32 to vector<256x640xi32>
    %shift_left3A_1837 = arith.shli %xor3A_1833, %shift_left3A_1836 : vector<256x640xi32>
    %shift_right_logical3A_1838 = arith.constant 26 : i32
    %shift_right_logical3A_1839 = vector.broadcast %shift_right_logical3A_1838 : i32 to vector<256x640xi32>
    %shift_right_logical3A_1840 = arith.shrui %xor3A_1833, %shift_right_logical3A_1839 : vector<256x640xi32>
    %or3A_1841 = arith.ori %shift_left3A_1837, %shift_right_logical3A_1840 : vector<256x640xi32>
    %xor3A_1842 = arith.xori %or3A_1841, %add3A_1834 : vector<256x640xi32>
    %add3A_1843 = arith.constant 45 : i32
    %add3A_1844 = vector.broadcast %add3A_1843 : i32 to vector<256x640xi32>
    %add3A_1845 = arith.addi %xor3A_1842, %add3A_1844 : vector<256x640xi32>
    %add3A_1846 = arith.addi %add3A_1834, %add3A_1845 : vector<256x640xi32>
    %shift_left3A_1847 = arith.constant 17 : i32
    %shift_left3A_1848 = vector.broadcast %shift_left3A_1847 : i32 to vector<256x640xi32>
    %shift_left3A_1849 = arith.shli %add3A_1845, %shift_left3A_1848 : vector<256x640xi32>
    %shift_right_logical3A_1850 = arith.constant 15 : i32
    %shift_right_logical3A_1851 = vector.broadcast %shift_right_logical3A_1850 : i32 to vector<256x640xi32>
    %shift_right_logical3A_1852 = arith.shrui %add3A_1845, %shift_right_logical3A_1851 : vector<256x640xi32>
    %or3A_1853 = arith.ori %shift_left3A_1849, %shift_right_logical3A_1852 : vector<256x640xi32>
    %xor3A_1854 = arith.xori %or3A_1853, %add3A_1846 : vector<256x640xi32>
    %add3A_1855 = arith.addi %add3A_1846, %xor3A_1854 : vector<256x640xi32>
    %shift_left3A_1856 = arith.constant 29 : i32
    %shift_left3A_1857 = vector.broadcast %shift_left3A_1856 : i32 to vector<256x640xi32>
    %shift_left3A_1858 = arith.shli %xor3A_1854, %shift_left3A_1857 : vector<256x640xi32>
    %shift_right_logical3A_1859 = arith.constant 3 : i32
    %shift_right_logical3A_1860 = vector.broadcast %shift_right_logical3A_1859 : i32 to vector<256x640xi32>
    %shift_right_logical3A_1861 = arith.shrui %xor3A_1854, %shift_right_logical3A_1860 : vector<256x640xi32>
    %or3A_1862 = arith.ori %shift_left3A_1858, %shift_right_logical3A_1861 : vector<256x640xi32>
    %xor3A_1863 = arith.xori %or3A_1862, %add3A_1855 : vector<256x640xi32>
    %add3A_1864 = arith.addi %add3A_1855, %xor3A_1863 : vector<256x640xi32>
    %shift_left3A_1865 = arith.constant 16 : i32
    %shift_left3A_1866 = vector.broadcast %shift_left3A_1865 : i32 to vector<256x640xi32>
    %shift_left3A_1867 = arith.shli %xor3A_1863, %shift_left3A_1866 : vector<256x640xi32>
    %shift_right_logical3A_1868 = arith.constant 16 : i32
    %shift_right_logical3A_1869 = vector.broadcast %shift_right_logical3A_1868 : i32 to vector<256x640xi32>
    %shift_right_logical3A_1870 = arith.shrui %xor3A_1863, %shift_right_logical3A_1869 : vector<256x640xi32>
    %or3A_1871 = arith.ori %shift_left3A_1867, %shift_right_logical3A_1870 : vector<256x640xi32>
    %xor3A_1872 = arith.xori %or3A_1871, %add3A_1864 : vector<256x640xi32>
    %add3A_1873 = arith.addi %add3A_1864, %xor3A_1872 : vector<256x640xi32>
    %shift_left3A_1874 = arith.constant 24 : i32
    %shift_left3A_1875 = vector.broadcast %shift_left3A_1874 : i32 to vector<256x640xi32>
    %shift_left3A_1876 = arith.shli %xor3A_1872, %shift_left3A_1875 : vector<256x640xi32>
    %shift_right_logical3A_1877 = arith.constant 8 : i32
    %shift_right_logical3A_1878 = vector.broadcast %shift_right_logical3A_1877 : i32 to vector<256x640xi32>
    %shift_right_logical3A_1879 = arith.shrui %xor3A_1872, %shift_right_logical3A_1878 : vector<256x640xi32>
    %or3A_1880 = arith.ori %shift_left3A_1876, %shift_right_logical3A_1879 : vector<256x640xi32>
    %xor3A_1881 = arith.xori %or3A_1880, %add3A_1873 : vector<256x640xi32>
    %add3A_1882 = arith.constant 42 : i32
    %add3A_1883 = vector.broadcast %add3A_1882 : i32 to vector<256x640xi32>
    %add3A_1884 = arith.addi %add3A_1873, %add3A_1883 : vector<256x640xi32>
    %add3A_1885 = arith.constant 466689012 : i32
    %add3A_1886 = vector.broadcast %add3A_1885 : i32 to vector<256x640xi32>
    %add3A_1887 = arith.addi %xor3A_1881, %add3A_1886 : vector<256x640xi32>
    %add3A_1888 = arith.addi %add3A_1884, %add3A_1887 : vector<256x640xi32>
    %shift_left3A_1889 = arith.constant 13 : i32
    %shift_left3A_1890 = vector.broadcast %shift_left3A_1889 : i32 to vector<256x640xi32>
    %shift_left3A_1891 = arith.shli %add3A_1887, %shift_left3A_1890 : vector<256x640xi32>
    %shift_right_logical3A_1892 = arith.constant 19 : i32
    %shift_right_logical3A_1893 = vector.broadcast %shift_right_logical3A_1892 : i32 to vector<256x640xi32>
    %shift_right_logical3A_1894 = arith.shrui %add3A_1887, %shift_right_logical3A_1893 : vector<256x640xi32>
    %or3A_1895 = arith.ori %shift_left3A_1891, %shift_right_logical3A_1894 : vector<256x640xi32>
    %xor3A_1896 = arith.xori %or3A_1895, %add3A_1888 : vector<256x640xi32>
    %add3A_1897 = arith.addi %add3A_1888, %xor3A_1896 : vector<256x640xi32>
    %shift_left3A_1898 = arith.constant 15 : i32
    %shift_left3A_1899 = vector.broadcast %shift_left3A_1898 : i32 to vector<256x640xi32>
    %shift_left3A_1900 = arith.shli %xor3A_1896, %shift_left3A_1899 : vector<256x640xi32>
    %shift_right_logical3A_1901 = arith.constant 17 : i32
    %shift_right_logical3A_1902 = vector.broadcast %shift_right_logical3A_1901 : i32 to vector<256x640xi32>
    %shift_right_logical3A_1903 = arith.shrui %xor3A_1896, %shift_right_logical3A_1902 : vector<256x640xi32>
    %or3A_1904 = arith.ori %shift_left3A_1900, %shift_right_logical3A_1903 : vector<256x640xi32>
    %xor3A_1905 = arith.xori %or3A_1904, %add3A_1897 : vector<256x640xi32>
    %add3A_1906 = arith.addi %add3A_1897, %xor3A_1905 : vector<256x640xi32>
    %shift_left3A_1907 = arith.constant 26 : i32
    %shift_left3A_1908 = vector.broadcast %shift_left3A_1907 : i32 to vector<256x640xi32>
    %shift_left3A_1909 = arith.shli %xor3A_1905, %shift_left3A_1908 : vector<256x640xi32>
    %shift_right_logical3A_1910 = arith.constant 6 : i32
    %shift_right_logical3A_1911 = vector.broadcast %shift_right_logical3A_1910 : i32 to vector<256x640xi32>
    %shift_right_logical3A_1912 = arith.shrui %xor3A_1905, %shift_right_logical3A_1911 : vector<256x640xi32>
    %or3A_1913 = arith.ori %shift_left3A_1909, %shift_right_logical3A_1912 : vector<256x640xi32>
    %xor3A_1914 = arith.xori %or3A_1913, %add3A_1906 : vector<256x640xi32>
    %add3A_1915 = arith.addi %add3A_1906, %xor3A_1914 : vector<256x640xi32>
    %shift_left3A_1916 = arith.constant 6 : i32
    %shift_left3A_1917 = vector.broadcast %shift_left3A_1916 : i32 to vector<256x640xi32>
    %shift_left3A_1918 = arith.shli %xor3A_1914, %shift_left3A_1917 : vector<256x640xi32>
    %shift_right_logical3A_1919 = arith.constant 26 : i32
    %shift_right_logical3A_1920 = vector.broadcast %shift_right_logical3A_1919 : i32 to vector<256x640xi32>
    %shift_right_logical3A_1921 = arith.shrui %xor3A_1914, %shift_right_logical3A_1920 : vector<256x640xi32>
    %or3A_1922 = arith.ori %shift_left3A_1918, %shift_right_logical3A_1921 : vector<256x640xi32>
    %xor3A_1923 = arith.xori %or3A_1922, %add3A_1915 : vector<256x640xi32>
    %add3A_1924 = arith.constant 466689008 : i32
    %add3A_1925 = vector.broadcast %add3A_1924 : i32 to vector<256x640xi32>
    %add3A_1926 = arith.addi %add3A_1915, %add3A_1925 : vector<256x640xi32>
    %add3A_1927 = arith.constant 5 : i32
    %add3A_1928 = vector.broadcast %add3A_1927 : i32 to vector<256x640xi32>
    %add3A_1929 = arith.addi %xor3A_1923, %add3A_1928 : vector<256x640xi32>
    %xor3A_1930 = arith.xori %add3A_1926, %add3A_1929 : vector<256x640xi32>
    %shift_right_logical3A_1931 = arith.constant 9 : i32
    %shift_right_logical3A_1932 = vector.broadcast %shift_right_logical3A_1931 : i32 to vector<256x640xi32>
    %shift_right_logical3A_1933 = arith.shrui %xor3A_1930, %shift_right_logical3A_1932 : vector<256x640xi32>
    %or3A_1934 = arith.constant 1065353216 : i32
    %or3A_1935 = vector.broadcast %or3A_1934 : i32 to vector<256x640xi32>
    %or3A_1936 = arith.ori %shift_right_logical3A_1933, %or3A_1935 : vector<256x640xi32>
    %bitcast_convert_type3A_1937 = tpu.bitcast %or3A_1936 : vector<256x640xi32> -> vector<256x640xf32>
    %sub3A_1938 = arith.constant 1.000000e+00 : f32
    %sub3A_1939 = vector.broadcast %sub3A_1938 : f32 to vector<256x640xf32>
    %sub3A_1940 = arith.subf %bitcast_convert_type3A_1937, %sub3A_1939 : vector<256x640xf32>
    %add3A_1941 = arith.constant 1.17549435E-38 : f32
    %add3A_1942 = vector.broadcast %add3A_1941 : f32 to vector<256x640xf32>
    %add3A_1943 = arith.addf %sub3A_1940, %add3A_1942 : vector<256x640xf32>
    %log3A_1944 = math.log %add3A_1943 : vector<256x640xf32>
    %neg3A_1945 = arith.constant 0.000000e+00 : f32
    %neg3A_1946 = vector.broadcast %neg3A_1945 : f32 to vector<256x640xf32>
    %neg3A_1947 = arith.subf %neg3A_1946, %log3A_1944 : vector<256x640xf32>
    %log3A_1948 = math.log %neg3A_1947 : vector<256x640xf32>
    %neg3A_1949 = arith.constant 0.000000e+00 : f32
    %neg3A_1950 = vector.broadcast %neg3A_1949 : f32 to vector<256x640xf32>
    %neg3A_1951 = arith.subf %neg3A_1950, %log3A_1948 : vector<256x640xf32>
    %add3A_1952 = arith.addf %add3A_1714, %neg3A_1951 : vector<256x640xf32>
    %jit3A_1953 = arith.constant 0xFF800000 : f32
    %broadcast_in_dim3A_1954 = vector.broadcast %jit3A_1953 : f32 to vector<256x640xf32>
    %select_n3A_1955 = arith.select %lt3A_10, %add3A_1952, %broadcast_in_dim3A_1954 : vector<256x640xi1>, vector<256x640xf32>
    %reduce_max3A_1956 = arith.constant dense<0xFF800000> : vector<256xf32>
    %reduce_max3A_1957 = vector.multi_reduction <maximumf>, %select_n3A_1955, %reduce_max3A_1956 [1] : vector<256x640xf32> to vector<256xf32>
    %jit3A_1958 = arith.constant 0xFF800000 : f32
    %broadcast_in_dim3A_1959 = vector.broadcast %jit3A_1958 : f32 to vector<256x640xf32>
    %select_n3A_1960 = arith.select %lt3A_10, %broadcast_in_dim3A_1959, %add3A_1952 : vector<256x640xi1>, vector<256x640xf32>
    %reduce_max3A_1961 = arith.constant dense<0xFF800000> : vector<256xf32>
    %reduce_max3A_1962 = vector.multi_reduction <maximumf>, %select_n3A_1960, %reduce_max3A_1961 [1] : vector<256x640xf32> to vector<256xf32>
    %broadcast_in_dim3A_1963 = vector.shape_cast %reduce_max3A_1957 : vector<256xf32> to vector<256x1xf32>
    %broadcast_in_dim3A_1964 = vector.shape_cast %reduce_max3A_1962 : vector<256xf32> to vector<256x1xf32>
    %broadcast_in_dim3A_1965 = vector.shape_cast %broadcast_in_dim3A_1963 : vector<256x1xf32> to vector<256x1xf32>
    %broadcast_in_dim3A_1966 = vector.broadcast %broadcast_in_dim3A_1965 : vector<256x1xf32> to vector<256x640xf32>
    %broadcast_in_dim3A_1967 = vector.shape_cast %broadcast_in_dim3A_1964 : vector<256x1xf32> to vector<256x1xf32>
    %broadcast_in_dim3A_1968 = vector.broadcast %broadcast_in_dim3A_1967 : vector<256x1xf32> to vector<256x640xf32>
    %select_n3A_1969 = arith.select %lt3A_10, %broadcast_in_dim3A_1966, %broadcast_in_dim3A_1968 : vector<256x640xi1>, vector<256x640xf32>
    %eq3A_1970 = arith.cmpf oeq, %add3A_1952, %select_n3A_1969 : vector<256x640xf32>
    %jit3A_1971 = arith.constant 1.000000e+00 : f32
    %jit3A_1972 = arith.constant 0.000000e+00 : f32
    %broadcast_in_dim3A_1973 = vector.broadcast %jit3A_1971 : f32 to vector<256x640xf32>
    %broadcast_in_dim3A_1974 = vector.broadcast %jit3A_1972 : f32 to vector<256x640xf32>
    %select_n3A_1975 = arith.select %eq3A_1970, %broadcast_in_dim3A_1973, %broadcast_in_dim3A_1974 : vector<256x640xi1>, vector<256x640xf32>
    %slice3A_1976 = vector.extract_strided_slice %select_n3A_1975 {offsets = [0, 0], sizes = [256, 320], strides = [1, 1]} : vector<256x640xf32> to vector<256x320xf32>
    %swap3A_1977 = arith.constant 0 : index
    %swap3A_1978 = arith.constant 12 : index
    %swap3A_1979 = arith.constant 0 : index
    %swap3A_1980 = vector.load %arg4[%swap3A_1977, %swap3A_1978, %swap3A_1979] : memref<256x32x320xf32, #tpu.memory_space<vmem>>, vector<256x1x320xf32>
    %swap3A_1981 = vector.shape_cast %swap3A_1980 : vector<256x1x320xf32> to vector<256x320xf32>
    %swap3A_1982 = vector.shape_cast %slice3A_1976 : vector<256x320xf32> to vector<256x1x320xf32>
    tpu.vector_store %arg4[%swap3A_1977, %swap3A_1978, %swap3A_1979], %swap3A_1982 {strides = array<i32>} : memref<256x32x320xf32, #tpu.memory_space<vmem>>, vector<256x1x320xf32>,
    %slice3A_1983 = vector.extract_strided_slice %select_n3A_1975 {offsets = [0, 320], sizes = [256, 320], strides = [1, 1]} : vector<256x640xf32> to vector<256x320xf32>
    %swap3A_1984 = arith.constant 0 : index
    %swap3A_1985 = arith.constant 13 : index
    %swap3A_1986 = arith.constant 0 : index
    %swap3A_1987 = vector.load %arg4[%swap3A_1984, %swap3A_1985, %swap3A_1986] : memref<256x32x320xf32, #tpu.memory_space<vmem>>, vector<256x1x320xf32>
    %swap3A_1988 = vector.shape_cast %swap3A_1987 : vector<256x1x320xf32> to vector<256x320xf32>
    %swap3A_1989 = vector.shape_cast %slice3A_1983 : vector<256x320xf32> to vector<256x1x320xf32>
    tpu.vector_store %arg4[%swap3A_1984, %swap3A_1985, %swap3A_1986], %swap3A_1989 {strides = array<i32>} : memref<256x32x320xf32, #tpu.memory_space<vmem>>, vector<256x1x320xf32>,
    %get3A_1990 = arith.constant 0 : index
    %get3A_1991 = arith.constant 4480 : index
    %get3A_1992 = vector.load %arg2[%get3A_1990, %get3A_1991] : memref<256x10240xf32, #tpu.memory_space<vmem>>, vector<256x640xf32>
    %dot_general3A_1993 = arith.constant dense<0.000000e+00> : vector<256x640xf32>
    %dot_general3A_1994 = tpu.matmul %get3A_2, %get3A_1992, %dot_general3A_1993 {dimension_numbers = #tpu.dot_dimension_numbers<[1], [0], [0], [1], [0, 0, 1, 1], [], []>, transpose_lhs_hint = false} : vector<256x256xf32>, vector<256x640xf32>, vector<256x640xf32> -> vector<256x640xf32>
    %get3A_1995 = arith.constant 0 : index
    %get3A_1996 = arith.constant 4480 : index
    %get3A_1997 = vector.load %arg3[%get3A_1995, %get3A_1996] : memref<1x10240xf32, #tpu.memory_space<vmem>>, vector<1x640xf32>
    %add3A_1998 = vector.broadcast %get3A_1997 : vector<1x640xf32> to vector<256x640xf32>
    %add3A_1999 = arith.addf %dot_general3A_1994, %add3A_1998 : vector<256x640xf32>
    %add3A_2000 = arith.constant 4480 : i32
    %add3A_2001 = vector.broadcast %add3A_2000 : i32 to vector<256x640xi32>
    %add3A_2002 = arith.addi %add3A_8, %add3A_2001 : vector<256x640xi32>
    %broadcast_in_dim3A_2003 = arith.constant 0 : i32
    %broadcast_in_dim3A_2004 = vector.broadcast %broadcast_in_dim3A_2003 : i32 to vector<256x640xi32>
    %add3A_2005 = arith.constant 42 : i32
    %add3A_2006 = vector.broadcast %add3A_2005 : i32 to vector<256x640xi32>
    %add3A_2007 = arith.addi %add3A_2002, %add3A_2006 : vector<256x640xi32>
    %add3A_2008 = arith.addi %broadcast_in_dim3A_2004, %add3A_2007 : vector<256x640xi32>
    %shift_left3A_2009 = arith.constant 13 : i32
    %shift_left3A_2010 = vector.broadcast %shift_left3A_2009 : i32 to vector<256x640xi32>
    %shift_left3A_2011 = arith.shli %add3A_2007, %shift_left3A_2010 : vector<256x640xi32>
    %shift_right_logical3A_2012 = arith.constant 19 : i32
    %shift_right_logical3A_2013 = vector.broadcast %shift_right_logical3A_2012 : i32 to vector<256x640xi32>
    %shift_right_logical3A_2014 = arith.shrui %add3A_2007, %shift_right_logical3A_2013 : vector<256x640xi32>
    %or3A_2015 = arith.ori %shift_left3A_2011, %shift_right_logical3A_2014 : vector<256x640xi32>
    %xor3A_2016 = arith.xori %or3A_2015, %add3A_2008 : vector<256x640xi32>
    %add3A_2017 = arith.addi %add3A_2008, %xor3A_2016 : vector<256x640xi32>
    %shift_left3A_2018 = arith.constant 15 : i32
    %shift_left3A_2019 = vector.broadcast %shift_left3A_2018 : i32 to vector<256x640xi32>
    %shift_left3A_2020 = arith.shli %xor3A_2016, %shift_left3A_2019 : vector<256x640xi32>
    %shift_right_logical3A_2021 = arith.constant 17 : i32
    %shift_right_logical3A_2022 = vector.broadcast %shift_right_logical3A_2021 : i32 to vector<256x640xi32>
    %shift_right_logical3A_2023 = arith.shrui %xor3A_2016, %shift_right_logical3A_2022 : vector<256x640xi32>
    %or3A_2024 = arith.ori %shift_left3A_2020, %shift_right_logical3A_2023 : vector<256x640xi32>
    %xor3A_2025 = arith.xori %or3A_2024, %add3A_2017 : vector<256x640xi32>
    %add3A_2026 = arith.addi %add3A_2017, %xor3A_2025 : vector<256x640xi32>
    %shift_left3A_2027 = arith.constant 26 : i32
    %shift_left3A_2028 = vector.broadcast %shift_left3A_2027 : i32 to vector<256x640xi32>
    %shift_left3A_2029 = arith.shli %xor3A_2025, %shift_left3A_2028 : vector<256x640xi32>
    %shift_right_logical3A_2030 = arith.constant 6 : i32
    %shift_right_logical3A_2031 = vector.broadcast %shift_right_logical3A_2030 : i32 to vector<256x640xi32>
    %shift_right_logical3A_2032 = arith.shrui %xor3A_2025, %shift_right_logical3A_2031 : vector<256x640xi32>
    %or3A_2033 = arith.ori %shift_left3A_2029, %shift_right_logical3A_2032 : vector<256x640xi32>
    %xor3A_2034 = arith.xori %or3A_2033, %add3A_2026 : vector<256x640xi32>
    %add3A_2035 = arith.addi %add3A_2026, %xor3A_2034 : vector<256x640xi32>
    %shift_left3A_2036 = arith.constant 6 : i32
    %shift_left3A_2037 = vector.broadcast %shift_left3A_2036 : i32 to vector<256x640xi32>
    %shift_left3A_2038 = arith.shli %xor3A_2034, %shift_left3A_2037 : vector<256x640xi32>
    %shift_right_logical3A_2039 = arith.constant 26 : i32
    %shift_right_logical3A_2040 = vector.broadcast %shift_right_logical3A_2039 : i32 to vector<256x640xi32>
    %shift_right_logical3A_2041 = arith.shrui %xor3A_2034, %shift_right_logical3A_2040 : vector<256x640xi32>
    %or3A_2042 = arith.ori %shift_left3A_2038, %shift_right_logical3A_2041 : vector<256x640xi32>
    %xor3A_2043 = arith.xori %or3A_2042, %add3A_2035 : vector<256x640xi32>
    %add3A_2044 = arith.constant 42 : i32
    %add3A_2045 = vector.broadcast %add3A_2044 : i32 to vector<256x640xi32>
    %add3A_2046 = arith.addi %add3A_2035, %add3A_2045 : vector<256x640xi32>
    %add3A_2047 = arith.constant 466689009 : i32
    %add3A_2048 = vector.broadcast %add3A_2047 : i32 to vector<256x640xi32>
    %add3A_2049 = arith.addi %xor3A_2043, %add3A_2048 : vector<256x640xi32>
    %add3A_2050 = arith.addi %add3A_2046, %add3A_2049 : vector<256x640xi32>
    %shift_left3A_2051 = arith.constant 17 : i32
    %shift_left3A_2052 = vector.broadcast %shift_left3A_2051 : i32 to vector<256x640xi32>
    %shift_left3A_2053 = arith.shli %add3A_2049, %shift_left3A_2052 : vector<256x640xi32>
    %shift_right_logical3A_2054 = arith.constant 15 : i32
    %shift_right_logical3A_2055 = vector.broadcast %shift_right_logical3A_2054 : i32 to vector<256x640xi32>
    %shift_right_logical3A_2056 = arith.shrui %add3A_2049, %shift_right_logical3A_2055 : vector<256x640xi32>
    %or3A_2057 = arith.ori %shift_left3A_2053, %shift_right_logical3A_2056 : vector<256x640xi32>
    %xor3A_2058 = arith.xori %or3A_2057, %add3A_2050 : vector<256x640xi32>
    %add3A_2059 = arith.addi %add3A_2050, %xor3A_2058 : vector<256x640xi32>
    %shift_left3A_2060 = arith.constant 29 : i32
    %shift_left3A_2061 = vector.broadcast %shift_left3A_2060 : i32 to vector<256x640xi32>
    %shift_left3A_2062 = arith.shli %xor3A_2058, %shift_left3A_2061 : vector<256x640xi32>
    %shift_right_logical3A_2063 = arith.constant 3 : i32
    %shift_right_logical3A_2064 = vector.broadcast %shift_right_logical3A_2063 : i32 to vector<256x640xi32>
    %shift_right_logical3A_2065 = arith.shrui %xor3A_2058, %shift_right_logical3A_2064 : vector<256x640xi32>
    %or3A_2066 = arith.ori %shift_left3A_2062, %shift_right_logical3A_2065 : vector<256x640xi32>
    %xor3A_2067 = arith.xori %or3A_2066, %add3A_2059 : vector<256x640xi32>
    %add3A_2068 = arith.addi %add3A_2059, %xor3A_2067 : vector<256x640xi32>
    %shift_left3A_2069 = arith.constant 16 : i32
    %shift_left3A_2070 = vector.broadcast %shift_left3A_2069 : i32 to vector<256x640xi32>
    %shift_left3A_2071 = arith.shli %xor3A_2067, %shift_left3A_2070 : vector<256x640xi32>
    %shift_right_logical3A_2072 = arith.constant 16 : i32
    %shift_right_logical3A_2073 = vector.broadcast %shift_right_logical3A_2072 : i32 to vector<256x640xi32>
    %shift_right_logical3A_2074 = arith.shrui %xor3A_2067, %shift_right_logical3A_2073 : vector<256x640xi32>
    %or3A_2075 = arith.ori %shift_left3A_2071, %shift_right_logical3A_2074 : vector<256x640xi32>
    %xor3A_2076 = arith.xori %or3A_2075, %add3A_2068 : vector<256x640xi32>
    %add3A_2077 = arith.addi %add3A_2068, %xor3A_2076 : vector<256x640xi32>
    %shift_left3A_2078 = arith.constant 24 : i32
    %shift_left3A_2079 = vector.broadcast %shift_left3A_2078 : i32 to vector<256x640xi32>
    %shift_left3A_2080 = arith.shli %xor3A_2076, %shift_left3A_2079 : vector<256x640xi32>
    %shift_right_logical3A_2081 = arith.constant 8 : i32
    %shift_right_logical3A_2082 = vector.broadcast %shift_right_logical3A_2081 : i32 to vector<256x640xi32>
    %shift_right_logical3A_2083 = arith.shrui %xor3A_2076, %shift_right_logical3A_2082 : vector<256x640xi32>
    %or3A_2084 = arith.ori %shift_left3A_2080, %shift_right_logical3A_2083 : vector<256x640xi32>
    %xor3A_2085 = arith.xori %or3A_2084, %add3A_2077 : vector<256x640xi32>
    %add3A_2086 = arith.constant 466689008 : i32
    %add3A_2087 = vector.broadcast %add3A_2086 : i32 to vector<256x640xi32>
    %add3A_2088 = arith.addi %add3A_2077, %add3A_2087 : vector<256x640xi32>
    %add3A_2089 = arith.constant 2 : i32
    %add3A_2090 = vector.broadcast %add3A_2089 : i32 to vector<256x640xi32>
    %add3A_2091 = arith.addi %xor3A_2085, %add3A_2090 : vector<256x640xi32>
    %add3A_2092 = arith.addi %add3A_2088, %add3A_2091 : vector<256x640xi32>
    %shift_left3A_2093 = arith.constant 13 : i32
    %shift_left3A_2094 = vector.broadcast %shift_left3A_2093 : i32 to vector<256x640xi32>
    %shift_left3A_2095 = arith.shli %add3A_2091, %shift_left3A_2094 : vector<256x640xi32>
    %shift_right_logical3A_2096 = arith.constant 19 : i32
    %shift_right_logical3A_2097 = vector.broadcast %shift_right_logical3A_2096 : i32 to vector<256x640xi32>
    %shift_right_logical3A_2098 = arith.shrui %add3A_2091, %shift_right_logical3A_2097 : vector<256x640xi32>
    %or3A_2099 = arith.ori %shift_left3A_2095, %shift_right_logical3A_2098 : vector<256x640xi32>
    %xor3A_2100 = arith.xori %or3A_2099, %add3A_2092 : vector<256x640xi32>
    %add3A_2101 = arith.addi %add3A_2092, %xor3A_2100 : vector<256x640xi32>
    %shift_left3A_2102 = arith.constant 15 : i32
    %shift_left3A_2103 = vector.broadcast %shift_left3A_2102 : i32 to vector<256x640xi32>
    %shift_left3A_2104 = arith.shli %xor3A_2100, %shift_left3A_2103 : vector<256x640xi32>
    %shift_right_logical3A_2105 = arith.constant 17 : i32
    %shift_right_logical3A_2106 = vector.broadcast %shift_right_logical3A_2105 : i32 to vector<256x640xi32>
    %shift_right_logical3A_2107 = arith.shrui %xor3A_2100, %shift_right_logical3A_2106 : vector<256x640xi32>
    %or3A_2108 = arith.ori %shift_left3A_2104, %shift_right_logical3A_2107 : vector<256x640xi32>
    %xor3A_2109 = arith.xori %or3A_2108, %add3A_2101 : vector<256x640xi32>
    %add3A_2110 = arith.addi %add3A_2101, %xor3A_2109 : vector<256x640xi32>
    %shift_left3A_2111 = arith.constant 26 : i32
    %shift_left3A_2112 = vector.broadcast %shift_left3A_2111 : i32 to vector<256x640xi32>
    %shift_left3A_2113 = arith.shli %xor3A_2109, %shift_left3A_2112 : vector<256x640xi32>
    %shift_right_logical3A_2114 = arith.constant 6 : i32
    %shift_right_logical3A_2115 = vector.broadcast %shift_right_logical3A_2114 : i32 to vector<256x640xi32>
    %shift_right_logical3A_2116 = arith.shrui %xor3A_2109, %shift_right_logical3A_2115 : vector<256x640xi32>
    %or3A_2117 = arith.ori %shift_left3A_2113, %shift_right_logical3A_2116 : vector<256x640xi32>
    %xor3A_2118 = arith.xori %or3A_2117, %add3A_2110 : vector<256x640xi32>
    %add3A_2119 = arith.addi %add3A_2110, %xor3A_2118 : vector<256x640xi32>
    %shift_left3A_2120 = arith.constant 6 : i32
    %shift_left3A_2121 = vector.broadcast %shift_left3A_2120 : i32 to vector<256x640xi32>
    %shift_left3A_2122 = arith.shli %xor3A_2118, %shift_left3A_2121 : vector<256x640xi32>
    %shift_right_logical3A_2123 = arith.constant 26 : i32
    %shift_right_logical3A_2124 = vector.broadcast %shift_right_logical3A_2123 : i32 to vector<256x640xi32>
    %shift_right_logical3A_2125 = arith.shrui %xor3A_2118, %shift_right_logical3A_2124 : vector<256x640xi32>
    %or3A_2126 = arith.ori %shift_left3A_2122, %shift_right_logical3A_2125 : vector<256x640xi32>
    %xor3A_2127 = arith.xori %or3A_2126, %add3A_2119 : vector<256x640xi32>
    %add3A_2128 = arith.constant 45 : i32
    %add3A_2129 = vector.broadcast %add3A_2128 : i32 to vector<256x640xi32>
    %add3A_2130 = arith.addi %xor3A_2127, %add3A_2129 : vector<256x640xi32>
    %add3A_2131 = arith.addi %add3A_2119, %add3A_2130 : vector<256x640xi32>
    %shift_left3A_2132 = arith.constant 17 : i32
    %shift_left3A_2133 = vector.broadcast %shift_left3A_2132 : i32 to vector<256x640xi32>
    %shift_left3A_2134 = arith.shli %add3A_2130, %shift_left3A_2133 : vector<256x640xi32>
    %shift_right_logical3A_2135 = arith.constant 15 : i32
    %shift_right_logical3A_2136 = vector.broadcast %shift_right_logical3A_2135 : i32 to vector<256x640xi32>
    %shift_right_logical3A_2137 = arith.shrui %add3A_2130, %shift_right_logical3A_2136 : vector<256x640xi32>
    %or3A_2138 = arith.ori %shift_left3A_2134, %shift_right_logical3A_2137 : vector<256x640xi32>
    %xor3A_2139 = arith.xori %or3A_2138, %add3A_2131 : vector<256x640xi32>
    %add3A_2140 = arith.addi %add3A_2131, %xor3A_2139 : vector<256x640xi32>
    %shift_left3A_2141 = arith.constant 29 : i32
    %shift_left3A_2142 = vector.broadcast %shift_left3A_2141 : i32 to vector<256x640xi32>
    %shift_left3A_2143 = arith.shli %xor3A_2139, %shift_left3A_2142 : vector<256x640xi32>
    %shift_right_logical3A_2144 = arith.constant 3 : i32
    %shift_right_logical3A_2145 = vector.broadcast %shift_right_logical3A_2144 : i32 to vector<256x640xi32>
    %shift_right_logical3A_2146 = arith.shrui %xor3A_2139, %shift_right_logical3A_2145 : vector<256x640xi32>
    %or3A_2147 = arith.ori %shift_left3A_2143, %shift_right_logical3A_2146 : vector<256x640xi32>
    %xor3A_2148 = arith.xori %or3A_2147, %add3A_2140 : vector<256x640xi32>
    %add3A_2149 = arith.addi %add3A_2140, %xor3A_2148 : vector<256x640xi32>
    %shift_left3A_2150 = arith.constant 16 : i32
    %shift_left3A_2151 = vector.broadcast %shift_left3A_2150 : i32 to vector<256x640xi32>
    %shift_left3A_2152 = arith.shli %xor3A_2148, %shift_left3A_2151 : vector<256x640xi32>
    %shift_right_logical3A_2153 = arith.constant 16 : i32
    %shift_right_logical3A_2154 = vector.broadcast %shift_right_logical3A_2153 : i32 to vector<256x640xi32>
    %shift_right_logical3A_2155 = arith.shrui %xor3A_2148, %shift_right_logical3A_2154 : vector<256x640xi32>
    %or3A_2156 = arith.ori %shift_left3A_2152, %shift_right_logical3A_2155 : vector<256x640xi32>
    %xor3A_2157 = arith.xori %or3A_2156, %add3A_2149 : vector<256x640xi32>
    %add3A_2158 = arith.addi %add3A_2149, %xor3A_2157 : vector<256x640xi32>
    %shift_left3A_2159 = arith.constant 24 : i32
    %shift_left3A_2160 = vector.broadcast %shift_left3A_2159 : i32 to vector<256x640xi32>
    %shift_left3A_2161 = arith.shli %xor3A_2157, %shift_left3A_2160 : vector<256x640xi32>
    %shift_right_logical3A_2162 = arith.constant 8 : i32
    %shift_right_logical3A_2163 = vector.broadcast %shift_right_logical3A_2162 : i32 to vector<256x640xi32>
    %shift_right_logical3A_2164 = arith.shrui %xor3A_2157, %shift_right_logical3A_2163 : vector<256x640xi32>
    %or3A_2165 = arith.ori %shift_left3A_2161, %shift_right_logical3A_2164 : vector<256x640xi32>
    %xor3A_2166 = arith.xori %or3A_2165, %add3A_2158 : vector<256x640xi32>
    %add3A_2167 = arith.constant 42 : i32
    %add3A_2168 = vector.broadcast %add3A_2167 : i32 to vector<256x640xi32>
    %add3A_2169 = arith.addi %add3A_2158, %add3A_2168 : vector<256x640xi32>
    %add3A_2170 = arith.constant 466689012 : i32
    %add3A_2171 = vector.broadcast %add3A_2170 : i32 to vector<256x640xi32>
    %add3A_2172 = arith.addi %xor3A_2166, %add3A_2171 : vector<256x640xi32>
    %add3A_2173 = arith.addi %add3A_2169, %add3A_2172 : vector<256x640xi32>
    %shift_left3A_2174 = arith.constant 13 : i32
    %shift_left3A_2175 = vector.broadcast %shift_left3A_2174 : i32 to vector<256x640xi32>
    %shift_left3A_2176 = arith.shli %add3A_2172, %shift_left3A_2175 : vector<256x640xi32>
    %shift_right_logical3A_2177 = arith.constant 19 : i32
    %shift_right_logical3A_2178 = vector.broadcast %shift_right_logical3A_2177 : i32 to vector<256x640xi32>
    %shift_right_logical3A_2179 = arith.shrui %add3A_2172, %shift_right_logical3A_2178 : vector<256x640xi32>
    %or3A_2180 = arith.ori %shift_left3A_2176, %shift_right_logical3A_2179 : vector<256x640xi32>
    %xor3A_2181 = arith.xori %or3A_2180, %add3A_2173 : vector<256x640xi32>
    %add3A_2182 = arith.addi %add3A_2173, %xor3A_2181 : vector<256x640xi32>
    %shift_left3A_2183 = arith.constant 15 : i32
    %shift_left3A_2184 = vector.broadcast %shift_left3A_2183 : i32 to vector<256x640xi32>
    %shift_left3A_2185 = arith.shli %xor3A_2181, %shift_left3A_2184 : vector<256x640xi32>
    %shift_right_logical3A_2186 = arith.constant 17 : i32
    %shift_right_logical3A_2187 = vector.broadcast %shift_right_logical3A_2186 : i32 to vector<256x640xi32>
    %shift_right_logical3A_2188 = arith.shrui %xor3A_2181, %shift_right_logical3A_2187 : vector<256x640xi32>
    %or3A_2189 = arith.ori %shift_left3A_2185, %shift_right_logical3A_2188 : vector<256x640xi32>
    %xor3A_2190 = arith.xori %or3A_2189, %add3A_2182 : vector<256x640xi32>
    %add3A_2191 = arith.addi %add3A_2182, %xor3A_2190 : vector<256x640xi32>
    %shift_left3A_2192 = arith.constant 26 : i32
    %shift_left3A_2193 = vector.broadcast %shift_left3A_2192 : i32 to vector<256x640xi32>
    %shift_left3A_2194 = arith.shli %xor3A_2190, %shift_left3A_2193 : vector<256x640xi32>
    %shift_right_logical3A_2195 = arith.constant 6 : i32
    %shift_right_logical3A_2196 = vector.broadcast %shift_right_logical3A_2195 : i32 to vector<256x640xi32>
    %shift_right_logical3A_2197 = arith.shrui %xor3A_2190, %shift_right_logical3A_2196 : vector<256x640xi32>
    %or3A_2198 = arith.ori %shift_left3A_2194, %shift_right_logical3A_2197 : vector<256x640xi32>
    %xor3A_2199 = arith.xori %or3A_2198, %add3A_2191 : vector<256x640xi32>
    %add3A_2200 = arith.addi %add3A_2191, %xor3A_2199 : vector<256x640xi32>
    %shift_left3A_2201 = arith.constant 6 : i32
    %shift_left3A_2202 = vector.broadcast %shift_left3A_2201 : i32 to vector<256x640xi32>
    %shift_left3A_2203 = arith.shli %xor3A_2199, %shift_left3A_2202 : vector<256x640xi32>
    %shift_right_logical3A_2204 = arith.constant 26 : i32
    %shift_right_logical3A_2205 = vector.broadcast %shift_right_logical3A_2204 : i32 to vector<256x640xi32>
    %shift_right_logical3A_2206 = arith.shrui %xor3A_2199, %shift_right_logical3A_2205 : vector<256x640xi32>
    %or3A_2207 = arith.ori %shift_left3A_2203, %shift_right_logical3A_2206 : vector<256x640xi32>
    %xor3A_2208 = arith.xori %or3A_2207, %add3A_2200 : vector<256x640xi32>
    %add3A_2209 = arith.constant 466689008 : i32
    %add3A_2210 = vector.broadcast %add3A_2209 : i32 to vector<256x640xi32>
    %add3A_2211 = arith.addi %add3A_2200, %add3A_2210 : vector<256x640xi32>
    %add3A_2212 = arith.constant 5 : i32
    %add3A_2213 = vector.broadcast %add3A_2212 : i32 to vector<256x640xi32>
    %add3A_2214 = arith.addi %xor3A_2208, %add3A_2213 : vector<256x640xi32>
    %xor3A_2215 = arith.xori %add3A_2211, %add3A_2214 : vector<256x640xi32>
    %shift_right_logical3A_2216 = arith.constant 9 : i32
    %shift_right_logical3A_2217 = vector.broadcast %shift_right_logical3A_2216 : i32 to vector<256x640xi32>
    %shift_right_logical3A_2218 = arith.shrui %xor3A_2215, %shift_right_logical3A_2217 : vector<256x640xi32>
    %or3A_2219 = arith.constant 1065353216 : i32
    %or3A_2220 = vector.broadcast %or3A_2219 : i32 to vector<256x640xi32>
    %or3A_2221 = arith.ori %shift_right_logical3A_2218, %or3A_2220 : vector<256x640xi32>
    %bitcast_convert_type3A_2222 = tpu.bitcast %or3A_2221 : vector<256x640xi32> -> vector<256x640xf32>
    %sub3A_2223 = arith.constant 1.000000e+00 : f32
    %sub3A_2224 = vector.broadcast %sub3A_2223 : f32 to vector<256x640xf32>
    %sub3A_2225 = arith.subf %bitcast_convert_type3A_2222, %sub3A_2224 : vector<256x640xf32>
    %add3A_2226 = arith.constant 1.17549435E-38 : f32
    %add3A_2227 = vector.broadcast %add3A_2226 : f32 to vector<256x640xf32>
    %add3A_2228 = arith.addf %sub3A_2225, %add3A_2227 : vector<256x640xf32>
    %log3A_2229 = math.log %add3A_2228 : vector<256x640xf32>
    %neg3A_2230 = arith.constant 0.000000e+00 : f32
    %neg3A_2231 = vector.broadcast %neg3A_2230 : f32 to vector<256x640xf32>
    %neg3A_2232 = arith.subf %neg3A_2231, %log3A_2229 : vector<256x640xf32>
    %log3A_2233 = math.log %neg3A_2232 : vector<256x640xf32>
    %neg3A_2234 = arith.constant 0.000000e+00 : f32
    %neg3A_2235 = vector.broadcast %neg3A_2234 : f32 to vector<256x640xf32>
    %neg3A_2236 = arith.subf %neg3A_2235, %log3A_2233 : vector<256x640xf32>
    %add3A_2237 = arith.addf %add3A_1999, %neg3A_2236 : vector<256x640xf32>
    %jit3A_2238 = arith.constant 0xFF800000 : f32
    %broadcast_in_dim3A_2239 = vector.broadcast %jit3A_2238 : f32 to vector<256x640xf32>
    %select_n3A_2240 = arith.select %lt3A_10, %add3A_2237, %broadcast_in_dim3A_2239 : vector<256x640xi1>, vector<256x640xf32>
    %reduce_max3A_2241 = arith.constant dense<0xFF800000> : vector<256xf32>
    %reduce_max3A_2242 = vector.multi_reduction <maximumf>, %select_n3A_2240, %reduce_max3A_2241 [1] : vector<256x640xf32> to vector<256xf32>
    %jit3A_2243 = arith.constant 0xFF800000 : f32
    %broadcast_in_dim3A_2244 = vector.broadcast %jit3A_2243 : f32 to vector<256x640xf32>
    %select_n3A_2245 = arith.select %lt3A_10, %broadcast_in_dim3A_2244, %add3A_2237 : vector<256x640xi1>, vector<256x640xf32>
    %reduce_max3A_2246 = arith.constant dense<0xFF800000> : vector<256xf32>
    %reduce_max3A_2247 = vector.multi_reduction <maximumf>, %select_n3A_2245, %reduce_max3A_2246 [1] : vector<256x640xf32> to vector<256xf32>
    %broadcast_in_dim3A_2248 = vector.shape_cast %reduce_max3A_2242 : vector<256xf32> to vector<256x1xf32>
    %broadcast_in_dim3A_2249 = vector.shape_cast %reduce_max3A_2247 : vector<256xf32> to vector<256x1xf32>
    %broadcast_in_dim3A_2250 = vector.shape_cast %broadcast_in_dim3A_2248 : vector<256x1xf32> to vector<256x1xf32>
    %broadcast_in_dim3A_2251 = vector.broadcast %broadcast_in_dim3A_2250 : vector<256x1xf32> to vector<256x640xf32>
    %broadcast_in_dim3A_2252 = vector.shape_cast %broadcast_in_dim3A_2249 : vector<256x1xf32> to vector<256x1xf32>
    %broadcast_in_dim3A_2253 = vector.broadcast %broadcast_in_dim3A_2252 : vector<256x1xf32> to vector<256x640xf32>
    %select_n3A_2254 = arith.select %lt3A_10, %broadcast_in_dim3A_2251, %broadcast_in_dim3A_2253 : vector<256x640xi1>, vector<256x640xf32>
    %eq3A_2255 = arith.cmpf oeq, %add3A_2237, %select_n3A_2254 : vector<256x640xf32>
    %jit3A_2256 = arith.constant 1.000000e+00 : f32
    %jit3A_2257 = arith.constant 0.000000e+00 : f32
    %broadcast_in_dim3A_2258 = vector.broadcast %jit3A_2256 : f32 to vector<256x640xf32>
    %broadcast_in_dim3A_2259 = vector.broadcast %jit3A_2257 : f32 to vector<256x640xf32>
    %select_n3A_2260 = arith.select %eq3A_2255, %broadcast_in_dim3A_2258, %broadcast_in_dim3A_2259 : vector<256x640xi1>, vector<256x640xf32>
    %slice3A_2261 = vector.extract_strided_slice %select_n3A_2260 {offsets = [0, 0], sizes = [256, 320], strides = [1, 1]} : vector<256x640xf32> to vector<256x320xf32>
    %swap3A_2262 = arith.constant 0 : index
    %swap3A_2263 = arith.constant 14 : index
    %swap3A_2264 = arith.constant 0 : index
    %swap3A_2265 = vector.load %arg4[%swap3A_2262, %swap3A_2263, %swap3A_2264] : memref<256x32x320xf32, #tpu.memory_space<vmem>>, vector<256x1x320xf32>
    %swap3A_2266 = vector.shape_cast %swap3A_2265 : vector<256x1x320xf32> to vector<256x320xf32>
    %swap3A_2267 = vector.shape_cast %slice3A_2261 : vector<256x320xf32> to vector<256x1x320xf32>
    tpu.vector_store %arg4[%swap3A_2262, %swap3A_2263, %swap3A_2264], %swap3A_2267 {strides = array<i32>} : memref<256x32x320xf32, #tpu.memory_space<vmem>>, vector<256x1x320xf32>,
    %slice3A_2268 = vector.extract_strided_slice %select_n3A_2260 {offsets = [0, 320], sizes = [256, 320], strides = [1, 1]} : vector<256x640xf32> to vector<256x320xf32>
    %swap3A_2269 = arith.constant 0 : index
    %swap3A_2270 = arith.constant 15 : index
    %swap3A_2271 = arith.constant 0 : index
    %swap3A_2272 = vector.load %arg4[%swap3A_2269, %swap3A_2270, %swap3A_2271] : memref<256x32x320xf32, #tpu.memory_space<vmem>>, vector<256x1x320xf32>
    %swap3A_2273 = vector.shape_cast %swap3A_2272 : vector<256x1x320xf32> to vector<256x320xf32>
    %swap3A_2274 = vector.shape_cast %slice3A_2268 : vector<256x320xf32> to vector<256x1x320xf32>
    tpu.vector_store %arg4[%swap3A_2269, %swap3A_2270, %swap3A_2271], %swap3A_2274 {strides = array<i32>} : memref<256x32x320xf32, #tpu.memory_space<vmem>>, vector<256x1x320xf32>,
    %get3A_2275 = arith.constant 0 : index
    %get3A_2276 = arith.constant 5120 : index
    %get3A_2277 = vector.load %arg2[%get3A_2275, %get3A_2276] : memref<256x10240xf32, #tpu.memory_space<vmem>>, vector<256x640xf32>
    %dot_general3A_2278 = arith.constant dense<0.000000e+00> : vector<256x640xf32>
    %dot_general3A_2279 = tpu.matmul %get3A_2, %get3A_2277, %dot_general3A_2278 {dimension_numbers = #tpu.dot_dimension_numbers<[1], [0], [0], [1], [0, 0, 1, 1], [], []>, transpose_lhs_hint = false} : vector<256x256xf32>, vector<256x640xf32>, vector<256x640xf32> -> vector<256x640xf32>
    %get3A_2280 = arith.constant 0 : index
    %get3A_2281 = arith.constant 5120 : index
    %get3A_2282 = vector.load %arg3[%get3A_2280, %get3A_2281] : memref<1x10240xf32, #tpu.memory_space<vmem>>, vector<1x640xf32>
    %add3A_2283 = vector.broadcast %get3A_2282 : vector<1x640xf32> to vector<256x640xf32>
    %add3A_2284 = arith.addf %dot_general3A_2279, %add3A_2283 : vector<256x640xf32>
    %add3A_2285 = arith.constant 5120 : i32
    %add3A_2286 = vector.broadcast %add3A_2285 : i32 to vector<256x640xi32>
    %add3A_2287 = arith.addi %add3A_8, %add3A_2286 : vector<256x640xi32>
    %broadcast_in_dim3A_2288 = arith.constant 0 : i32
    %broadcast_in_dim3A_2289 = vector.broadcast %broadcast_in_dim3A_2288 : i32 to vector<256x640xi32>
    %add3A_2290 = arith.constant 42 : i32
    %add3A_2291 = vector.broadcast %add3A_2290 : i32 to vector<256x640xi32>
    %add3A_2292 = arith.addi %add3A_2287, %add3A_2291 : vector<256x640xi32>
    %add3A_2293 = arith.addi %broadcast_in_dim3A_2289, %add3A_2292 : vector<256x640xi32>
    %shift_left3A_2294 = arith.constant 13 : i32
    %shift_left3A_2295 = vector.broadcast %shift_left3A_2294 : i32 to vector<256x640xi32>
    %shift_left3A_2296 = arith.shli %add3A_2292, %shift_left3A_2295 : vector<256x640xi32>
    %shift_right_logical3A_2297 = arith.constant 19 : i32
    %shift_right_logical3A_2298 = vector.broadcast %shift_right_logical3A_2297 : i32 to vector<256x640xi32>
    %shift_right_logical3A_2299 = arith.shrui %add3A_2292, %shift_right_logical3A_2298 : vector<256x640xi32>
    %or3A_2300 = arith.ori %shift_left3A_2296, %shift_right_logical3A_2299 : vector<256x640xi32>
    %xor3A_2301 = arith.xori %or3A_2300, %add3A_2293 : vector<256x640xi32>
    %add3A_2302 = arith.addi %add3A_2293, %xor3A_2301 : vector<256x640xi32>
    %shift_left3A_2303 = arith.constant 15 : i32
    %shift_left3A_2304 = vector.broadcast %shift_left3A_2303 : i32 to vector<256x640xi32>
    %shift_left3A_2305 = arith.shli %xor3A_2301, %shift_left3A_2304 : vector<256x640xi32>
    %shift_right_logical3A_2306 = arith.constant 17 : i32
    %shift_right_logical3A_2307 = vector.broadcast %shift_right_logical3A_2306 : i32 to vector<256x640xi32>
    %shift_right_logical3A_2308 = arith.shrui %xor3A_2301, %shift_right_logical3A_2307 : vector<256x640xi32>
    %or3A_2309 = arith.ori %shift_left3A_2305, %shift_right_logical3A_2308 : vector<256x640xi32>
    %xor3A_2310 = arith.xori %or3A_2309, %add3A_2302 : vector<256x640xi32>
    %add3A_2311 = arith.addi %add3A_2302, %xor3A_2310 : vector<256x640xi32>
    %shift_left3A_2312 = arith.constant 26 : i32
    %shift_left3A_2313 = vector.broadcast %shift_left3A_2312 : i32 to vector<256x640xi32>
    %shift_left3A_2314 = arith.shli %xor3A_2310, %shift_left3A_2313 : vector<256x640xi32>
    %shift_right_logical3A_2315 = arith.constant 6 : i32
    %shift_right_logical3A_2316 = vector.broadcast %shift_right_logical3A_2315 : i32 to vector<256x640xi32>
    %shift_right_logical3A_2317 = arith.shrui %xor3A_2310, %shift_right_logical3A_2316 : vector<256x640xi32>
    %or3A_2318 = arith.ori %shift_left3A_2314, %shift_right_logical3A_2317 : vector<256x640xi32>
    %xor3A_2319 = arith.xori %or3A_2318, %add3A_2311 : vector<256x640xi32>
    %add3A_2320 = arith.addi %add3A_2311, %xor3A_2319 : vector<256x640xi32>
    %shift_left3A_2321 = arith.constant 6 : i32
    %shift_left3A_2322 = vector.broadcast %shift_left3A_2321 : i32 to vector<256x640xi32>
    %shift_left3A_2323 = arith.shli %xor3A_2319, %shift_left3A_2322 : vector<256x640xi32>
    %shift_right_logical3A_2324 = arith.constant 26 : i32
    %shift_right_logical3A_2325 = vector.broadcast %shift_right_logical3A_2324 : i32 to vector<256x640xi32>
    %shift_right_logical3A_2326 = arith.shrui %xor3A_2319, %shift_right_logical3A_2325 : vector<256x640xi32>
    %or3A_2327 = arith.ori %shift_left3A_2323, %shift_right_logical3A_2326 : vector<256x640xi32>
    %xor3A_2328 = arith.xori %or3A_2327, %add3A_2320 : vector<256x640xi32>
    %add3A_2329 = arith.constant 42 : i32
    %add3A_2330 = vector.broadcast %add3A_2329 : i32 to vector<256x640xi32>
    %add3A_2331 = arith.addi %add3A_2320, %add3A_2330 : vector<256x640xi32>
    %add3A_2332 = arith.constant 466689009 : i32
    %add3A_2333 = vector.broadcast %add3A_2332 : i32 to vector<256x640xi32>
    %add3A_2334 = arith.addi %xor3A_2328, %add3A_2333 : vector<256x640xi32>
    %add3A_2335 = arith.addi %add3A_2331, %add3A_2334 : vector<256x640xi32>
    %shift_left3A_2336 = arith.constant 17 : i32
    %shift_left3A_2337 = vector.broadcast %shift_left3A_2336 : i32 to vector<256x640xi32>
    %shift_left3A_2338 = arith.shli %add3A_2334, %shift_left3A_2337 : vector<256x640xi32>
    %shift_right_logical3A_2339 = arith.constant 15 : i32
    %shift_right_logical3A_2340 = vector.broadcast %shift_right_logical3A_2339 : i32 to vector<256x640xi32>
    %shift_right_logical3A_2341 = arith.shrui %add3A_2334, %shift_right_logical3A_2340 : vector<256x640xi32>
    %or3A_2342 = arith.ori %shift_left3A_2338, %shift_right_logical3A_2341 : vector<256x640xi32>
    %xor3A_2343 = arith.xori %or3A_2342, %add3A_2335 : vector<256x640xi32>
    %add3A_2344 = arith.addi %add3A_2335, %xor3A_2343 : vector<256x640xi32>
    %shift_left3A_2345 = arith.constant 29 : i32
    %shift_left3A_2346 = vector.broadcast %shift_left3A_2345 : i32 to vector<256x640xi32>
    %shift_left3A_2347 = arith.shli %xor3A_2343, %shift_left3A_2346 : vector<256x640xi32>
    %shift_right_logical3A_2348 = arith.constant 3 : i32
    %shift_right_logical3A_2349 = vector.broadcast %shift_right_logical3A_2348 : i32 to vector<256x640xi32>
    %shift_right_logical3A_2350 = arith.shrui %xor3A_2343, %shift_right_logical3A_2349 : vector<256x640xi32>
    %or3A_2351 = arith.ori %shift_left3A_2347, %shift_right_logical3A_2350 : vector<256x640xi32>
    %xor3A_2352 = arith.xori %or3A_2351, %add3A_2344 : vector<256x640xi32>
    %add3A_2353 = arith.addi %add3A_2344, %xor3A_2352 : vector<256x640xi32>
    %shift_left3A_2354 = arith.constant 16 : i32
    %shift_left3A_2355 = vector.broadcast %shift_left3A_2354 : i32 to vector<256x640xi32>
    %shift_left3A_2356 = arith.shli %xor3A_2352, %shift_left3A_2355 : vector<256x640xi32>
    %shift_right_logical3A_2357 = arith.constant 16 : i32
    %shift_right_logical3A_2358 = vector.broadcast %shift_right_logical3A_2357 : i32 to vector<256x640xi32>
    %shift_right_logical3A_2359 = arith.shrui %xor3A_2352, %shift_right_logical3A_2358 : vector<256x640xi32>
    %or3A_2360 = arith.ori %shift_left3A_2356, %shift_right_logical3A_2359 : vector<256x640xi32>
    %xor3A_2361 = arith.xori %or3A_2360, %add3A_2353 : vector<256x640xi32>
    %add3A_2362 = arith.addi %add3A_2353, %xor3A_2361 : vector<256x640xi32>
    %shift_left3A_2363 = arith.constant 24 : i32
    %shift_left3A_2364 = vector.broadcast %shift_left3A_2363 : i32 to vector<256x640xi32>
    %shift_left3A_2365 = arith.shli %xor3A_2361, %shift_left3A_2364 : vector<256x640xi32>
    %shift_right_logical3A_2366 = arith.constant 8 : i32
    %shift_right_logical3A_2367 = vector.broadcast %shift_right_logical3A_2366 : i32 to vector<256x640xi32>
    %shift_right_logical3A_2368 = arith.shrui %xor3A_2361, %shift_right_logical3A_2367 : vector<256x640xi32>
    %or3A_2369 = arith.ori %shift_left3A_2365, %shift_right_logical3A_2368 : vector<256x640xi32>
    %xor3A_2370 = arith.xori %or3A_2369, %add3A_2362 : vector<256x640xi32>
    %add3A_2371 = arith.constant 466689008 : i32
    %add3A_2372 = vector.broadcast %add3A_2371 : i32 to vector<256x640xi32>
    %add3A_2373 = arith.addi %add3A_2362, %add3A_2372 : vector<256x640xi32>
    %add3A_2374 = arith.constant 2 : i32
    %add3A_2375 = vector.broadcast %add3A_2374 : i32 to vector<256x640xi32>
    %add3A_2376 = arith.addi %xor3A_2370, %add3A_2375 : vector<256x640xi32>
    %add3A_2377 = arith.addi %add3A_2373, %add3A_2376 : vector<256x640xi32>
    %shift_left3A_2378 = arith.constant 13 : i32
    %shift_left3A_2379 = vector.broadcast %shift_left3A_2378 : i32 to vector<256x640xi32>
    %shift_left3A_2380 = arith.shli %add3A_2376, %shift_left3A_2379 : vector<256x640xi32>
    %shift_right_logical3A_2381 = arith.constant 19 : i32
    %shift_right_logical3A_2382 = vector.broadcast %shift_right_logical3A_2381 : i32 to vector<256x640xi32>
    %shift_right_logical3A_2383 = arith.shrui %add3A_2376, %shift_right_logical3A_2382 : vector<256x640xi32>
    %or3A_2384 = arith.ori %shift_left3A_2380, %shift_right_logical3A_2383 : vector<256x640xi32>
    %xor3A_2385 = arith.xori %or3A_2384, %add3A_2377 : vector<256x640xi32>
    %add3A_2386 = arith.addi %add3A_2377, %xor3A_2385 : vector<256x640xi32>
    %shift_left3A_2387 = arith.constant 15 : i32
    %shift_left3A_2388 = vector.broadcast %shift_left3A_2387 : i32 to vector<256x640xi32>
    %shift_left3A_2389 = arith.shli %xor3A_2385, %shift_left3A_2388 : vector<256x640xi32>
    %shift_right_logical3A_2390 = arith.constant 17 : i32
    %shift_right_logical3A_2391 = vector.broadcast %shift_right_logical3A_2390 : i32 to vector<256x640xi32>
    %shift_right_logical3A_2392 = arith.shrui %xor3A_2385, %shift_right_logical3A_2391 : vector<256x640xi32>
    %or3A_2393 = arith.ori %shift_left3A_2389, %shift_right_logical3A_2392 : vector<256x640xi32>
    %xor3A_2394 = arith.xori %or3A_2393, %add3A_2386 : vector<256x640xi32>
    %add3A_2395 = arith.addi %add3A_2386, %xor3A_2394 : vector<256x640xi32>
    %shift_left3A_2396 = arith.constant 26 : i32
    %shift_left3A_2397 = vector.broadcast %shift_left3A_2396 : i32 to vector<256x640xi32>
    %shift_left3A_2398 = arith.shli %xor3A_2394, %shift_left3A_2397 : vector<256x640xi32>
    %shift_right_logical3A_2399 = arith.constant 6 : i32
    %shift_right_logical3A_2400 = vector.broadcast %shift_right_logical3A_2399 : i32 to vector<256x640xi32>
    %shift_right_logical3A_2401 = arith.shrui %xor3A_2394, %shift_right_logical3A_2400 : vector<256x640xi32>
    %or3A_2402 = arith.ori %shift_left3A_2398, %shift_right_logical3A_2401 : vector<256x640xi32>
    %xor3A_2403 = arith.xori %or3A_2402, %add3A_2395 : vector<256x640xi32>
    %add3A_2404 = arith.addi %add3A_2395, %xor3A_2403 : vector<256x640xi32>
    %shift_left3A_2405 = arith.constant 6 : i32
    %shift_left3A_2406 = vector.broadcast %shift_left3A_2405 : i32 to vector<256x640xi32>
    %shift_left3A_2407 = arith.shli %xor3A_2403, %shift_left3A_2406 : vector<256x640xi32>
    %shift_right_logical3A_2408 = arith.constant 26 : i32
    %shift_right_logical3A_2409 = vector.broadcast %shift_right_logical3A_2408 : i32 to vector<256x640xi32>
    %shift_right_logical3A_2410 = arith.shrui %xor3A_2403, %shift_right_logical3A_2409 : vector<256x640xi32>
    %or3A_2411 = arith.ori %shift_left3A_2407, %shift_right_logical3A_2410 : vector<256x640xi32>
    %xor3A_2412 = arith.xori %or3A_2411, %add3A_2404 : vector<256x640xi32>
    %add3A_2413 = arith.constant 45 : i32
    %add3A_2414 = vector.broadcast %add3A_2413 : i32 to vector<256x640xi32>
    %add3A_2415 = arith.addi %xor3A_2412, %add3A_2414 : vector<256x640xi32>
    %add3A_2416 = arith.addi %add3A_2404, %add3A_2415 : vector<256x640xi32>
    %shift_left3A_2417 = arith.constant 17 : i32
    %shift_left3A_2418 = vector.broadcast %shift_left3A_2417 : i32 to vector<256x640xi32>
    %shift_left3A_2419 = arith.shli %add3A_2415, %shift_left3A_2418 : vector<256x640xi32>
    %shift_right_logical3A_2420 = arith.constant 15 : i32
    %shift_right_logical3A_2421 = vector.broadcast %shift_right_logical3A_2420 : i32 to vector<256x640xi32>
    %shift_right_logical3A_2422 = arith.shrui %add3A_2415, %shift_right_logical3A_2421 : vector<256x640xi32>
    %or3A_2423 = arith.ori %shift_left3A_2419, %shift_right_logical3A_2422 : vector<256x640xi32>
    %xor3A_2424 = arith.xori %or3A_2423, %add3A_2416 : vector<256x640xi32>
    %add3A_2425 = arith.addi %add3A_2416, %xor3A_2424 : vector<256x640xi32>
    %shift_left3A_2426 = arith.constant 29 : i32
    %shift_left3A_2427 = vector.broadcast %shift_left3A_2426 : i32 to vector<256x640xi32>
    %shift_left3A_2428 = arith.shli %xor3A_2424, %shift_left3A_2427 : vector<256x640xi32>
    %shift_right_logical3A_2429 = arith.constant 3 : i32
    %shift_right_logical3A_2430 = vector.broadcast %shift_right_logical3A_2429 : i32 to vector<256x640xi32>
    %shift_right_logical3A_2431 = arith.shrui %xor3A_2424, %shift_right_logical3A_2430 : vector<256x640xi32>
    %or3A_2432 = arith.ori %shift_left3A_2428, %shift_right_logical3A_2431 : vector<256x640xi32>
    %xor3A_2433 = arith.xori %or3A_2432, %add3A_2425 : vector<256x640xi32>
    %add3A_2434 = arith.addi %add3A_2425, %xor3A_2433 : vector<256x640xi32>
    %shift_left3A_2435 = arith.constant 16 : i32
    %shift_left3A_2436 = vector.broadcast %shift_left3A_2435 : i32 to vector<256x640xi32>
    %shift_left3A_2437 = arith.shli %xor3A_2433, %shift_left3A_2436 : vector<256x640xi32>
    %shift_right_logical3A_2438 = arith.constant 16 : i32
    %shift_right_logical3A_2439 = vector.broadcast %shift_right_logical3A_2438 : i32 to vector<256x640xi32>
    %shift_right_logical3A_2440 = arith.shrui %xor3A_2433, %shift_right_logical3A_2439 : vector<256x640xi32>
    %or3A_2441 = arith.ori %shift_left3A_2437, %shift_right_logical3A_2440 : vector<256x640xi32>
    %xor3A_2442 = arith.xori %or3A_2441, %add3A_2434 : vector<256x640xi32>
    %add3A_2443 = arith.addi %add3A_2434, %xor3A_2442 : vector<256x640xi32>
    %shift_left3A_2444 = arith.constant 24 : i32
    %shift_left3A_2445 = vector.broadcast %shift_left3A_2444 : i32 to vector<256x640xi32>
    %shift_left3A_2446 = arith.shli %xor3A_2442, %shift_left3A_2445 : vector<256x640xi32>
    %shift_right_logical3A_2447 = arith.constant 8 : i32
    %shift_right_logical3A_2448 = vector.broadcast %shift_right_logical3A_2447 : i32 to vector<256x640xi32>
    %shift_right_logical3A_2449 = arith.shrui %xor3A_2442, %shift_right_logical3A_2448 : vector<256x640xi32>
    %or3A_2450 = arith.ori %shift_left3A_2446, %shift_right_logical3A_2449 : vector<256x640xi32>
    %xor3A_2451 = arith.xori %or3A_2450, %add3A_2443 : vector<256x640xi32>
    %add3A_2452 = arith.constant 42 : i32
    %add3A_2453 = vector.broadcast %add3A_2452 : i32 to vector<256x640xi32>
    %add3A_2454 = arith.addi %add3A_2443, %add3A_2453 : vector<256x640xi32>
    %add3A_2455 = arith.constant 466689012 : i32
    %add3A_2456 = vector.broadcast %add3A_2455 : i32 to vector<256x640xi32>
    %add3A_2457 = arith.addi %xor3A_2451, %add3A_2456 : vector<256x640xi32>
    %add3A_2458 = arith.addi %add3A_2454, %add3A_2457 : vector<256x640xi32>
    %shift_left3A_2459 = arith.constant 13 : i32
    %shift_left3A_2460 = vector.broadcast %shift_left3A_2459 : i32 to vector<256x640xi32>
    %shift_left3A_2461 = arith.shli %add3A_2457, %shift_left3A_2460 : vector<256x640xi32>
    %shift_right_logical3A_2462 = arith.constant 19 : i32
    %shift_right_logical3A_2463 = vector.broadcast %shift_right_logical3A_2462 : i32 to vector<256x640xi32>
    %shift_right_logical3A_2464 = arith.shrui %add3A_2457, %shift_right_logical3A_2463 : vector<256x640xi32>
    %or3A_2465 = arith.ori %shift_left3A_2461, %shift_right_logical3A_2464 : vector<256x640xi32>
    %xor3A_2466 = arith.xori %or3A_2465, %add3A_2458 : vector<256x640xi32>
    %add3A_2467 = arith.addi %add3A_2458, %xor3A_2466 : vector<256x640xi32>
    %shift_left3A_2468 = arith.constant 15 : i32
    %shift_left3A_2469 = vector.broadcast %shift_left3A_2468 : i32 to vector<256x640xi32>
    %shift_left3A_2470 = arith.shli %xor3A_2466, %shift_left3A_2469 : vector<256x640xi32>
    %shift_right_logical3A_2471 = arith.constant 17 : i32
    %shift_right_logical3A_2472 = vector.broadcast %shift_right_logical3A_2471 : i32 to vector<256x640xi32>
    %shift_right_logical3A_2473 = arith.shrui %xor3A_2466, %shift_right_logical3A_2472 : vector<256x640xi32>
    %or3A_2474 = arith.ori %shift_left3A_2470, %shift_right_logical3A_2473 : vector<256x640xi32>
    %xor3A_2475 = arith.xori %or3A_2474, %add3A_2467 : vector<256x640xi32>
    %add3A_2476 = arith.addi %add3A_2467, %xor3A_2475 : vector<256x640xi32>
    %shift_left3A_2477 = arith.constant 26 : i32
    %shift_left3A_2478 = vector.broadcast %shift_left3A_2477 : i32 to vector<256x640xi32>
    %shift_left3A_2479 = arith.shli %xor3A_2475, %shift_left3A_2478 : vector<256x640xi32>
    %shift_right_logical3A_2480 = arith.constant 6 : i32
    %shift_right_logical3A_2481 = vector.broadcast %shift_right_logical3A_2480 : i32 to vector<256x640xi32>
    %shift_right_logical3A_2482 = arith.shrui %xor3A_2475, %shift_right_logical3A_2481 : vector<256x640xi32>
    %or3A_2483 = arith.ori %shift_left3A_2479, %shift_right_logical3A_2482 : vector<256x640xi32>
    %xor3A_2484 = arith.xori %or3A_2483, %add3A_2476 : vector<256x640xi32>
    %add3A_2485 = arith.addi %add3A_2476, %xor3A_2484 : vector<256x640xi32>
    %shift_left3A_2486 = arith.constant 6 : i32
    %shift_left3A_2487 = vector.broadcast %shift_left3A_2486 : i32 to vector<256x640xi32>
    %shift_left3A_2488 = arith.shli %xor3A_2484, %shift_left3A_2487 : vector<256x640xi32>
    %shift_right_logical3A_2489 = arith.constant 26 : i32
    %shift_right_logical3A_2490 = vector.broadcast %shift_right_logical3A_2489 : i32 to vector<256x640xi32>
    %shift_right_logical3A_2491 = arith.shrui %xor3A_2484, %shift_right_logical3A_2490 : vector<256x640xi32>
    %or3A_2492 = arith.ori %shift_left3A_2488, %shift_right_logical3A_2491 : vector<256x640xi32>
    %xor3A_2493 = arith.xori %or3A_2492, %add3A_2485 : vector<256x640xi32>
    %add3A_2494 = arith.constant 466689008 : i32
    %add3A_2495 = vector.broadcast %add3A_2494 : i32 to vector<256x640xi32>
    %add3A_2496 = arith.addi %add3A_2485, %add3A_2495 : vector<256x640xi32>
    %add3A_2497 = arith.constant 5 : i32
    %add3A_2498 = vector.broadcast %add3A_2497 : i32 to vector<256x640xi32>
    %add3A_2499 = arith.addi %xor3A_2493, %add3A_2498 : vector<256x640xi32>
    %xor3A_2500 = arith.xori %add3A_2496, %add3A_2499 : vector<256x640xi32>
    %shift_right_logical3A_2501 = arith.constant 9 : i32
    %shift_right_logical3A_2502 = vector.broadcast %shift_right_logical3A_2501 : i32 to vector<256x640xi32>
    %shift_right_logical3A_2503 = arith.shrui %xor3A_2500, %shift_right_logical3A_2502 : vector<256x640xi32>
    %or3A_2504 = arith.constant 1065353216 : i32
    %or3A_2505 = vector.broadcast %or3A_2504 : i32 to vector<256x640xi32>
    %or3A_2506 = arith.ori %shift_right_logical3A_2503, %or3A_2505 : vector<256x640xi32>
    %bitcast_convert_type3A_2507 = tpu.bitcast %or3A_2506 : vector<256x640xi32> -> vector<256x640xf32>
    %sub3A_2508 = arith.constant 1.000000e+00 : f32
    %sub3A_2509 = vector.broadcast %sub3A_2508 : f32 to vector<256x640xf32>
    %sub3A_2510 = arith.subf %bitcast_convert_type3A_2507, %sub3A_2509 : vector<256x640xf32>
    %add3A_2511 = arith.constant 1.17549435E-38 : f32
    %add3A_2512 = vector.broadcast %add3A_2511 : f32 to vector<256x640xf32>
    %add3A_2513 = arith.addf %sub3A_2510, %add3A_2512 : vector<256x640xf32>
    %log3A_2514 = math.log %add3A_2513 : vector<256x640xf32>
    %neg3A_2515 = arith.constant 0.000000e+00 : f32
    %neg3A_2516 = vector.broadcast %neg3A_2515 : f32 to vector<256x640xf32>
    %neg3A_2517 = arith.subf %neg3A_2516, %log3A_2514 : vector<256x640xf32>
    %log3A_2518 = math.log %neg3A_2517 : vector<256x640xf32>
    %neg3A_2519 = arith.constant 0.000000e+00 : f32
    %neg3A_2520 = vector.broadcast %neg3A_2519 : f32 to vector<256x640xf32>
    %neg3A_2521 = arith.subf %neg3A_2520, %log3A_2518 : vector<256x640xf32>
    %add3A_2522 = arith.addf %add3A_2284, %neg3A_2521 : vector<256x640xf32>
    %jit3A_2523 = arith.constant 0xFF800000 : f32
    %broadcast_in_dim3A_2524 = vector.broadcast %jit3A_2523 : f32 to vector<256x640xf32>
    %select_n3A_2525 = arith.select %lt3A_10, %add3A_2522, %broadcast_in_dim3A_2524 : vector<256x640xi1>, vector<256x640xf32>
    %reduce_max3A_2526 = arith.constant dense<0xFF800000> : vector<256xf32>
    %reduce_max3A_2527 = vector.multi_reduction <maximumf>, %select_n3A_2525, %reduce_max3A_2526 [1] : vector<256x640xf32> to vector<256xf32>
    %jit3A_2528 = arith.constant 0xFF800000 : f32
    %broadcast_in_dim3A_2529 = vector.broadcast %jit3A_2528 : f32 to vector<256x640xf32>
    %select_n3A_2530 = arith.select %lt3A_10, %broadcast_in_dim3A_2529, %add3A_2522 : vector<256x640xi1>, vector<256x640xf32>
    %reduce_max3A_2531 = arith.constant dense<0xFF800000> : vector<256xf32>
    %reduce_max3A_2532 = vector.multi_reduction <maximumf>, %select_n3A_2530, %reduce_max3A_2531 [1] : vector<256x640xf32> to vector<256xf32>
    %broadcast_in_dim3A_2533 = vector.shape_cast %reduce_max3A_2527 : vector<256xf32> to vector<256x1xf32>
    %broadcast_in_dim3A_2534 = vector.shape_cast %reduce_max3A_2532 : vector<256xf32> to vector<256x1xf32>
    %broadcast_in_dim3A_2535 = vector.shape_cast %broadcast_in_dim3A_2533 : vector<256x1xf32> to vector<256x1xf32>
    %broadcast_in_dim3A_2536 = vector.broadcast %broadcast_in_dim3A_2535 : vector<256x1xf32> to vector<256x640xf32>
    %broadcast_in_dim3A_2537 = vector.shape_cast %broadcast_in_dim3A_2534 : vector<256x1xf32> to vector<256x1xf32>
    %broadcast_in_dim3A_2538 = vector.broadcast %broadcast_in_dim3A_2537 : vector<256x1xf32> to vector<256x640xf32>
    %select_n3A_2539 = arith.select %lt3A_10, %broadcast_in_dim3A_2536, %broadcast_in_dim3A_2538 : vector<256x640xi1>, vector<256x640xf32>
    %eq3A_2540 = arith.cmpf oeq, %add3A_2522, %select_n3A_2539 : vector<256x640xf32>
    %jit3A_2541 = arith.constant 1.000000e+00 : f32
    %jit3A_2542 = arith.constant 0.000000e+00 : f32
    %broadcast_in_dim3A_2543 = vector.broadcast %jit3A_2541 : f32 to vector<256x640xf32>
    %broadcast_in_dim3A_2544 = vector.broadcast %jit3A_2542 : f32 to vector<256x640xf32>
    %select_n3A_2545 = arith.select %eq3A_2540, %broadcast_in_dim3A_2543, %broadcast_in_dim3A_2544 : vector<256x640xi1>, vector<256x640xf32>
    %slice3A_2546 = vector.extract_strided_slice %select_n3A_2545 {offsets = [0, 0], sizes = [256, 320], strides = [1, 1]} : vector<256x640xf32> to vector<256x320xf32>
    %swap3A_2547 = arith.constant 0 : index
    %swap3A_2548 = arith.constant 16 : index
    %swap3A_2549 = arith.constant 0 : index
    %swap3A_2550 = vector.load %arg4[%swap3A_2547, %swap3A_2548, %swap3A_2549] : memref<256x32x320xf32, #tpu.memory_space<vmem>>, vector<256x1x320xf32>
    %swap3A_2551 = vector.shape_cast %swap3A_2550 : vector<256x1x320xf32> to vector<256x320xf32>
    %swap3A_2552 = vector.shape_cast %slice3A_2546 : vector<256x320xf32> to vector<256x1x320xf32>
    tpu.vector_store %arg4[%swap3A_2547, %swap3A_2548, %swap3A_2549], %swap3A_2552 {strides = array<i32>} : memref<256x32x320xf32, #tpu.memory_space<vmem>>, vector<256x1x320xf32>,
    %slice3A_2553 = vector.extract_strided_slice %select_n3A_2545 {offsets = [0, 320], sizes = [256, 320], strides = [1, 1]} : vector<256x640xf32> to vector<256x320xf32>
    %swap3A_2554 = arith.constant 0 : index
    %swap3A_2555 = arith.constant 17 : index
    %swap3A_2556 = arith.constant 0 : index
    %swap3A_2557 = vector.load %arg4[%swap3A_2554, %swap3A_2555, %swap3A_2556] : memref<256x32x320xf32, #tpu.memory_space<vmem>>, vector<256x1x320xf32>
    %swap3A_2558 = vector.shape_cast %swap3A_2557 : vector<256x1x320xf32> to vector<256x320xf32>
    %swap3A_2559 = vector.shape_cast %slice3A_2553 : vector<256x320xf32> to vector<256x1x320xf32>
    tpu.vector_store %arg4[%swap3A_2554, %swap3A_2555, %swap3A_2556], %swap3A_2559 {strides = array<i32>} : memref<256x32x320xf32, #tpu.memory_space<vmem>>, vector<256x1x320xf32>,
    %get3A_2560 = arith.constant 0 : index
    %get3A_2561 = arith.constant 5760 : index
    %get3A_2562 = vector.load %arg2[%get3A_2560, %get3A_2561] : memref<256x10240xf32, #tpu.memory_space<vmem>>, vector<256x640xf32>
    %dot_general3A_2563 = arith.constant dense<0.000000e+00> : vector<256x640xf32>
    %dot_general3A_2564 = tpu.matmul %get3A_2, %get3A_2562, %dot_general3A_2563 {dimension_numbers = #tpu.dot_dimension_numbers<[1], [0], [0], [1], [0, 0, 1, 1], [], []>, transpose_lhs_hint = false} : vector<256x256xf32>, vector<256x640xf32>, vector<256x640xf32> -> vector<256x640xf32>
    %get3A_2565 = arith.constant 0 : index
    %get3A_2566 = arith.constant 5760 : index
    %get3A_2567 = vector.load %arg3[%get3A_2565, %get3A_2566] : memref<1x10240xf32, #tpu.memory_space<vmem>>, vector<1x640xf32>
    %add3A_2568 = vector.broadcast %get3A_2567 : vector<1x640xf32> to vector<256x640xf32>
    %add3A_2569 = arith.addf %dot_general3A_2564, %add3A_2568 : vector<256x640xf32>
    %add3A_2570 = arith.constant 5760 : i32
    %add3A_2571 = vector.broadcast %add3A_2570 : i32 to vector<256x640xi32>
    %add3A_2572 = arith.addi %add3A_8, %add3A_2571 : vector<256x640xi32>
    %broadcast_in_dim3A_2573 = arith.constant 0 : i32
    %broadcast_in_dim3A_2574 = vector.broadcast %broadcast_in_dim3A_2573 : i32 to vector<256x640xi32>
    %add3A_2575 = arith.constant 42 : i32
    %add3A_2576 = vector.broadcast %add3A_2575 : i32 to vector<256x640xi32>
    %add3A_2577 = arith.addi %add3A_2572, %add3A_2576 : vector<256x640xi32>
    %add3A_2578 = arith.addi %broadcast_in_dim3A_2574, %add3A_2577 : vector<256x640xi32>
    %shift_left3A_2579 = arith.constant 13 : i32
    %shift_left3A_2580 = vector.broadcast %shift_left3A_2579 : i32 to vector<256x640xi32>
    %shift_left3A_2581 = arith.shli %add3A_2577, %shift_left3A_2580 : vector<256x640xi32>
    %shift_right_logical3A_2582 = arith.constant 19 : i32
    %shift_right_logical3A_2583 = vector.broadcast %shift_right_logical3A_2582 : i32 to vector<256x640xi32>
    %shift_right_logical3A_2584 = arith.shrui %add3A_2577, %shift_right_logical3A_2583 : vector<256x640xi32>
    %or3A_2585 = arith.ori %shift_left3A_2581, %shift_right_logical3A_2584 : vector<256x640xi32>
    %xor3A_2586 = arith.xori %or3A_2585, %add3A_2578 : vector<256x640xi32>
    %add3A_2587 = arith.addi %add3A_2578, %xor3A_2586 : vector<256x640xi32>
    %shift_left3A_2588 = arith.constant 15 : i32
    %shift_left3A_2589 = vector.broadcast %shift_left3A_2588 : i32 to vector<256x640xi32>
    %shift_left3A_2590 = arith.shli %xor3A_2586, %shift_left3A_2589 : vector<256x640xi32>
    %shift_right_logical3A_2591 = arith.constant 17 : i32
    %shift_right_logical3A_2592 = vector.broadcast %shift_right_logical3A_2591 : i32 to vector<256x640xi32>
    %shift_right_logical3A_2593 = arith.shrui %xor3A_2586, %shift_right_logical3A_2592 : vector<256x640xi32>
    %or3A_2594 = arith.ori %shift_left3A_2590, %shift_right_logical3A_2593 : vector<256x640xi32>
    %xor3A_2595 = arith.xori %or3A_2594, %add3A_2587 : vector<256x640xi32>
    %add3A_2596 = arith.addi %add3A_2587, %xor3A_2595 : vector<256x640xi32>
    %shift_left3A_2597 = arith.constant 26 : i32
    %shift_left3A_2598 = vector.broadcast %shift_left3A_2597 : i32 to vector<256x640xi32>
    %shift_left3A_2599 = arith.shli %xor3A_2595, %shift_left3A_2598 : vector<256x640xi32>
    %shift_right_logical3A_2600 = arith.constant 6 : i32
    %shift_right_logical3A_2601 = vector.broadcast %shift_right_logical3A_2600 : i32 to vector<256x640xi32>
    %shift_right_logical3A_2602 = arith.shrui %xor3A_2595, %shift_right_logical3A_2601 : vector<256x640xi32>
    %or3A_2603 = arith.ori %shift_left3A_2599, %shift_right_logical3A_2602 : vector<256x640xi32>
    %xor3A_2604 = arith.xori %or3A_2603, %add3A_2596 : vector<256x640xi32>
    %add3A_2605 = arith.addi %add3A_2596, %xor3A_2604 : vector<256x640xi32>
    %shift_left3A_2606 = arith.constant 6 : i32
    %shift_left3A_2607 = vector.broadcast %shift_left3A_2606 : i32 to vector<256x640xi32>
    %shift_left3A_2608 = arith.shli %xor3A_2604, %shift_left3A_2607 : vector<256x640xi32>
    %shift_right_logical3A_2609 = arith.constant 26 : i32
    %shift_right_logical3A_2610 = vector.broadcast %shift_right_logical3A_2609 : i32 to vector<256x640xi32>
    %shift_right_logical3A_2611 = arith.shrui %xor3A_2604, %shift_right_logical3A_2610 : vector<256x640xi32>
    %or3A_2612 = arith.ori %shift_left3A_2608, %shift_right_logical3A_2611 : vector<256x640xi32>
    %xor3A_2613 = arith.xori %or3A_2612, %add3A_2605 : vector<256x640xi32>
    %add3A_2614 = arith.constant 42 : i32
    %add3A_2615 = vector.broadcast %add3A_2614 : i32 to vector<256x640xi32>
    %add3A_2616 = arith.addi %add3A_2605, %add3A_2615 : vector<256x640xi32>
    %add3A_2617 = arith.constant 466689009 : i32
    %add3A_2618 = vector.broadcast %add3A_2617 : i32 to vector<256x640xi32>
    %add3A_2619 = arith.addi %xor3A_2613, %add3A_2618 : vector<256x640xi32>
    %add3A_2620 = arith.addi %add3A_2616, %add3A_2619 : vector<256x640xi32>
    %shift_left3A_2621 = arith.constant 17 : i32
    %shift_left3A_2622 = vector.broadcast %shift_left3A_2621 : i32 to vector<256x640xi32>
    %shift_left3A_2623 = arith.shli %add3A_2619, %shift_left3A_2622 : vector<256x640xi32>
    %shift_right_logical3A_2624 = arith.constant 15 : i32
    %shift_right_logical3A_2625 = vector.broadcast %shift_right_logical3A_2624 : i32 to vector<256x640xi32>
    %shift_right_logical3A_2626 = arith.shrui %add3A_2619, %shift_right_logical3A_2625 : vector<256x640xi32>
    %or3A_2627 = arith.ori %shift_left3A_2623, %shift_right_logical3A_2626 : vector<256x640xi32>
    %xor3A_2628 = arith.xori %or3A_2627, %add3A_2620 : vector<256x640xi32>
    %add3A_2629 = arith.addi %add3A_2620, %xor3A_2628 : vector<256x640xi32>
    %shift_left3A_2630 = arith.constant 29 : i32
    %shift_left3A_2631 = vector.broadcast %shift_left3A_2630 : i32 to vector<256x640xi32>
    %shift_left3A_2632 = arith.shli %xor3A_2628, %shift_left3A_2631 : vector<256x640xi32>
    %shift_right_logical3A_2633 = arith.constant 3 : i32
    %shift_right_logical3A_2634 = vector.broadcast %shift_right_logical3A_2633 : i32 to vector<256x640xi32>
    %shift_right_logical3A_2635 = arith.shrui %xor3A_2628, %shift_right_logical3A_2634 : vector<256x640xi32>
    %or3A_2636 = arith.ori %shift_left3A_2632, %shift_right_logical3A_2635 : vector<256x640xi32>
    %xor3A_2637 = arith.xori %or3A_2636, %add3A_2629 : vector<256x640xi32>
    %add3A_2638 = arith.addi %add3A_2629, %xor3A_2637 : vector<256x640xi32>
    %shift_left3A_2639 = arith.constant 16 : i32
    %shift_left3A_2640 = vector.broadcast %shift_left3A_2639 : i32 to vector<256x640xi32>
    %shift_left3A_2641 = arith.shli %xor3A_2637, %shift_left3A_2640 : vector<256x640xi32>
    %shift_right_logical3A_2642 = arith.constant 16 : i32
    %shift_right_logical3A_2643 = vector.broadcast %shift_right_logical3A_2642 : i32 to vector<256x640xi32>
    %shift_right_logical3A_2644 = arith.shrui %xor3A_2637, %shift_right_logical3A_2643 : vector<256x640xi32>
    %or3A_2645 = arith.ori %shift_left3A_2641, %shift_right_logical3A_2644 : vector<256x640xi32>
    %xor3A_2646 = arith.xori %or3A_2645, %add3A_2638 : vector<256x640xi32>
    %add3A_2647 = arith.addi %add3A_2638, %xor3A_2646 : vector<256x640xi32>
    %shift_left3A_2648 = arith.constant 24 : i32
    %shift_left3A_2649 = vector.broadcast %shift_left3A_2648 : i32 to vector<256x640xi32>
    %shift_left3A_2650 = arith.shli %xor3A_2646, %shift_left3A_2649 : vector<256x640xi32>
    %shift_right_logical3A_2651 = arith.constant 8 : i32
    %shift_right_logical3A_2652 = vector.broadcast %shift_right_logical3A_2651 : i32 to vector<256x640xi32>
    %shift_right_logical3A_2653 = arith.shrui %xor3A_2646, %shift_right_logical3A_2652 : vector<256x640xi32>
    %or3A_2654 = arith.ori %shift_left3A_2650, %shift_right_logical3A_2653 : vector<256x640xi32>
    %xor3A_2655 = arith.xori %or3A_2654, %add3A_2647 : vector<256x640xi32>
    %add3A_2656 = arith.constant 466689008 : i32
    %add3A_2657 = vector.broadcast %add3A_2656 : i32 to vector<256x640xi32>
    %add3A_2658 = arith.addi %add3A_2647, %add3A_2657 : vector<256x640xi32>
    %add3A_2659 = arith.constant 2 : i32
    %add3A_2660 = vector.broadcast %add3A_2659 : i32 to vector<256x640xi32>
    %add3A_2661 = arith.addi %xor3A_2655, %add3A_2660 : vector<256x640xi32>
    %add3A_2662 = arith.addi %add3A_2658, %add3A_2661 : vector<256x640xi32>
    %shift_left3A_2663 = arith.constant 13 : i32
    %shift_left3A_2664 = vector.broadcast %shift_left3A_2663 : i32 to vector<256x640xi32>
    %shift_left3A_2665 = arith.shli %add3A_2661, %shift_left3A_2664 : vector<256x640xi32>
    %shift_right_logical3A_2666 = arith.constant 19 : i32
    %shift_right_logical3A_2667 = vector.broadcast %shift_right_logical3A_2666 : i32 to vector<256x640xi32>
    %shift_right_logical3A_2668 = arith.shrui %add3A_2661, %shift_right_logical3A_2667 : vector<256x640xi32>
    %or3A_2669 = arith.ori %shift_left3A_2665, %shift_right_logical3A_2668 : vector<256x640xi32>
    %xor3A_2670 = arith.xori %or3A_2669, %add3A_2662 : vector<256x640xi32>
    %add3A_2671 = arith.addi %add3A_2662, %xor3A_2670 : vector<256x640xi32>
    %shift_left3A_2672 = arith.constant 15 : i32
    %shift_left3A_2673 = vector.broadcast %shift_left3A_2672 : i32 to vector<256x640xi32>
    %shift_left3A_2674 = arith.shli %xor3A_2670, %shift_left3A_2673 : vector<256x640xi32>
    %shift_right_logical3A_2675 = arith.constant 17 : i32
    %shift_right_logical3A_2676 = vector.broadcast %shift_right_logical3A_2675 : i32 to vector<256x640xi32>
    %shift_right_logical3A_2677 = arith.shrui %xor3A_2670, %shift_right_logical3A_2676 : vector<256x640xi32>
    %or3A_2678 = arith.ori %shift_left3A_2674, %shift_right_logical3A_2677 : vector<256x640xi32>
    %xor3A_2679 = arith.xori %or3A_2678, %add3A_2671 : vector<256x640xi32>
    %add3A_2680 = arith.addi %add3A_2671, %xor3A_2679 : vector<256x640xi32>
    %shift_left3A_2681 = arith.constant 26 : i32
    %shift_left3A_2682 = vector.broadcast %shift_left3A_2681 : i32 to vector<256x640xi32>
    %shift_left3A_2683 = arith.shli %xor3A_2679, %shift_left3A_2682 : vector<256x640xi32>
    %shift_right_logical3A_2684 = arith.constant 6 : i32
    %shift_right_logical3A_2685 = vector.broadcast %shift_right_logical3A_2684 : i32 to vector<256x640xi32>
    %shift_right_logical3A_2686 = arith.shrui %xor3A_2679, %shift_right_logical3A_2685 : vector<256x640xi32>
    %or3A_2687 = arith.ori %shift_left3A_2683, %shift_right_logical3A_2686 : vector<256x640xi32>
    %xor3A_2688 = arith.xori %or3A_2687, %add3A_2680 : vector<256x640xi32>
    %add3A_2689 = arith.addi %add3A_2680, %xor3A_2688 : vector<256x640xi32>
    %shift_left3A_2690 = arith.constant 6 : i32
    %shift_left3A_2691 = vector.broadcast %shift_left3A_2690 : i32 to vector<256x640xi32>
    %shift_left3A_2692 = arith.shli %xor3A_2688, %shift_left3A_2691 : vector<256x640xi32>
    %shift_right_logical3A_2693 = arith.constant 26 : i32
    %shift_right_logical3A_2694 = vector.broadcast %shift_right_logical3A_2693 : i32 to vector<256x640xi32>
    %shift_right_logical3A_2695 = arith.shrui %xor3A_2688, %shift_right_logical3A_2694 : vector<256x640xi32>
    %or3A_2696 = arith.ori %shift_left3A_2692, %shift_right_logical3A_2695 : vector<256x640xi32>
    %xor3A_2697 = arith.xori %or3A_2696, %add3A_2689 : vector<256x640xi32>
    %add3A_2698 = arith.constant 45 : i32
    %add3A_2699 = vector.broadcast %add3A_2698 : i32 to vector<256x640xi32>
    %add3A_2700 = arith.addi %xor3A_2697, %add3A_2699 : vector<256x640xi32>
    %add3A_2701 = arith.addi %add3A_2689, %add3A_2700 : vector<256x640xi32>
    %shift_left3A_2702 = arith.constant 17 : i32
    %shift_left3A_2703 = vector.broadcast %shift_left3A_2702 : i32 to vector<256x640xi32>
    %shift_left3A_2704 = arith.shli %add3A_2700, %shift_left3A_2703 : vector<256x640xi32>
    %shift_right_logical3A_2705 = arith.constant 15 : i32
    %shift_right_logical3A_2706 = vector.broadcast %shift_right_logical3A_2705 : i32 to vector<256x640xi32>
    %shift_right_logical3A_2707 = arith.shrui %add3A_2700, %shift_right_logical3A_2706 : vector<256x640xi32>
    %or3A_2708 = arith.ori %shift_left3A_2704, %shift_right_logical3A_2707 : vector<256x640xi32>
    %xor3A_2709 = arith.xori %or3A_2708, %add3A_2701 : vector<256x640xi32>
    %add3A_2710 = arith.addi %add3A_2701, %xor3A_2709 : vector<256x640xi32>
    %shift_left3A_2711 = arith.constant 29 : i32
    %shift_left3A_2712 = vector.broadcast %shift_left3A_2711 : i32 to vector<256x640xi32>
    %shift_left3A_2713 = arith.shli %xor3A_2709, %shift_left3A_2712 : vector<256x640xi32>
    %shift_right_logical3A_2714 = arith.constant 3 : i32
    %shift_right_logical3A_2715 = vector.broadcast %shift_right_logical3A_2714 : i32 to vector<256x640xi32>
    %shift_right_logical3A_2716 = arith.shrui %xor3A_2709, %shift_right_logical3A_2715 : vector<256x640xi32>
    %or3A_2717 = arith.ori %shift_left3A_2713, %shift_right_logical3A_2716 : vector<256x640xi32>
    %xor3A_2718 = arith.xori %or3A_2717, %add3A_2710 : vector<256x640xi32>
    %add3A_2719 = arith.addi %add3A_2710, %xor3A_2718 : vector<256x640xi32>
    %shift_left3A_2720 = arith.constant 16 : i32
    %shift_left3A_2721 = vector.broadcast %shift_left3A_2720 : i32 to vector<256x640xi32>
    %shift_left3A_2722 = arith.shli %xor3A_2718, %shift_left3A_2721 : vector<256x640xi32>
    %shift_right_logical3A_2723 = arith.constant 16 : i32
    %shift_right_logical3A_2724 = vector.broadcast %shift_right_logical3A_2723 : i32 to vector<256x640xi32>
    %shift_right_logical3A_2725 = arith.shrui %xor3A_2718, %shift_right_logical3A_2724 : vector<256x640xi32>
    %or3A_2726 = arith.ori %shift_left3A_2722, %shift_right_logical3A_2725 : vector<256x640xi32>
    %xor3A_2727 = arith.xori %or3A_2726, %add3A_2719 : vector<256x640xi32>
    %add3A_2728 = arith.addi %add3A_2719, %xor3A_2727 : vector<256x640xi32>
    %shift_left3A_2729 = arith.constant 24 : i32
    %shift_left3A_2730 = vector.broadcast %shift_left3A_2729 : i32 to vector<256x640xi32>
    %shift_left3A_2731 = arith.shli %xor3A_2727, %shift_left3A_2730 : vector<256x640xi32>
    %shift_right_logical3A_2732 = arith.constant 8 : i32
    %shift_right_logical3A_2733 = vector.broadcast %shift_right_logical3A_2732 : i32 to vector<256x640xi32>
    %shift_right_logical3A_2734 = arith.shrui %xor3A_2727, %shift_right_logical3A_2733 : vector<256x640xi32>
    %or3A_2735 = arith.ori %shift_left3A_2731, %shift_right_logical3A_2734 : vector<256x640xi32>
    %xor3A_2736 = arith.xori %or3A_2735, %add3A_2728 : vector<256x640xi32>
    %add3A_2737 = arith.constant 42 : i32
    %add3A_2738 = vector.broadcast %add3A_2737 : i32 to vector<256x640xi32>
    %add3A_2739 = arith.addi %add3A_2728, %add3A_2738 : vector<256x640xi32>
    %add3A_2740 = arith.constant 466689012 : i32
    %add3A_2741 = vector.broadcast %add3A_2740 : i32 to vector<256x640xi32>
    %add3A_2742 = arith.addi %xor3A_2736, %add3A_2741 : vector<256x640xi32>
    %add3A_2743 = arith.addi %add3A_2739, %add3A_2742 : vector<256x640xi32>
    %shift_left3A_2744 = arith.constant 13 : i32
    %shift_left3A_2745 = vector.broadcast %shift_left3A_2744 : i32 to vector<256x640xi32>
    %shift_left3A_2746 = arith.shli %add3A_2742, %shift_left3A_2745 : vector<256x640xi32>
    %shift_right_logical3A_2747 = arith.constant 19 : i32
    %shift_right_logical3A_2748 = vector.broadcast %shift_right_logical3A_2747 : i32 to vector<256x640xi32>
    %shift_right_logical3A_2749 = arith.shrui %add3A_2742, %shift_right_logical3A_2748 : vector<256x640xi32>
    %or3A_2750 = arith.ori %shift_left3A_2746, %shift_right_logical3A_2749 : vector<256x640xi32>
    %xor3A_2751 = arith.xori %or3A_2750, %add3A_2743 : vector<256x640xi32>
    %add3A_2752 = arith.addi %add3A_2743, %xor3A_2751 : vector<256x640xi32>
    %shift_left3A_2753 = arith.constant 15 : i32
    %shift_left3A_2754 = vector.broadcast %shift_left3A_2753 : i32 to vector<256x640xi32>
    %shift_left3A_2755 = arith.shli %xor3A_2751, %shift_left3A_2754 : vector<256x640xi32>
    %shift_right_logical3A_2756 = arith.constant 17 : i32
    %shift_right_logical3A_2757 = vector.broadcast %shift_right_logical3A_2756 : i32 to vector<256x640xi32>
    %shift_right_logical3A_2758 = arith.shrui %xor3A_2751, %shift_right_logical3A_2757 : vector<256x640xi32>
    %or3A_2759 = arith.ori %shift_left3A_2755, %shift_right_logical3A_2758 : vector<256x640xi32>
    %xor3A_2760 = arith.xori %or3A_2759, %add3A_2752 : vector<256x640xi32>
    %add3A_2761 = arith.addi %add3A_2752, %xor3A_2760 : vector<256x640xi32>
    %shift_left3A_2762 = arith.constant 26 : i32
    %shift_left3A_2763 = vector.broadcast %shift_left3A_2762 : i32 to vector<256x640xi32>
    %shift_left3A_2764 = arith.shli %xor3A_2760, %shift_left3A_2763 : vector<256x640xi32>
    %shift_right_logical3A_2765 = arith.constant 6 : i32
    %shift_right_logical3A_2766 = vector.broadcast %shift_right_logical3A_2765 : i32 to vector<256x640xi32>
    %shift_right_logical3A_2767 = arith.shrui %xor3A_2760, %shift_right_logical3A_2766 : vector<256x640xi32>
    %or3A_2768 = arith.ori %shift_left3A_2764, %shift_right_logical3A_2767 : vector<256x640xi32>
    %xor3A_2769 = arith.xori %or3A_2768, %add3A_2761 : vector<256x640xi32>
    %add3A_2770 = arith.addi %add3A_2761, %xor3A_2769 : vector<256x640xi32>
    %shift_left3A_2771 = arith.constant 6 : i32
    %shift_left3A_2772 = vector.broadcast %shift_left3A_2771 : i32 to vector<256x640xi32>
    %shift_left3A_2773 = arith.shli %xor3A_2769, %shift_left3A_2772 : vector<256x640xi32>
    %shift_right_logical3A_2774 = arith.constant 26 : i32
    %shift_right_logical3A_2775 = vector.broadcast %shift_right_logical3A_2774 : i32 to vector<256x640xi32>
    %shift_right_logical3A_2776 = arith.shrui %xor3A_2769, %shift_right_logical3A_2775 : vector<256x640xi32>
    %or3A_2777 = arith.ori %shift_left3A_2773, %shift_right_logical3A_2776 : vector<256x640xi32>
    %xor3A_2778 = arith.xori %or3A_2777, %add3A_2770 : vector<256x640xi32>
    %add3A_2779 = arith.constant 466689008 : i32
    %add3A_2780 = vector.broadcast %add3A_2779 : i32 to vector<256x640xi32>
    %add3A_2781 = arith.addi %add3A_2770, %add3A_2780 : vector<256x640xi32>
    %add3A_2782 = arith.constant 5 : i32
    %add3A_2783 = vector.broadcast %add3A_2782 : i32 to vector<256x640xi32>
    %add3A_2784 = arith.addi %xor3A_2778, %add3A_2783 : vector<256x640xi32>
    %xor3A_2785 = arith.xori %add3A_2781, %add3A_2784 : vector<256x640xi32>
    %shift_right_logical3A_2786 = arith.constant 9 : i32
    %shift_right_logical3A_2787 = vector.broadcast %shift_right_logical3A_2786 : i32 to vector<256x640xi32>
    %shift_right_logical3A_2788 = arith.shrui %xor3A_2785, %shift_right_logical3A_2787 : vector<256x640xi32>
    %or3A_2789 = arith.constant 1065353216 : i32
    %or3A_2790 = vector.broadcast %or3A_2789 : i32 to vector<256x640xi32>
    %or3A_2791 = arith.ori %shift_right_logical3A_2788, %or3A_2790 : vector<256x640xi32>
    %bitcast_convert_type3A_2792 = tpu.bitcast %or3A_2791 : vector<256x640xi32> -> vector<256x640xf32>
    %sub3A_2793 = arith.constant 1.000000e+00 : f32
    %sub3A_2794 = vector.broadcast %sub3A_2793 : f32 to vector<256x640xf32>
    %sub3A_2795 = arith.subf %bitcast_convert_type3A_2792, %sub3A_2794 : vector<256x640xf32>
    %add3A_2796 = arith.constant 1.17549435E-38 : f32
    %add3A_2797 = vector.broadcast %add3A_2796 : f32 to vector<256x640xf32>
    %add3A_2798 = arith.addf %sub3A_2795, %add3A_2797 : vector<256x640xf32>
    %log3A_2799 = math.log %add3A_2798 : vector<256x640xf32>
    %neg3A_2800 = arith.constant 0.000000e+00 : f32
    %neg3A_2801 = vector.broadcast %neg3A_2800 : f32 to vector<256x640xf32>
    %neg3A_2802 = arith.subf %neg3A_2801, %log3A_2799 : vector<256x640xf32>
    %log3A_2803 = math.log %neg3A_2802 : vector<256x640xf32>
    %neg3A_2804 = arith.constant 0.000000e+00 : f32
    %neg3A_2805 = vector.broadcast %neg3A_2804 : f32 to vector<256x640xf32>
    %neg3A_2806 = arith.subf %neg3A_2805, %log3A_2803 : vector<256x640xf32>
    %add3A_2807 = arith.addf %add3A_2569, %neg3A_2806 : vector<256x640xf32>
    %jit3A_2808 = arith.constant 0xFF800000 : f32
    %broadcast_in_dim3A_2809 = vector.broadcast %jit3A_2808 : f32 to vector<256x640xf32>
    %select_n3A_2810 = arith.select %lt3A_10, %add3A_2807, %broadcast_in_dim3A_2809 : vector<256x640xi1>, vector<256x640xf32>
    %reduce_max3A_2811 = arith.constant dense<0xFF800000> : vector<256xf32>
    %reduce_max3A_2812 = vector.multi_reduction <maximumf>, %select_n3A_2810, %reduce_max3A_2811 [1] : vector<256x640xf32> to vector<256xf32>
    %jit3A_2813 = arith.constant 0xFF800000 : f32
    %broadcast_in_dim3A_2814 = vector.broadcast %jit3A_2813 : f32 to vector<256x640xf32>
    %select_n3A_2815 = arith.select %lt3A_10, %broadcast_in_dim3A_2814, %add3A_2807 : vector<256x640xi1>, vector<256x640xf32>
    %reduce_max3A_2816 = arith.constant dense<0xFF800000> : vector<256xf32>
    %reduce_max3A_2817 = vector.multi_reduction <maximumf>, %select_n3A_2815, %reduce_max3A_2816 [1] : vector<256x640xf32> to vector<256xf32>
    %broadcast_in_dim3A_2818 = vector.shape_cast %reduce_max3A_2812 : vector<256xf32> to vector<256x1xf32>
    %broadcast_in_dim3A_2819 = vector.shape_cast %reduce_max3A_2817 : vector<256xf32> to vector<256x1xf32>
    %broadcast_in_dim3A_2820 = vector.shape_cast %broadcast_in_dim3A_2818 : vector<256x1xf32> to vector<256x1xf32>
    %broadcast_in_dim3A_2821 = vector.broadcast %broadcast_in_dim3A_2820 : vector<256x1xf32> to vector<256x640xf32>
    %broadcast_in_dim3A_2822 = vector.shape_cast %broadcast_in_dim3A_2819 : vector<256x1xf32> to vector<256x1xf32>
    %broadcast_in_dim3A_2823 = vector.broadcast %broadcast_in_dim3A_2822 : vector<256x1xf32> to vector<256x640xf32>
    %select_n3A_2824 = arith.select %lt3A_10, %broadcast_in_dim3A_2821, %broadcast_in_dim3A_2823 : vector<256x640xi1>, vector<256x640xf32>
    %eq3A_2825 = arith.cmpf oeq, %add3A_2807, %select_n3A_2824 : vector<256x640xf32>
    %jit3A_2826 = arith.constant 1.000000e+00 : f32
    %jit3A_2827 = arith.constant 0.000000e+00 : f32
    %broadcast_in_dim3A_2828 = vector.broadcast %jit3A_2826 : f32 to vector<256x640xf32>
    %broadcast_in_dim3A_2829 = vector.broadcast %jit3A_2827 : f32 to vector<256x640xf32>
    %select_n3A_2830 = arith.select %eq3A_2825, %broadcast_in_dim3A_2828, %broadcast_in_dim3A_2829 : vector<256x640xi1>, vector<256x640xf32>
    %slice3A_2831 = vector.extract_strided_slice %select_n3A_2830 {offsets = [0, 0], sizes = [256, 320], strides = [1, 1]} : vector<256x640xf32> to vector<256x320xf32>
    %swap3A_2832 = arith.constant 0 : index
    %swap3A_2833 = arith.constant 18 : index
    %swap3A_2834 = arith.constant 0 : index
    %swap3A_2835 = vector.load %arg4[%swap3A_2832, %swap3A_2833, %swap3A_2834] : memref<256x32x320xf32, #tpu.memory_space<vmem>>, vector<256x1x320xf32>
    %swap3A_2836 = vector.shape_cast %swap3A_2835 : vector<256x1x320xf32> to vector<256x320xf32>
    %swap3A_2837 = vector.shape_cast %slice3A_2831 : vector<256x320xf32> to vector<256x1x320xf32>
    tpu.vector_store %arg4[%swap3A_2832, %swap3A_2833, %swap3A_2834], %swap3A_2837 {strides = array<i32>} : memref<256x32x320xf32, #tpu.memory_space<vmem>>, vector<256x1x320xf32>,
    %slice3A_2838 = vector.extract_strided_slice %select_n3A_2830 {offsets = [0, 320], sizes = [256, 320], strides = [1, 1]} : vector<256x640xf32> to vector<256x320xf32>
    %swap3A_2839 = arith.constant 0 : index
    %swap3A_2840 = arith.constant 19 : index
    %swap3A_2841 = arith.constant 0 : index
    %swap3A_2842 = vector.load %arg4[%swap3A_2839, %swap3A_2840, %swap3A_2841] : memref<256x32x320xf32, #tpu.memory_space<vmem>>, vector<256x1x320xf32>
    %swap3A_2843 = vector.shape_cast %swap3A_2842 : vector<256x1x320xf32> to vector<256x320xf32>
    %swap3A_2844 = vector.shape_cast %slice3A_2838 : vector<256x320xf32> to vector<256x1x320xf32>
    tpu.vector_store %arg4[%swap3A_2839, %swap3A_2840, %swap3A_2841], %swap3A_2844 {strides = array<i32>} : memref<256x32x320xf32, #tpu.memory_space<vmem>>, vector<256x1x320xf32>,
    %get3A_2845 = arith.constant 0 : index
    %get3A_2846 = arith.constant 6400 : index
    %get3A_2847 = vector.load %arg2[%get3A_2845, %get3A_2846] : memref<256x10240xf32, #tpu.memory_space<vmem>>, vector<256x640xf32>
    %dot_general3A_2848 = arith.constant dense<0.000000e+00> : vector<256x640xf32>
    %dot_general3A_2849 = tpu.matmul %get3A_2, %get3A_2847, %dot_general3A_2848 {dimension_numbers = #tpu.dot_dimension_numbers<[1], [0], [0], [1], [0, 0, 1, 1], [], []>, transpose_lhs_hint = false} : vector<256x256xf32>, vector<256x640xf32>, vector<256x640xf32> -> vector<256x640xf32>
    %get3A_2850 = arith.constant 0 : index
    %get3A_2851 = arith.constant 6400 : index
    %get3A_2852 = vector.load %arg3[%get3A_2850, %get3A_2851] : memref<1x10240xf32, #tpu.memory_space<vmem>>, vector<1x640xf32>
    %add3A_2853 = vector.broadcast %get3A_2852 : vector<1x640xf32> to vector<256x640xf32>
    %add3A_2854 = arith.addf %dot_general3A_2849, %add3A_2853 : vector<256x640xf32>
    %add3A_2855 = arith.constant 6400 : i32
    %add3A_2856 = vector.broadcast %add3A_2855 : i32 to vector<256x640xi32>
    %add3A_2857 = arith.addi %add3A_8, %add3A_2856 : vector<256x640xi32>
    %broadcast_in_dim3A_2858 = arith.constant 0 : i32
    %broadcast_in_dim3A_2859 = vector.broadcast %broadcast_in_dim3A_2858 : i32 to vector<256x640xi32>
    %add3A_2860 = arith.constant 42 : i32
    %add3A_2861 = vector.broadcast %add3A_2860 : i32 to vector<256x640xi32>
    %add3A_2862 = arith.addi %add3A_2857, %add3A_2861 : vector<256x640xi32>
    %add3A_2863 = arith.addi %broadcast_in_dim3A_2859, %add3A_2862 : vector<256x640xi32>
    %shift_left3A_2864 = arith.constant 13 : i32
    %shift_left3A_2865 = vector.broadcast %shift_left3A_2864 : i32 to vector<256x640xi32>
    %shift_left3A_2866 = arith.shli %add3A_2862, %shift_left3A_2865 : vector<256x640xi32>
    %shift_right_logical3A_2867 = arith.constant 19 : i32
    %shift_right_logical3A_2868 = vector.broadcast %shift_right_logical3A_2867 : i32 to vector<256x640xi32>
    %shift_right_logical3A_2869 = arith.shrui %add3A_2862, %shift_right_logical3A_2868 : vector<256x640xi32>
    %or3A_2870 = arith.ori %shift_left3A_2866, %shift_right_logical3A_2869 : vector<256x640xi32>
    %xor3A_2871 = arith.xori %or3A_2870, %add3A_2863 : vector<256x640xi32>
    %add3A_2872 = arith.addi %add3A_2863, %xor3A_2871 : vector<256x640xi32>
    %shift_left3A_2873 = arith.constant 15 : i32
    %shift_left3A_2874 = vector.broadcast %shift_left3A_2873 : i32 to vector<256x640xi32>
    %shift_left3A_2875 = arith.shli %xor3A_2871, %shift_left3A_2874 : vector<256x640xi32>
    %shift_right_logical3A_2876 = arith.constant 17 : i32
    %shift_right_logical3A_2877 = vector.broadcast %shift_right_logical3A_2876 : i32 to vector<256x640xi32>
    %shift_right_logical3A_2878 = arith.shrui %xor3A_2871, %shift_right_logical3A_2877 : vector<256x640xi32>
    %or3A_2879 = arith.ori %shift_left3A_2875, %shift_right_logical3A_2878 : vector<256x640xi32>
    %xor3A_2880 = arith.xori %or3A_2879, %add3A_2872 : vector<256x640xi32>
    %add3A_2881 = arith.addi %add3A_2872, %xor3A_2880 : vector<256x640xi32>
    %shift_left3A_2882 = arith.constant 26 : i32
    %shift_left3A_2883 = vector.broadcast %shift_left3A_2882 : i32 to vector<256x640xi32>
    %shift_left3A_2884 = arith.shli %xor3A_2880, %shift_left3A_2883 : vector<256x640xi32>
    %shift_right_logical3A_2885 = arith.constant 6 : i32
    %shift_right_logical3A_2886 = vector.broadcast %shift_right_logical3A_2885 : i32 to vector<256x640xi32>
    %shift_right_logical3A_2887 = arith.shrui %xor3A_2880, %shift_right_logical3A_2886 : vector<256x640xi32>
    %or3A_2888 = arith.ori %shift_left3A_2884, %shift_right_logical3A_2887 : vector<256x640xi32>
    %xor3A_2889 = arith.xori %or3A_2888, %add3A_2881 : vector<256x640xi32>
    %add3A_2890 = arith.addi %add3A_2881, %xor3A_2889 : vector<256x640xi32>
    %shift_left3A_2891 = arith.constant 6 : i32
    %shift_left3A_2892 = vector.broadcast %shift_left3A_2891 : i32 to vector<256x640xi32>
    %shift_left3A_2893 = arith.shli %xor3A_2889, %shift_left3A_2892 : vector<256x640xi32>
    %shift_right_logical3A_2894 = arith.constant 26 : i32
    %shift_right_logical3A_2895 = vector.broadcast %shift_right_logical3A_2894 : i32 to vector<256x640xi32>
    %shift_right_logical3A_2896 = arith.shrui %xor3A_2889, %shift_right_logical3A_2895 : vector<256x640xi32>
    %or3A_2897 = arith.ori %shift_left3A_2893, %shift_right_logical3A_2896 : vector<256x640xi32>
    %xor3A_2898 = arith.xori %or3A_2897, %add3A_2890 : vector<256x640xi32>
    %add3A_2899 = arith.constant 42 : i32
    %add3A_2900 = vector.broadcast %add3A_2899 : i32 to vector<256x640xi32>
    %add3A_2901 = arith.addi %add3A_2890, %add3A_2900 : vector<256x640xi32>
    %add3A_2902 = arith.constant 466689009 : i32
    %add3A_2903 = vector.broadcast %add3A_2902 : i32 to vector<256x640xi32>
    %add3A_2904 = arith.addi %xor3A_2898, %add3A_2903 : vector<256x640xi32>
    %add3A_2905 = arith.addi %add3A_2901, %add3A_2904 : vector<256x640xi32>
    %shift_left3A_2906 = arith.constant 17 : i32
    %shift_left3A_2907 = vector.broadcast %shift_left3A_2906 : i32 to vector<256x640xi32>
    %shift_left3A_2908 = arith.shli %add3A_2904, %shift_left3A_2907 : vector<256x640xi32>
    %shift_right_logical3A_2909 = arith.constant 15 : i32
    %shift_right_logical3A_2910 = vector.broadcast %shift_right_logical3A_2909 : i32 to vector<256x640xi32>
    %shift_right_logical3A_2911 = arith.shrui %add3A_2904, %shift_right_logical3A_2910 : vector<256x640xi32>
    %or3A_2912 = arith.ori %shift_left3A_2908, %shift_right_logical3A_2911 : vector<256x640xi32>
    %xor3A_2913 = arith.xori %or3A_2912, %add3A_2905 : vector<256x640xi32>
    %add3A_2914 = arith.addi %add3A_2905, %xor3A_2913 : vector<256x640xi32>
    %shift_left3A_2915 = arith.constant 29 : i32
    %shift_left3A_2916 = vector.broadcast %shift_left3A_2915 : i32 to vector<256x640xi32>
    %shift_left3A_2917 = arith.shli %xor3A_2913, %shift_left3A_2916 : vector<256x640xi32>
    %shift_right_logical3A_2918 = arith.constant 3 : i32
    %shift_right_logical3A_2919 = vector.broadcast %shift_right_logical3A_2918 : i32 to vector<256x640xi32>
    %shift_right_logical3A_2920 = arith.shrui %xor3A_2913, %shift_right_logical3A_2919 : vector<256x640xi32>
    %or3A_2921 = arith.ori %shift_left3A_2917, %shift_right_logical3A_2920 : vector<256x640xi32>
    %xor3A_2922 = arith.xori %or3A_2921, %add3A_2914 : vector<256x640xi32>
    %add3A_2923 = arith.addi %add3A_2914, %xor3A_2922 : vector<256x640xi32>
    %shift_left3A_2924 = arith.constant 16 : i32
    %shift_left3A_2925 = vector.broadcast %shift_left3A_2924 : i32 to vector<256x640xi32>
    %shift_left3A_2926 = arith.shli %xor3A_2922, %shift_left3A_2925 : vector<256x640xi32>
    %shift_right_logical3A_2927 = arith.constant 16 : i32
    %shift_right_logical3A_2928 = vector.broadcast %shift_right_logical3A_2927 : i32 to vector<256x640xi32>
    %shift_right_logical3A_2929 = arith.shrui %xor3A_2922, %shift_right_logical3A_2928 : vector<256x640xi32>
    %or3A_2930 = arith.ori %shift_left3A_2926, %shift_right_logical3A_2929 : vector<256x640xi32>
    %xor3A_2931 = arith.xori %or3A_2930, %add3A_2923 : vector<256x640xi32>
    %add3A_2932 = arith.addi %add3A_2923, %xor3A_2931 : vector<256x640xi32>
    %shift_left3A_2933 = arith.constant 24 : i32
    %shift_left3A_2934 = vector.broadcast %shift_left3A_2933 : i32 to vector<256x640xi32>
    %shift_left3A_2935 = arith.shli %xor3A_2931, %shift_left3A_2934 : vector<256x640xi32>
    %shift_right_logical3A_2936 = arith.constant 8 : i32
    %shift_right_logical3A_2937 = vector.broadcast %shift_right_logical3A_2936 : i32 to vector<256x640xi32>
    %shift_right_logical3A_2938 = arith.shrui %xor3A_2931, %shift_right_logical3A_2937 : vector<256x640xi32>
    %or3A_2939 = arith.ori %shift_left3A_2935, %shift_right_logical3A_2938 : vector<256x640xi32>
    %xor3A_2940 = arith.xori %or3A_2939, %add3A_2932 : vector<256x640xi32>
    %add3A_2941 = arith.constant 466689008 : i32
    %add3A_2942 = vector.broadcast %add3A_2941 : i32 to vector<256x640xi32>
    %add3A_2943 = arith.addi %add3A_2932, %add3A_2942 : vector<256x640xi32>
    %add3A_2944 = arith.constant 2 : i32
    %add3A_2945 = vector.broadcast %add3A_2944 : i32 to vector<256x640xi32>
    %add3A_2946 = arith.addi %xor3A_2940, %add3A_2945 : vector<256x640xi32>
    %add3A_2947 = arith.addi %add3A_2943, %add3A_2946 : vector<256x640xi32>
    %shift_left3A_2948 = arith.constant 13 : i32
    %shift_left3A_2949 = vector.broadcast %shift_left3A_2948 : i32 to vector<256x640xi32>
    %shift_left3A_2950 = arith.shli %add3A_2946, %shift_left3A_2949 : vector<256x640xi32>
    %shift_right_logical3A_2951 = arith.constant 19 : i32
    %shift_right_logical3A_2952 = vector.broadcast %shift_right_logical3A_2951 : i32 to vector<256x640xi32>
    %shift_right_logical3A_2953 = arith.shrui %add3A_2946, %shift_right_logical3A_2952 : vector<256x640xi32>
    %or3A_2954 = arith.ori %shift_left3A_2950, %shift_right_logical3A_2953 : vector<256x640xi32>
    %xor3A_2955 = arith.xori %or3A_2954, %add3A_2947 : vector<256x640xi32>
    %add3A_2956 = arith.addi %add3A_2947, %xor3A_2955 : vector<256x640xi32>
    %shift_left3A_2957 = arith.constant 15 : i32
    %shift_left3A_2958 = vector.broadcast %shift_left3A_2957 : i32 to vector<256x640xi32>
    %shift_left3A_2959 = arith.shli %xor3A_2955, %shift_left3A_2958 : vector<256x640xi32>
    %shift_right_logical3A_2960 = arith.constant 17 : i32
    %shift_right_logical3A_2961 = vector.broadcast %shift_right_logical3A_2960 : i32 to vector<256x640xi32>
    %shift_right_logical3A_2962 = arith.shrui %xor3A_2955, %shift_right_logical3A_2961 : vector<256x640xi32>
    %or3A_2963 = arith.ori %shift_left3A_2959, %shift_right_logical3A_2962 : vector<256x640xi32>
    %xor3A_2964 = arith.xori %or3A_2963, %add3A_2956 : vector<256x640xi32>
    %add3A_2965 = arith.addi %add3A_2956, %xor3A_2964 : vector<256x640xi32>
    %shift_left3A_2966 = arith.constant 26 : i32
    %shift_left3A_2967 = vector.broadcast %shift_left3A_2966 : i32 to vector<256x640xi32>
    %shift_left3A_2968 = arith.shli %xor3A_2964, %shift_left3A_2967 : vector<256x640xi32>
    %shift_right_logical3A_2969 = arith.constant 6 : i32
    %shift_right_logical3A_2970 = vector.broadcast %shift_right_logical3A_2969 : i32 to vector<256x640xi32>
    %shift_right_logical3A_2971 = arith.shrui %xor3A_2964, %shift_right_logical3A_2970 : vector<256x640xi32>
    %or3A_2972 = arith.ori %shift_left3A_2968, %shift_right_logical3A_2971 : vector<256x640xi32>
    %xor3A_2973 = arith.xori %or3A_2972, %add3A_2965 : vector<256x640xi32>
    %add3A_2974 = arith.addi %add3A_2965, %xor3A_2973 : vector<256x640xi32>
    %shift_left3A_2975 = arith.constant 6 : i32
    %shift_left3A_2976 = vector.broadcast %shift_left3A_2975 : i32 to vector<256x640xi32>
    %shift_left3A_2977 = arith.shli %xor3A_2973, %shift_left3A_2976 : vector<256x640xi32>
    %shift_right_logical3A_2978 = arith.constant 26 : i32
    %shift_right_logical3A_2979 = vector.broadcast %shift_right_logical3A_2978 : i32 to vector<256x640xi32>
    %shift_right_logical3A_2980 = arith.shrui %xor3A_2973, %shift_right_logical3A_2979 : vector<256x640xi32>
    %or3A_2981 = arith.ori %shift_left3A_2977, %shift_right_logical3A_2980 : vector<256x640xi32>
    %xor3A_2982 = arith.xori %or3A_2981, %add3A_2974 : vector<256x640xi32>
    %add3A_2983 = arith.constant 45 : i32
    %add3A_2984 = vector.broadcast %add3A_2983 : i32 to vector<256x640xi32>
    %add3A_2985 = arith.addi %xor3A_2982, %add3A_2984 : vector<256x640xi32>
    %add3A_2986 = arith.addi %add3A_2974, %add3A_2985 : vector<256x640xi32>
    %shift_left3A_2987 = arith.constant 17 : i32
    %shift_left3A_2988 = vector.broadcast %shift_left3A_2987 : i32 to vector<256x640xi32>
    %shift_left3A_2989 = arith.shli %add3A_2985, %shift_left3A_2988 : vector<256x640xi32>
    %shift_right_logical3A_2990 = arith.constant 15 : i32
    %shift_right_logical3A_2991 = vector.broadcast %shift_right_logical3A_2990 : i32 to vector<256x640xi32>
    %shift_right_logical3A_2992 = arith.shrui %add3A_2985, %shift_right_logical3A_2991 : vector<256x640xi32>
    %or3A_2993 = arith.ori %shift_left3A_2989, %shift_right_logical3A_2992 : vector<256x640xi32>
    %xor3A_2994 = arith.xori %or3A_2993, %add3A_2986 : vector<256x640xi32>
    %add3A_2995 = arith.addi %add3A_2986, %xor3A_2994 : vector<256x640xi32>
    %shift_left3A_2996 = arith.constant 29 : i32
    %shift_left3A_2997 = vector.broadcast %shift_left3A_2996 : i32 to vector<256x640xi32>
    %shift_left3A_2998 = arith.shli %xor3A_2994, %shift_left3A_2997 : vector<256x640xi32>
    %shift_right_logical3A_2999 = arith.constant 3 : i32
    %shift_right_logical3A_3000 = vector.broadcast %shift_right_logical3A_2999 : i32 to vector<256x640xi32>
    %shift_right_logical3A_3001 = arith.shrui %xor3A_2994, %shift_right_logical3A_3000 : vector<256x640xi32>
    %or3A_3002 = arith.ori %shift_left3A_2998, %shift_right_logical3A_3001 : vector<256x640xi32>
    %xor3A_3003 = arith.xori %or3A_3002, %add3A_2995 : vector<256x640xi32>
    %add3A_3004 = arith.addi %add3A_2995, %xor3A_3003 : vector<256x640xi32>
    %shift_left3A_3005 = arith.constant 16 : i32
    %shift_left3A_3006 = vector.broadcast %shift_left3A_3005 : i32 to vector<256x640xi32>
    %shift_left3A_3007 = arith.shli %xor3A_3003, %shift_left3A_3006 : vector<256x640xi32>
    %shift_right_logical3A_3008 = arith.constant 16 : i32
    %shift_right_logical3A_3009 = vector.broadcast %shift_right_logical3A_3008 : i32 to vector<256x640xi32>
    %shift_right_logical3A_3010 = arith.shrui %xor3A_3003, %shift_right_logical3A_3009 : vector<256x640xi32>
    %or3A_3011 = arith.ori %shift_left3A_3007, %shift_right_logical3A_3010 : vector<256x640xi32>
    %xor3A_3012 = arith.xori %or3A_3011, %add3A_3004 : vector<256x640xi32>
    %add3A_3013 = arith.addi %add3A_3004, %xor3A_3012 : vector<256x640xi32>
    %shift_left3A_3014 = arith.constant 24 : i32
    %shift_left3A_3015 = vector.broadcast %shift_left3A_3014 : i32 to vector<256x640xi32>
    %shift_left3A_3016 = arith.shli %xor3A_3012, %shift_left3A_3015 : vector<256x640xi32>
    %shift_right_logical3A_3017 = arith.constant 8 : i32
    %shift_right_logical3A_3018 = vector.broadcast %shift_right_logical3A_3017 : i32 to vector<256x640xi32>
    %shift_right_logical3A_3019 = arith.shrui %xor3A_3012, %shift_right_logical3A_3018 : vector<256x640xi32>
    %or3A_3020 = arith.ori %shift_left3A_3016, %shift_right_logical3A_3019 : vector<256x640xi32>
    %xor3A_3021 = arith.xori %or3A_3020, %add3A_3013 : vector<256x640xi32>
    %add3A_3022 = arith.constant 42 : i32
    %add3A_3023 = vector.broadcast %add3A_3022 : i32 to vector<256x640xi32>
    %add3A_3024 = arith.addi %add3A_3013, %add3A_3023 : vector<256x640xi32>
    %add3A_3025 = arith.constant 466689012 : i32
    %add3A_3026 = vector.broadcast %add3A_3025 : i32 to vector<256x640xi32>
    %add3A_3027 = arith.addi %xor3A_3021, %add3A_3026 : vector<256x640xi32>
    %add3A_3028 = arith.addi %add3A_3024, %add3A_3027 : vector<256x640xi32>
    %shift_left3A_3029 = arith.constant 13 : i32
    %shift_left3A_3030 = vector.broadcast %shift_left3A_3029 : i32 to vector<256x640xi32>
    %shift_left3A_3031 = arith.shli %add3A_3027, %shift_left3A_3030 : vector<256x640xi32>
    %shift_right_logical3A_3032 = arith.constant 19 : i32
    %shift_right_logical3A_3033 = vector.broadcast %shift_right_logical3A_3032 : i32 to vector<256x640xi32>
    %shift_right_logical3A_3034 = arith.shrui %add3A_3027, %shift_right_logical3A_3033 : vector<256x640xi32>
    %or3A_3035 = arith.ori %shift_left3A_3031, %shift_right_logical3A_3034 : vector<256x640xi32>
    %xor3A_3036 = arith.xori %or3A_3035, %add3A_3028 : vector<256x640xi32>
    %add3A_3037 = arith.addi %add3A_3028, %xor3A_3036 : vector<256x640xi32>
    %shift_left3A_3038 = arith.constant 15 : i32
    %shift_left3A_3039 = vector.broadcast %shift_left3A_3038 : i32 to vector<256x640xi32>
    %shift_left3A_3040 = arith.shli %xor3A_3036, %shift_left3A_3039 : vector<256x640xi32>
    %shift_right_logical3A_3041 = arith.constant 17 : i32
    %shift_right_logical3A_3042 = vector.broadcast %shift_right_logical3A_3041 : i32 to vector<256x640xi32>
    %shift_right_logical3A_3043 = arith.shrui %xor3A_3036, %shift_right_logical3A_3042 : vector<256x640xi32>
    %or3A_3044 = arith.ori %shift_left3A_3040, %shift_right_logical3A_3043 : vector<256x640xi32>
    %xor3A_3045 = arith.xori %or3A_3044, %add3A_3037 : vector<256x640xi32>
    %add3A_3046 = arith.addi %add3A_3037, %xor3A_3045 : vector<256x640xi32>
    %shift_left3A_3047 = arith.constant 26 : i32
    %shift_left3A_3048 = vector.broadcast %shift_left3A_3047 : i32 to vector<256x640xi32>
    %shift_left3A_3049 = arith.shli %xor3A_3045, %shift_left3A_3048 : vector<256x640xi32>
    %shift_right_logical3A_3050 = arith.constant 6 : i32
    %shift_right_logical3A_3051 = vector.broadcast %shift_right_logical3A_3050 : i32 to vector<256x640xi32>
    %shift_right_logical3A_3052 = arith.shrui %xor3A_3045, %shift_right_logical3A_3051 : vector<256x640xi32>
    %or3A_3053 = arith.ori %shift_left3A_3049, %shift_right_logical3A_3052 : vector<256x640xi32>
    %xor3A_3054 = arith.xori %or3A_3053, %add3A_3046 : vector<256x640xi32>
    %add3A_3055 = arith.addi %add3A_3046, %xor3A_3054 : vector<256x640xi32>
    %shift_left3A_3056 = arith.constant 6 : i32
    %shift_left3A_3057 = vector.broadcast %shift_left3A_3056 : i32 to vector<256x640xi32>
    %shift_left3A_3058 = arith.shli %xor3A_3054, %shift_left3A_3057 : vector<256x640xi32>
    %shift_right_logical3A_3059 = arith.constant 26 : i32
    %shift_right_logical3A_3060 = vector.broadcast %shift_right_logical3A_3059 : i32 to vector<256x640xi32>
    %shift_right_logical3A_3061 = arith.shrui %xor3A_3054, %shift_right_logical3A_3060 : vector<256x640xi32>
    %or3A_3062 = arith.ori %shift_left3A_3058, %shift_right_logical3A_3061 : vector<256x640xi32>
    %xor3A_3063 = arith.xori %or3A_3062, %add3A_3055 : vector<256x640xi32>
    %add3A_3064 = arith.constant 466689008 : i32
    %add3A_3065 = vector.broadcast %add3A_3064 : i32 to vector<256x640xi32>
    %add3A_3066 = arith.addi %add3A_3055, %add3A_3065 : vector<256x640xi32>
    %add3A_3067 = arith.constant 5 : i32
    %add3A_3068 = vector.broadcast %add3A_3067 : i32 to vector<256x640xi32>
    %add3A_3069 = arith.addi %xor3A_3063, %add3A_3068 : vector<256x640xi32>
    %xor3A_3070 = arith.xori %add3A_3066, %add3A_3069 : vector<256x640xi32>
    %shift_right_logical3A_3071 = arith.constant 9 : i32
    %shift_right_logical3A_3072 = vector.broadcast %shift_right_logical3A_3071 : i32 to vector<256x640xi32>
    %shift_right_logical3A_3073 = arith.shrui %xor3A_3070, %shift_right_logical3A_3072 : vector<256x640xi32>
    %or3A_3074 = arith.constant 1065353216 : i32
    %or3A_3075 = vector.broadcast %or3A_3074 : i32 to vector<256x640xi32>
    %or3A_3076 = arith.ori %shift_right_logical3A_3073, %or3A_3075 : vector<256x640xi32>
    %bitcast_convert_type3A_3077 = tpu.bitcast %or3A_3076 : vector<256x640xi32> -> vector<256x640xf32>
    %sub3A_3078 = arith.constant 1.000000e+00 : f32
    %sub3A_3079 = vector.broadcast %sub3A_3078 : f32 to vector<256x640xf32>
    %sub3A_3080 = arith.subf %bitcast_convert_type3A_3077, %sub3A_3079 : vector<256x640xf32>
    %add3A_3081 = arith.constant 1.17549435E-38 : f32
    %add3A_3082 = vector.broadcast %add3A_3081 : f32 to vector<256x640xf32>
    %add3A_3083 = arith.addf %sub3A_3080, %add3A_3082 : vector<256x640xf32>
    %log3A_3084 = math.log %add3A_3083 : vector<256x640xf32>
    %neg3A_3085 = arith.constant 0.000000e+00 : f32
    %neg3A_3086 = vector.broadcast %neg3A_3085 : f32 to vector<256x640xf32>
    %neg3A_3087 = arith.subf %neg3A_3086, %log3A_3084 : vector<256x640xf32>
    %log3A_3088 = math.log %neg3A_3087 : vector<256x640xf32>
    %neg3A_3089 = arith.constant 0.000000e+00 : f32
    %neg3A_3090 = vector.broadcast %neg3A_3089 : f32 to vector<256x640xf32>
    %neg3A_3091 = arith.subf %neg3A_3090, %log3A_3088 : vector<256x640xf32>
    %add3A_3092 = arith.addf %add3A_2854, %neg3A_3091 : vector<256x640xf32>
    %jit3A_3093 = arith.constant 0xFF800000 : f32
    %broadcast_in_dim3A_3094 = vector.broadcast %jit3A_3093 : f32 to vector<256x640xf32>
    %select_n3A_3095 = arith.select %lt3A_10, %add3A_3092, %broadcast_in_dim3A_3094 : vector<256x640xi1>, vector<256x640xf32>
    %reduce_max3A_3096 = arith.constant dense<0xFF800000> : vector<256xf32>
    %reduce_max3A_3097 = vector.multi_reduction <maximumf>, %select_n3A_3095, %reduce_max3A_3096 [1] : vector<256x640xf32> to vector<256xf32>
    %jit3A_3098 = arith.constant 0xFF800000 : f32
    %broadcast_in_dim3A_3099 = vector.broadcast %jit3A_3098 : f32 to vector<256x640xf32>
    %select_n3A_3100 = arith.select %lt3A_10, %broadcast_in_dim3A_3099, %add3A_3092 : vector<256x640xi1>, vector<256x640xf32>
    %reduce_max3A_3101 = arith.constant dense<0xFF800000> : vector<256xf32>
    %reduce_max3A_3102 = vector.multi_reduction <maximumf>, %select_n3A_3100, %reduce_max3A_3101 [1] : vector<256x640xf32> to vector<256xf32>
    %broadcast_in_dim3A_3103 = vector.shape_cast %reduce_max3A_3097 : vector<256xf32> to vector<256x1xf32>
    %broadcast_in_dim3A_3104 = vector.shape_cast %reduce_max3A_3102 : vector<256xf32> to vector<256x1xf32>
    %broadcast_in_dim3A_3105 = vector.shape_cast %broadcast_in_dim3A_3103 : vector<256x1xf32> to vector<256x1xf32>
    %broadcast_in_dim3A_3106 = vector.broadcast %broadcast_in_dim3A_3105 : vector<256x1xf32> to vector<256x640xf32>
    %broadcast_in_dim3A_3107 = vector.shape_cast %broadcast_in_dim3A_3104 : vector<256x1xf32> to vector<256x1xf32>
    %broadcast_in_dim3A_3108 = vector.broadcast %broadcast_in_dim3A_3107 : vector<256x1xf32> to vector<256x640xf32>
    %select_n3A_3109 = arith.select %lt3A_10, %broadcast_in_dim3A_3106, %broadcast_in_dim3A_3108 : vector<256x640xi1>, vector<256x640xf32>
    %eq3A_3110 = arith.cmpf oeq, %add3A_3092, %select_n3A_3109 : vector<256x640xf32>
    %jit3A_3111 = arith.constant 1.000000e+00 : f32
    %jit3A_3112 = arith.constant 0.000000e+00 : f32
    %broadcast_in_dim3A_3113 = vector.broadcast %jit3A_3111 : f32 to vector<256x640xf32>
    %broadcast_in_dim3A_3114 = vector.broadcast %jit3A_3112 : f32 to vector<256x640xf32>
    %select_n3A_3115 = arith.select %eq3A_3110, %broadcast_in_dim3A_3113, %broadcast_in_dim3A_3114 : vector<256x640xi1>, vector<256x640xf32>
    %slice3A_3116 = vector.extract_strided_slice %select_n3A_3115 {offsets = [0, 0], sizes = [256, 320], strides = [1, 1]} : vector<256x640xf32> to vector<256x320xf32>
    %swap3A_3117 = arith.constant 0 : index
    %swap3A_3118 = arith.constant 20 : index
    %swap3A_3119 = arith.constant 0 : index
    %swap3A_3120 = vector.load %arg4[%swap3A_3117, %swap3A_3118, %swap3A_3119] : memref<256x32x320xf32, #tpu.memory_space<vmem>>, vector<256x1x320xf32>
    %swap3A_3121 = vector.shape_cast %swap3A_3120 : vector<256x1x320xf32> to vector<256x320xf32>
    %swap3A_3122 = vector.shape_cast %slice3A_3116 : vector<256x320xf32> to vector<256x1x320xf32>
    tpu.vector_store %arg4[%swap3A_3117, %swap3A_3118, %swap3A_3119], %swap3A_3122 {strides = array<i32>} : memref<256x32x320xf32, #tpu.memory_space<vmem>>, vector<256x1x320xf32>,
    %slice3A_3123 = vector.extract_strided_slice %select_n3A_3115 {offsets = [0, 320], sizes = [256, 320], strides = [1, 1]} : vector<256x640xf32> to vector<256x320xf32>
    %swap3A_3124 = arith.constant 0 : index
    %swap3A_3125 = arith.constant 21 : index
    %swap3A_3126 = arith.constant 0 : index
    %swap3A_3127 = vector.load %arg4[%swap3A_3124, %swap3A_3125, %swap3A_3126] : memref<256x32x320xf32, #tpu.memory_space<vmem>>, vector<256x1x320xf32>
    %swap3A_3128 = vector.shape_cast %swap3A_3127 : vector<256x1x320xf32> to vector<256x320xf32>
    %swap3A_3129 = vector.shape_cast %slice3A_3123 : vector<256x320xf32> to vector<256x1x320xf32>
    tpu.vector_store %arg4[%swap3A_3124, %swap3A_3125, %swap3A_3126], %swap3A_3129 {strides = array<i32>} : memref<256x32x320xf32, #tpu.memory_space<vmem>>, vector<256x1x320xf32>,
    %get3A_3130 = arith.constant 0 : index
    %get3A_3131 = arith.constant 7040 : index
    %get3A_3132 = vector.load %arg2[%get3A_3130, %get3A_3131] : memref<256x10240xf32, #tpu.memory_space<vmem>>, vector<256x640xf32>
    %dot_general3A_3133 = arith.constant dense<0.000000e+00> : vector<256x640xf32>
    %dot_general3A_3134 = tpu.matmul %get3A_2, %get3A_3132, %dot_general3A_3133 {dimension_numbers = #tpu.dot_dimension_numbers<[1], [0], [0], [1], [0, 0, 1, 1], [], []>, transpose_lhs_hint = false} : vector<256x256xf32>, vector<256x640xf32>, vector<256x640xf32> -> vector<256x640xf32>
    %get3A_3135 = arith.constant 0 : index
    %get3A_3136 = arith.constant 7040 : index
    %get3A_3137 = vector.load %arg3[%get3A_3135, %get3A_3136] : memref<1x10240xf32, #tpu.memory_space<vmem>>, vector<1x640xf32>
    %add3A_3138 = vector.broadcast %get3A_3137 : vector<1x640xf32> to vector<256x640xf32>
    %add3A_3139 = arith.addf %dot_general3A_3134, %add3A_3138 : vector<256x640xf32>
    %add3A_3140 = arith.constant 7040 : i32
    %add3A_3141 = vector.broadcast %add3A_3140 : i32 to vector<256x640xi32>
    %add3A_3142 = arith.addi %add3A_8, %add3A_3141 : vector<256x640xi32>
    %broadcast_in_dim3A_3143 = arith.constant 0 : i32
    %broadcast_in_dim3A_3144 = vector.broadcast %broadcast_in_dim3A_3143 : i32 to vector<256x640xi32>
    %add3A_3145 = arith.constant 42 : i32
    %add3A_3146 = vector.broadcast %add3A_3145 : i32 to vector<256x640xi32>
    %add3A_3147 = arith.addi %add3A_3142, %add3A_3146 : vector<256x640xi32>
    %add3A_3148 = arith.addi %broadcast_in_dim3A_3144, %add3A_3147 : vector<256x640xi32>
    %shift_left3A_3149 = arith.constant 13 : i32
    %shift_left3A_3150 = vector.broadcast %shift_left3A_3149 : i32 to vector<256x640xi32>
    %shift_left3A_3151 = arith.shli %add3A_3147, %shift_left3A_3150 : vector<256x640xi32>
    %shift_right_logical3A_3152 = arith.constant 19 : i32
    %shift_right_logical3A_3153 = vector.broadcast %shift_right_logical3A_3152 : i32 to vector<256x640xi32>
    %shift_right_logical3A_3154 = arith.shrui %add3A_3147, %shift_right_logical3A_3153 : vector<256x640xi32>
    %or3A_3155 = arith.ori %shift_left3A_3151, %shift_right_logical3A_3154 : vector<256x640xi32>
    %xor3A_3156 = arith.xori %or3A_3155, %add3A_3148 : vector<256x640xi32>
    %add3A_3157 = arith.addi %add3A_3148, %xor3A_3156 : vector<256x640xi32>
    %shift_left3A_3158 = arith.constant 15 : i32
    %shift_left3A_3159 = vector.broadcast %shift_left3A_3158 : i32 to vector<256x640xi32>
    %shift_left3A_3160 = arith.shli %xor3A_3156, %shift_left3A_3159 : vector<256x640xi32>
    %shift_right_logical3A_3161 = arith.constant 17 : i32
    %shift_right_logical3A_3162 = vector.broadcast %shift_right_logical3A_3161 : i32 to vector<256x640xi32>
    %shift_right_logical3A_3163 = arith.shrui %xor3A_3156, %shift_right_logical3A_3162 : vector<256x640xi32>
    %or3A_3164 = arith.ori %shift_left3A_3160, %shift_right_logical3A_3163 : vector<256x640xi32>
    %xor3A_3165 = arith.xori %or3A_3164, %add3A_3157 : vector<256x640xi32>
    %add3A_3166 = arith.addi %add3A_3157, %xor3A_3165 : vector<256x640xi32>
    %shift_left3A_3167 = arith.constant 26 : i32
    %shift_left3A_3168 = vector.broadcast %shift_left3A_3167 : i32 to vector<256x640xi32>
    %shift_left3A_3169 = arith.shli %xor3A_3165, %shift_left3A_3168 : vector<256x640xi32>
    %shift_right_logical3A_3170 = arith.constant 6 : i32
    %shift_right_logical3A_3171 = vector.broadcast %shift_right_logical3A_3170 : i32 to vector<256x640xi32>
    %shift_right_logical3A_3172 = arith.shrui %xor3A_3165, %shift_right_logical3A_3171 : vector<256x640xi32>
    %or3A_3173 = arith.ori %shift_left3A_3169, %shift_right_logical3A_3172 : vector<256x640xi32>
    %xor3A_3174 = arith.xori %or3A_3173, %add3A_3166 : vector<256x640xi32>
    %add3A_3175 = arith.addi %add3A_3166, %xor3A_3174 : vector<256x640xi32>
    %shift_left3A_3176 = arith.constant 6 : i32
    %shift_left3A_3177 = vector.broadcast %shift_left3A_3176 : i32 to vector<256x640xi32>
    %shift_left3A_3178 = arith.shli %xor3A_3174, %shift_left3A_3177 : vector<256x640xi32>
    %shift_right_logical3A_3179 = arith.constant 26 : i32
    %shift_right_logical3A_3180 = vector.broadcast %shift_right_logical3A_3179 : i32 to vector<256x640xi32>
    %shift_right_logical3A_3181 = arith.shrui %xor3A_3174, %shift_right_logical3A_3180 : vector<256x640xi32>
    %or3A_3182 = arith.ori %shift_left3A_3178, %shift_right_logical3A_3181 : vector<256x640xi32>
    %xor3A_3183 = arith.xori %or3A_3182, %add3A_3175 : vector<256x640xi32>
    %add3A_3184 = arith.constant 42 : i32
    %add3A_3185 = vector.broadcast %add3A_3184 : i32 to vector<256x640xi32>
    %add3A_3186 = arith.addi %add3A_3175, %add3A_3185 : vector<256x640xi32>
    %add3A_3187 = arith.constant 466689009 : i32
    %add3A_3188 = vector.broadcast %add3A_3187 : i32 to vector<256x640xi32>
    %add3A_3189 = arith.addi %xor3A_3183, %add3A_3188 : vector<256x640xi32>
    %add3A_3190 = arith.addi %add3A_3186, %add3A_3189 : vector<256x640xi32>
    %shift_left3A_3191 = arith.constant 17 : i32
    %shift_left3A_3192 = vector.broadcast %shift_left3A_3191 : i32 to vector<256x640xi32>
    %shift_left3A_3193 = arith.shli %add3A_3189, %shift_left3A_3192 : vector<256x640xi32>
    %shift_right_logical3A_3194 = arith.constant 15 : i32
    %shift_right_logical3A_3195 = vector.broadcast %shift_right_logical3A_3194 : i32 to vector<256x640xi32>
    %shift_right_logical3A_3196 = arith.shrui %add3A_3189, %shift_right_logical3A_3195 : vector<256x640xi32>
    %or3A_3197 = arith.ori %shift_left3A_3193, %shift_right_logical3A_3196 : vector<256x640xi32>
    %xor3A_3198 = arith.xori %or3A_3197, %add3A_3190 : vector<256x640xi32>
    %add3A_3199 = arith.addi %add3A_3190, %xor3A_3198 : vector<256x640xi32>
    %shift_left3A_3200 = arith.constant 29 : i32
    %shift_left3A_3201 = vector.broadcast %shift_left3A_3200 : i32 to vector<256x640xi32>
    %shift_left3A_3202 = arith.shli %xor3A_3198, %shift_left3A_3201 : vector<256x640xi32>
    %shift_right_logical3A_3203 = arith.constant 3 : i32
    %shift_right_logical3A_3204 = vector.broadcast %shift_right_logical3A_3203 : i32 to vector<256x640xi32>
    %shift_right_logical3A_3205 = arith.shrui %xor3A_3198, %shift_right_logical3A_3204 : vector<256x640xi32>
    %or3A_3206 = arith.ori %shift_left3A_3202, %shift_right_logical3A_3205 : vector<256x640xi32>
    %xor3A_3207 = arith.xori %or3A_3206, %add3A_3199 : vector<256x640xi32>
    %add3A_3208 = arith.addi %add3A_3199, %xor3A_3207 : vector<256x640xi32>
    %shift_left3A_3209 = arith.constant 16 : i32
    %shift_left3A_3210 = vector.broadcast %shift_left3A_3209 : i32 to vector<256x640xi32>
    %shift_left3A_3211 = arith.shli %xor3A_3207, %shift_left3A_3210 : vector<256x640xi32>
    %shift_right_logical3A_3212 = arith.constant 16 : i32
    %shift_right_logical3A_3213 = vector.broadcast %shift_right_logical3A_3212 : i32 to vector<256x640xi32>
    %shift_right_logical3A_3214 = arith.shrui %xor3A_3207, %shift_right_logical3A_3213 : vector<256x640xi32>
    %or3A_3215 = arith.ori %shift_left3A_3211, %shift_right_logical3A_3214 : vector<256x640xi32>
    %xor3A_3216 = arith.xori %or3A_3215, %add3A_3208 : vector<256x640xi32>
    %add3A_3217 = arith.addi %add3A_3208, %xor3A_3216 : vector<256x640xi32>
    %shift_left3A_3218 = arith.constant 24 : i32
    %shift_left3A_3219 = vector.broadcast %shift_left3A_3218 : i32 to vector<256x640xi32>
    %shift_left3A_3220 = arith.shli %xor3A_3216, %shift_left3A_3219 : vector<256x640xi32>
    %shift_right_logical3A_3221 = arith.constant 8 : i32
    %shift_right_logical3A_3222 = vector.broadcast %shift_right_logical3A_3221 : i32 to vector<256x640xi32>
    %shift_right_logical3A_3223 = arith.shrui %xor3A_3216, %shift_right_logical3A_3222 : vector<256x640xi32>
    %or3A_3224 = arith.ori %shift_left3A_3220, %shift_right_logical3A_3223 : vector<256x640xi32>
    %xor3A_3225 = arith.xori %or3A_3224, %add3A_3217 : vector<256x640xi32>
    %add3A_3226 = arith.constant 466689008 : i32
    %add3A_3227 = vector.broadcast %add3A_3226 : i32 to vector<256x640xi32>
    %add3A_3228 = arith.addi %add3A_3217, %add3A_3227 : vector<256x640xi32>
    %add3A_3229 = arith.constant 2 : i32
    %add3A_3230 = vector.broadcast %add3A_3229 : i32 to vector<256x640xi32>
    %add3A_3231 = arith.addi %xor3A_3225, %add3A_3230 : vector<256x640xi32>
    %add3A_3232 = arith.addi %add3A_3228, %add3A_3231 : vector<256x640xi32>
    %shift_left3A_3233 = arith.constant 13 : i32
    %shift_left3A_3234 = vector.broadcast %shift_left3A_3233 : i32 to vector<256x640xi32>
    %shift_left3A_3235 = arith.shli %add3A_3231, %shift_left3A_3234 : vector<256x640xi32>
    %shift_right_logical3A_3236 = arith.constant 19 : i32
    %shift_right_logical3A_3237 = vector.broadcast %shift_right_logical3A_3236 : i32 to vector<256x640xi32>
    %shift_right_logical3A_3238 = arith.shrui %add3A_3231, %shift_right_logical3A_3237 : vector<256x640xi32>
    %or3A_3239 = arith.ori %shift_left3A_3235, %shift_right_logical3A_3238 : vector<256x640xi32>
    %xor3A_3240 = arith.xori %or3A_3239, %add3A_3232 : vector<256x640xi32>
    %add3A_3241 = arith.addi %add3A_3232, %xor3A_3240 : vector<256x640xi32>
    %shift_left3A_3242 = arith.constant 15 : i32
    %shift_left3A_3243 = vector.broadcast %shift_left3A_3242 : i32 to vector<256x640xi32>
    %shift_left3A_3244 = arith.shli %xor3A_3240, %shift_left3A_3243 : vector<256x640xi32>
    %shift_right_logical3A_3245 = arith.constant 17 : i32
    %shift_right_logical3A_3246 = vector.broadcast %shift_right_logical3A_3245 : i32 to vector<256x640xi32>
    %shift_right_logical3A_3247 = arith.shrui %xor3A_3240, %shift_right_logical3A_3246 : vector<256x640xi32>
    %or3A_3248 = arith.ori %shift_left3A_3244, %shift_right_logical3A_3247 : vector<256x640xi32>
    %xor3A_3249 = arith.xori %or3A_3248, %add3A_3241 : vector<256x640xi32>
    %add3A_3250 = arith.addi %add3A_3241, %xor3A_3249 : vector<256x640xi32>
    %shift_left3A_3251 = arith.constant 26 : i32
    %shift_left3A_3252 = vector.broadcast %shift_left3A_3251 : i32 to vector<256x640xi32>
    %shift_left3A_3253 = arith.shli %xor3A_3249, %shift_left3A_3252 : vector<256x640xi32>
    %shift_right_logical3A_3254 = arith.constant 6 : i32
    %shift_right_logical3A_3255 = vector.broadcast %shift_right_logical3A_3254 : i32 to vector<256x640xi32>
    %shift_right_logical3A_3256 = arith.shrui %xor3A_3249, %shift_right_logical3A_3255 : vector<256x640xi32>
    %or3A_3257 = arith.ori %shift_left3A_3253, %shift_right_logical3A_3256 : vector<256x640xi32>
    %xor3A_3258 = arith.xori %or3A_3257, %add3A_3250 : vector<256x640xi32>
    %add3A_3259 = arith.addi %add3A_3250, %xor3A_3258 : vector<256x640xi32>
    %shift_left3A_3260 = arith.constant 6 : i32
    %shift_left3A_3261 = vector.broadcast %shift_left3A_3260 : i32 to vector<256x640xi32>
    %shift_left3A_3262 = arith.shli %xor3A_3258, %shift_left3A_3261 : vector<256x640xi32>
    %shift_right_logical3A_3263 = arith.constant 26 : i32
    %shift_right_logical3A_3264 = vector.broadcast %shift_right_logical3A_3263 : i32 to vector<256x640xi32>
    %shift_right_logical3A_3265 = arith.shrui %xor3A_3258, %shift_right_logical3A_3264 : vector<256x640xi32>
    %or3A_3266 = arith.ori %shift_left3A_3262, %shift_right_logical3A_3265 : vector<256x640xi32>
    %xor3A_3267 = arith.xori %or3A_3266, %add3A_3259 : vector<256x640xi32>
    %add3A_3268 = arith.constant 45 : i32
    %add3A_3269 = vector.broadcast %add3A_3268 : i32 to vector<256x640xi32>
    %add3A_3270 = arith.addi %xor3A_3267, %add3A_3269 : vector<256x640xi32>
    %add3A_3271 = arith.addi %add3A_3259, %add3A_3270 : vector<256x640xi32>
    %shift_left3A_3272 = arith.constant 17 : i32
    %shift_left3A_3273 = vector.broadcast %shift_left3A_3272 : i32 to vector<256x640xi32>
    %shift_left3A_3274 = arith.shli %add3A_3270, %shift_left3A_3273 : vector<256x640xi32>
    %shift_right_logical3A_3275 = arith.constant 15 : i32
    %shift_right_logical3A_3276 = vector.broadcast %shift_right_logical3A_3275 : i32 to vector<256x640xi32>
    %shift_right_logical3A_3277 = arith.shrui %add3A_3270, %shift_right_logical3A_3276 : vector<256x640xi32>
    %or3A_3278 = arith.ori %shift_left3A_3274, %shift_right_logical3A_3277 : vector<256x640xi32>
    %xor3A_3279 = arith.xori %or3A_3278, %add3A_3271 : vector<256x640xi32>
    %add3A_3280 = arith.addi %add3A_3271, %xor3A_3279 : vector<256x640xi32>
    %shift_left3A_3281 = arith.constant 29 : i32
    %shift_left3A_3282 = vector.broadcast %shift_left3A_3281 : i32 to vector<256x640xi32>
    %shift_left3A_3283 = arith.shli %xor3A_3279, %shift_left3A_3282 : vector<256x640xi32>
    %shift_right_logical3A_3284 = arith.constant 3 : i32
    %shift_right_logical3A_3285 = vector.broadcast %shift_right_logical3A_3284 : i32 to vector<256x640xi32>
    %shift_right_logical3A_3286 = arith.shrui %xor3A_3279, %shift_right_logical3A_3285 : vector<256x640xi32>
    %or3A_3287 = arith.ori %shift_left3A_3283, %shift_right_logical3A_3286 : vector<256x640xi32>
    %xor3A_3288 = arith.xori %or3A_3287, %add3A_3280 : vector<256x640xi32>
    %add3A_3289 = arith.addi %add3A_3280, %xor3A_3288 : vector<256x640xi32>
    %shift_left3A_3290 = arith.constant 16 : i32
    %shift_left3A_3291 = vector.broadcast %shift_left3A_3290 : i32 to vector<256x640xi32>
    %shift_left3A_3292 = arith.shli %xor3A_3288, %shift_left3A_3291 : vector<256x640xi32>
    %shift_right_logical3A_3293 = arith.constant 16 : i32
    %shift_right_logical3A_3294 = vector.broadcast %shift_right_logical3A_3293 : i32 to vector<256x640xi32>
    %shift_right_logical3A_3295 = arith.shrui %xor3A_3288, %shift_right_logical3A_3294 : vector<256x640xi32>
    %or3A_3296 = arith.ori %shift_left3A_3292, %shift_right_logical3A_3295 : vector<256x640xi32>
    %xor3A_3297 = arith.xori %or3A_3296, %add3A_3289 : vector<256x640xi32>
    %add3A_3298 = arith.addi %add3A_3289, %xor3A_3297 : vector<256x640xi32>
    %shift_left3A_3299 = arith.constant 24 : i32
    %shift_left3A_3300 = vector.broadcast %shift_left3A_3299 : i32 to vector<256x640xi32>
    %shift_left3A_3301 = arith.shli %xor3A_3297, %shift_left3A_3300 : vector<256x640xi32>
    %shift_right_logical3A_3302 = arith.constant 8 : i32
    %shift_right_logical3A_3303 = vector.broadcast %shift_right_logical3A_3302 : i32 to vector<256x640xi32>
    %shift_right_logical3A_3304 = arith.shrui %xor3A_3297, %shift_right_logical3A_3303 : vector<256x640xi32>
    %or3A_3305 = arith.ori %shift_left3A_3301, %shift_right_logical3A_3304 : vector<256x640xi32>
    %xor3A_3306 = arith.xori %or3A_3305, %add3A_3298 : vector<256x640xi32>
    %add3A_3307 = arith.constant 42 : i32
    %add3A_3308 = vector.broadcast %add3A_3307 : i32 to vector<256x640xi32>
    %add3A_3309 = arith.addi %add3A_3298, %add3A_3308 : vector<256x640xi32>
    %add3A_3310 = arith.constant 466689012 : i32
    %add3A_3311 = vector.broadcast %add3A_3310 : i32 to vector<256x640xi32>
    %add3A_3312 = arith.addi %xor3A_3306, %add3A_3311 : vector<256x640xi32>
    %add3A_3313 = arith.addi %add3A_3309, %add3A_3312 : vector<256x640xi32>
    %shift_left3A_3314 = arith.constant 13 : i32
    %shift_left3A_3315 = vector.broadcast %shift_left3A_3314 : i32 to vector<256x640xi32>
    %shift_left3A_3316 = arith.shli %add3A_3312, %shift_left3A_3315 : vector<256x640xi32>
    %shift_right_logical3A_3317 = arith.constant 19 : i32
    %shift_right_logical3A_3318 = vector.broadcast %shift_right_logical3A_3317 : i32 to vector<256x640xi32>
    %shift_right_logical3A_3319 = arith.shrui %add3A_3312, %shift_right_logical3A_3318 : vector<256x640xi32>
    %or3A_3320 = arith.ori %shift_left3A_3316, %shift_right_logical3A_3319 : vector<256x640xi32>
    %xor3A_3321 = arith.xori %or3A_3320, %add3A_3313 : vector<256x640xi32>
    %add3A_3322 = arith.addi %add3A_3313, %xor3A_3321 : vector<256x640xi32>
    %shift_left3A_3323 = arith.constant 15 : i32
    %shift_left3A_3324 = vector.broadcast %shift_left3A_3323 : i32 to vector<256x640xi32>
    %shift_left3A_3325 = arith.shli %xor3A_3321, %shift_left3A_3324 : vector<256x640xi32>
    %shift_right_logical3A_3326 = arith.constant 17 : i32
    %shift_right_logical3A_3327 = vector.broadcast %shift_right_logical3A_3326 : i32 to vector<256x640xi32>
    %shift_right_logical3A_3328 = arith.shrui %xor3A_3321, %shift_right_logical3A_3327 : vector<256x640xi32>
    %or3A_3329 = arith.ori %shift_left3A_3325, %shift_right_logical3A_3328 : vector<256x640xi32>
    %xor3A_3330 = arith.xori %or3A_3329, %add3A_3322 : vector<256x640xi32>
    %add3A_3331 = arith.addi %add3A_3322, %xor3A_3330 : vector<256x640xi32>
    %shift_left3A_3332 = arith.constant 26 : i32
    %shift_left3A_3333 = vector.broadcast %shift_left3A_3332 : i32 to vector<256x640xi32>
    %shift_left3A_3334 = arith.shli %xor3A_3330, %shift_left3A_3333 : vector<256x640xi32>
    %shift_right_logical3A_3335 = arith.constant 6 : i32
    %shift_right_logical3A_3336 = vector.broadcast %shift_right_logical3A_3335 : i32 to vector<256x640xi32>
    %shift_right_logical3A_3337 = arith.shrui %xor3A_3330, %shift_right_logical3A_3336 : vector<256x640xi32>
    %or3A_3338 = arith.ori %shift_left3A_3334, %shift_right_logical3A_3337 : vector<256x640xi32>
    %xor3A_3339 = arith.xori %or3A_3338, %add3A_3331 : vector<256x640xi32>
    %add3A_3340 = arith.addi %add3A_3331, %xor3A_3339 : vector<256x640xi32>
    %shift_left3A_3341 = arith.constant 6 : i32
    %shift_left3A_3342 = vector.broadcast %shift_left3A_3341 : i32 to vector<256x640xi32>
    %shift_left3A_3343 = arith.shli %xor3A_3339, %shift_left3A_3342 : vector<256x640xi32>
    %shift_right_logical3A_3344 = arith.constant 26 : i32
    %shift_right_logical3A_3345 = vector.broadcast %shift_right_logical3A_3344 : i32 to vector<256x640xi32>
    %shift_right_logical3A_3346 = arith.shrui %xor3A_3339, %shift_right_logical3A_3345 : vector<256x640xi32>
    %or3A_3347 = arith.ori %shift_left3A_3343, %shift_right_logical3A_3346 : vector<256x640xi32>
    %xor3A_3348 = arith.xori %or3A_3347, %add3A_3340 : vector<256x640xi32>
    %add3A_3349 = arith.constant 466689008 : i32
    %add3A_3350 = vector.broadcast %add3A_3349 : i32 to vector<256x640xi32>
    %add3A_3351 = arith.addi %add3A_3340, %add3A_3350 : vector<256x640xi32>
    %add3A_3352 = arith.constant 5 : i32
    %add3A_3353 = vector.broadcast %add3A_3352 : i32 to vector<256x640xi32>
    %add3A_3354 = arith.addi %xor3A_3348, %add3A_3353 : vector<256x640xi32>
    %xor3A_3355 = arith.xori %add3A_3351, %add3A_3354 : vector<256x640xi32>
    %shift_right_logical3A_3356 = arith.constant 9 : i32
    %shift_right_logical3A_3357 = vector.broadcast %shift_right_logical3A_3356 : i32 to vector<256x640xi32>
    %shift_right_logical3A_3358 = arith.shrui %xor3A_3355, %shift_right_logical3A_3357 : vector<256x640xi32>
    %or3A_3359 = arith.constant 1065353216 : i32
    %or3A_3360 = vector.broadcast %or3A_3359 : i32 to vector<256x640xi32>
    %or3A_3361 = arith.ori %shift_right_logical3A_3358, %or3A_3360 : vector<256x640xi32>
    %bitcast_convert_type3A_3362 = tpu.bitcast %or3A_3361 : vector<256x640xi32> -> vector<256x640xf32>
    %sub3A_3363 = arith.constant 1.000000e+00 : f32
    %sub3A_3364 = vector.broadcast %sub3A_3363 : f32 to vector<256x640xf32>
    %sub3A_3365 = arith.subf %bitcast_convert_type3A_3362, %sub3A_3364 : vector<256x640xf32>
    %add3A_3366 = arith.constant 1.17549435E-38 : f32
    %add3A_3367 = vector.broadcast %add3A_3366 : f32 to vector<256x640xf32>
    %add3A_3368 = arith.addf %sub3A_3365, %add3A_3367 : vector<256x640xf32>
    %log3A_3369 = math.log %add3A_3368 : vector<256x640xf32>
    %neg3A_3370 = arith.constant 0.000000e+00 : f32
    %neg3A_3371 = vector.broadcast %neg3A_3370 : f32 to vector<256x640xf32>
    %neg3A_3372 = arith.subf %neg3A_3371, %log3A_3369 : vector<256x640xf32>
    %log3A_3373 = math.log %neg3A_3372 : vector<256x640xf32>
    %neg3A_3374 = arith.constant 0.000000e+00 : f32
    %neg3A_3375 = vector.broadcast %neg3A_3374 : f32 to vector<256x640xf32>
    %neg3A_3376 = arith.subf %neg3A_3375, %log3A_3373 : vector<256x640xf32>
    %add3A_3377 = arith.addf %add3A_3139, %neg3A_3376 : vector<256x640xf32>
    %jit3A_3378 = arith.constant 0xFF800000 : f32
    %broadcast_in_dim3A_3379 = vector.broadcast %jit3A_3378 : f32 to vector<256x640xf32>
    %select_n3A_3380 = arith.select %lt3A_10, %add3A_3377, %broadcast_in_dim3A_3379 : vector<256x640xi1>, vector<256x640xf32>
    %reduce_max3A_3381 = arith.constant dense<0xFF800000> : vector<256xf32>
    %reduce_max3A_3382 = vector.multi_reduction <maximumf>, %select_n3A_3380, %reduce_max3A_3381 [1] : vector<256x640xf32> to vector<256xf32>
    %jit3A_3383 = arith.constant 0xFF800000 : f32
    %broadcast_in_dim3A_3384 = vector.broadcast %jit3A_3383 : f32 to vector<256x640xf32>
    %select_n3A_3385 = arith.select %lt3A_10, %broadcast_in_dim3A_3384, %add3A_3377 : vector<256x640xi1>, vector<256x640xf32>
    %reduce_max3A_3386 = arith.constant dense<0xFF800000> : vector<256xf32>
    %reduce_max3A_3387 = vector.multi_reduction <maximumf>, %select_n3A_3385, %reduce_max3A_3386 [1] : vector<256x640xf32> to vector<256xf32>
    %broadcast_in_dim3A_3388 = vector.shape_cast %reduce_max3A_3382 : vector<256xf32> to vector<256x1xf32>
    %broadcast_in_dim3A_3389 = vector.shape_cast %reduce_max3A_3387 : vector<256xf32> to vector<256x1xf32>
    %broadcast_in_dim3A_3390 = vector.shape_cast %broadcast_in_dim3A_3388 : vector<256x1xf32> to vector<256x1xf32>
    %broadcast_in_dim3A_3391 = vector.broadcast %broadcast_in_dim3A_3390 : vector<256x1xf32> to vector<256x640xf32>
    %broadcast_in_dim3A_3392 = vector.shape_cast %broadcast_in_dim3A_3389 : vector<256x1xf32> to vector<256x1xf32>
    %broadcast_in_dim3A_3393 = vector.broadcast %broadcast_in_dim3A_3392 : vector<256x1xf32> to vector<256x640xf32>
    %select_n3A_3394 = arith.select %lt3A_10, %broadcast_in_dim3A_3391, %broadcast_in_dim3A_3393 : vector<256x640xi1>, vector<256x640xf32>
    %eq3A_3395 = arith.cmpf oeq, %add3A_3377, %select_n3A_3394 : vector<256x640xf32>
    %jit3A_3396 = arith.constant 1.000000e+00 : f32
    %jit3A_3397 = arith.constant 0.000000e+00 : f32
    %broadcast_in_dim3A_3398 = vector.broadcast %jit3A_3396 : f32 to vector<256x640xf32>
    %broadcast_in_dim3A_3399 = vector.broadcast %jit3A_3397 : f32 to vector<256x640xf32>
    %select_n3A_3400 = arith.select %eq3A_3395, %broadcast_in_dim3A_3398, %broadcast_in_dim3A_3399 : vector<256x640xi1>, vector<256x640xf32>
    %slice3A_3401 = vector.extract_strided_slice %select_n3A_3400 {offsets = [0, 0], sizes = [256, 320], strides = [1, 1]} : vector<256x640xf32> to vector<256x320xf32>
    %swap3A_3402 = arith.constant 0 : index
    %swap3A_3403 = arith.constant 22 : index
    %swap3A_3404 = arith.constant 0 : index
    %swap3A_3405 = vector.load %arg4[%swap3A_3402, %swap3A_3403, %swap3A_3404] : memref<256x32x320xf32, #tpu.memory_space<vmem>>, vector<256x1x320xf32>
    %swap3A_3406 = vector.shape_cast %swap3A_3405 : vector<256x1x320xf32> to vector<256x320xf32>
    %swap3A_3407 = vector.shape_cast %slice3A_3401 : vector<256x320xf32> to vector<256x1x320xf32>
    tpu.vector_store %arg4[%swap3A_3402, %swap3A_3403, %swap3A_3404], %swap3A_3407 {strides = array<i32>} : memref<256x32x320xf32, #tpu.memory_space<vmem>>, vector<256x1x320xf32>,
    %slice3A_3408 = vector.extract_strided_slice %select_n3A_3400 {offsets = [0, 320], sizes = [256, 320], strides = [1, 1]} : vector<256x640xf32> to vector<256x320xf32>
    %swap3A_3409 = arith.constant 0 : index
    %swap3A_3410 = arith.constant 23 : index
    %swap3A_3411 = arith.constant 0 : index
    %swap3A_3412 = vector.load %arg4[%swap3A_3409, %swap3A_3410, %swap3A_3411] : memref<256x32x320xf32, #tpu.memory_space<vmem>>, vector<256x1x320xf32>
    %swap3A_3413 = vector.shape_cast %swap3A_3412 : vector<256x1x320xf32> to vector<256x320xf32>
    %swap3A_3414 = vector.shape_cast %slice3A_3408 : vector<256x320xf32> to vector<256x1x320xf32>
    tpu.vector_store %arg4[%swap3A_3409, %swap3A_3410, %swap3A_3411], %swap3A_3414 {strides = array<i32>} : memref<256x32x320xf32, #tpu.memory_space<vmem>>, vector<256x1x320xf32>,
    %get3A_3415 = arith.constant 0 : index
    %get3A_3416 = arith.constant 7680 : index
    %get3A_3417 = vector.load %arg2[%get3A_3415, %get3A_3416] : memref<256x10240xf32, #tpu.memory_space<vmem>>, vector<256x640xf32>
    %dot_general3A_3418 = arith.constant dense<0.000000e+00> : vector<256x640xf32>
    %dot_general3A_3419 = tpu.matmul %get3A_2, %get3A_3417, %dot_general3A_3418 {dimension_numbers = #tpu.dot_dimension_numbers<[1], [0], [0], [1], [0, 0, 1, 1], [], []>, transpose_lhs_hint = false} : vector<256x256xf32>, vector<256x640xf32>, vector<256x640xf32> -> vector<256x640xf32>
    %get3A_3420 = arith.constant 0 : index
    %get3A_3421 = arith.constant 7680 : index
    %get3A_3422 = vector.load %arg3[%get3A_3420, %get3A_3421] : memref<1x10240xf32, #tpu.memory_space<vmem>>, vector<1x640xf32>
    %add3A_3423 = vector.broadcast %get3A_3422 : vector<1x640xf32> to vector<256x640xf32>
    %add3A_3424 = arith.addf %dot_general3A_3419, %add3A_3423 : vector<256x640xf32>
    %add3A_3425 = arith.constant 7680 : i32
    %add3A_3426 = vector.broadcast %add3A_3425 : i32 to vector<256x640xi32>
    %add3A_3427 = arith.addi %add3A_8, %add3A_3426 : vector<256x640xi32>
    %broadcast_in_dim3A_3428 = arith.constant 0 : i32
    %broadcast_in_dim3A_3429 = vector.broadcast %broadcast_in_dim3A_3428 : i32 to vector<256x640xi32>
    %add3A_3430 = arith.constant 42 : i32
    %add3A_3431 = vector.broadcast %add3A_3430 : i32 to vector<256x640xi32>
    %add3A_3432 = arith.addi %add3A_3427, %add3A_3431 : vector<256x640xi32>
    %add3A_3433 = arith.addi %broadcast_in_dim3A_3429, %add3A_3432 : vector<256x640xi32>
    %shift_left3A_3434 = arith.constant 13 : i32
    %shift_left3A_3435 = vector.broadcast %shift_left3A_3434 : i32 to vector<256x640xi32>
    %shift_left3A_3436 = arith.shli %add3A_3432, %shift_left3A_3435 : vector<256x640xi32>
    %shift_right_logical3A_3437 = arith.constant 19 : i32
    %shift_right_logical3A_3438 = vector.broadcast %shift_right_logical3A_3437 : i32 to vector<256x640xi32>
    %shift_right_logical3A_3439 = arith.shrui %add3A_3432, %shift_right_logical3A_3438 : vector<256x640xi32>
    %or3A_3440 = arith.ori %shift_left3A_3436, %shift_right_logical3A_3439 : vector<256x640xi32>
    %xor3A_3441 = arith.xori %or3A_3440, %add3A_3433 : vector<256x640xi32>
    %add3A_3442 = arith.addi %add3A_3433, %xor3A_3441 : vector<256x640xi32>
    %shift_left3A_3443 = arith.constant 15 : i32
    %shift_left3A_3444 = vector.broadcast %shift_left3A_3443 : i32 to vector<256x640xi32>
    %shift_left3A_3445 = arith.shli %xor3A_3441, %shift_left3A_3444 : vector<256x640xi32>
    %shift_right_logical3A_3446 = arith.constant 17 : i32
    %shift_right_logical3A_3447 = vector.broadcast %shift_right_logical3A_3446 : i32 to vector<256x640xi32>
    %shift_right_logical3A_3448 = arith.shrui %xor3A_3441, %shift_right_logical3A_3447 : vector<256x640xi32>
    %or3A_3449 = arith.ori %shift_left3A_3445, %shift_right_logical3A_3448 : vector<256x640xi32>
    %xor3A_3450 = arith.xori %or3A_3449, %add3A_3442 : vector<256x640xi32>
    %add3A_3451 = arith.addi %add3A_3442, %xor3A_3450 : vector<256x640xi32>
    %shift_left3A_3452 = arith.constant 26 : i32
    %shift_left3A_3453 = vector.broadcast %shift_left3A_3452 : i32 to vector<256x640xi32>
    %shift_left3A_3454 = arith.shli %xor3A_3450, %shift_left3A_3453 : vector<256x640xi32>
    %shift_right_logical3A_3455 = arith.constant 6 : i32
    %shift_right_logical3A_3456 = vector.broadcast %shift_right_logical3A_3455 : i32 to vector<256x640xi32>
    %shift_right_logical3A_3457 = arith.shrui %xor3A_3450, %shift_right_logical3A_3456 : vector<256x640xi32>
    %or3A_3458 = arith.ori %shift_left3A_3454, %shift_right_logical3A_3457 : vector<256x640xi32>
    %xor3A_3459 = arith.xori %or3A_3458, %add3A_3451 : vector<256x640xi32>
    %add3A_3460 = arith.addi %add3A_3451, %xor3A_3459 : vector<256x640xi32>
    %shift_left3A_3461 = arith.constant 6 : i32
    %shift_left3A_3462 = vector.broadcast %shift_left3A_3461 : i32 to vector<256x640xi32>
    %shift_left3A_3463 = arith.shli %xor3A_3459, %shift_left3A_3462 : vector<256x640xi32>
    %shift_right_logical3A_3464 = arith.constant 26 : i32
    %shift_right_logical3A_3465 = vector.broadcast %shift_right_logical3A_3464 : i32 to vector<256x640xi32>
    %shift_right_logical3A_3466 = arith.shrui %xor3A_3459, %shift_right_logical3A_3465 : vector<256x640xi32>
    %or3A_3467 = arith.ori %shift_left3A_3463, %shift_right_logical3A_3466 : vector<256x640xi32>
    %xor3A_3468 = arith.xori %or3A_3467, %add3A_3460 : vector<256x640xi32>
    %add3A_3469 = arith.constant 42 : i32
    %add3A_3470 = vector.broadcast %add3A_3469 : i32 to vector<256x640xi32>
    %add3A_3471 = arith.addi %add3A_3460, %add3A_3470 : vector<256x640xi32>
    %add3A_3472 = arith.constant 466689009 : i32
    %add3A_3473 = vector.broadcast %add3A_3472 : i32 to vector<256x640xi32>
    %add3A_3474 = arith.addi %xor3A_3468, %add3A_3473 : vector<256x640xi32>
    %add3A_3475 = arith.addi %add3A_3471, %add3A_3474 : vector<256x640xi32>
    %shift_left3A_3476 = arith.constant 17 : i32
    %shift_left3A_3477 = vector.broadcast %shift_left3A_3476 : i32 to vector<256x640xi32>
    %shift_left3A_3478 = arith.shli %add3A_3474, %shift_left3A_3477 : vector<256x640xi32>
    %shift_right_logical3A_3479 = arith.constant 15 : i32
    %shift_right_logical3A_3480 = vector.broadcast %shift_right_logical3A_3479 : i32 to vector<256x640xi32>
    %shift_right_logical3A_3481 = arith.shrui %add3A_3474, %shift_right_logical3A_3480 : vector<256x640xi32>
    %or3A_3482 = arith.ori %shift_left3A_3478, %shift_right_logical3A_3481 : vector<256x640xi32>
    %xor3A_3483 = arith.xori %or3A_3482, %add3A_3475 : vector<256x640xi32>
    %add3A_3484 = arith.addi %add3A_3475, %xor3A_3483 : vector<256x640xi32>
    %shift_left3A_3485 = arith.constant 29 : i32
    %shift_left3A_3486 = vector.broadcast %shift_left3A_3485 : i32 to vector<256x640xi32>
    %shift_left3A_3487 = arith.shli %xor3A_3483, %shift_left3A_3486 : vector<256x640xi32>
    %shift_right_logical3A_3488 = arith.constant 3 : i32
    %shift_right_logical3A_3489 = vector.broadcast %shift_right_logical3A_3488 : i32 to vector<256x640xi32>
    %shift_right_logical3A_3490 = arith.shrui %xor3A_3483, %shift_right_logical3A_3489 : vector<256x640xi32>
    %or3A_3491 = arith.ori %shift_left3A_3487, %shift_right_logical3A_3490 : vector<256x640xi32>
    %xor3A_3492 = arith.xori %or3A_3491, %add3A_3484 : vector<256x640xi32>
    %add3A_3493 = arith.addi %add3A_3484, %xor3A_3492 : vector<256x640xi32>
    %shift_left3A_3494 = arith.constant 16 : i32
    %shift_left3A_3495 = vector.broadcast %shift_left3A_3494 : i32 to vector<256x640xi32>
    %shift_left3A_3496 = arith.shli %xor3A_3492, %shift_left3A_3495 : vector<256x640xi32>
    %shift_right_logical3A_3497 = arith.constant 16 : i32
    %shift_right_logical3A_3498 = vector.broadcast %shift_right_logical3A_3497 : i32 to vector<256x640xi32>
    %shift_right_logical3A_3499 = arith.shrui %xor3A_3492, %shift_right_logical3A_3498 : vector<256x640xi32>
    %or3A_3500 = arith.ori %shift_left3A_3496, %shift_right_logical3A_3499 : vector<256x640xi32>
    %xor3A_3501 = arith.xori %or3A_3500, %add3A_3493 : vector<256x640xi32>
    %add3A_3502 = arith.addi %add3A_3493, %xor3A_3501 : vector<256x640xi32>
    %shift_left3A_3503 = arith.constant 24 : i32
    %shift_left3A_3504 = vector.broadcast %shift_left3A_3503 : i32 to vector<256x640xi32>
    %shift_left3A_3505 = arith.shli %xor3A_3501, %shift_left3A_3504 : vector<256x640xi32>
    %shift_right_logical3A_3506 = arith.constant 8 : i32
    %shift_right_logical3A_3507 = vector.broadcast %shift_right_logical3A_3506 : i32 to vector<256x640xi32>
    %shift_right_logical3A_3508 = arith.shrui %xor3A_3501, %shift_right_logical3A_3507 : vector<256x640xi32>
    %or3A_3509 = arith.ori %shift_left3A_3505, %shift_right_logical3A_3508 : vector<256x640xi32>
    %xor3A_3510 = arith.xori %or3A_3509, %add3A_3502 : vector<256x640xi32>
    %add3A_3511 = arith.constant 466689008 : i32
    %add3A_3512 = vector.broadcast %add3A_3511 : i32 to vector<256x640xi32>
    %add3A_3513 = arith.addi %add3A_3502, %add3A_3512 : vector<256x640xi32>
    %add3A_3514 = arith.constant 2 : i32
    %add3A_3515 = vector.broadcast %add3A_3514 : i32 to vector<256x640xi32>
    %add3A_3516 = arith.addi %xor3A_3510, %add3A_3515 : vector<256x640xi32>
    %add3A_3517 = arith.addi %add3A_3513, %add3A_3516 : vector<256x640xi32>
    %shift_left3A_3518 = arith.constant 13 : i32
    %shift_left3A_3519 = vector.broadcast %shift_left3A_3518 : i32 to vector<256x640xi32>
    %shift_left3A_3520 = arith.shli %add3A_3516, %shift_left3A_3519 : vector<256x640xi32>
    %shift_right_logical3A_3521 = arith.constant 19 : i32
    %shift_right_logical3A_3522 = vector.broadcast %shift_right_logical3A_3521 : i32 to vector<256x640xi32>
    %shift_right_logical3A_3523 = arith.shrui %add3A_3516, %shift_right_logical3A_3522 : vector<256x640xi32>
    %or3A_3524 = arith.ori %shift_left3A_3520, %shift_right_logical3A_3523 : vector<256x640xi32>
    %xor3A_3525 = arith.xori %or3A_3524, %add3A_3517 : vector<256x640xi32>
    %add3A_3526 = arith.addi %add3A_3517, %xor3A_3525 : vector<256x640xi32>
    %shift_left3A_3527 = arith.constant 15 : i32
    %shift_left3A_3528 = vector.broadcast %shift_left3A_3527 : i32 to vector<256x640xi32>
    %shift_left3A_3529 = arith.shli %xor3A_3525, %shift_left3A_3528 : vector<256x640xi32>
    %shift_right_logical3A_3530 = arith.constant 17 : i32
    %shift_right_logical3A_3531 = vector.broadcast %shift_right_logical3A_3530 : i32 to vector<256x640xi32>
    %shift_right_logical3A_3532 = arith.shrui %xor3A_3525, %shift_right_logical3A_3531 : vector<256x640xi32>
    %or3A_3533 = arith.ori %shift_left3A_3529, %shift_right_logical3A_3532 : vector<256x640xi32>
    %xor3A_3534 = arith.xori %or3A_3533, %add3A_3526 : vector<256x640xi32>
    %add3A_3535 = arith.addi %add3A_3526, %xor3A_3534 : vector<256x640xi32>
    %shift_left3A_3536 = arith.constant 26 : i32
    %shift_left3A_3537 = vector.broadcast %shift_left3A_3536 : i32 to vector<256x640xi32>
    %shift_left3A_3538 = arith.shli %xor3A_3534, %shift_left3A_3537 : vector<256x640xi32>
    %shift_right_logical3A_3539 = arith.constant 6 : i32
    %shift_right_logical3A_3540 = vector.broadcast %shift_right_logical3A_3539 : i32 to vector<256x640xi32>
    %shift_right_logical3A_3541 = arith.shrui %xor3A_3534, %shift_right_logical3A_3540 : vector<256x640xi32>
    %or3A_3542 = arith.ori %shift_left3A_3538, %shift_right_logical3A_3541 : vector<256x640xi32>
    %xor3A_3543 = arith.xori %or3A_3542, %add3A_3535 : vector<256x640xi32>
    %add3A_3544 = arith.addi %add3A_3535, %xor3A_3543 : vector<256x640xi32>
    %shift_left3A_3545 = arith.constant 6 : i32
    %shift_left3A_3546 = vector.broadcast %shift_left3A_3545 : i32 to vector<256x640xi32>
    %shift_left3A_3547 = arith.shli %xor3A_3543, %shift_left3A_3546 : vector<256x640xi32>
    %shift_right_logical3A_3548 = arith.constant 26 : i32
    %shift_right_logical3A_3549 = vector.broadcast %shift_right_logical3A_3548 : i32 to vector<256x640xi32>
    %shift_right_logical3A_3550 = arith.shrui %xor3A_3543, %shift_right_logical3A_3549 : vector<256x640xi32>
    %or3A_3551 = arith.ori %shift_left3A_3547, %shift_right_logical3A_3550 : vector<256x640xi32>
    %xor3A_3552 = arith.xori %or3A_3551, %add3A_3544 : vector<256x640xi32>
    %add3A_3553 = arith.constant 45 : i32
    %add3A_3554 = vector.broadcast %add3A_3553 : i32 to vector<256x640xi32>
    %add3A_3555 = arith.addi %xor3A_3552, %add3A_3554 : vector<256x640xi32>
    %add3A_3556 = arith.addi %add3A_3544, %add3A_3555 : vector<256x640xi32>
    %shift_left3A_3557 = arith.constant 17 : i32
    %shift_left3A_3558 = vector.broadcast %shift_left3A_3557 : i32 to vector<256x640xi32>
    %shift_left3A_3559 = arith.shli %add3A_3555, %shift_left3A_3558 : vector<256x640xi32>
    %shift_right_logical3A_3560 = arith.constant 15 : i32
    %shift_right_logical3A_3561 = vector.broadcast %shift_right_logical3A_3560 : i32 to vector<256x640xi32>
    %shift_right_logical3A_3562 = arith.shrui %add3A_3555, %shift_right_logical3A_3561 : vector<256x640xi32>
    %or3A_3563 = arith.ori %shift_left3A_3559, %shift_right_logical3A_3562 : vector<256x640xi32>
    %xor3A_3564 = arith.xori %or3A_3563, %add3A_3556 : vector<256x640xi32>
    %add3A_3565 = arith.addi %add3A_3556, %xor3A_3564 : vector<256x640xi32>
    %shift_left3A_3566 = arith.constant 29 : i32
    %shift_left3A_3567 = vector.broadcast %shift_left3A_3566 : i32 to vector<256x640xi32>
    %shift_left3A_3568 = arith.shli %xor3A_3564, %shift_left3A_3567 : vector<256x640xi32>
    %shift_right_logical3A_3569 = arith.constant 3 : i32
    %shift_right_logical3A_3570 = vector.broadcast %shift_right_logical3A_3569 : i32 to vector<256x640xi32>
    %shift_right_logical3A_3571 = arith.shrui %xor3A_3564, %shift_right_logical3A_3570 : vector<256x640xi32>
    %or3A_3572 = arith.ori %shift_left3A_3568, %shift_right_logical3A_3571 : vector<256x640xi32>
    %xor3A_3573 = arith.xori %or3A_3572, %add3A_3565 : vector<256x640xi32>
    %add3A_3574 = arith.addi %add3A_3565, %xor3A_3573 : vector<256x640xi32>
    %shift_left3A_3575 = arith.constant 16 : i32
    %shift_left3A_3576 = vector.broadcast %shift_left3A_3575 : i32 to vector<256x640xi32>
    %shift_left3A_3577 = arith.shli %xor3A_3573, %shift_left3A_3576 : vector<256x640xi32>
    %shift_right_logical3A_3578 = arith.constant 16 : i32
    %shift_right_logical3A_3579 = vector.broadcast %shift_right_logical3A_3578 : i32 to vector<256x640xi32>
    %shift_right_logical3A_3580 = arith.shrui %xor3A_3573, %shift_right_logical3A_3579 : vector<256x640xi32>
    %or3A_3581 = arith.ori %shift_left3A_3577, %shift_right_logical3A_3580 : vector<256x640xi32>
    %xor3A_3582 = arith.xori %or3A_3581, %add3A_3574 : vector<256x640xi32>
    %add3A_3583 = arith.addi %add3A_3574, %xor3A_3582 : vector<256x640xi32>
    %shift_left3A_3584 = arith.constant 24 : i32
    %shift_left3A_3585 = vector.broadcast %shift_left3A_3584 : i32 to vector<256x640xi32>
    %shift_left3A_3586 = arith.shli %xor3A_3582, %shift_left3A_3585 : vector<256x640xi32>
    %shift_right_logical3A_3587 = arith.constant 8 : i32
    %shift_right_logical3A_3588 = vector.broadcast %shift_right_logical3A_3587 : i32 to vector<256x640xi32>
    %shift_right_logical3A_3589 = arith.shrui %xor3A_3582, %shift_right_logical3A_3588 : vector<256x640xi32>
    %or3A_3590 = arith.ori %shift_left3A_3586, %shift_right_logical3A_3589 : vector<256x640xi32>
    %xor3A_3591 = arith.xori %or3A_3590, %add3A_3583 : vector<256x640xi32>
    %add3A_3592 = arith.constant 42 : i32
    %add3A_3593 = vector.broadcast %add3A_3592 : i32 to vector<256x640xi32>
    %add3A_3594 = arith.addi %add3A_3583, %add3A_3593 : vector<256x640xi32>
    %add3A_3595 = arith.constant 466689012 : i32
    %add3A_3596 = vector.broadcast %add3A_3595 : i32 to vector<256x640xi32>
    %add3A_3597 = arith.addi %xor3A_3591, %add3A_3596 : vector<256x640xi32>
    %add3A_3598 = arith.addi %add3A_3594, %add3A_3597 : vector<256x640xi32>
    %shift_left3A_3599 = arith.constant 13 : i32
    %shift_left3A_3600 = vector.broadcast %shift_left3A_3599 : i32 to vector<256x640xi32>
    %shift_left3A_3601 = arith.shli %add3A_3597, %shift_left3A_3600 : vector<256x640xi32>
    %shift_right_logical3A_3602 = arith.constant 19 : i32
    %shift_right_logical3A_3603 = vector.broadcast %shift_right_logical3A_3602 : i32 to vector<256x640xi32>
    %shift_right_logical3A_3604 = arith.shrui %add3A_3597, %shift_right_logical3A_3603 : vector<256x640xi32>
    %or3A_3605 = arith.ori %shift_left3A_3601, %shift_right_logical3A_3604 : vector<256x640xi32>
    %xor3A_3606 = arith.xori %or3A_3605, %add3A_3598 : vector<256x640xi32>
    %add3A_3607 = arith.addi %add3A_3598, %xor3A_3606 : vector<256x640xi32>
    %shift_left3A_3608 = arith.constant 15 : i32
    %shift_left3A_3609 = vector.broadcast %shift_left3A_3608 : i32 to vector<256x640xi32>
    %shift_left3A_3610 = arith.shli %xor3A_3606, %shift_left3A_3609 : vector<256x640xi32>
    %shift_right_logical3A_3611 = arith.constant 17 : i32
    %shift_right_logical3A_3612 = vector.broadcast %shift_right_logical3A_3611 : i32 to vector<256x640xi32>
    %shift_right_logical3A_3613 = arith.shrui %xor3A_3606, %shift_right_logical3A_3612 : vector<256x640xi32>
    %or3A_3614 = arith.ori %shift_left3A_3610, %shift_right_logical3A_3613 : vector<256x640xi32>
    %xor3A_3615 = arith.xori %or3A_3614, %add3A_3607 : vector<256x640xi32>
    %add3A_3616 = arith.addi %add3A_3607, %xor3A_3615 : vector<256x640xi32>
    %shift_left3A_3617 = arith.constant 26 : i32
    %shift_left3A_3618 = vector.broadcast %shift_left3A_3617 : i32 to vector<256x640xi32>
    %shift_left3A_3619 = arith.shli %xor3A_3615, %shift_left3A_3618 : vector<256x640xi32>
    %shift_right_logical3A_3620 = arith.constant 6 : i32
    %shift_right_logical3A_3621 = vector.broadcast %shift_right_logical3A_3620 : i32 to vector<256x640xi32>
    %shift_right_logical3A_3622 = arith.shrui %xor3A_3615, %shift_right_logical3A_3621 : vector<256x640xi32>
    %or3A_3623 = arith.ori %shift_left3A_3619, %shift_right_logical3A_3622 : vector<256x640xi32>
    %xor3A_3624 = arith.xori %or3A_3623, %add3A_3616 : vector<256x640xi32>
    %add3A_3625 = arith.addi %add3A_3616, %xor3A_3624 : vector<256x640xi32>
    %shift_left3A_3626 = arith.constant 6 : i32
    %shift_left3A_3627 = vector.broadcast %shift_left3A_3626 : i32 to vector<256x640xi32>
    %shift_left3A_3628 = arith.shli %xor3A_3624, %shift_left3A_3627 : vector<256x640xi32>
    %shift_right_logical3A_3629 = arith.constant 26 : i32
    %shift_right_logical3A_3630 = vector.broadcast %shift_right_logical3A_3629 : i32 to vector<256x640xi32>
    %shift_right_logical3A_3631 = arith.shrui %xor3A_3624, %shift_right_logical3A_3630 : vector<256x640xi32>
    %or3A_3632 = arith.ori %shift_left3A_3628, %shift_right_logical3A_3631 : vector<256x640xi32>
    %xor3A_3633 = arith.xori %or3A_3632, %add3A_3625 : vector<256x640xi32>
    %add3A_3634 = arith.constant 466689008 : i32
    %add3A_3635 = vector.broadcast %add3A_3634 : i32 to vector<256x640xi32>
    %add3A_3636 = arith.addi %add3A_3625, %add3A_3635 : vector<256x640xi32>
    %add3A_3637 = arith.constant 5 : i32
    %add3A_3638 = vector.broadcast %add3A_3637 : i32 to vector<256x640xi32>
    %add3A_3639 = arith.addi %xor3A_3633, %add3A_3638 : vector<256x640xi32>
    %xor3A_3640 = arith.xori %add3A_3636, %add3A_3639 : vector<256x640xi32>
    %shift_right_logical3A_3641 = arith.constant 9 : i32
    %shift_right_logical3A_3642 = vector.broadcast %shift_right_logical3A_3641 : i32 to vector<256x640xi32>
    %shift_right_logical3A_3643 = arith.shrui %xor3A_3640, %shift_right_logical3A_3642 : vector<256x640xi32>
    %or3A_3644 = arith.constant 1065353216 : i32
    %or3A_3645 = vector.broadcast %or3A_3644 : i32 to vector<256x640xi32>
    %or3A_3646 = arith.ori %shift_right_logical3A_3643, %or3A_3645 : vector<256x640xi32>
    %bitcast_convert_type3A_3647 = tpu.bitcast %or3A_3646 : vector<256x640xi32> -> vector<256x640xf32>
    %sub3A_3648 = arith.constant 1.000000e+00 : f32
    %sub3A_3649 = vector.broadcast %sub3A_3648 : f32 to vector<256x640xf32>
    %sub3A_3650 = arith.subf %bitcast_convert_type3A_3647, %sub3A_3649 : vector<256x640xf32>
    %add3A_3651 = arith.constant 1.17549435E-38 : f32
    %add3A_3652 = vector.broadcast %add3A_3651 : f32 to vector<256x640xf32>
    %add3A_3653 = arith.addf %sub3A_3650, %add3A_3652 : vector<256x640xf32>
    %log3A_3654 = math.log %add3A_3653 : vector<256x640xf32>
    %neg3A_3655 = arith.constant 0.000000e+00 : f32
    %neg3A_3656 = vector.broadcast %neg3A_3655 : f32 to vector<256x640xf32>
    %neg3A_3657 = arith.subf %neg3A_3656, %log3A_3654 : vector<256x640xf32>
    %log3A_3658 = math.log %neg3A_3657 : vector<256x640xf32>
    %neg3A_3659 = arith.constant 0.000000e+00 : f32
    %neg3A_3660 = vector.broadcast %neg3A_3659 : f32 to vector<256x640xf32>
    %neg3A_3661 = arith.subf %neg3A_3660, %log3A_3658 : vector<256x640xf32>
    %add3A_3662 = arith.addf %add3A_3424, %neg3A_3661 : vector<256x640xf32>
    %jit3A_3663 = arith.constant 0xFF800000 : f32
    %broadcast_in_dim3A_3664 = vector.broadcast %jit3A_3663 : f32 to vector<256x640xf32>
    %select_n3A_3665 = arith.select %lt3A_10, %add3A_3662, %broadcast_in_dim3A_3664 : vector<256x640xi1>, vector<256x640xf32>
    %reduce_max3A_3666 = arith.constant dense<0xFF800000> : vector<256xf32>
    %reduce_max3A_3667 = vector.multi_reduction <maximumf>, %select_n3A_3665, %reduce_max3A_3666 [1] : vector<256x640xf32> to vector<256xf32>
    %jit3A_3668 = arith.constant 0xFF800000 : f32
    %broadcast_in_dim3A_3669 = vector.broadcast %jit3A_3668 : f32 to vector<256x640xf32>
    %select_n3A_3670 = arith.select %lt3A_10, %broadcast_in_dim3A_3669, %add3A_3662 : vector<256x640xi1>, vector<256x640xf32>
    %reduce_max3A_3671 = arith.constant dense<0xFF800000> : vector<256xf32>
    %reduce_max3A_3672 = vector.multi_reduction <maximumf>, %select_n3A_3670, %reduce_max3A_3671 [1] : vector<256x640xf32> to vector<256xf32>
    %broadcast_in_dim3A_3673 = vector.shape_cast %reduce_max3A_3667 : vector<256xf32> to vector<256x1xf32>
    %broadcast_in_dim3A_3674 = vector.shape_cast %reduce_max3A_3672 : vector<256xf32> to vector<256x1xf32>
    %broadcast_in_dim3A_3675 = vector.shape_cast %broadcast_in_dim3A_3673 : vector<256x1xf32> to vector<256x1xf32>
    %broadcast_in_dim3A_3676 = vector.broadcast %broadcast_in_dim3A_3675 : vector<256x1xf32> to vector<256x640xf32>
    %broadcast_in_dim3A_3677 = vector.shape_cast %broadcast_in_dim3A_3674 : vector<256x1xf32> to vector<256x1xf32>
    %broadcast_in_dim3A_3678 = vector.broadcast %broadcast_in_dim3A_3677 : vector<256x1xf32> to vector<256x640xf32>
    %select_n3A_3679 = arith.select %lt3A_10, %broadcast_in_dim3A_3676, %broadcast_in_dim3A_3678 : vector<256x640xi1>, vector<256x640xf32>
    %eq3A_3680 = arith.cmpf oeq, %add3A_3662, %select_n3A_3679 : vector<256x640xf32>
    %jit3A_3681 = arith.constant 1.000000e+00 : f32
    %jit3A_3682 = arith.constant 0.000000e+00 : f32
    %broadcast_in_dim3A_3683 = vector.broadcast %jit3A_3681 : f32 to vector<256x640xf32>
    %broadcast_in_dim3A_3684 = vector.broadcast %jit3A_3682 : f32 to vector<256x640xf32>
    %select_n3A_3685 = arith.select %eq3A_3680, %broadcast_in_dim3A_3683, %broadcast_in_dim3A_3684 : vector<256x640xi1>, vector<256x640xf32>
    %slice3A_3686 = vector.extract_strided_slice %select_n3A_3685 {offsets = [0, 0], sizes = [256, 320], strides = [1, 1]} : vector<256x640xf32> to vector<256x320xf32>
    %swap3A_3687 = arith.constant 0 : index
    %swap3A_3688 = arith.constant 24 : index
    %swap3A_3689 = arith.constant 0 : index
    %swap3A_3690 = vector.load %arg4[%swap3A_3687, %swap3A_3688, %swap3A_3689] : memref<256x32x320xf32, #tpu.memory_space<vmem>>, vector<256x1x320xf32>
    %swap3A_3691 = vector.shape_cast %swap3A_3690 : vector<256x1x320xf32> to vector<256x320xf32>
    %swap3A_3692 = vector.shape_cast %slice3A_3686 : vector<256x320xf32> to vector<256x1x320xf32>
    tpu.vector_store %arg4[%swap3A_3687, %swap3A_3688, %swap3A_3689], %swap3A_3692 {strides = array<i32>} : memref<256x32x320xf32, #tpu.memory_space<vmem>>, vector<256x1x320xf32>,
    %slice3A_3693 = vector.extract_strided_slice %select_n3A_3685 {offsets = [0, 320], sizes = [256, 320], strides = [1, 1]} : vector<256x640xf32> to vector<256x320xf32>
    %swap3A_3694 = arith.constant 0 : index
    %swap3A_3695 = arith.constant 25 : index
    %swap3A_3696 = arith.constant 0 : index
    %swap3A_3697 = vector.load %arg4[%swap3A_3694, %swap3A_3695, %swap3A_3696] : memref<256x32x320xf32, #tpu.memory_space<vmem>>, vector<256x1x320xf32>
    %swap3A_3698 = vector.shape_cast %swap3A_3697 : vector<256x1x320xf32> to vector<256x320xf32>
    %swap3A_3699 = vector.shape_cast %slice3A_3693 : vector<256x320xf32> to vector<256x1x320xf32>
    tpu.vector_store %arg4[%swap3A_3694, %swap3A_3695, %swap3A_3696], %swap3A_3699 {strides = array<i32>} : memref<256x32x320xf32, #tpu.memory_space<vmem>>, vector<256x1x320xf32>,
    %get3A_3700 = arith.constant 0 : index
    %get3A_3701 = arith.constant 8320 : index
    %get3A_3702 = vector.load %arg2[%get3A_3700, %get3A_3701] : memref<256x10240xf32, #tpu.memory_space<vmem>>, vector<256x640xf32>
    %dot_general3A_3703 = arith.constant dense<0.000000e+00> : vector<256x640xf32>
    %dot_general3A_3704 = tpu.matmul %get3A_2, %get3A_3702, %dot_general3A_3703 {dimension_numbers = #tpu.dot_dimension_numbers<[1], [0], [0], [1], [0, 0, 1, 1], [], []>, transpose_lhs_hint = false} : vector<256x256xf32>, vector<256x640xf32>, vector<256x640xf32> -> vector<256x640xf32>
    %get3A_3705 = arith.constant 0 : index
    %get3A_3706 = arith.constant 8320 : index
    %get3A_3707 = vector.load %arg3[%get3A_3705, %get3A_3706] : memref<1x10240xf32, #tpu.memory_space<vmem>>, vector<1x640xf32>
    %add3A_3708 = vector.broadcast %get3A_3707 : vector<1x640xf32> to vector<256x640xf32>
    %add3A_3709 = arith.addf %dot_general3A_3704, %add3A_3708 : vector<256x640xf32>
    %add3A_3710 = arith.constant 8320 : i32
    %add3A_3711 = vector.broadcast %add3A_3710 : i32 to vector<256x640xi32>
    %add3A_3712 = arith.addi %add3A_8, %add3A_3711 : vector<256x640xi32>
    %broadcast_in_dim3A_3713 = arith.constant 0 : i32
    %broadcast_in_dim3A_3714 = vector.broadcast %broadcast_in_dim3A_3713 : i32 to vector<256x640xi32>
    %add3A_3715 = arith.constant 42 : i32
    %add3A_3716 = vector.broadcast %add3A_3715 : i32 to vector<256x640xi32>
    %add3A_3717 = arith.addi %add3A_3712, %add3A_3716 : vector<256x640xi32>
    %add3A_3718 = arith.addi %broadcast_in_dim3A_3714, %add3A_3717 : vector<256x640xi32>
    %shift_left3A_3719 = arith.constant 13 : i32
    %shift_left3A_3720 = vector.broadcast %shift_left3A_3719 : i32 to vector<256x640xi32>
    %shift_left3A_3721 = arith.shli %add3A_3717, %shift_left3A_3720 : vector<256x640xi32>
    %shift_right_logical3A_3722 = arith.constant 19 : i32
    %shift_right_logical3A_3723 = vector.broadcast %shift_right_logical3A_3722 : i32 to vector<256x640xi32>
    %shift_right_logical3A_3724 = arith.shrui %add3A_3717, %shift_right_logical3A_3723 : vector<256x640xi32>
    %or3A_3725 = arith.ori %shift_left3A_3721, %shift_right_logical3A_3724 : vector<256x640xi32>
    %xor3A_3726 = arith.xori %or3A_3725, %add3A_3718 : vector<256x640xi32>
    %add3A_3727 = arith.addi %add3A_3718, %xor3A_3726 : vector<256x640xi32>
    %shift_left3A_3728 = arith.constant 15 : i32
    %shift_left3A_3729 = vector.broadcast %shift_left3A_3728 : i32 to vector<256x640xi32>
    %shift_left3A_3730 = arith.shli %xor3A_3726, %shift_left3A_3729 : vector<256x640xi32>
    %shift_right_logical3A_3731 = arith.constant 17 : i32
    %shift_right_logical3A_3732 = vector.broadcast %shift_right_logical3A_3731 : i32 to vector<256x640xi32>
    %shift_right_logical3A_3733 = arith.shrui %xor3A_3726, %shift_right_logical3A_3732 : vector<256x640xi32>
    %or3A_3734 = arith.ori %shift_left3A_3730, %shift_right_logical3A_3733 : vector<256x640xi32>
    %xor3A_3735 = arith.xori %or3A_3734, %add3A_3727 : vector<256x640xi32>
    %add3A_3736 = arith.addi %add3A_3727, %xor3A_3735 : vector<256x640xi32>
    %shift_left3A_3737 = arith.constant 26 : i32
    %shift_left3A_3738 = vector.broadcast %shift_left3A_3737 : i32 to vector<256x640xi32>
    %shift_left3A_3739 = arith.shli %xor3A_3735, %shift_left3A_3738 : vector<256x640xi32>
    %shift_right_logical3A_3740 = arith.constant 6 : i32
    %shift_right_logical3A_3741 = vector.broadcast %shift_right_logical3A_3740 : i32 to vector<256x640xi32>
    %shift_right_logical3A_3742 = arith.shrui %xor3A_3735, %shift_right_logical3A_3741 : vector<256x640xi32>
    %or3A_3743 = arith.ori %shift_left3A_3739, %shift_right_logical3A_3742 : vector<256x640xi32>
    %xor3A_3744 = arith.xori %or3A_3743, %add3A_3736 : vector<256x640xi32>
    %add3A_3745 = arith.addi %add3A_3736, %xor3A_3744 : vector<256x640xi32>
    %shift_left3A_3746 = arith.constant 6 : i32
    %shift_left3A_3747 = vector.broadcast %shift_left3A_3746 : i32 to vector<256x640xi32>
    %shift_left3A_3748 = arith.shli %xor3A_3744, %shift_left3A_3747 : vector<256x640xi32>
    %shift_right_logical3A_3749 = arith.constant 26 : i32
    %shift_right_logical3A_3750 = vector.broadcast %shift_right_logical3A_3749 : i32 to vector<256x640xi32>
    %shift_right_logical3A_3751 = arith.shrui %xor3A_3744, %shift_right_logical3A_3750 : vector<256x640xi32>
    %or3A_3752 = arith.ori %shift_left3A_3748, %shift_right_logical3A_3751 : vector<256x640xi32>
    %xor3A_3753 = arith.xori %or3A_3752, %add3A_3745 : vector<256x640xi32>
    %add3A_3754 = arith.constant 42 : i32
    %add3A_3755 = vector.broadcast %add3A_3754 : i32 to vector<256x640xi32>
    %add3A_3756 = arith.addi %add3A_3745, %add3A_3755 : vector<256x640xi32>
    %add3A_3757 = arith.constant 466689009 : i32
    %add3A_3758 = vector.broadcast %add3A_3757 : i32 to vector<256x640xi32>
    %add3A_3759 = arith.addi %xor3A_3753, %add3A_3758 : vector<256x640xi32>
    %add3A_3760 = arith.addi %add3A_3756, %add3A_3759 : vector<256x640xi32>
    %shift_left3A_3761 = arith.constant 17 : i32
    %shift_left3A_3762 = vector.broadcast %shift_left3A_3761 : i32 to vector<256x640xi32>
    %shift_left3A_3763 = arith.shli %add3A_3759, %shift_left3A_3762 : vector<256x640xi32>
    %shift_right_logical3A_3764 = arith.constant 15 : i32
    %shift_right_logical3A_3765 = vector.broadcast %shift_right_logical3A_3764 : i32 to vector<256x640xi32>
    %shift_right_logical3A_3766 = arith.shrui %add3A_3759, %shift_right_logical3A_3765 : vector<256x640xi32>
    %or3A_3767 = arith.ori %shift_left3A_3763, %shift_right_logical3A_3766 : vector<256x640xi32>
    %xor3A_3768 = arith.xori %or3A_3767, %add3A_3760 : vector<256x640xi32>
    %add3A_3769 = arith.addi %add3A_3760, %xor3A_3768 : vector<256x640xi32>
    %shift_left3A_3770 = arith.constant 29 : i32
    %shift_left3A_3771 = vector.broadcast %shift_left3A_3770 : i32 to vector<256x640xi32>
    %shift_left3A_3772 = arith.shli %xor3A_3768, %shift_left3A_3771 : vector<256x640xi32>
    %shift_right_logical3A_3773 = arith.constant 3 : i32
    %shift_right_logical3A_3774 = vector.broadcast %shift_right_logical3A_3773 : i32 to vector<256x640xi32>
    %shift_right_logical3A_3775 = arith.shrui %xor3A_3768, %shift_right_logical3A_3774 : vector<256x640xi32>
    %or3A_3776 = arith.ori %shift_left3A_3772, %shift_right_logical3A_3775 : vector<256x640xi32>
    %xor3A_3777 = arith.xori %or3A_3776, %add3A_3769 : vector<256x640xi32>
    %add3A_3778 = arith.addi %add3A_3769, %xor3A_3777 : vector<256x640xi32>
    %shift_left3A_3779 = arith.constant 16 : i32
    %shift_left3A_3780 = vector.broadcast %shift_left3A_3779 : i32 to vector<256x640xi32>
    %shift_left3A_3781 = arith.shli %xor3A_3777, %shift_left3A_3780 : vector<256x640xi32>
    %shift_right_logical3A_3782 = arith.constant 16 : i32
    %shift_right_logical3A_3783 = vector.broadcast %shift_right_logical3A_3782 : i32 to vector<256x640xi32>
    %shift_right_logical3A_3784 = arith.shrui %xor3A_3777, %shift_right_logical3A_3783 : vector<256x640xi32>
    %or3A_3785 = arith.ori %shift_left3A_3781, %shift_right_logical3A_3784 : vector<256x640xi32>
    %xor3A_3786 = arith.xori %or3A_3785, %add3A_3778 : vector<256x640xi32>
    %add3A_3787 = arith.addi %add3A_3778, %xor3A_3786 : vector<256x640xi32>
    %shift_left3A_3788 = arith.constant 24 : i32
    %shift_left3A_3789 = vector.broadcast %shift_left3A_3788 : i32 to vector<256x640xi32>
    %shift_left3A_3790 = arith.shli %xor3A_3786, %shift_left3A_3789 : vector<256x640xi32>
    %shift_right_logical3A_3791 = arith.constant 8 : i32
    %shift_right_logical3A_3792 = vector.broadcast %shift_right_logical3A_3791 : i32 to vector<256x640xi32>
    %shift_right_logical3A_3793 = arith.shrui %xor3A_3786, %shift_right_logical3A_3792 : vector<256x640xi32>
    %or3A_3794 = arith.ori %shift_left3A_3790, %shift_right_logical3A_3793 : vector<256x640xi32>
    %xor3A_3795 = arith.xori %or3A_3794, %add3A_3787 : vector<256x640xi32>
    %add3A_3796 = arith.constant 466689008 : i32
    %add3A_3797 = vector.broadcast %add3A_3796 : i32 to vector<256x640xi32>
    %add3A_3798 = arith.addi %add3A_3787, %add3A_3797 : vector<256x640xi32>
    %add3A_3799 = arith.constant 2 : i32
    %add3A_3800 = vector.broadcast %add3A_3799 : i32 to vector<256x640xi32>
    %add3A_3801 = arith.addi %xor3A_3795, %add3A_3800 : vector<256x640xi32>
    %add3A_3802 = arith.addi %add3A_3798, %add3A_3801 : vector<256x640xi32>
    %shift_left3A_3803 = arith.constant 13 : i32
    %shift_left3A_3804 = vector.broadcast %shift_left3A_3803 : i32 to vector<256x640xi32>
    %shift_left3A_3805 = arith.shli %add3A_3801, %shift_left3A_3804 : vector<256x640xi32>
    %shift_right_logical3A_3806 = arith.constant 19 : i32
    %shift_right_logical3A_3807 = vector.broadcast %shift_right_logical3A_3806 : i32 to vector<256x640xi32>
    %shift_right_logical3A_3808 = arith.shrui %add3A_3801, %shift_right_logical3A_3807 : vector<256x640xi32>
    %or3A_3809 = arith.ori %shift_left3A_3805, %shift_right_logical3A_3808 : vector<256x640xi32>
    %xor3A_3810 = arith.xori %or3A_3809, %add3A_3802 : vector<256x640xi32>
    %add3A_3811 = arith.addi %add3A_3802, %xor3A_3810 : vector<256x640xi32>
    %shift_left3A_3812 = arith.constant 15 : i32
    %shift_left3A_3813 = vector.broadcast %shift_left3A_3812 : i32 to vector<256x640xi32>
    %shift_left3A_3814 = arith.shli %xor3A_3810, %shift_left3A_3813 : vector<256x640xi32>
    %shift_right_logical3A_3815 = arith.constant 17 : i32
    %shift_right_logical3A_3816 = vector.broadcast %shift_right_logical3A_3815 : i32 to vector<256x640xi32>
    %shift_right_logical3A_3817 = arith.shrui %xor3A_3810, %shift_right_logical3A_3816 : vector<256x640xi32>
    %or3A_3818 = arith.ori %shift_left3A_3814, %shift_right_logical3A_3817 : vector<256x640xi32>
    %xor3A_3819 = arith.xori %or3A_3818, %add3A_3811 : vector<256x640xi32>
    %add3A_3820 = arith.addi %add3A_3811, %xor3A_3819 : vector<256x640xi32>
    %shift_left3A_3821 = arith.constant 26 : i32
    %shift_left3A_3822 = vector.broadcast %shift_left3A_3821 : i32 to vector<256x640xi32>
    %shift_left3A_3823 = arith.shli %xor3A_3819, %shift_left3A_3822 : vector<256x640xi32>
    %shift_right_logical3A_3824 = arith.constant 6 : i32
    %shift_right_logical3A_3825 = vector.broadcast %shift_right_logical3A_3824 : i32 to vector<256x640xi32>
    %shift_right_logical3A_3826 = arith.shrui %xor3A_3819, %shift_right_logical3A_3825 : vector<256x640xi32>
    %or3A_3827 = arith.ori %shift_left3A_3823, %shift_right_logical3A_3826 : vector<256x640xi32>
    %xor3A_3828 = arith.xori %or3A_3827, %add3A_3820 : vector<256x640xi32>
    %add3A_3829 = arith.addi %add3A_3820, %xor3A_3828 : vector<256x640xi32>
    %shift_left3A_3830 = arith.constant 6 : i32
    %shift_left3A_3831 = vector.broadcast %shift_left3A_3830 : i32 to vector<256x640xi32>
    %shift_left3A_3832 = arith.shli %xor3A_3828, %shift_left3A_3831 : vector<256x640xi32>
    %shift_right_logical3A_3833 = arith.constant 26 : i32
    %shift_right_logical3A_3834 = vector.broadcast %shift_right_logical3A_3833 : i32 to vector<256x640xi32>
    %shift_right_logical3A_3835 = arith.shrui %xor3A_3828, %shift_right_logical3A_3834 : vector<256x640xi32>
    %or3A_3836 = arith.ori %shift_left3A_3832, %shift_right_logical3A_3835 : vector<256x640xi32>
    %xor3A_3837 = arith.xori %or3A_3836, %add3A_3829 : vector<256x640xi32>
    %add3A_3838 = arith.constant 45 : i32
    %add3A_3839 = vector.broadcast %add3A_3838 : i32 to vector<256x640xi32>
    %add3A_3840 = arith.addi %xor3A_3837, %add3A_3839 : vector<256x640xi32>
    %add3A_3841 = arith.addi %add3A_3829, %add3A_3840 : vector<256x640xi32>
    %shift_left3A_3842 = arith.constant 17 : i32
    %shift_left3A_3843 = vector.broadcast %shift_left3A_3842 : i32 to vector<256x640xi32>
    %shift_left3A_3844 = arith.shli %add3A_3840, %shift_left3A_3843 : vector<256x640xi32>
    %shift_right_logical3A_3845 = arith.constant 15 : i32
    %shift_right_logical3A_3846 = vector.broadcast %shift_right_logical3A_3845 : i32 to vector<256x640xi32>
    %shift_right_logical3A_3847 = arith.shrui %add3A_3840, %shift_right_logical3A_3846 : vector<256x640xi32>
    %or3A_3848 = arith.ori %shift_left3A_3844, %shift_right_logical3A_3847 : vector<256x640xi32>
    %xor3A_3849 = arith.xori %or3A_3848, %add3A_3841 : vector<256x640xi32>
    %add3A_3850 = arith.addi %add3A_3841, %xor3A_3849 : vector<256x640xi32>
    %shift_left3A_3851 = arith.constant 29 : i32
    %shift_left3A_3852 = vector.broadcast %shift_left3A_3851 : i32 to vector<256x640xi32>
    %shift_left3A_3853 = arith.shli %xor3A_3849, %shift_left3A_3852 : vector<256x640xi32>
    %shift_right_logical3A_3854 = arith.constant 3 : i32
    %shift_right_logical3A_3855 = vector.broadcast %shift_right_logical3A_3854 : i32 to vector<256x640xi32>
    %shift_right_logical3A_3856 = arith.shrui %xor3A_3849, %shift_right_logical3A_3855 : vector<256x640xi32>
    %or3A_3857 = arith.ori %shift_left3A_3853, %shift_right_logical3A_3856 : vector<256x640xi32>
    %xor3A_3858 = arith.xori %or3A_3857, %add3A_3850 : vector<256x640xi32>
    %add3A_3859 = arith.addi %add3A_3850, %xor3A_3858 : vector<256x640xi32>
    %shift_left3A_3860 = arith.constant 16 : i32
    %shift_left3A_3861 = vector.broadcast %shift_left3A_3860 : i32 to vector<256x640xi32>
    %shift_left3A_3862 = arith.shli %xor3A_3858, %shift_left3A_3861 : vector<256x640xi32>
    %shift_right_logical3A_3863 = arith.constant 16 : i32
    %shift_right_logical3A_3864 = vector.broadcast %shift_right_logical3A_3863 : i32 to vector<256x640xi32>
    %shift_right_logical3A_3865 = arith.shrui %xor3A_3858, %shift_right_logical3A_3864 : vector<256x640xi32>
    %or3A_3866 = arith.ori %shift_left3A_3862, %shift_right_logical3A_3865 : vector<256x640xi32>
    %xor3A_3867 = arith.xori %or3A_3866, %add3A_3859 : vector<256x640xi32>
    %add3A_3868 = arith.addi %add3A_3859, %xor3A_3867 : vector<256x640xi32>
    %shift_left3A_3869 = arith.constant 24 : i32
    %shift_left3A_3870 = vector.broadcast %shift_left3A_3869 : i32 to vector<256x640xi32>
    %shift_left3A_3871 = arith.shli %xor3A_3867, %shift_left3A_3870 : vector<256x640xi32>
    %shift_right_logical3A_3872 = arith.constant 8 : i32
    %shift_right_logical3A_3873 = vector.broadcast %shift_right_logical3A_3872 : i32 to vector<256x640xi32>
    %shift_right_logical3A_3874 = arith.shrui %xor3A_3867, %shift_right_logical3A_3873 : vector<256x640xi32>
    %or3A_3875 = arith.ori %shift_left3A_3871, %shift_right_logical3A_3874 : vector<256x640xi32>
    %xor3A_3876 = arith.xori %or3A_3875, %add3A_3868 : vector<256x640xi32>
    %add3A_3877 = arith.constant 42 : i32
    %add3A_3878 = vector.broadcast %add3A_3877 : i32 to vector<256x640xi32>
    %add3A_3879 = arith.addi %add3A_3868, %add3A_3878 : vector<256x640xi32>
    %add3A_3880 = arith.constant 466689012 : i32
    %add3A_3881 = vector.broadcast %add3A_3880 : i32 to vector<256x640xi32>
    %add3A_3882 = arith.addi %xor3A_3876, %add3A_3881 : vector<256x640xi32>
    %add3A_3883 = arith.addi %add3A_3879, %add3A_3882 : vector<256x640xi32>
    %shift_left3A_3884 = arith.constant 13 : i32
    %shift_left3A_3885 = vector.broadcast %shift_left3A_3884 : i32 to vector<256x640xi32>
    %shift_left3A_3886 = arith.shli %add3A_3882, %shift_left3A_3885 : vector<256x640xi32>
    %shift_right_logical3A_3887 = arith.constant 19 : i32
    %shift_right_logical3A_3888 = vector.broadcast %shift_right_logical3A_3887 : i32 to vector<256x640xi32>
    %shift_right_logical3A_3889 = arith.shrui %add3A_3882, %shift_right_logical3A_3888 : vector<256x640xi32>
    %or3A_3890 = arith.ori %shift_left3A_3886, %shift_right_logical3A_3889 : vector<256x640xi32>
    %xor3A_3891 = arith.xori %or3A_3890, %add3A_3883 : vector<256x640xi32>
    %add3A_3892 = arith.addi %add3A_3883, %xor3A_3891 : vector<256x640xi32>
    %shift_left3A_3893 = arith.constant 15 : i32
    %shift_left3A_3894 = vector.broadcast %shift_left3A_3893 : i32 to vector<256x640xi32>
    %shift_left3A_3895 = arith.shli %xor3A_3891, %shift_left3A_3894 : vector<256x640xi32>
    %shift_right_logical3A_3896 = arith.constant 17 : i32
    %shift_right_logical3A_3897 = vector.broadcast %shift_right_logical3A_3896 : i32 to vector<256x640xi32>
    %shift_right_logical3A_3898 = arith.shrui %xor3A_3891, %shift_right_logical3A_3897 : vector<256x640xi32>
    %or3A_3899 = arith.ori %shift_left3A_3895, %shift_right_logical3A_3898 : vector<256x640xi32>
    %xor3A_3900 = arith.xori %or3A_3899, %add3A_3892 : vector<256x640xi32>
    %add3A_3901 = arith.addi %add3A_3892, %xor3A_3900 : vector<256x640xi32>
    %shift_left3A_3902 = arith.constant 26 : i32
    %shift_left3A_3903 = vector.broadcast %shift_left3A_3902 : i32 to vector<256x640xi32>
    %shift_left3A_3904 = arith.shli %xor3A_3900, %shift_left3A_3903 : vector<256x640xi32>
    %shift_right_logical3A_3905 = arith.constant 6 : i32
    %shift_right_logical3A_3906 = vector.broadcast %shift_right_logical3A_3905 : i32 to vector<256x640xi32>
    %shift_right_logical3A_3907 = arith.shrui %xor3A_3900, %shift_right_logical3A_3906 : vector<256x640xi32>
    %or3A_3908 = arith.ori %shift_left3A_3904, %shift_right_logical3A_3907 : vector<256x640xi32>
    %xor3A_3909 = arith.xori %or3A_3908, %add3A_3901 : vector<256x640xi32>
    %add3A_3910 = arith.addi %add3A_3901, %xor3A_3909 : vector<256x640xi32>
    %shift_left3A_3911 = arith.constant 6 : i32
    %shift_left3A_3912 = vector.broadcast %shift_left3A_3911 : i32 to vector<256x640xi32>
    %shift_left3A_3913 = arith.shli %xor3A_3909, %shift_left3A_3912 : vector<256x640xi32>
    %shift_right_logical3A_3914 = arith.constant 26 : i32
    %shift_right_logical3A_3915 = vector.broadcast %shift_right_logical3A_3914 : i32 to vector<256x640xi32>
    %shift_right_logical3A_3916 = arith.shrui %xor3A_3909, %shift_right_logical3A_3915 : vector<256x640xi32>
    %or3A_3917 = arith.ori %shift_left3A_3913, %shift_right_logical3A_3916 : vector<256x640xi32>
    %xor3A_3918 = arith.xori %or3A_3917, %add3A_3910 : vector<256x640xi32>
    %add3A_3919 = arith.constant 466689008 : i32
    %add3A_3920 = vector.broadcast %add3A_3919 : i32 to vector<256x640xi32>
    %add3A_3921 = arith.addi %add3A_3910, %add3A_3920 : vector<256x640xi32>
    %add3A_3922 = arith.constant 5 : i32
    %add3A_3923 = vector.broadcast %add3A_3922 : i32 to vector<256x640xi32>
    %add3A_3924 = arith.addi %xor3A_3918, %add3A_3923 : vector<256x640xi32>
    %xor3A_3925 = arith.xori %add3A_3921, %add3A_3924 : vector<256x640xi32>
    %shift_right_logical3A_3926 = arith.constant 9 : i32
    %shift_right_logical3A_3927 = vector.broadcast %shift_right_logical3A_3926 : i32 to vector<256x640xi32>
    %shift_right_logical3A_3928 = arith.shrui %xor3A_3925, %shift_right_logical3A_3927 : vector<256x640xi32>
    %or3A_3929 = arith.constant 1065353216 : i32
    %or3A_3930 = vector.broadcast %or3A_3929 : i32 to vector<256x640xi32>
    %or3A_3931 = arith.ori %shift_right_logical3A_3928, %or3A_3930 : vector<256x640xi32>
    %bitcast_convert_type3A_3932 = tpu.bitcast %or3A_3931 : vector<256x640xi32> -> vector<256x640xf32>
    %sub3A_3933 = arith.constant 1.000000e+00 : f32
    %sub3A_3934 = vector.broadcast %sub3A_3933 : f32 to vector<256x640xf32>
    %sub3A_3935 = arith.subf %bitcast_convert_type3A_3932, %sub3A_3934 : vector<256x640xf32>
    %add3A_3936 = arith.constant 1.17549435E-38 : f32
    %add3A_3937 = vector.broadcast %add3A_3936 : f32 to vector<256x640xf32>
    %add3A_3938 = arith.addf %sub3A_3935, %add3A_3937 : vector<256x640xf32>
    %log3A_3939 = math.log %add3A_3938 : vector<256x640xf32>
    %neg3A_3940 = arith.constant 0.000000e+00 : f32
    %neg3A_3941 = vector.broadcast %neg3A_3940 : f32 to vector<256x640xf32>
    %neg3A_3942 = arith.subf %neg3A_3941, %log3A_3939 : vector<256x640xf32>
    %log3A_3943 = math.log %neg3A_3942 : vector<256x640xf32>
    %neg3A_3944 = arith.constant 0.000000e+00 : f32
    %neg3A_3945 = vector.broadcast %neg3A_3944 : f32 to vector<256x640xf32>
    %neg3A_3946 = arith.subf %neg3A_3945, %log3A_3943 : vector<256x640xf32>
    %add3A_3947 = arith.addf %add3A_3709, %neg3A_3946 : vector<256x640xf32>
    %jit3A_3948 = arith.constant 0xFF800000 : f32
    %broadcast_in_dim3A_3949 = vector.broadcast %jit3A_3948 : f32 to vector<256x640xf32>
    %select_n3A_3950 = arith.select %lt3A_10, %add3A_3947, %broadcast_in_dim3A_3949 : vector<256x640xi1>, vector<256x640xf32>
    %reduce_max3A_3951 = arith.constant dense<0xFF800000> : vector<256xf32>
    %reduce_max3A_3952 = vector.multi_reduction <maximumf>, %select_n3A_3950, %reduce_max3A_3951 [1] : vector<256x640xf32> to vector<256xf32>
    %jit3A_3953 = arith.constant 0xFF800000 : f32
    %broadcast_in_dim3A_3954 = vector.broadcast %jit3A_3953 : f32 to vector<256x640xf32>
    %select_n3A_3955 = arith.select %lt3A_10, %broadcast_in_dim3A_3954, %add3A_3947 : vector<256x640xi1>, vector<256x640xf32>
    %reduce_max3A_3956 = arith.constant dense<0xFF800000> : vector<256xf32>
    %reduce_max3A_3957 = vector.multi_reduction <maximumf>, %select_n3A_3955, %reduce_max3A_3956 [1] : vector<256x640xf32> to vector<256xf32>
    %broadcast_in_dim3A_3958 = vector.shape_cast %reduce_max3A_3952 : vector<256xf32> to vector<256x1xf32>
    %broadcast_in_dim3A_3959 = vector.shape_cast %reduce_max3A_3957 : vector<256xf32> to vector<256x1xf32>
    %broadcast_in_dim3A_3960 = vector.shape_cast %broadcast_in_dim3A_3958 : vector<256x1xf32> to vector<256x1xf32>
    %broadcast_in_dim3A_3961 = vector.broadcast %broadcast_in_dim3A_3960 : vector<256x1xf32> to vector<256x640xf32>
    %broadcast_in_dim3A_3962 = vector.shape_cast %broadcast_in_dim3A_3959 : vector<256x1xf32> to vector<256x1xf32>
    %broadcast_in_dim3A_3963 = vector.broadcast %broadcast_in_dim3A_3962 : vector<256x1xf32> to vector<256x640xf32>
    %select_n3A_3964 = arith.select %lt3A_10, %broadcast_in_dim3A_3961, %broadcast_in_dim3A_3963 : vector<256x640xi1>, vector<256x640xf32>
    %eq3A_3965 = arith.cmpf oeq, %add3A_3947, %select_n3A_3964 : vector<256x640xf32>
    %jit3A_3966 = arith.constant 1.000000e+00 : f32
    %jit3A_3967 = arith.constant 0.000000e+00 : f32
    %broadcast_in_dim3A_3968 = vector.broadcast %jit3A_3966 : f32 to vector<256x640xf32>
    %broadcast_in_dim3A_3969 = vector.broadcast %jit3A_3967 : f32 to vector<256x640xf32>
    %select_n3A_3970 = arith.select %eq3A_3965, %broadcast_in_dim3A_3968, %broadcast_in_dim3A_3969 : vector<256x640xi1>, vector<256x640xf32>
    %slice3A_3971 = vector.extract_strided_slice %select_n3A_3970 {offsets = [0, 0], sizes = [256, 320], strides = [1, 1]} : vector<256x640xf32> to vector<256x320xf32>
    %swap3A_3972 = arith.constant 0 : index
    %swap3A_3973 = arith.constant 26 : index
    %swap3A_3974 = arith.constant 0 : index
    %swap3A_3975 = vector.load %arg4[%swap3A_3972, %swap3A_3973, %swap3A_3974] : memref<256x32x320xf32, #tpu.memory_space<vmem>>, vector<256x1x320xf32>
    %swap3A_3976 = vector.shape_cast %swap3A_3975 : vector<256x1x320xf32> to vector<256x320xf32>
    %swap3A_3977 = vector.shape_cast %slice3A_3971 : vector<256x320xf32> to vector<256x1x320xf32>
    tpu.vector_store %arg4[%swap3A_3972, %swap3A_3973, %swap3A_3974], %swap3A_3977 {strides = array<i32>} : memref<256x32x320xf32, #tpu.memory_space<vmem>>, vector<256x1x320xf32>,
    %slice3A_3978 = vector.extract_strided_slice %select_n3A_3970 {offsets = [0, 320], sizes = [256, 320], strides = [1, 1]} : vector<256x640xf32> to vector<256x320xf32>
    %swap3A_3979 = arith.constant 0 : index
    %swap3A_3980 = arith.constant 27 : index
    %swap3A_3981 = arith.constant 0 : index
    %swap3A_3982 = vector.load %arg4[%swap3A_3979, %swap3A_3980, %swap3A_3981] : memref<256x32x320xf32, #tpu.memory_space<vmem>>, vector<256x1x320xf32>
    %swap3A_3983 = vector.shape_cast %swap3A_3982 : vector<256x1x320xf32> to vector<256x320xf32>
    %swap3A_3984 = vector.shape_cast %slice3A_3978 : vector<256x320xf32> to vector<256x1x320xf32>
    tpu.vector_store %arg4[%swap3A_3979, %swap3A_3980, %swap3A_3981], %swap3A_3984 {strides = array<i32>} : memref<256x32x320xf32, #tpu.memory_space<vmem>>, vector<256x1x320xf32>,
    %get3A_3985 = arith.constant 0 : index
    %get3A_3986 = arith.constant 8960 : index
    %get3A_3987 = vector.load %arg2[%get3A_3985, %get3A_3986] : memref<256x10240xf32, #tpu.memory_space<vmem>>, vector<256x640xf32>
    %dot_general3A_3988 = arith.constant dense<0.000000e+00> : vector<256x640xf32>
    %dot_general3A_3989 = tpu.matmul %get3A_2, %get3A_3987, %dot_general3A_3988 {dimension_numbers = #tpu.dot_dimension_numbers<[1], [0], [0], [1], [0, 0, 1, 1], [], []>, transpose_lhs_hint = false} : vector<256x256xf32>, vector<256x640xf32>, vector<256x640xf32> -> vector<256x640xf32>
    %get3A_3990 = arith.constant 0 : index
    %get3A_3991 = arith.constant 8960 : index
    %get3A_3992 = vector.load %arg3[%get3A_3990, %get3A_3991] : memref<1x10240xf32, #tpu.memory_space<vmem>>, vector<1x640xf32>
    %add3A_3993 = vector.broadcast %get3A_3992 : vector<1x640xf32> to vector<256x640xf32>
    %add3A_3994 = arith.addf %dot_general3A_3989, %add3A_3993 : vector<256x640xf32>
    %add3A_3995 = arith.constant 8960 : i32
    %add3A_3996 = vector.broadcast %add3A_3995 : i32 to vector<256x640xi32>
    %add3A_3997 = arith.addi %add3A_8, %add3A_3996 : vector<256x640xi32>
    %broadcast_in_dim3A_3998 = arith.constant 0 : i32
    %broadcast_in_dim3A_3999 = vector.broadcast %broadcast_in_dim3A_3998 : i32 to vector<256x640xi32>
    %add3A_4000 = arith.constant 42 : i32
    %add3A_4001 = vector.broadcast %add3A_4000 : i32 to vector<256x640xi32>
    %add3A_4002 = arith.addi %add3A_3997, %add3A_4001 : vector<256x640xi32>
    %add3A_4003 = arith.addi %broadcast_in_dim3A_3999, %add3A_4002 : vector<256x640xi32>
    %shift_left3A_4004 = arith.constant 13 : i32
    %shift_left3A_4005 = vector.broadcast %shift_left3A_4004 : i32 to vector<256x640xi32>
    %shift_left3A_4006 = arith.shli %add3A_4002, %shift_left3A_4005 : vector<256x640xi32>
    %shift_right_logical3A_4007 = arith.constant 19 : i32
    %shift_right_logical3A_4008 = vector.broadcast %shift_right_logical3A_4007 : i32 to vector<256x640xi32>
    %shift_right_logical3A_4009 = arith.shrui %add3A_4002, %shift_right_logical3A_4008 : vector<256x640xi32>
    %or3A_4010 = arith.ori %shift_left3A_4006, %shift_right_logical3A_4009 : vector<256x640xi32>
    %xor3A_4011 = arith.xori %or3A_4010, %add3A_4003 : vector<256x640xi32>
    %add3A_4012 = arith.addi %add3A_4003, %xor3A_4011 : vector<256x640xi32>
    %shift_left3A_4013 = arith.constant 15 : i32
    %shift_left3A_4014 = vector.broadcast %shift_left3A_4013 : i32 to vector<256x640xi32>
    %shift_left3A_4015 = arith.shli %xor3A_4011, %shift_left3A_4014 : vector<256x640xi32>
    %shift_right_logical3A_4016 = arith.constant 17 : i32
    %shift_right_logical3A_4017 = vector.broadcast %shift_right_logical3A_4016 : i32 to vector<256x640xi32>
    %shift_right_logical3A_4018 = arith.shrui %xor3A_4011, %shift_right_logical3A_4017 : vector<256x640xi32>
    %or3A_4019 = arith.ori %shift_left3A_4015, %shift_right_logical3A_4018 : vector<256x640xi32>
    %xor3A_4020 = arith.xori %or3A_4019, %add3A_4012 : vector<256x640xi32>
    %add3A_4021 = arith.addi %add3A_4012, %xor3A_4020 : vector<256x640xi32>
    %shift_left3A_4022 = arith.constant 26 : i32
    %shift_left3A_4023 = vector.broadcast %shift_left3A_4022 : i32 to vector<256x640xi32>
    %shift_left3A_4024 = arith.shli %xor3A_4020, %shift_left3A_4023 : vector<256x640xi32>
    %shift_right_logical3A_4025 = arith.constant 6 : i32
    %shift_right_logical3A_4026 = vector.broadcast %shift_right_logical3A_4025 : i32 to vector<256x640xi32>
    %shift_right_logical3A_4027 = arith.shrui %xor3A_4020, %shift_right_logical3A_4026 : vector<256x640xi32>
    %or3A_4028 = arith.ori %shift_left3A_4024, %shift_right_logical3A_4027 : vector<256x640xi32>
    %xor3A_4029 = arith.xori %or3A_4028, %add3A_4021 : vector<256x640xi32>
    %add3A_4030 = arith.addi %add3A_4021, %xor3A_4029 : vector<256x640xi32>
    %shift_left3A_4031 = arith.constant 6 : i32
    %shift_left3A_4032 = vector.broadcast %shift_left3A_4031 : i32 to vector<256x640xi32>
    %shift_left3A_4033 = arith.shli %xor3A_4029, %shift_left3A_4032 : vector<256x640xi32>
    %shift_right_logical3A_4034 = arith.constant 26 : i32
    %shift_right_logical3A_4035 = vector.broadcast %shift_right_logical3A_4034 : i32 to vector<256x640xi32>
    %shift_right_logical3A_4036 = arith.shrui %xor3A_4029, %shift_right_logical3A_4035 : vector<256x640xi32>
    %or3A_4037 = arith.ori %shift_left3A_4033, %shift_right_logical3A_4036 : vector<256x640xi32>
    %xor3A_4038 = arith.xori %or3A_4037, %add3A_4030 : vector<256x640xi32>
    %add3A_4039 = arith.constant 42 : i32
    %add3A_4040 = vector.broadcast %add3A_4039 : i32 to vector<256x640xi32>
    %add3A_4041 = arith.addi %add3A_4030, %add3A_4040 : vector<256x640xi32>
    %add3A_4042 = arith.constant 466689009 : i32
    %add3A_4043 = vector.broadcast %add3A_4042 : i32 to vector<256x640xi32>
    %add3A_4044 = arith.addi %xor3A_4038, %add3A_4043 : vector<256x640xi32>
    %add3A_4045 = arith.addi %add3A_4041, %add3A_4044 : vector<256x640xi32>
    %shift_left3A_4046 = arith.constant 17 : i32
    %shift_left3A_4047 = vector.broadcast %shift_left3A_4046 : i32 to vector<256x640xi32>
    %shift_left3A_4048 = arith.shli %add3A_4044, %shift_left3A_4047 : vector<256x640xi32>
    %shift_right_logical3A_4049 = arith.constant 15 : i32
    %shift_right_logical3A_4050 = vector.broadcast %shift_right_logical3A_4049 : i32 to vector<256x640xi32>
    %shift_right_logical3A_4051 = arith.shrui %add3A_4044, %shift_right_logical3A_4050 : vector<256x640xi32>
    %or3A_4052 = arith.ori %shift_left3A_4048, %shift_right_logical3A_4051 : vector<256x640xi32>
    %xor3A_4053 = arith.xori %or3A_4052, %add3A_4045 : vector<256x640xi32>
    %add3A_4054 = arith.addi %add3A_4045, %xor3A_4053 : vector<256x640xi32>
    %shift_left3A_4055 = arith.constant 29 : i32
    %shift_left3A_4056 = vector.broadcast %shift_left3A_4055 : i32 to vector<256x640xi32>
    %shift_left3A_4057 = arith.shli %xor3A_4053, %shift_left3A_4056 : vector<256x640xi32>
    %shift_right_logical3A_4058 = arith.constant 3 : i32
    %shift_right_logical3A_4059 = vector.broadcast %shift_right_logical3A_4058 : i32 to vector<256x640xi32>
    %shift_right_logical3A_4060 = arith.shrui %xor3A_4053, %shift_right_logical3A_4059 : vector<256x640xi32>
    %or3A_4061 = arith.ori %shift_left3A_4057, %shift_right_logical3A_4060 : vector<256x640xi32>
    %xor3A_4062 = arith.xori %or3A_4061, %add3A_4054 : vector<256x640xi32>
    %add3A_4063 = arith.addi %add3A_4054, %xor3A_4062 : vector<256x640xi32>
    %shift_left3A_4064 = arith.constant 16 : i32
    %shift_left3A_4065 = vector.broadcast %shift_left3A_4064 : i32 to vector<256x640xi32>
    %shift_left3A_4066 = arith.shli %xor3A_4062, %shift_left3A_4065 : vector<256x640xi32>
    %shift_right_logical3A_4067 = arith.constant 16 : i32
    %shift_right_logical3A_4068 = vector.broadcast %shift_right_logical3A_4067 : i32 to vector<256x640xi32>
    %shift_right_logical3A_4069 = arith.shrui %xor3A_4062, %shift_right_logical3A_4068 : vector<256x640xi32>
    %or3A_4070 = arith.ori %shift_left3A_4066, %shift_right_logical3A_4069 : vector<256x640xi32>
    %xor3A_4071 = arith.xori %or3A_4070, %add3A_4063 : vector<256x640xi32>
    %add3A_4072 = arith.addi %add3A_4063, %xor3A_4071 : vector<256x640xi32>
    %shift_left3A_4073 = arith.constant 24 : i32
    %shift_left3A_4074 = vector.broadcast %shift_left3A_4073 : i32 to vector<256x640xi32>
    %shift_left3A_4075 = arith.shli %xor3A_4071, %shift_left3A_4074 : vector<256x640xi32>
    %shift_right_logical3A_4076 = arith.constant 8 : i32
    %shift_right_logical3A_4077 = vector.broadcast %shift_right_logical3A_4076 : i32 to vector<256x640xi32>
    %shift_right_logical3A_4078 = arith.shrui %xor3A_4071, %shift_right_logical3A_4077 : vector<256x640xi32>
    %or3A_4079 = arith.ori %shift_left3A_4075, %shift_right_logical3A_4078 : vector<256x640xi32>
    %xor3A_4080 = arith.xori %or3A_4079, %add3A_4072 : vector<256x640xi32>
    %add3A_4081 = arith.constant 466689008 : i32
    %add3A_4082 = vector.broadcast %add3A_4081 : i32 to vector<256x640xi32>
    %add3A_4083 = arith.addi %add3A_4072, %add3A_4082 : vector<256x640xi32>
    %add3A_4084 = arith.constant 2 : i32
    %add3A_4085 = vector.broadcast %add3A_4084 : i32 to vector<256x640xi32>
    %add3A_4086 = arith.addi %xor3A_4080, %add3A_4085 : vector<256x640xi32>
    %add3A_4087 = arith.addi %add3A_4083, %add3A_4086 : vector<256x640xi32>
    %shift_left3A_4088 = arith.constant 13 : i32
    %shift_left3A_4089 = vector.broadcast %shift_left3A_4088 : i32 to vector<256x640xi32>
    %shift_left3A_4090 = arith.shli %add3A_4086, %shift_left3A_4089 : vector<256x640xi32>
    %shift_right_logical3A_4091 = arith.constant 19 : i32
    %shift_right_logical3A_4092 = vector.broadcast %shift_right_logical3A_4091 : i32 to vector<256x640xi32>
    %shift_right_logical3A_4093 = arith.shrui %add3A_4086, %shift_right_logical3A_4092 : vector<256x640xi32>
    %or3A_4094 = arith.ori %shift_left3A_4090, %shift_right_logical3A_4093 : vector<256x640xi32>
    %xor3A_4095 = arith.xori %or3A_4094, %add3A_4087 : vector<256x640xi32>
    %add3A_4096 = arith.addi %add3A_4087, %xor3A_4095 : vector<256x640xi32>
    %shift_left3A_4097 = arith.constant 15 : i32
    %shift_left3A_4098 = vector.broadcast %shift_left3A_4097 : i32 to vector<256x640xi32>
    %shift_left3A_4099 = arith.shli %xor3A_4095, %shift_left3A_4098 : vector<256x640xi32>
    %shift_right_logical3A_4100 = arith.constant 17 : i32
    %shift_right_logical3A_4101 = vector.broadcast %shift_right_logical3A_4100 : i32 to vector<256x640xi32>
    %shift_right_logical3A_4102 = arith.shrui %xor3A_4095, %shift_right_logical3A_4101 : vector<256x640xi32>
    %or3A_4103 = arith.ori %shift_left3A_4099, %shift_right_logical3A_4102 : vector<256x640xi32>
    %xor3A_4104 = arith.xori %or3A_4103, %add3A_4096 : vector<256x640xi32>
    %add3A_4105 = arith.addi %add3A_4096, %xor3A_4104 : vector<256x640xi32>
    %shift_left3A_4106 = arith.constant 26 : i32
    %shift_left3A_4107 = vector.broadcast %shift_left3A_4106 : i32 to vector<256x640xi32>
    %shift_left3A_4108 = arith.shli %xor3A_4104, %shift_left3A_4107 : vector<256x640xi32>
    %shift_right_logical3A_4109 = arith.constant 6 : i32
    %shift_right_logical3A_4110 = vector.broadcast %shift_right_logical3A_4109 : i32 to vector<256x640xi32>
    %shift_right_logical3A_4111 = arith.shrui %xor3A_4104, %shift_right_logical3A_4110 : vector<256x640xi32>
    %or3A_4112 = arith.ori %shift_left3A_4108, %shift_right_logical3A_4111 : vector<256x640xi32>
    %xor3A_4113 = arith.xori %or3A_4112, %add3A_4105 : vector<256x640xi32>
    %add3A_4114 = arith.addi %add3A_4105, %xor3A_4113 : vector<256x640xi32>
    %shift_left3A_4115 = arith.constant 6 : i32
    %shift_left3A_4116 = vector.broadcast %shift_left3A_4115 : i32 to vector<256x640xi32>
    %shift_left3A_4117 = arith.shli %xor3A_4113, %shift_left3A_4116 : vector<256x640xi32>
    %shift_right_logical3A_4118 = arith.constant 26 : i32
    %shift_right_logical3A_4119 = vector.broadcast %shift_right_logical3A_4118 : i32 to vector<256x640xi32>
    %shift_right_logical3A_4120 = arith.shrui %xor3A_4113, %shift_right_logical3A_4119 : vector<256x640xi32>
    %or3A_4121 = arith.ori %shift_left3A_4117, %shift_right_logical3A_4120 : vector<256x640xi32>
    %xor3A_4122 = arith.xori %or3A_4121, %add3A_4114 : vector<256x640xi32>
    %add3A_4123 = arith.constant 45 : i32
    %add3A_4124 = vector.broadcast %add3A_4123 : i32 to vector<256x640xi32>
    %add3A_4125 = arith.addi %xor3A_4122, %add3A_4124 : vector<256x640xi32>
    %add3A_4126 = arith.addi %add3A_4114, %add3A_4125 : vector<256x640xi32>
    %shift_left3A_4127 = arith.constant 17 : i32
    %shift_left3A_4128 = vector.broadcast %shift_left3A_4127 : i32 to vector<256x640xi32>
    %shift_left3A_4129 = arith.shli %add3A_4125, %shift_left3A_4128 : vector<256x640xi32>
    %shift_right_logical3A_4130 = arith.constant 15 : i32
    %shift_right_logical3A_4131 = vector.broadcast %shift_right_logical3A_4130 : i32 to vector<256x640xi32>
    %shift_right_logical3A_4132 = arith.shrui %add3A_4125, %shift_right_logical3A_4131 : vector<256x640xi32>
    %or3A_4133 = arith.ori %shift_left3A_4129, %shift_right_logical3A_4132 : vector<256x640xi32>
    %xor3A_4134 = arith.xori %or3A_4133, %add3A_4126 : vector<256x640xi32>
    %add3A_4135 = arith.addi %add3A_4126, %xor3A_4134 : vector<256x640xi32>
    %shift_left3A_4136 = arith.constant 29 : i32
    %shift_left3A_4137 = vector.broadcast %shift_left3A_4136 : i32 to vector<256x640xi32>
    %shift_left3A_4138 = arith.shli %xor3A_4134, %shift_left3A_4137 : vector<256x640xi32>
    %shift_right_logical3A_4139 = arith.constant 3 : i32
    %shift_right_logical3A_4140 = vector.broadcast %shift_right_logical3A_4139 : i32 to vector<256x640xi32>
    %shift_right_logical3A_4141 = arith.shrui %xor3A_4134, %shift_right_logical3A_4140 : vector<256x640xi32>
    %or3A_4142 = arith.ori %shift_left3A_4138, %shift_right_logical3A_4141 : vector<256x640xi32>
    %xor3A_4143 = arith.xori %or3A_4142, %add3A_4135 : vector<256x640xi32>
    %add3A_4144 = arith.addi %add3A_4135, %xor3A_4143 : vector<256x640xi32>
    %shift_left3A_4145 = arith.constant 16 : i32
    %shift_left3A_4146 = vector.broadcast %shift_left3A_4145 : i32 to vector<256x640xi32>
    %shift_left3A_4147 = arith.shli %xor3A_4143, %shift_left3A_4146 : vector<256x640xi32>
    %shift_right_logical3A_4148 = arith.constant 16 : i32
    %shift_right_logical3A_4149 = vector.broadcast %shift_right_logical3A_4148 : i32 to vector<256x640xi32>
    %shift_right_logical3A_4150 = arith.shrui %xor3A_4143, %shift_right_logical3A_4149 : vector<256x640xi32>
    %or3A_4151 = arith.ori %shift_left3A_4147, %shift_right_logical3A_4150 : vector<256x640xi32>
    %xor3A_4152 = arith.xori %or3A_4151, %add3A_4144 : vector<256x640xi32>
    %add3A_4153 = arith.addi %add3A_4144, %xor3A_4152 : vector<256x640xi32>
    %shift_left3A_4154 = arith.constant 24 : i32
    %shift_left3A_4155 = vector.broadcast %shift_left3A_4154 : i32 to vector<256x640xi32>
    %shift_left3A_4156 = arith.shli %xor3A_4152, %shift_left3A_4155 : vector<256x640xi32>
    %shift_right_logical3A_4157 = arith.constant 8 : i32
    %shift_right_logical3A_4158 = vector.broadcast %shift_right_logical3A_4157 : i32 to vector<256x640xi32>
    %shift_right_logical3A_4159 = arith.shrui %xor3A_4152, %shift_right_logical3A_4158 : vector<256x640xi32>
    %or3A_4160 = arith.ori %shift_left3A_4156, %shift_right_logical3A_4159 : vector<256x640xi32>
    %xor3A_4161 = arith.xori %or3A_4160, %add3A_4153 : vector<256x640xi32>
    %add3A_4162 = arith.constant 42 : i32
    %add3A_4163 = vector.broadcast %add3A_4162 : i32 to vector<256x640xi32>
    %add3A_4164 = arith.addi %add3A_4153, %add3A_4163 : vector<256x640xi32>
    %add3A_4165 = arith.constant 466689012 : i32
    %add3A_4166 = vector.broadcast %add3A_4165 : i32 to vector<256x640xi32>
    %add3A_4167 = arith.addi %xor3A_4161, %add3A_4166 : vector<256x640xi32>
    %add3A_4168 = arith.addi %add3A_4164, %add3A_4167 : vector<256x640xi32>
    %shift_left3A_4169 = arith.constant 13 : i32
    %shift_left3A_4170 = vector.broadcast %shift_left3A_4169 : i32 to vector<256x640xi32>
    %shift_left3A_4171 = arith.shli %add3A_4167, %shift_left3A_4170 : vector<256x640xi32>
    %shift_right_logical3A_4172 = arith.constant 19 : i32
    %shift_right_logical3A_4173 = vector.broadcast %shift_right_logical3A_4172 : i32 to vector<256x640xi32>
    %shift_right_logical3A_4174 = arith.shrui %add3A_4167, %shift_right_logical3A_4173 : vector<256x640xi32>
    %or3A_4175 = arith.ori %shift_left3A_4171, %shift_right_logical3A_4174 : vector<256x640xi32>
    %xor3A_4176 = arith.xori %or3A_4175, %add3A_4168 : vector<256x640xi32>
    %add3A_4177 = arith.addi %add3A_4168, %xor3A_4176 : vector<256x640xi32>
    %shift_left3A_4178 = arith.constant 15 : i32
    %shift_left3A_4179 = vector.broadcast %shift_left3A_4178 : i32 to vector<256x640xi32>
    %shift_left3A_4180 = arith.shli %xor3A_4176, %shift_left3A_4179 : vector<256x640xi32>
    %shift_right_logical3A_4181 = arith.constant 17 : i32
    %shift_right_logical3A_4182 = vector.broadcast %shift_right_logical3A_4181 : i32 to vector<256x640xi32>
    %shift_right_logical3A_4183 = arith.shrui %xor3A_4176, %shift_right_logical3A_4182 : vector<256x640xi32>
    %or3A_4184 = arith.ori %shift_left3A_4180, %shift_right_logical3A_4183 : vector<256x640xi32>
    %xor3A_4185 = arith.xori %or3A_4184, %add3A_4177 : vector<256x640xi32>
    %add3A_4186 = arith.addi %add3A_4177, %xor3A_4185 : vector<256x640xi32>
    %shift_left3A_4187 = arith.constant 26 : i32
    %shift_left3A_4188 = vector.broadcast %shift_left3A_4187 : i32 to vector<256x640xi32>
    %shift_left3A_4189 = arith.shli %xor3A_4185, %shift_left3A_4188 : vector<256x640xi32>
    %shift_right_logical3A_4190 = arith.constant 6 : i32
    %shift_right_logical3A_4191 = vector.broadcast %shift_right_logical3A_4190 : i32 to vector<256x640xi32>
    %shift_right_logical3A_4192 = arith.shrui %xor3A_4185, %shift_right_logical3A_4191 : vector<256x640xi32>
    %or3A_4193 = arith.ori %shift_left3A_4189, %shift_right_logical3A_4192 : vector<256x640xi32>
    %xor3A_4194 = arith.xori %or3A_4193, %add3A_4186 : vector<256x640xi32>
    %add3A_4195 = arith.addi %add3A_4186, %xor3A_4194 : vector<256x640xi32>
    %shift_left3A_4196 = arith.constant 6 : i32
    %shift_left3A_4197 = vector.broadcast %shift_left3A_4196 : i32 to vector<256x640xi32>
    %shift_left3A_4198 = arith.shli %xor3A_4194, %shift_left3A_4197 : vector<256x640xi32>
    %shift_right_logical3A_4199 = arith.constant 26 : i32
    %shift_right_logical3A_4200 = vector.broadcast %shift_right_logical3A_4199 : i32 to vector<256x640xi32>
    %shift_right_logical3A_4201 = arith.shrui %xor3A_4194, %shift_right_logical3A_4200 : vector<256x640xi32>
    %or3A_4202 = arith.ori %shift_left3A_4198, %shift_right_logical3A_4201 : vector<256x640xi32>
    %xor3A_4203 = arith.xori %or3A_4202, %add3A_4195 : vector<256x640xi32>
    %add3A_4204 = arith.constant 466689008 : i32
    %add3A_4205 = vector.broadcast %add3A_4204 : i32 to vector<256x640xi32>
    %add3A_4206 = arith.addi %add3A_4195, %add3A_4205 : vector<256x640xi32>
    %add3A_4207 = arith.constant 5 : i32
    %add3A_4208 = vector.broadcast %add3A_4207 : i32 to vector<256x640xi32>
    %add3A_4209 = arith.addi %xor3A_4203, %add3A_4208 : vector<256x640xi32>
    %xor3A_4210 = arith.xori %add3A_4206, %add3A_4209 : vector<256x640xi32>
    %shift_right_logical3A_4211 = arith.constant 9 : i32
    %shift_right_logical3A_4212 = vector.broadcast %shift_right_logical3A_4211 : i32 to vector<256x640xi32>
    %shift_right_logical3A_4213 = arith.shrui %xor3A_4210, %shift_right_logical3A_4212 : vector<256x640xi32>
    %or3A_4214 = arith.constant 1065353216 : i32
    %or3A_4215 = vector.broadcast %or3A_4214 : i32 to vector<256x640xi32>
    %or3A_4216 = arith.ori %shift_right_logical3A_4213, %or3A_4215 : vector<256x640xi32>
    %bitcast_convert_type3A_4217 = tpu.bitcast %or3A_4216 : vector<256x640xi32> -> vector<256x640xf32>
    %sub3A_4218 = arith.constant 1.000000e+00 : f32
    %sub3A_4219 = vector.broadcast %sub3A_4218 : f32 to vector<256x640xf32>
    %sub3A_4220 = arith.subf %bitcast_convert_type3A_4217, %sub3A_4219 : vector<256x640xf32>
    %add3A_4221 = arith.constant 1.17549435E-38 : f32
    %add3A_4222 = vector.broadcast %add3A_4221 : f32 to vector<256x640xf32>
    %add3A_4223 = arith.addf %sub3A_4220, %add3A_4222 : vector<256x640xf32>
    %log3A_4224 = math.log %add3A_4223 : vector<256x640xf32>
    %neg3A_4225 = arith.constant 0.000000e+00 : f32
    %neg3A_4226 = vector.broadcast %neg3A_4225 : f32 to vector<256x640xf32>
    %neg3A_4227 = arith.subf %neg3A_4226, %log3A_4224 : vector<256x640xf32>
    %log3A_4228 = math.log %neg3A_4227 : vector<256x640xf32>
    %neg3A_4229 = arith.constant 0.000000e+00 : f32
    %neg3A_4230 = vector.broadcast %neg3A_4229 : f32 to vector<256x640xf32>
    %neg3A_4231 = arith.subf %neg3A_4230, %log3A_4228 : vector<256x640xf32>
    %add3A_4232 = arith.addf %add3A_3994, %neg3A_4231 : vector<256x640xf32>
    %jit3A_4233 = arith.constant 0xFF800000 : f32
    %broadcast_in_dim3A_4234 = vector.broadcast %jit3A_4233 : f32 to vector<256x640xf32>
    %select_n3A_4235 = arith.select %lt3A_10, %add3A_4232, %broadcast_in_dim3A_4234 : vector<256x640xi1>, vector<256x640xf32>
    %reduce_max3A_4236 = arith.constant dense<0xFF800000> : vector<256xf32>
    %reduce_max3A_4237 = vector.multi_reduction <maximumf>, %select_n3A_4235, %reduce_max3A_4236 [1] : vector<256x640xf32> to vector<256xf32>
    %jit3A_4238 = arith.constant 0xFF800000 : f32
    %broadcast_in_dim3A_4239 = vector.broadcast %jit3A_4238 : f32 to vector<256x640xf32>
    %select_n3A_4240 = arith.select %lt3A_10, %broadcast_in_dim3A_4239, %add3A_4232 : vector<256x640xi1>, vector<256x640xf32>
    %reduce_max3A_4241 = arith.constant dense<0xFF800000> : vector<256xf32>
    %reduce_max3A_4242 = vector.multi_reduction <maximumf>, %select_n3A_4240, %reduce_max3A_4241 [1] : vector<256x640xf32> to vector<256xf32>
    %broadcast_in_dim3A_4243 = vector.shape_cast %reduce_max3A_4237 : vector<256xf32> to vector<256x1xf32>
    %broadcast_in_dim3A_4244 = vector.shape_cast %reduce_max3A_4242 : vector<256xf32> to vector<256x1xf32>
    %broadcast_in_dim3A_4245 = vector.shape_cast %broadcast_in_dim3A_4243 : vector<256x1xf32> to vector<256x1xf32>
    %broadcast_in_dim3A_4246 = vector.broadcast %broadcast_in_dim3A_4245 : vector<256x1xf32> to vector<256x640xf32>
    %broadcast_in_dim3A_4247 = vector.shape_cast %broadcast_in_dim3A_4244 : vector<256x1xf32> to vector<256x1xf32>
    %broadcast_in_dim3A_4248 = vector.broadcast %broadcast_in_dim3A_4247 : vector<256x1xf32> to vector<256x640xf32>
    %select_n3A_4249 = arith.select %lt3A_10, %broadcast_in_dim3A_4246, %broadcast_in_dim3A_4248 : vector<256x640xi1>, vector<256x640xf32>
    %eq3A_4250 = arith.cmpf oeq, %add3A_4232, %select_n3A_4249 : vector<256x640xf32>
    %jit3A_4251 = arith.constant 1.000000e+00 : f32
    %jit3A_4252 = arith.constant 0.000000e+00 : f32
    %broadcast_in_dim3A_4253 = vector.broadcast %jit3A_4251 : f32 to vector<256x640xf32>
    %broadcast_in_dim3A_4254 = vector.broadcast %jit3A_4252 : f32 to vector<256x640xf32>
    %select_n3A_4255 = arith.select %eq3A_4250, %broadcast_in_dim3A_4253, %broadcast_in_dim3A_4254 : vector<256x640xi1>, vector<256x640xf32>
    %slice3A_4256 = vector.extract_strided_slice %select_n3A_4255 {offsets = [0, 0], sizes = [256, 320], strides = [1, 1]} : vector<256x640xf32> to vector<256x320xf32>
    %swap3A_4257 = arith.constant 0 : index
    %swap3A_4258 = arith.constant 28 : index
    %swap3A_4259 = arith.constant 0 : index
    %swap3A_4260 = vector.load %arg4[%swap3A_4257, %swap3A_4258, %swap3A_4259] : memref<256x32x320xf32, #tpu.memory_space<vmem>>, vector<256x1x320xf32>
    %swap3A_4261 = vector.shape_cast %swap3A_4260 : vector<256x1x320xf32> to vector<256x320xf32>
    %swap3A_4262 = vector.shape_cast %slice3A_4256 : vector<256x320xf32> to vector<256x1x320xf32>
    tpu.vector_store %arg4[%swap3A_4257, %swap3A_4258, %swap3A_4259], %swap3A_4262 {strides = array<i32>} : memref<256x32x320xf32, #tpu.memory_space<vmem>>, vector<256x1x320xf32>,
    %slice3A_4263 = vector.extract_strided_slice %select_n3A_4255 {offsets = [0, 320], sizes = [256, 320], strides = [1, 1]} : vector<256x640xf32> to vector<256x320xf32>
    %swap3A_4264 = arith.constant 0 : index
    %swap3A_4265 = arith.constant 29 : index
    %swap3A_4266 = arith.constant 0 : index
    %swap3A_4267 = vector.load %arg4[%swap3A_4264, %swap3A_4265, %swap3A_4266] : memref<256x32x320xf32, #tpu.memory_space<vmem>>, vector<256x1x320xf32>
    %swap3A_4268 = vector.shape_cast %swap3A_4267 : vector<256x1x320xf32> to vector<256x320xf32>
    %swap3A_4269 = vector.shape_cast %slice3A_4263 : vector<256x320xf32> to vector<256x1x320xf32>
    tpu.vector_store %arg4[%swap3A_4264, %swap3A_4265, %swap3A_4266], %swap3A_4269 {strides = array<i32>} : memref<256x32x320xf32, #tpu.memory_space<vmem>>, vector<256x1x320xf32>,
    %get3A_4270 = arith.constant 0 : index
    %get3A_4271 = arith.constant 9600 : index
    %get3A_4272 = vector.load %arg2[%get3A_4270, %get3A_4271] : memref<256x10240xf32, #tpu.memory_space<vmem>>, vector<256x640xf32>
    %dot_general3A_4273 = arith.constant dense<0.000000e+00> : vector<256x640xf32>
    %dot_general3A_4274 = tpu.matmul %get3A_2, %get3A_4272, %dot_general3A_4273 {dimension_numbers = #tpu.dot_dimension_numbers<[1], [0], [0], [1], [0, 0, 1, 1], [], []>, transpose_lhs_hint = false} : vector<256x256xf32>, vector<256x640xf32>, vector<256x640xf32> -> vector<256x640xf32>
    %get3A_4275 = arith.constant 0 : index
    %get3A_4276 = arith.constant 9600 : index
    %get3A_4277 = vector.load %arg3[%get3A_4275, %get3A_4276] : memref<1x10240xf32, #tpu.memory_space<vmem>>, vector<1x640xf32>
    %add3A_4278 = vector.broadcast %get3A_4277 : vector<1x640xf32> to vector<256x640xf32>
    %add3A_4279 = arith.addf %dot_general3A_4274, %add3A_4278 : vector<256x640xf32>
    %add3A_4280 = arith.constant 9600 : i32
    %add3A_4281 = vector.broadcast %add3A_4280 : i32 to vector<256x640xi32>
    %add3A_4282 = arith.addi %add3A_8, %add3A_4281 : vector<256x640xi32>
    %broadcast_in_dim3A_4283 = arith.constant 0 : i32
    %broadcast_in_dim3A_4284 = vector.broadcast %broadcast_in_dim3A_4283 : i32 to vector<256x640xi32>
    %add3A_4285 = arith.constant 42 : i32
    %add3A_4286 = vector.broadcast %add3A_4285 : i32 to vector<256x640xi32>
    %add3A_4287 = arith.addi %add3A_4282, %add3A_4286 : vector<256x640xi32>
    %add3A_4288 = arith.addi %broadcast_in_dim3A_4284, %add3A_4287 : vector<256x640xi32>
    %shift_left3A_4289 = arith.constant 13 : i32
    %shift_left3A_4290 = vector.broadcast %shift_left3A_4289 : i32 to vector<256x640xi32>
    %shift_left3A_4291 = arith.shli %add3A_4287, %shift_left3A_4290 : vector<256x640xi32>
    %shift_right_logical3A_4292 = arith.constant 19 : i32
    %shift_right_logical3A_4293 = vector.broadcast %shift_right_logical3A_4292 : i32 to vector<256x640xi32>
    %shift_right_logical3A_4294 = arith.shrui %add3A_4287, %shift_right_logical3A_4293 : vector<256x640xi32>
    %or3A_4295 = arith.ori %shift_left3A_4291, %shift_right_logical3A_4294 : vector<256x640xi32>
    %xor3A_4296 = arith.xori %or3A_4295, %add3A_4288 : vector<256x640xi32>
    %add3A_4297 = arith.addi %add3A_4288, %xor3A_4296 : vector<256x640xi32>
    %shift_left3A_4298 = arith.constant 15 : i32
    %shift_left3A_4299 = vector.broadcast %shift_left3A_4298 : i32 to vector<256x640xi32>
    %shift_left3A_4300 = arith.shli %xor3A_4296, %shift_left3A_4299 : vector<256x640xi32>
    %shift_right_logical3A_4301 = arith.constant 17 : i32
    %shift_right_logical3A_4302 = vector.broadcast %shift_right_logical3A_4301 : i32 to vector<256x640xi32>
    %shift_right_logical3A_4303 = arith.shrui %xor3A_4296, %shift_right_logical3A_4302 : vector<256x640xi32>
    %or3A_4304 = arith.ori %shift_left3A_4300, %shift_right_logical3A_4303 : vector<256x640xi32>
    %xor3A_4305 = arith.xori %or3A_4304, %add3A_4297 : vector<256x640xi32>
    %add3A_4306 = arith.addi %add3A_4297, %xor3A_4305 : vector<256x640xi32>
    %shift_left3A_4307 = arith.constant 26 : i32
    %shift_left3A_4308 = vector.broadcast %shift_left3A_4307 : i32 to vector<256x640xi32>
    %shift_left3A_4309 = arith.shli %xor3A_4305, %shift_left3A_4308 : vector<256x640xi32>
    %shift_right_logical3A_4310 = arith.constant 6 : i32
    %shift_right_logical3A_4311 = vector.broadcast %shift_right_logical3A_4310 : i32 to vector<256x640xi32>
    %shift_right_logical3A_4312 = arith.shrui %xor3A_4305, %shift_right_logical3A_4311 : vector<256x640xi32>
    %or3A_4313 = arith.ori %shift_left3A_4309, %shift_right_logical3A_4312 : vector<256x640xi32>
    %xor3A_4314 = arith.xori %or3A_4313, %add3A_4306 : vector<256x640xi32>
    %add3A_4315 = arith.addi %add3A_4306, %xor3A_4314 : vector<256x640xi32>
    %shift_left3A_4316 = arith.constant 6 : i32
    %shift_left3A_4317 = vector.broadcast %shift_left3A_4316 : i32 to vector<256x640xi32>
    %shift_left3A_4318 = arith.shli %xor3A_4314, %shift_left3A_4317 : vector<256x640xi32>
    %shift_right_logical3A_4319 = arith.constant 26 : i32
    %shift_right_logical3A_4320 = vector.broadcast %shift_right_logical3A_4319 : i32 to vector<256x640xi32>
    %shift_right_logical3A_4321 = arith.shrui %xor3A_4314, %shift_right_logical3A_4320 : vector<256x640xi32>
    %or3A_4322 = arith.ori %shift_left3A_4318, %shift_right_logical3A_4321 : vector<256x640xi32>
    %xor3A_4323 = arith.xori %or3A_4322, %add3A_4315 : vector<256x640xi32>
    %add3A_4324 = arith.constant 42 : i32
    %add3A_4325 = vector.broadcast %add3A_4324 : i32 to vector<256x640xi32>
    %add3A_4326 = arith.addi %add3A_4315, %add3A_4325 : vector<256x640xi32>
    %add3A_4327 = arith.constant 466689009 : i32
    %add3A_4328 = vector.broadcast %add3A_4327 : i32 to vector<256x640xi32>
    %add3A_4329 = arith.addi %xor3A_4323, %add3A_4328 : vector<256x640xi32>
    %add3A_4330 = arith.addi %add3A_4326, %add3A_4329 : vector<256x640xi32>
    %shift_left3A_4331 = arith.constant 17 : i32
    %shift_left3A_4332 = vector.broadcast %shift_left3A_4331 : i32 to vector<256x640xi32>
    %shift_left3A_4333 = arith.shli %add3A_4329, %shift_left3A_4332 : vector<256x640xi32>
    %shift_right_logical3A_4334 = arith.constant 15 : i32
    %shift_right_logical3A_4335 = vector.broadcast %shift_right_logical3A_4334 : i32 to vector<256x640xi32>
    %shift_right_logical3A_4336 = arith.shrui %add3A_4329, %shift_right_logical3A_4335 : vector<256x640xi32>
    %or3A_4337 = arith.ori %shift_left3A_4333, %shift_right_logical3A_4336 : vector<256x640xi32>
    %xor3A_4338 = arith.xori %or3A_4337, %add3A_4330 : vector<256x640xi32>
    %add3A_4339 = arith.addi %add3A_4330, %xor3A_4338 : vector<256x640xi32>
    %shift_left3A_4340 = arith.constant 29 : i32
    %shift_left3A_4341 = vector.broadcast %shift_left3A_4340 : i32 to vector<256x640xi32>
    %shift_left3A_4342 = arith.shli %xor3A_4338, %shift_left3A_4341 : vector<256x640xi32>
    %shift_right_logical3A_4343 = arith.constant 3 : i32
    %shift_right_logical3A_4344 = vector.broadcast %shift_right_logical3A_4343 : i32 to vector<256x640xi32>
    %shift_right_logical3A_4345 = arith.shrui %xor3A_4338, %shift_right_logical3A_4344 : vector<256x640xi32>
    %or3A_4346 = arith.ori %shift_left3A_4342, %shift_right_logical3A_4345 : vector<256x640xi32>
    %xor3A_4347 = arith.xori %or3A_4346, %add3A_4339 : vector<256x640xi32>
    %add3A_4348 = arith.addi %add3A_4339, %xor3A_4347 : vector<256x640xi32>
    %shift_left3A_4349 = arith.constant 16 : i32
    %shift_left3A_4350 = vector.broadcast %shift_left3A_4349 : i32 to vector<256x640xi32>
    %shift_left3A_4351 = arith.shli %xor3A_4347, %shift_left3A_4350 : vector<256x640xi32>
    %shift_right_logical3A_4352 = arith.constant 16 : i32
    %shift_right_logical3A_4353 = vector.broadcast %shift_right_logical3A_4352 : i32 to vector<256x640xi32>
    %shift_right_logical3A_4354 = arith.shrui %xor3A_4347, %shift_right_logical3A_4353 : vector<256x640xi32>
    %or3A_4355 = arith.ori %shift_left3A_4351, %shift_right_logical3A_4354 : vector<256x640xi32>
    %xor3A_4356 = arith.xori %or3A_4355, %add3A_4348 : vector<256x640xi32>
    %add3A_4357 = arith.addi %add3A_4348, %xor3A_4356 : vector<256x640xi32>
    %shift_left3A_4358 = arith.constant 24 : i32
    %shift_left3A_4359 = vector.broadcast %shift_left3A_4358 : i32 to vector<256x640xi32>
    %shift_left3A_4360 = arith.shli %xor3A_4356, %shift_left3A_4359 : vector<256x640xi32>
    %shift_right_logical3A_4361 = arith.constant 8 : i32
    %shift_right_logical3A_4362 = vector.broadcast %shift_right_logical3A_4361 : i32 to vector<256x640xi32>
    %shift_right_logical3A_4363 = arith.shrui %xor3A_4356, %shift_right_logical3A_4362 : vector<256x640xi32>
    %or3A_4364 = arith.ori %shift_left3A_4360, %shift_right_logical3A_4363 : vector<256x640xi32>
    %xor3A_4365 = arith.xori %or3A_4364, %add3A_4357 : vector<256x640xi32>
    %add3A_4366 = arith.constant 466689008 : i32
    %add3A_4367 = vector.broadcast %add3A_4366 : i32 to vector<256x640xi32>
    %add3A_4368 = arith.addi %add3A_4357, %add3A_4367 : vector<256x640xi32>
    %add3A_4369 = arith.constant 2 : i32
    %add3A_4370 = vector.broadcast %add3A_4369 : i32 to vector<256x640xi32>
    %add3A_4371 = arith.addi %xor3A_4365, %add3A_4370 : vector<256x640xi32>
    %add3A_4372 = arith.addi %add3A_4368, %add3A_4371 : vector<256x640xi32>
    %shift_left3A_4373 = arith.constant 13 : i32
    %shift_left3A_4374 = vector.broadcast %shift_left3A_4373 : i32 to vector<256x640xi32>
    %shift_left3A_4375 = arith.shli %add3A_4371, %shift_left3A_4374 : vector<256x640xi32>
    %shift_right_logical3A_4376 = arith.constant 19 : i32
    %shift_right_logical3A_4377 = vector.broadcast %shift_right_logical3A_4376 : i32 to vector<256x640xi32>
    %shift_right_logical3A_4378 = arith.shrui %add3A_4371, %shift_right_logical3A_4377 : vector<256x640xi32>
    %or3A_4379 = arith.ori %shift_left3A_4375, %shift_right_logical3A_4378 : vector<256x640xi32>
    %xor3A_4380 = arith.xori %or3A_4379, %add3A_4372 : vector<256x640xi32>
    %add3A_4381 = arith.addi %add3A_4372, %xor3A_4380 : vector<256x640xi32>
    %shift_left3A_4382 = arith.constant 15 : i32
    %shift_left3A_4383 = vector.broadcast %shift_left3A_4382 : i32 to vector<256x640xi32>
    %shift_left3A_4384 = arith.shli %xor3A_4380, %shift_left3A_4383 : vector<256x640xi32>
    %shift_right_logical3A_4385 = arith.constant 17 : i32
    %shift_right_logical3A_4386 = vector.broadcast %shift_right_logical3A_4385 : i32 to vector<256x640xi32>
    %shift_right_logical3A_4387 = arith.shrui %xor3A_4380, %shift_right_logical3A_4386 : vector<256x640xi32>
    %or3A_4388 = arith.ori %shift_left3A_4384, %shift_right_logical3A_4387 : vector<256x640xi32>
    %xor3A_4389 = arith.xori %or3A_4388, %add3A_4381 : vector<256x640xi32>
    %add3A_4390 = arith.addi %add3A_4381, %xor3A_4389 : vector<256x640xi32>
    %shift_left3A_4391 = arith.constant 26 : i32
    %shift_left3A_4392 = vector.broadcast %shift_left3A_4391 : i32 to vector<256x640xi32>
    %shift_left3A_4393 = arith.shli %xor3A_4389, %shift_left3A_4392 : vector<256x640xi32>
    %shift_right_logical3A_4394 = arith.constant 6 : i32
    %shift_right_logical3A_4395 = vector.broadcast %shift_right_logical3A_4394 : i32 to vector<256x640xi32>
    %shift_right_logical3A_4396 = arith.shrui %xor3A_4389, %shift_right_logical3A_4395 : vector<256x640xi32>
    %or3A_4397 = arith.ori %shift_left3A_4393, %shift_right_logical3A_4396 : vector<256x640xi32>
    %xor3A_4398 = arith.xori %or3A_4397, %add3A_4390 : vector<256x640xi32>
    %add3A_4399 = arith.addi %add3A_4390, %xor3A_4398 : vector<256x640xi32>
    %shift_left3A_4400 = arith.constant 6 : i32
    %shift_left3A_4401 = vector.broadcast %shift_left3A_4400 : i32 to vector<256x640xi32>
    %shift_left3A_4402 = arith.shli %xor3A_4398, %shift_left3A_4401 : vector<256x640xi32>
    %shift_right_logical3A_4403 = arith.constant 26 : i32
    %shift_right_logical3A_4404 = vector.broadcast %shift_right_logical3A_4403 : i32 to vector<256x640xi32>
    %shift_right_logical3A_4405 = arith.shrui %xor3A_4398, %shift_right_logical3A_4404 : vector<256x640xi32>
    %or3A_4406 = arith.ori %shift_left3A_4402, %shift_right_logical3A_4405 : vector<256x640xi32>
    %xor3A_4407 = arith.xori %or3A_4406, %add3A_4399 : vector<256x640xi32>
    %add3A_4408 = arith.constant 45 : i32
    %add3A_4409 = vector.broadcast %add3A_4408 : i32 to vector<256x640xi32>
    %add3A_4410 = arith.addi %xor3A_4407, %add3A_4409 : vector<256x640xi32>
    %add3A_4411 = arith.addi %add3A_4399, %add3A_4410 : vector<256x640xi32>
    %shift_left3A_4412 = arith.constant 17 : i32
    %shift_left3A_4413 = vector.broadcast %shift_left3A_4412 : i32 to vector<256x640xi32>
    %shift_left3A_4414 = arith.shli %add3A_4410, %shift_left3A_4413 : vector<256x640xi32>
    %shift_right_logical3A_4415 = arith.constant 15 : i32
    %shift_right_logical3A_4416 = vector.broadcast %shift_right_logical3A_4415 : i32 to vector<256x640xi32>
    %shift_right_logical3A_4417 = arith.shrui %add3A_4410, %shift_right_logical3A_4416 : vector<256x640xi32>
    %or3A_4418 = arith.ori %shift_left3A_4414, %shift_right_logical3A_4417 : vector<256x640xi32>
    %xor3A_4419 = arith.xori %or3A_4418, %add3A_4411 : vector<256x640xi32>
    %add3A_4420 = arith.addi %add3A_4411, %xor3A_4419 : vector<256x640xi32>
    %shift_left3A_4421 = arith.constant 29 : i32
    %shift_left3A_4422 = vector.broadcast %shift_left3A_4421 : i32 to vector<256x640xi32>
    %shift_left3A_4423 = arith.shli %xor3A_4419, %shift_left3A_4422 : vector<256x640xi32>
    %shift_right_logical3A_4424 = arith.constant 3 : i32
    %shift_right_logical3A_4425 = vector.broadcast %shift_right_logical3A_4424 : i32 to vector<256x640xi32>
    %shift_right_logical3A_4426 = arith.shrui %xor3A_4419, %shift_right_logical3A_4425 : vector<256x640xi32>
    %or3A_4427 = arith.ori %shift_left3A_4423, %shift_right_logical3A_4426 : vector<256x640xi32>
    %xor3A_4428 = arith.xori %or3A_4427, %add3A_4420 : vector<256x640xi32>
    %add3A_4429 = arith.addi %add3A_4420, %xor3A_4428 : vector<256x640xi32>
    %shift_left3A_4430 = arith.constant 16 : i32
    %shift_left3A_4431 = vector.broadcast %shift_left3A_4430 : i32 to vector<256x640xi32>
    %shift_left3A_4432 = arith.shli %xor3A_4428, %shift_left3A_4431 : vector<256x640xi32>
    %shift_right_logical3A_4433 = arith.constant 16 : i32
    %shift_right_logical3A_4434 = vector.broadcast %shift_right_logical3A_4433 : i32 to vector<256x640xi32>
    %shift_right_logical3A_4435 = arith.shrui %xor3A_4428, %shift_right_logical3A_4434 : vector<256x640xi32>
    %or3A_4436 = arith.ori %shift_left3A_4432, %shift_right_logical3A_4435 : vector<256x640xi32>
    %xor3A_4437 = arith.xori %or3A_4436, %add3A_4429 : vector<256x640xi32>
    %add3A_4438 = arith.addi %add3A_4429, %xor3A_4437 : vector<256x640xi32>
    %shift_left3A_4439 = arith.constant 24 : i32
    %shift_left3A_4440 = vector.broadcast %shift_left3A_4439 : i32 to vector<256x640xi32>
    %shift_left3A_4441 = arith.shli %xor3A_4437, %shift_left3A_4440 : vector<256x640xi32>
    %shift_right_logical3A_4442 = arith.constant 8 : i32
    %shift_right_logical3A_4443 = vector.broadcast %shift_right_logical3A_4442 : i32 to vector<256x640xi32>
    %shift_right_logical3A_4444 = arith.shrui %xor3A_4437, %shift_right_logical3A_4443 : vector<256x640xi32>
    %or3A_4445 = arith.ori %shift_left3A_4441, %shift_right_logical3A_4444 : vector<256x640xi32>
    %xor3A_4446 = arith.xori %or3A_4445, %add3A_4438 : vector<256x640xi32>
    %add3A_4447 = arith.constant 42 : i32
    %add3A_4448 = vector.broadcast %add3A_4447 : i32 to vector<256x640xi32>
    %add3A_4449 = arith.addi %add3A_4438, %add3A_4448 : vector<256x640xi32>
    %add3A_4450 = arith.constant 466689012 : i32
    %add3A_4451 = vector.broadcast %add3A_4450 : i32 to vector<256x640xi32>
    %add3A_4452 = arith.addi %xor3A_4446, %add3A_4451 : vector<256x640xi32>
    %add3A_4453 = arith.addi %add3A_4449, %add3A_4452 : vector<256x640xi32>
    %shift_left3A_4454 = arith.constant 13 : i32
    %shift_left3A_4455 = vector.broadcast %shift_left3A_4454 : i32 to vector<256x640xi32>
    %shift_left3A_4456 = arith.shli %add3A_4452, %shift_left3A_4455 : vector<256x640xi32>
    %shift_right_logical3A_4457 = arith.constant 19 : i32
    %shift_right_logical3A_4458 = vector.broadcast %shift_right_logical3A_4457 : i32 to vector<256x640xi32>
    %shift_right_logical3A_4459 = arith.shrui %add3A_4452, %shift_right_logical3A_4458 : vector<256x640xi32>
    %or3A_4460 = arith.ori %shift_left3A_4456, %shift_right_logical3A_4459 : vector<256x640xi32>
    %xor3A_4461 = arith.xori %or3A_4460, %add3A_4453 : vector<256x640xi32>
    %add3A_4462 = arith.addi %add3A_4453, %xor3A_4461 : vector<256x640xi32>
    %shift_left3A_4463 = arith.constant 15 : i32
    %shift_left3A_4464 = vector.broadcast %shift_left3A_4463 : i32 to vector<256x640xi32>
    %shift_left3A_4465 = arith.shli %xor3A_4461, %shift_left3A_4464 : vector<256x640xi32>
    %shift_right_logical3A_4466 = arith.constant 17 : i32
    %shift_right_logical3A_4467 = vector.broadcast %shift_right_logical3A_4466 : i32 to vector<256x640xi32>
    %shift_right_logical3A_4468 = arith.shrui %xor3A_4461, %shift_right_logical3A_4467 : vector<256x640xi32>
    %or3A_4469 = arith.ori %shift_left3A_4465, %shift_right_logical3A_4468 : vector<256x640xi32>
    %xor3A_4470 = arith.xori %or3A_4469, %add3A_4462 : vector<256x640xi32>
    %add3A_4471 = arith.addi %add3A_4462, %xor3A_4470 : vector<256x640xi32>
    %shift_left3A_4472 = arith.constant 26 : i32
    %shift_left3A_4473 = vector.broadcast %shift_left3A_4472 : i32 to vector<256x640xi32>
    %shift_left3A_4474 = arith.shli %xor3A_4470, %shift_left3A_4473 : vector<256x640xi32>
    %shift_right_logical3A_4475 = arith.constant 6 : i32
    %shift_right_logical3A_4476 = vector.broadcast %shift_right_logical3A_4475 : i32 to vector<256x640xi32>
    %shift_right_logical3A_4477 = arith.shrui %xor3A_4470, %shift_right_logical3A_4476 : vector<256x640xi32>
    %or3A_4478 = arith.ori %shift_left3A_4474, %shift_right_logical3A_4477 : vector<256x640xi32>
    %xor3A_4479 = arith.xori %or3A_4478, %add3A_4471 : vector<256x640xi32>
    %add3A_4480 = arith.addi %add3A_4471, %xor3A_4479 : vector<256x640xi32>
    %shift_left3A_4481 = arith.constant 6 : i32
    %shift_left3A_4482 = vector.broadcast %shift_left3A_4481 : i32 to vector<256x640xi32>
    %shift_left3A_4483 = arith.shli %xor3A_4479, %shift_left3A_4482 : vector<256x640xi32>
    %shift_right_logical3A_4484 = arith.constant 26 : i32
    %shift_right_logical3A_4485 = vector.broadcast %shift_right_logical3A_4484 : i32 to vector<256x640xi32>
    %shift_right_logical3A_4486 = arith.shrui %xor3A_4479, %shift_right_logical3A_4485 : vector<256x640xi32>
    %or3A_4487 = arith.ori %shift_left3A_4483, %shift_right_logical3A_4486 : vector<256x640xi32>
    %xor3A_4488 = arith.xori %or3A_4487, %add3A_4480 : vector<256x640xi32>
    %add3A_4489 = arith.constant 466689008 : i32
    %add3A_4490 = vector.broadcast %add3A_4489 : i32 to vector<256x640xi32>
    %add3A_4491 = arith.addi %add3A_4480, %add3A_4490 : vector<256x640xi32>
    %add3A_4492 = arith.constant 5 : i32
    %add3A_4493 = vector.broadcast %add3A_4492 : i32 to vector<256x640xi32>
    %add3A_4494 = arith.addi %xor3A_4488, %add3A_4493 : vector<256x640xi32>
    %xor3A_4495 = arith.xori %add3A_4491, %add3A_4494 : vector<256x640xi32>
    %shift_right_logical3A_4496 = arith.constant 9 : i32
    %shift_right_logical3A_4497 = vector.broadcast %shift_right_logical3A_4496 : i32 to vector<256x640xi32>
    %shift_right_logical3A_4498 = arith.shrui %xor3A_4495, %shift_right_logical3A_4497 : vector<256x640xi32>
    %or3A_4499 = arith.constant 1065353216 : i32
    %or3A_4500 = vector.broadcast %or3A_4499 : i32 to vector<256x640xi32>
    %or3A_4501 = arith.ori %shift_right_logical3A_4498, %or3A_4500 : vector<256x640xi32>
    %bitcast_convert_type3A_4502 = tpu.bitcast %or3A_4501 : vector<256x640xi32> -> vector<256x640xf32>
    %sub3A_4503 = arith.constant 1.000000e+00 : f32
    %sub3A_4504 = vector.broadcast %sub3A_4503 : f32 to vector<256x640xf32>
    %sub3A_4505 = arith.subf %bitcast_convert_type3A_4502, %sub3A_4504 : vector<256x640xf32>
    %add3A_4506 = arith.constant 1.17549435E-38 : f32
    %add3A_4507 = vector.broadcast %add3A_4506 : f32 to vector<256x640xf32>
    %add3A_4508 = arith.addf %sub3A_4505, %add3A_4507 : vector<256x640xf32>
    %log3A_4509 = math.log %add3A_4508 : vector<256x640xf32>
    %neg3A_4510 = arith.constant 0.000000e+00 : f32
    %neg3A_4511 = vector.broadcast %neg3A_4510 : f32 to vector<256x640xf32>
    %neg3A_4512 = arith.subf %neg3A_4511, %log3A_4509 : vector<256x640xf32>
    %log3A_4513 = math.log %neg3A_4512 : vector<256x640xf32>
    %neg3A_4514 = arith.constant 0.000000e+00 : f32
    %neg3A_4515 = vector.broadcast %neg3A_4514 : f32 to vector<256x640xf32>
    %neg3A_4516 = arith.subf %neg3A_4515, %log3A_4513 : vector<256x640xf32>
    %add3A_4517 = arith.addf %add3A_4279, %neg3A_4516 : vector<256x640xf32>
    %jit3A_4518 = arith.constant 0xFF800000 : f32
    %broadcast_in_dim3A_4519 = vector.broadcast %jit3A_4518 : f32 to vector<256x640xf32>
    %select_n3A_4520 = arith.select %lt3A_10, %add3A_4517, %broadcast_in_dim3A_4519 : vector<256x640xi1>, vector<256x640xf32>
    %reduce_max3A_4521 = arith.constant dense<0xFF800000> : vector<256xf32>
    %reduce_max3A_4522 = vector.multi_reduction <maximumf>, %select_n3A_4520, %reduce_max3A_4521 [1] : vector<256x640xf32> to vector<256xf32>
    %jit3A_4523 = arith.constant 0xFF800000 : f32
    %broadcast_in_dim3A_4524 = vector.broadcast %jit3A_4523 : f32 to vector<256x640xf32>
    %select_n3A_4525 = arith.select %lt3A_10, %broadcast_in_dim3A_4524, %add3A_4517 : vector<256x640xi1>, vector<256x640xf32>
    %reduce_max3A_4526 = arith.constant dense<0xFF800000> : vector<256xf32>
    %reduce_max3A_4527 = vector.multi_reduction <maximumf>, %select_n3A_4525, %reduce_max3A_4526 [1] : vector<256x640xf32> to vector<256xf32>
    %broadcast_in_dim3A_4528 = vector.shape_cast %reduce_max3A_4522 : vector<256xf32> to vector<256x1xf32>
    %broadcast_in_dim3A_4529 = vector.shape_cast %reduce_max3A_4527 : vector<256xf32> to vector<256x1xf32>
    %broadcast_in_dim3A_4530 = vector.shape_cast %broadcast_in_dim3A_4528 : vector<256x1xf32> to vector<256x1xf32>
    %broadcast_in_dim3A_4531 = vector.broadcast %broadcast_in_dim3A_4530 : vector<256x1xf32> to vector<256x640xf32>
    %broadcast_in_dim3A_4532 = vector.shape_cast %broadcast_in_dim3A_4529 : vector<256x1xf32> to vector<256x1xf32>
    %broadcast_in_dim3A_4533 = vector.broadcast %broadcast_in_dim3A_4532 : vector<256x1xf32> to vector<256x640xf32>
    %select_n3A_4534 = arith.select %lt3A_10, %broadcast_in_dim3A_4531, %broadcast_in_dim3A_4533 : vector<256x640xi1>, vector<256x640xf32>
    %eq3A_4535 = arith.cmpf oeq, %add3A_4517, %select_n3A_4534 : vector<256x640xf32>
    %jit3A_4536 = arith.constant 1.000000e+00 : f32
    %jit3A_4537 = arith.constant 0.000000e+00 : f32
    %broadcast_in_dim3A_4538 = vector.broadcast %jit3A_4536 : f32 to vector<256x640xf32>
    %broadcast_in_dim3A_4539 = vector.broadcast %jit3A_4537 : f32 to vector<256x640xf32>
    %select_n3A_4540 = arith.select %eq3A_4535, %broadcast_in_dim3A_4538, %broadcast_in_dim3A_4539 : vector<256x640xi1>, vector<256x640xf32>
    %slice3A_4541 = vector.extract_strided_slice %select_n3A_4540 {offsets = [0, 0], sizes = [256, 320], strides = [1, 1]} : vector<256x640xf32> to vector<256x320xf32>
    %swap3A_4542 = arith.constant 0 : index
    %swap3A_4543 = arith.constant 30 : index
    %swap3A_4544 = arith.constant 0 : index
    %swap3A_4545 = vector.load %arg4[%swap3A_4542, %swap3A_4543, %swap3A_4544] : memref<256x32x320xf32, #tpu.memory_space<vmem>>, vector<256x1x320xf32>
    %swap3A_4546 = vector.shape_cast %swap3A_4545 : vector<256x1x320xf32> to vector<256x320xf32>
    %swap3A_4547 = vector.shape_cast %slice3A_4541 : vector<256x320xf32> to vector<256x1x320xf32>
    tpu.vector_store %arg4[%swap3A_4542, %swap3A_4543, %swap3A_4544], %swap3A_4547 {strides = array<i32>} : memref<256x32x320xf32, #tpu.memory_space<vmem>>, vector<256x1x320xf32>,
    %slice3A_4548 = vector.extract_strided_slice %select_n3A_4540 {offsets = [0, 320], sizes = [256, 320], strides = [1, 1]} : vector<256x640xf32> to vector<256x320xf32>
    %swap3A_4549 = arith.constant 0 : index
    %swap3A_4550 = arith.constant 31 : index
    %swap3A_4551 = arith.constant 0 : index
    %swap3A_4552 = vector.load %arg4[%swap3A_4549, %swap3A_4550, %swap3A_4551] : memref<256x32x320xf32, #tpu.memory_space<vmem>>, vector<256x1x320xf32>
    %swap3A_4553 = vector.shape_cast %swap3A_4552 : vector<256x1x320xf32> to vector<256x320xf32>
    %swap3A_4554 = vector.shape_cast %slice3A_4548 : vector<256x320xf32> to vector<256x1x320xf32>
    tpu.vector_store %arg4[%swap3A_4549, %swap3A_4550, %swap3A_4551], %swap3A_4554 {strides = array<i32>} : memref<256x32x320xf32, #tpu.memory_space<vmem>>, vector<256x1x320xf32>,
    return
  }
  func.func @transform_0(%arg0: i32) -> (i32, i32) {
    %c0_i32 = arith.constant 0 : i32
    %c0_i32_0 = arith.constant 0 : i32
    return %arg0, %c0_i32 : i32, i32
  }
  func.func @transform_1(%arg0: i32) -> (i32, i32) {
    %c0_i32 = arith.constant 0 : i32
    %c0_i32_0 = arith.constant 0 : i32
    %c0_i32_1 = arith.constant 0 : i32
    return %c0_i32, %c0_i32_0 : i32, i32
  }
  func.func @transform_2(%arg0: i32) -> (i32, i32) {
    %c0_i32 = arith.constant 0 : i32
    %c0_i32_0 = arith.constant 0 : i32
    %c0_i32_1 = arith.constant 0 : i32
    return %c0_i32, %c0_i32_0 : i32, i32
  }
  func.func @transform_3(%arg0: i32) -> (i32, i32, i32) {
    %c0_i32 = arith.constant 0 : i32
    %c0_i32_0 = arith.constant 0 : i32
    %c0_i32_1 = arith.constant 0 : i32
    return %arg0, %c0_i32, %c0_i32_0 : i32, i32, i32
  }
}

</mosaic_0001>

<sc_bundles>
// kernel: sparse-core-data-format-call.cloned.1.call-start
scs
called_computation_lowered:
.L_overlay_start_0:
0x0: {  	s2 =	sld [smem:$0x3FD9]  }
0x1: {  	s3 =	sld [smem:$0x3FFE];
	_ =	sdelay $0x1  }
0x2: {  	s1 =	srdreg.scid  }
0x3: {  	s0 =	sand.u32 $0x1, s1  }
0x4: {  	s18 =	sshll.u32 s0, $0xA;
	s2 =	sadd.s32 s3, s2  }
0x5: {  	s2 =	sadd.s32 s2, s18  }
0x6: {  	[smem:$0x3FC5] =	sst s2  }
0x7: {  	_ = 	snop  }
0x8: {  	s2 =	sld [smem:$0x3FD0];
	(tm) =	ssettm $0x1  }
0x9: {  	s19 =	sld [smem:$0x3FFB];
	_ =	sdelay $0x3  }
0xa: {  	_ =	strace s19  }
0xb: {  	s3 =	sld [smem:$0x3FFC];
	_ =	sdelay $0x3  }
0xc: {  	_ =	strace s3  }
0xd: {  	s3 =	sld [smem:$0x3FFD];
	_ =	sdelay $0x3  }
0xe: {  	_ =	strace s3  }
0xf: {  	_ =	strace $0x8FFFFFFF  }
0x10: {  	s20 =	sld [smem:$0x3FDB];
	_ =	sdelay $0x1  }
0x11: {  	s4 =	simm.s32 $_scs_section_size  }
0x12: {  	s5 =	simm.s32 $_size__tile_overlayer_lowered;
	s6 =	simm.s32 $_tile_overlayer_lowered  }
0x13: {  	s23 =	simm.s32 $0x1BFF;
	s22 =	sshll.u32 s6, $0x1;
	s3 =	sadd.s32 s4, s20  }
0x14: {  	s7 =	simm.s32 $0x0;
	s21 =	sshll.u32 s5, $0x1;
	s5 =	sadd.s32 s22, s3  }
0x15: {  	[timem:s7], [sflag:s23] =	dma.local [hbm:s5], s21  }
0x16: {  	_ =	swait.ge [sflag:s23], s21  }
0x17: {  	s4 =	ssub.s32 $0x0, s21;
	[sflag:s23] =	ssyncset.done $0x0  }
0x18: {  	[sflag:s23] =	ssyncadd.s32 s4;
	_ =	sdelay $0x1  }
0x19: {  	s24 =	simm.s32 $0x1B8B  }
0x1a: {  	_ =	swait.ge [sflag:s24], $0x1  }
0x1b: {  	[sflag:s24] =	ssyncset.done $0x0  }
0x1c: {  	s26 =	simm.s32 $0x1B8E;
	s25 =	sld [smem:$0x3FFE];
	[sflag:s24] =	ssyncadd.s32 $0xFFFFFFFF  }
0x1d: {  	s27 =	simm.s32 $execute0_lowered;
	[smem:$0x3FD2] =	sst s26  }
0x1e: {  	s5 =	sshll.u32 s27, $0x1;
	_ =	strace $0x80000046;
	[dreg:$0x1] =	wrdreg $0xFFFFFFFF  }
0x1f: {  	s28 =	simm.s32 $_size_execute0_lowered;
	s3 =	sadd.s32 s3, s5;
	[dreg:$0x0] =	wrdreg $0x0  }
0x20: {  	s5 =	sshll.u32 s28, $0x1;
	[dreg:$0x2] =	wrdreg s3  }
0x21: {  	[dreg:$0x3] =	wrdreg s5  }
0x22: {  	[dreg:$0x4] =	wrdreg $0xC0  }
0x23: {  	_ =	task [dreg:s7], $0x5FFFF  }
0x24: {  	[dreg:$0x1] =	wrdreg $0xFFFFFFFF  }
0x25: {  	[dreg:$0x0] =	wrdreg $0x60  }
0x26: {  	[dreg:$0x2] =	wrdreg s25  }
0x27: {  	[dreg:$0x3] =	wrdreg s2  }
0x28: {  	[dreg:$0x4] =	wrdreg $0x9  }
0x29: {  	_ =	task.clear_ibuf [dreg:s7], $0x5FFFF;
	_ =	strace $0x90000046  }
0x2a: {  	s29 =	simm.s32 $0x9;
	_ =	strace $0x80000048  }
0x2b: {  	_ =	swait.ge [sflag:s29], $0x1  }
0x2c: {  	[sflag:s29] =	ssyncadd.s32 $0xFFFFFFFF  }
0x2d: {  	_ =	strace $0x90000048  }
0x2e: {  	_ =	sfence  }
0x2f: {  	s30 =	sld [smem:$0x0];
	_ =	sdelay $0x2  }
0x30: {  	s31 =	sshll.u32 s1, $0xD;
	s1 =	sshrl.u32 s1, $0x2  }
0x31: {  	s3 =	sand.u32 $0x4000, s31;
	s1 =	sadd.s32 s1, s30  }
0x32: {  	s0 =	sor.u32 s3, s0;
	s1 =	sshll.u32 s1, $0x11  }
0x33: {  	s0 =	sor.u32 s1, s0  }
0x34: {  	s0 =	sadd.s32 $0x8F2B, s0  }
0x35: {  	[sflag:s0] =	ssyncadd.remote.s32 $0x1  }
0x36: {  	_ =	sfence.sel $0xFFFF  }
0x37: {  	[dreg:$0x0] =	wrdreg $0xFFFFFFFF;
	(pc) =	sbr.abs _section_cstart, $3  }
0x38: {  	[dreg:$0x1] =	wrdreg $0xFFFFFFFF  }
0x39: {  	_ =	task.clear_ibuf [dreg:s7], $0x2FFFF;
	_ =	strace $0x9FFFFFFF  }
0x3a: {  	(tm) =	ssettm $0x7FFFFFFF  }
0x3b: {  	_ =	shalt  }
tec
execute0_lowered:
.L_overlay_start_1:
0x0: {  	(tag) =	ssettag $0x1  }
0x1: {  	s0 =	srdreg.scid  }
0x2: {  	s1 =	sshll.u32 s0, $0x4  }
0x3: {  	s6 =	rddreg [dreg:$0x0];
	s0 =	stileid.u32;
	s1 =	sand.u32 $0x10, s1  }
0x4: {  	s3 =	rddreg [dreg:$0x1];
	s1 =	sor.u32 s0, s1  }
0x5: {  	s5 =	simm.s32 $0x1;
	s31 =	simm.s32 $0x2;
	s2 =	sshll.u32 s1, $0x7  }
0x6: {  	s15 =	simm.s32 $0x0;
	s8 =	simm.s32 $0x200000;
	s4 =	ssub.s32 $0x40000, s2  }
0x7: {  	s14 =	simm.s32 $0x0;
	s9 =	simm.s32 $0x0;
	s30 =	sand.u32 $0xF80, s4  }
0x8: {  	s10 =	simm.s32 $0x0;
	s11 =	simm.s32 $0x0;
	p0 =	sne.s32 s30, $0x0  }
.Ltmp0:
0x9: {  	s7 =	sshrl.u32 s4, $0xC;
	s5 =	simm.s32 @!p0 $0x0;
	(pc) =	sbr.rel .LBB1_1-.Ltmp0, $4  }
0xa: {  	s13 =	simm.s32 $0x0;
	s1 =	rddreg [dreg:$0x2];
	s5 =	sadd.s32 s5, s7  }
0xb: {  	_ =	strace $0x80000047;
	s4 =	simm.s32 $0x1;
	s5 =	smul.u32 $0x3, s5  }
0xc: {  	s6 =	sadd.s32 $0xA00, s6;
	s12 =	smov.u32 s2;
	[sflag:s4] =	ssyncpa.u1 $0x0  }
0xd: {  	[sflag:s31] =	ssyncpa.u1 $0x0;
	p0 =	por $0x0, $0x0;
	s7 =	sadd.s32 $0x1, s5  }
.LBB1_4:
0xe: {  	s21 =	sshll.u32 s9, $0x12;
	s22 =	sshll.u32 s10, $0x3;
	s20 =	sshra.s32 s20, $0x2  }
0xf: {  	s28 =	sand.u32 $0x78, s10;
	s29 =	sshll.u32 s9, $0x7;
	p1 =	sgt.s32 s9, $0xC0  }
0x10: {  	s25 =	sshra.s32 s9, $0x1F;
	s31 =	sshra.s32 s10, $0x1F;
	s21 =	sand.u32 $0xFFE00000, s21  }
0x11: {  	s23 =	sand.u32 $0xFFFFFC00, s22;
	s19 =	sadd.s32 s20, s19;
	s22 =	sand.u32 $0x3FC00, s22  }
0x12: {  	v5 =	vld [tilespmem:s17+$0xFFFFFFD0];
	[tilespmem:s18+$0x2040 ss:$0x81] =	vst.msk $0xffff, v4;
	s25 =	sand.u32 s25, s9;
	s27 =	sadd.s32 s23, s21;
	s23 =	sand.u32 $0x380, s29  }
0x13: {  	v58 =	vld [tilespmem:s17+$0xFFFFFFE0];
	[tilespmem:s18+$0x2850 ss:$0x81] =	vst.msk $0xffff, v3;
	s21 =	sor.u32 s28, s22;
	s22 =	smov.u32 s9;
	s20 =	sshrl.u32 s27, $0x12  }
0x14: {  	v59 =	vld [tilespmem:s17+$0xFFFFFFF0];
	[tilespmem:s18+$0x3060 ss:$0x81] =	vst.msk $0xffff, v2;
	s22 =	simm.s32 @!p1 $0xC0;
	p1 =	sgt.s32 s10, $0x3FF80;
	s24 =	smul.u32 $0xCCD, s20  }
0x15: {  	v60 =	vld [tilespmem:s17+$0x0];
	[tilespmem:s18+$0x0 ss:$0x81] =	vst.msk $0xffff, v1;
	s21 =	sor.u32 s23, s21;
	s30 =	ssub.s32 s22, s25;
	s22 =	smov.u32 s10  }
0x16: {  	v61 =	vld [tilespmem:s17+$0x10];
	[tilespmem:s19+$0x3870 ss:$0x81] =	vst.msk $0xffff, v0;
	s25 =	sand.u32 s31, s10;
	s22 =	simm.s32 @!p1 $0x3FF80;
	s24 =	sshrl.u32 s24, $0x14  }
0x17: {  	v62 =	vld [tilespmem:s17+$0x20];
	[tilespmem:s19+$0x810 ss:$0x81] =	vst.msk $0xffff, v5;
	s26 =	sadd.s32 $0xFFFFFF40, s30;
	s22 =	ssub.s32 s22, s25;
	s24 =	smul.u32 $0x140, s24  }
0x18: {  	v63 =	vld [tilespmem:s17+$0xFFFFFFC0];
	[tilespmem:s19+$0x1020 ss:$0x81] =	vst.msk $0xffff, v58;
	s18 =	ssub.s32 $0x140, s30;
	p1 =	sgt.s32 s26, $0x7F;
	s28 =	sadd.s32 $0xFFFC0080, s22  }
0x19: {  	[tilespmem:s19+$0x1830 ss:$0x81] =	vst.msk $0xffff, v59;
	p2 =	sgt.s32 s28, $0x7F;
	s27 =	ssub.s32 s20, s24;
	s20 =	ssub.s32 $0x40000, s22  }
0x1a: {  	s29 =	sshrl.u32 s21, $0x3;
	[tilespmem:s19+$0x2040 ss:$0x81] =	vst.msk $0xffff, v60;
	s18 =	simm.s32 @p1 $0x0;
	s20 =	simm.s32 @p2 $0x0  }
0x1b: {  	[tilespmem:s19+$0x2850 ss:$0x81] =	vst.msk $0xffff, v61;
	s30 =	sand.u32 $0x7, s10;
	s17 =	sand.u32 $0xFFFF, s27;
	s18 =	smul.u32 s20, s18  }
0x1c: {  	[tilespmem:s19+$0x3060 ss:$0x81] =	vst.msk $0xffff, v62;
	s21 =	sshll.u32 s30, $0x12;
	s17 =	sshll.u32 s17, $0xF;
	s20 =	sadd.s32 s3, s29  }
0x1d: {  	[tilespmem:s19+$0x0 ss:$0x81] =	vst.msk $0xffff, v63;
	s31 =	sor.u32 $0x400, s21;
	s17 =	sadd.s32 s17, s20;
	s18 =	sand.u32 $0x3FFFFFFF, s18  }
0x1e: {  	[hbm4b:s17+s31] =	stream.strided.scatter [tilespmem:s16], [sflag:$0x2], s18, s8, s31, $0x20;
	[tilespmem:$0x10100] =	vst v63  }
.LBB1_5:
0x1f: {  	p1 =	slt.u32 s13, $0x2  }
0x20: {  	s17 =	smov.u32 s15;
	p2 =	sgt.s32 @!p1 s15, $0xC0;
	s16 =	sshra.s32 @!p1 s15, $0x1F  }
0x21: {  	p3 =	sgt.s32 @!p1 s14, $0x3FF80;
	s18 =	sshra.s32 @!p1 s14, $0x1F;
	p2 =	por !p2, p1  }
0x22: {  	s15 =	sand.u32 @!p1 s16, s15;
	p3 =	por !p3, p1;
	s16 =	smov.u32 s14  }
0x23: {  	s14 =	sand.u32 @!p1 s18, s14;
	s17 =	simm.s32 @p2 $0xC0;
	s16 =	simm.s32 @p3 $0x3FF80  }
0x24: {  	s15 =	ssub.s32 @!p1 s17, s15;
	s14 =	ssub.s32 @!p1 s16, s14  }
0x25: {  	s18 =	smov.u32 s12;
	s16 =	sadd.s32 @!p1 $0xFFFFFF40, s15;
	s17 =	sadd.s32 @!p1 $0xFFFC0080, s14  }
0x26: {  	s15 =	ssub.s32 @!p1 $0x140, s15;
	p2 =	sgt.s32 @!p1 s16, $0x7F;
	p3 =	sgt.s32 @!p1 s17, $0x7F  }
0x27: {  	s14 =	ssub.s32 @!p1 $0x40000, s14;
	p2 =	por !p2, p1;
	p3 =	por !p3, p1  }
0x28: {  	s16 =	sadd.s32 $0x80, s11;
	s15 =	simm.s32 @!p2 $0x0;
	s14 =	simm.s32 @!p3 $0x0  }
0x29: {  	p2 =	sgt.s32 s16, $0x13F;
	s14 =	smul.u32 @!p1 s14, s15;
	s15 =	sadd.s32 $0x1000, s12  }
0x2a: {  	s18 =	smov.u32 @p2 s15  }
0x2b: {  	s16 =	simm.s32 @p2 $0x0;
	p2 =	sgt.s32 s18, $0x3FFFF  }
0x2c: {  	s18 =	smov.u32 @p2 s2;
	p2 =	sne.s32 s13, s7  }
.Ltmp1:
0x2d: {  	p0 =	por !p0, !p0;
	s17 =	simm.s32 @!p1 $0x2;
	(pc) =	sbr.rel @!p2 .LBB1_6-.Ltmp1, $4  }
0x2e: {  	s15 =	smov.u32 s9;
	s9 =	smov.u32 s11;
	s14 =	sand.u32 @!p1 $0x3FFFFFFF, s14  }
0x2f: {  	s11 =	smov.u32 s16;
	_ =	swait.ge @!p1 [sflag:s17], s14;
	s19 =	ssub.s32 @!p1 $0x0, s14  }
0x30: {  	s14 =	smov.u32 s10;
	s13 =	sadd.s32 $0x1, s13;
	[sflag:s17] =	ssyncset.done @!p1 $0x0  }
0x31: {  	s10 =	smov.u32 s12;
	s12 =	smov.u32 s18;
	[sflag:s17] =	ssyncadd.s32 @!p1 s19  }
.LBB1_1:
0x32: {  	p1 =	sge.u32 s13, s5  }
0x33: {  	s16 =	sshrl.u32 @!p1 s12, $0x3  }
0x34: {  	s17 =	sshll.u32 @!p1 s11, $0x3;
	s16 =	smul.u32 @!p1 $0xC00, s16  }
0x35: {  	s18 =	sshll.u32 @!p1 s12, $0x7;
	s17 =	sand.u32 @!p1 $0xFFFFFC00, s17  }
0x36: {  	s16 =	sadd.s32 @!p1 s16, s17;
	s17 =	sand.u32 @!p1 $0x380, s18  }
0x37: {  	s18 =	sand.u32 @!p1 $0x7F, s11;
	s16 =	sor.u32 @!p1 s17, s16  }
0x38: {  	s17 =	sor.u32 @!p1 s18, s16  }
0x39: {  	s18 =	smulhi.u32 @!p1 $0xAAAAAAAB, s17;
	_ =	sdelay $0x1  }
0x3a: {  	s16 =	smulhi.u32 @!p1 $0xAAAAAAAB, s16;
	s18 =	sshrl.u32 @!p1 s18, $0x8  }
0x3b: {  	s18 =	smul.u32 @!p1 $0x180, s18  }
0x3c: {  	s31 =	sadd.s32 $0xFFFFFFFF, s13;
	s19 =	sxor.u32 @!p1 $0xFFFFFFFF, s13;
	s16 =	sshrl.u32 @!p1 s16, $0x8  }
0x3d: {  	s19 =	sshll.u32 @!p1 s19, $0xE;
	s16 =	sand.u32 @!p1 $0x3FFFF, s16;
	s17 =	ssub.s32 @!p1 s17, s18  }
0x3e: {  	s16 =	smul.u32 @!p1 $0x30, s16;
	s18 =	sshrl.u32 @!p1 s17, $0x3;
	s17 =	sand.u32 @!p1 $0x7, s17  }
0x3f: {  	s19 =	sand.u32 @!p1 $0x4000, s19;
	s18 =	sadd.s32 @!p1 s6, s18;
	s17 =	sshll.u32 @!p1 s17, $0x12  }
0x40: {  	s16 =	sadd.s32 @!p1 s16, s18;
	s17 =	sor.u32 @!p1 $0x400, s17;
	s18 =	simm.s32 @!p1 $0xC00  }
0x41: {  	[tilespmem:s19], [sflag:$0x1] =	stream.strided.gather @!p1 [hbm4b:s16+s17], $0x4000, s18, s17, $0x38;
	[tilespmem:$0x10100] =	vst v63  }
0x42: {  	p1 =	sge.u32 s31, s5  }
.Ltmp2:
0x43: {  	_ = 	snop;
	(pc) =	sbr.rel @p1 .LBB1_5-.Ltmp2, $1  }
0x44: {  	_ =	sdelay $0x3  }
0x45: {  	s16 =	simm.s32 $0x1  }
0x46: {  	_ =	swait.ge [sflag:s4], $0x4000;
	s16 =	simm.s32 @!p0 $0x0  }
0x47: {  	[sflag:s4] =	ssyncset.done $0x0;
	s17 =	sshll.u32 s16, $0xE  }
0x48: {  	[sflag:s4] =	ssyncadd.s32 $0xFFFFC000;
	s17 =	sor.u32 $0x40, s17  }
0x49: {  	s16 =	smul.u32 $0x10200, s16;
	v0 =	vld [tilespmem:s17+$0x30]  }
0x4a: {  	v1 =	vld [tilespmem:s17+$0xFFFFFFD0]  }
0x4b: {  	s16 =	sshrl.u32 s16, $0x2;
	v5 =	vld [tilespmem:s17+$0xFFFFFFE0]  }
0x4c: {  	v6 =	vld [tilespmem:s17+$0xFFFFFFF0];
	s19 =	sor.u32 $0x8000, s16  }
0x4d: {  	s31 =	sand.u32 $0x1, s13;
	v4 =	vld [tilespmem:s17+$0x0];
	s18 =	sadd.s32 $0x0, s19  }
0x4e: {  	v3 =	vld [tilespmem:s17+$0x10];
	s16 =	smul.u32 $0x10200, s31;
	[tilespmem:s18+$0x3870 ss:$0x81] =	vst.msk $0xffff, v0  }
0x4f: {  	v2 =	vld [tilespmem:s17+$0x20];
	[tilespmem:s18+$0x810 ss:$0x81] =	vst.msk $0xffff, v1  }
0x50: {  	s16 =	sshrl.u32 s16, $0x2;
	v1 =	vld [tilespmem:s17+$0xFFFFFFC0];
	[tilespmem:s18+$0x1020 ss:$0x81] =	vst.msk $0xffff, v5;
	s17 =	sadd.s32 $0x80, s17  }
0x51: {  	s20 =	simm.s32 $0x4;
	s21 =	simm.s32 $0x8;
	s16 =	sor.u32 $0x8000, s16;
	[tilespmem:s18+$0x1830 ss:$0x81] =	vst.msk $0xffff, v6;
	v0 =	vld [tilespmem:s17+$0x30]  }
.LBB1_3:
0x52: {  	p1 =	sne.s32 s21, $0x1FC;
	v5 =	vld [tilespmem:s17+$0xFFFFFFD0];
	[tilespmem:s18+$0x2040 ss:$0x81] =	vst.msk $0xffff, v4  }
0x53: {  	v6 =	vld [tilespmem:s17+$0xFFFFFFE0];
	[tilespmem:s18+$0x2850 ss:$0x81] =	vst.msk $0xffff, v3  }
0x54: {  	s22 =	sshra.s32 s20, $0x2;
	s20 =	smov.u32 s21;
	v7 =	vld [tilespmem:s17+$0xFFFFFFF0];
	[tilespmem:s18+$0x3060 ss:$0x81] =	vst.msk $0xffff, v2  }
.Ltmp3:
0x55: {  	v4 =	vld [tilespmem:s17+$0x0];
	[tilespmem:s18+$0x0 ss:$0x81] =	vst.msk $0xffff, v1;
	s18 =	sadd.s32 s22, s19;
	(pc) =	sbr.rel @p1 .LBB1_3-.Ltmp3, $4  }
0x56: {  	v3 =	vld [tilespmem:s17+$0x10];
	[tilespmem:s18+$0x3870 ss:$0x81] =	vst.msk $0xffff, v0  }
0x57: {  	[tilespmem:s18+$0x810 ss:$0x81] =	vst.msk $0xffff, v5;
	v2 =	vld [tilespmem:s17+$0x20]  }
0x58: {  	v1 =	vld [tilespmem:s17+$0xFFFFFFC0];
	[tilespmem:s18+$0x1020 ss:$0x81] =	vst.msk $0xffff, v6;
	s17 =	sadd.s32 $0x80, s17  }
0x59: {  	s21 =	sadd.s32 $0x4, s21;
	v0 =	vld [tilespmem:s17+$0x30];
	[tilespmem:s18+$0x1830 ss:$0x81] =	vst.msk $0xffff, v7  }
.Ltmp4:
0x5a: {  	_ = 	snop;
	(pc) =	sbr.rel .LBB1_4-.Ltmp4, $1  }
0x5b: {  	_ =	sdelay $0x3  }
.LBB1_6:
0x5c: {  	_ =	sfence.sel $0x180000  }
0x5d: {  	s2 =	simm.s32 $0x1;
	[bflag:$0x0] =	sbarrier.arrive $0xFFFF  }
0x5e: {  	s31 =	simm.s32 $0x2;
	[sflag:s2] =	ssyncpa.u1 $0x1  }
0x5f: {  	[sflag:s31] =	ssyncpa.u1 $0x1  }
0x60: {  	p0 =	sne.s32 s0, $0x0;
	_ =	strace $0x90000047  }
0x61: {  	s0 =	sadd.s32 @!p0 $0x100000, s1;
	[bflag:$0x2] =	sbarrier.arrive $0xFFFF  }
0x62: {  	[sflag:s0] =	ssyncadd.tile.s32 @!p0 $0x1;
	_ =	shalt  }
.Lfunc_end1:
_tile_overlayer_lowered:
.L_overlay_start_2:
0x63: {  	(tag) =	ssettag $0x2  }
0x64: {  	s0 =	rddreg [dreg:$0x0];
	s2 =	stileid.u32  }
0x65: {  	s1 =	rddreg [dreg:$0x1];
	p0 =	sne.s32 s2, $0x0  }
0x66: {  	s3 =	rddreg [dreg:$0x2];
	[bflag:$0x3] =	sbarrier.arrive $0xFFFF;
	s2 =	simm.s32 @!p0 $0x1C01  }
0x67: {  	[timem:s3], [sflag:s2] =	dma.local @!p0 [hbm:s0], s1  }
0x68: {  	s0 =	simm.s32 @!p0 $0x1  }
0x69: {  	_ =	swait.ge @!p0 [sflag:s0], s1  }
0x6a: {  	s1 =	ssub.s32 @!p0 $0x0, s1;
	[sflag:s0] =	ssyncset.done @!p0 $0x0  }
0x6b: {  	[sflag:s0] =	ssyncadd.s32 @!p0 s1  }
0x6c: {  	[bflag:$0x3] =	sbarrier.arrive $0xFFFF  }
0x6d: {  	_ =	shalt  }

</sc_bundles>
